<compile_context>
chip_gen: v7x
topology: tpu7x:2x2x1
jax: 0.10.2.dev20260603
libtpu: 0.0.44.dev20260713+nightly
codegen_flags: <defaults>
</compile_context>

<pallas_src>
import jax
import jax.numpy as jnp
from jax import lax
from jax.experimental import pallas as pl
from jax.experimental.pallas import tpu as pltpu
from jax.experimental.pallas import tpu_sc as plsc

WS = 32
H = 16
N = WS * WS
NN = N * N
NUM_REL = (2 * WS - 1) * (2 * WS - 1)
VPAD = 4096

NC = 2
NS = 16
NWORK = NC * NS
PER_W = NN // NWORK
C = 1024
NCH = PER_W // C
L = 16
PROWS = 256
NPIECE = VPAD // PROWS


def _sc_body(tbl_hbm, idx_hbm, out_hbm, tblT_v, pb0_v, pb1_v, idx0_v,
             idx1_v, obuf0_v, obuf1_v, isem, osem):
    idxb = (idx0_v, idx1_v)
    obufs = (obuf0_v, obuf1_v)
    pbs = (pb0_v, pb1_v)
    c = lax.axis_index("c")
    s = lax.axis_index("s")
    wid = s * NC + c
    base0 = wid * PER_W

    viota16 = lax.iota(jnp.int32, L) * H
    vihs = [viota16 + h for h in range(H)]

    def piece_copy(p, pb):
        return pltpu.make_async_copy(
            tbl_hbm.at[pl.ds(p * PROWS * H, PROWS * H)], pbs[pb], isem)

    piece_copy(0, 0).start()
    for p in range(NPIECE):
        pb = p % 2
        piece_copy(0, pb).wait()
        if p + 1 < NPIECE:
            piece_copy(p + 1, 1 - pb).start()

        def tg(g, carry, p=p, pb=pb):
            goff = pl.multiple_of(g * (L * H), L * H)
            piece = pbs[pb].at[pl.ds(goff, L * H)]
            tvals = [plsc.load_gather(piece, [vihs[h]]) for h in range(H)]
            for h in range(H):
                tblT_v[pl.ds(h * VPAD + p * PROWS + g * L, L)] = tvals[h]
            return carry

        lax.fori_loop(0, PROWS // L, tg, 0)

    def idx_copy(k, b):
        return pltpu.make_async_copy(
            idx_hbm.at[pl.ds(base0 + k * C, C)], idxb[b].at[pl.ds(0, C)],
            isem)

    row0 = wid * (PER_W // N)

    def out_copy(k, b):
        return pltpu.make_async_copy(
            obufs[b], out_hbm.at[:, pl.ds(row0 + k, 1), :], osem)

    idx_copy(0, 0).start()

    def compute_chunk(b):
        def load_iv(g):
            return idxb[b][pl.ds(g * L, L)]

        def gather_grp(iv):
            return [
                plsc.load_gather(tblT_v.at[pl.ds(h * VPAD, VPAD)], [iv])
                for h in range(H)
            ]

        def store_grp(g, vals):
            for h in range(H):
                obufs[b][h, 0, pl.ds(g * L, L)] = vals[h]

        def grp(g, carry):
            iv = carry[0]
            vals = gather_grp(iv)
            iv_next = load_iv(g + 1)
            store_grp(g - 1, list(carry[1:]))
            return (iv_next,) + tuple(vals)

        first = gather_grp(load_iv(0))
        last = lax.fori_loop(1, C // L, grp, (load_iv(1),) + tuple(first))
        store_grp(C // L - 1, list(last[1:]))

    def pair_body(k2, carry):
        for b in range(2):
            k = k2 * 2 + b
            idx_copy(0, b).wait()
            @pl.when(k < NCH - 1)
            def _():
                idx_copy(k + 1, 1 - b).start()
            @pl.when(k2 >= 1)
            def _():
                out_copy(0, b).wait()
            compute_chunk(b)
            out_copy(k, b).start()
        return carry

    lax.fori_loop(0, NCH // 2, pair_body, 0)

    for b in range(2):
        out_copy(0, b).wait()


@jax.jit
def _rel_bias(tbl_pad_flat, idx_flat):
    mesh = plsc.VectorSubcoreMesh(
        core_axis_name="c", subcore_axis_name="s",
        num_cores=NC, num_subcores=NS,
    )
    out = pl.kernel(
        _sc_body,
        out_type=jax.ShapeDtypeStruct((H, N, N), jnp.float32),
        mesh=mesh,
        compiler_params=pltpu.CompilerParams(needs_layout_passes=False),
        scratch_types=[
            pltpu.VMEM((H * VPAD,), jnp.float32),
            pltpu.VMEM((PROWS * H,), jnp.float32),
            pltpu.VMEM((PROWS * H,), jnp.float32),
            pltpu.VMEM((C + L,), jnp.int32),
            pltpu.VMEM((C + L,), jnp.int32),
            pltpu.VMEM((H, 1, C), jnp.float32),
            pltpu.VMEM((H, 1, C), jnp.float32),
            pltpu.SemaphoreType.DMA,
            pltpu.SemaphoreType.DMA,
        ],
    )(tbl_pad_flat, idx_flat)
    return out


def kernel(table, relative_index):
    tbl_pad = jnp.pad(table, ((0, VPAD - NUM_REL), (0, 0)))
    idx_flat = relative_index.reshape(-1)
    return _rel_bias(tbl_pad.reshape(-1), idx_flat)

# --- scband reference (transcript-rebuilt; emitter-appended) ---
"""Pipeline reference for scband-relative-position-bias-51144470560961 (READ-ONLY COPY).

The authoritative reference and input builder live on the scoring server;
editing this copy changes nothing except your own understanding.
"""

import jax, jax.numpy as jnp
import numpy as np

WS = 32
H = 16

def _rel_index(ws):
    coords = np.stack(np.meshgrid(np.arange(ws), np.arange(ws), indexing='ij'))
    cf = coords.reshape(2, -1)
    rel = cf[:, :, None] - cf[:, None, :]
    rel = rel.transpose(1, 2, 0).astype(np.int64)
    rel[:, :, 0] += ws - 1
    rel[:, :, 1] += ws - 1
    idx = rel[:, :, 0] * (2 * ws - 1) + rel[:, :, 1]
    return idx

def setup_inputs(seed: int = 0) -> dict:
    key = jax.random.key(seed)
    num_rel = (2 * WS - 1) * (2 * WS - 1)
    table = 0.02 * jax.random.truncated_normal(key, -2.0, 2.0, (num_rel, H), dtype=jnp.float32)
    relative_index = jnp.asarray(_rel_index(WS), dtype=jnp.int32)
    return {"table": table, "relative_index": relative_index}

def reference(table, relative_index):
    N = relative_index.shape[0]
    Hn = table.shape[1]
    idx = relative_index.reshape(-1)
    bias = jnp.take(table, idx, axis=0).reshape(N, N, Hn).transpose(2, 0, 1)
    return bias

if __name__ == "__main__":
    import jax
    _d = setup_inputs()
    print(jax.jit(kernel)(*tuple(_d.values())))

</pallas_src>

<mosaic_0001>
#map = affine_map<(d0, d1) -> (0)>
#map1 = affine_map<(d0, d1) -> (0, 0, 0)>
module attributes {stable_mosaic.version = 14 : i64} {
  func.func @_sc_body(%arg0: i32, %arg1: i32, %arg2: memref<65536xf32, #tpu.memory_space<hbm>>, %arg3: memref<1048576xi32, #tpu.memory_space<hbm>>, %arg4: memref<16x1024x1024xf32, #tpu.memory_space<hbm>>, %arg5: memref<65536xf32, #tpu.memory_space<vmem>>, %arg6: memref<4096xf32, #tpu.memory_space<vmem>>, %arg7: memref<4096xf32, #tpu.memory_space<vmem>>, %arg8: memref<1040xi32, #tpu.memory_space<vmem>>, %arg9: memref<1040xi32, #tpu.memory_space<vmem>>, %arg10: memref<16x1x1024xf32, #tpu.memory_space<vmem>>, %arg11: memref<16x1x1024xf32, #tpu.memory_space<vmem>>, %arg12: memref<!tpu.dma_semaphore, #tpu.memory_space<semaphore_mem>>, %arg13: memref<!tpu.dma_semaphore, #tpu.memory_space<semaphore_mem>>) attributes {dimension_semantics = [#tpu.dimension_semantics<core_parallel>, #tpu.dimension_semantics<subcore_parallel>], iteration_bounds = array<i64: 2, 16>, scalar_prefetch = 0 : i64, scratch_operands = 9 : i64, tpu.core_type = #tpu.core_type<sc_vector_subcore>, window_params = [{transform_indices = #map}, {transform_indices = #map}, {transform_indices = #map1}]} {
    %mul3A = arith.constant 2 : i32
    %mul3A_0 = arith.muli %arg1, %mul3A : i32
    %add3A = arith.addi %mul3A_0, %arg0 : i32
    %mul3A_1 = arith.constant 32768 : i32
    %mul3A_2 = arith.muli %add3A, %mul3A_1 : i32
    %iota3A = tpu.iota {dimensions = array<i32: 0>} : vector<16xi32>
    %mul3A_3 = arith.constant 16 : i32
    %mul3A_4 = vector.broadcast %mul3A_3 : i32 to vector<16xi32>
    %mul3A_5 = arith.muli %iota3A, %mul3A_4 : vector<16xi32>
    %add3A_6 = arith.constant 0 : i32
    %add3A_7 = vector.broadcast %add3A_6 : i32 to vector<16xi32>
    %add3A_8 = arith.addi %mul3A_5, %add3A_7 : vector<16xi32>
    %add3A_9 = arith.constant 1 : i32
    %add3A_10 = vector.broadcast %add3A_9 : i32 to vector<16xi32>
    %add3A_11 = arith.addi %mul3A_5, %add3A_10 : vector<16xi32>
    %add3A_12 = arith.constant 2 : i32
    %add3A_13 = vector.broadcast %add3A_12 : i32 to vector<16xi32>
    %add3A_14 = arith.addi %mul3A_5, %add3A_13 : vector<16xi32>
    %add3A_15 = arith.constant 3 : i32
    %add3A_16 = vector.broadcast %add3A_15 : i32 to vector<16xi32>
    %add3A_17 = arith.addi %mul3A_5, %add3A_16 : vector<16xi32>
    %add3A_18 = arith.constant 4 : i32
    %add3A_19 = vector.broadcast %add3A_18 : i32 to vector<16xi32>
    %add3A_20 = arith.addi %mul3A_5, %add3A_19 : vector<16xi32>
    %add3A_21 = arith.constant 5 : i32
    %add3A_22 = vector.broadcast %add3A_21 : i32 to vector<16xi32>
    %add3A_23 = arith.addi %mul3A_5, %add3A_22 : vector<16xi32>
    %add3A_24 = arith.constant 6 : i32
    %add3A_25 = vector.broadcast %add3A_24 : i32 to vector<16xi32>
    %add3A_26 = arith.addi %mul3A_5, %add3A_25 : vector<16xi32>
    %add3A_27 = arith.constant 7 : i32
    %add3A_28 = vector.broadcast %add3A_27 : i32 to vector<16xi32>
    %add3A_29 = arith.addi %mul3A_5, %add3A_28 : vector<16xi32>
    %add3A_30 = arith.constant 8 : i32
    %add3A_31 = vector.broadcast %add3A_30 : i32 to vector<16xi32>
    %add3A_32 = arith.addi %mul3A_5, %add3A_31 : vector<16xi32>
    %add3A_33 = arith.constant 9 : i32
    %add3A_34 = vector.broadcast %add3A_33 : i32 to vector<16xi32>
    %add3A_35 = arith.addi %mul3A_5, %add3A_34 : vector<16xi32>
    %add3A_36 = arith.constant 10 : i32
    %add3A_37 = vector.broadcast %add3A_36 : i32 to vector<16xi32>
    %add3A_38 = arith.addi %mul3A_5, %add3A_37 : vector<16xi32>
    %add3A_39 = arith.constant 11 : i32
    %add3A_40 = vector.broadcast %add3A_39 : i32 to vector<16xi32>
    %add3A_41 = arith.addi %mul3A_5, %add3A_40 : vector<16xi32>
    %add3A_42 = arith.constant 12 : i32
    %add3A_43 = vector.broadcast %add3A_42 : i32 to vector<16xi32>
    %add3A_44 = arith.addi %mul3A_5, %add3A_43 : vector<16xi32>
    %add3A_45 = arith.constant 13 : i32
    %add3A_46 = vector.broadcast %add3A_45 : i32 to vector<16xi32>
    %add3A_47 = arith.addi %mul3A_5, %add3A_46 : vector<16xi32>
    %add3A_48 = arith.constant 14 : i32
    %add3A_49 = vector.broadcast %add3A_48 : i32 to vector<16xi32>
    %add3A_50 = arith.addi %mul3A_5, %add3A_49 : vector<16xi32>
    %add3A_51 = arith.constant 15 : i32
    %add3A_52 = vector.broadcast %add3A_51 : i32 to vector<16xi32>
    %add3A_53 = arith.addi %mul3A_5, %add3A_52 : vector<16xi32>
    %dma_start3A = arith.constant 0 : i32
    %dma_start3A_54 = tpu.memref_slice %arg2[%dma_start3A] : memref<65536xf32, #tpu.memory_space<hbm>> -> memref<4096xf32, #tpu.memory_space<hbm>>
    %dma_start3A_55 = arith.constant 0 : i32
    %dma_start3A_56 = tpu.memref_slice %arg2[%dma_start3A_55] : memref<65536xf32, #tpu.memory_space<hbm>> -> memref<4096xf32, #tpu.memory_space<hbm>>
    tpu.enqueue_dma source(%dma_start3A_56 : memref<4096xf32, #tpu.memory_space<hbm>>) target(%arg6 : memref<4096xf32, #tpu.memory_space<vmem>>) target_semaphore(%arg12 : memref<!tpu.dma_semaphore, #tpu.memory_space<semaphore_mem>>)
    %dma_wait3A = arith.constant 0 : i32
    %dma_wait3A_57 = tpu.memref_slice %arg2[%dma_wait3A] : memref<65536xf32, #tpu.memory_space<hbm>> -> memref<4096xf32, #tpu.memory_space<hbm>>
    %dma_wait3A_58 = arith.constant 0 : i32
    %dma_wait3A_59 = tpu.memref_slice %arg2[%dma_wait3A_58] : memref<65536xf32, #tpu.memory_space<hbm>> -> memref<4096xf32, #tpu.memory_space<hbm>>
    tpu.wait_dma2 semaphore(%arg12 : memref<!tpu.dma_semaphore, #tpu.memory_space<semaphore_mem>>) src(%dma_wait3A_59 : memref<4096xf32, #tpu.memory_space<hbm>>) dst(%arg6 : memref<4096xf32, #tpu.memory_space<vmem>>)
    %dma_start3A_60 = arith.constant 4096 : i32
    %dma_start3A_61 = tpu.memref_slice %arg2[%dma_start3A_60] : memref<65536xf32, #tpu.memory_space<hbm>> -> memref<4096xf32, #tpu.memory_space<hbm>>
    %dma_start3A_62 = arith.constant 4096 : i32
    %dma_start3A_63 = tpu.memref_slice %arg2[%dma_start3A_62] : memref<65536xf32, #tpu.memory_space<hbm>> -> memref<4096xf32, #tpu.memory_space<hbm>>
    tpu.enqueue_dma source(%dma_start3A_63 : memref<4096xf32, #tpu.memory_space<hbm>>) target(%arg7 : memref<4096xf32, #tpu.memory_space<vmem>>) target_semaphore(%arg12 : memref<!tpu.dma_semaphore, #tpu.memory_space<semaphore_mem>>)
    %scan3A = arith.constant 0 : i32
    %scan3A_64 = arith.constant 0 : i32
    %scan3A_65 = arith.constant 16 : i32
    %scan3A_66 = arith.addi %scan3A_64, %scan3A_65 : i32
    %scan3A_67 = arith.constant 1 : i32
    scf.for %scan3A_307 = %scan3A_64 to %scan3A_66 step %scan3A_67  : i32 {
      %mul3A_308 = arith.constant 256 : i32
      %mul3A_309 = arith.muli %scan3A_307, %mul3A_308 : i32
      %multiple_of3A = tpu.assume_multiple %mul3A_309, 256 : i32
      %gather3A = tpu.memref_slice %arg6[%multiple_of3A] : memref<4096xf32, #tpu.memory_space<vmem>> -> memref<256xf32, #tpu.memory_space<vmem>>
      %gather3A_310 = tpu.vector_load_idx %gather3A[%add3A_8] : memref<256xf32, #tpu.memory_space<vmem>>[vector<16xi32>], vector<16xf32>,
      %gather3A_311 = tpu.memref_slice %arg6[%multiple_of3A] : memref<4096xf32, #tpu.memory_space<vmem>> -> memref<256xf32, #tpu.memory_space<vmem>>
      %gather3A_312 = tpu.vector_load_idx %gather3A_311[%add3A_11] : memref<256xf32, #tpu.memory_space<vmem>>[vector<16xi32>], vector<16xf32>,
      %gather3A_313 = tpu.memref_slice %arg6[%multiple_of3A] : memref<4096xf32, #tpu.memory_space<vmem>> -> memref<256xf32, #tpu.memory_space<vmem>>
      %gather3A_314 = tpu.vector_load_idx %gather3A_313[%add3A_14] : memref<256xf32, #tpu.memory_space<vmem>>[vector<16xi32>], vector<16xf32>,
      %gather3A_315 = tpu.memref_slice %arg6[%multiple_of3A] : memref<4096xf32, #tpu.memory_space<vmem>> -> memref<256xf32, #tpu.memory_space<vmem>>
      %gather3A_316 = tpu.vector_load_idx %gather3A_315[%add3A_17] : memref<256xf32, #tpu.memory_space<vmem>>[vector<16xi32>], vector<16xf32>,
      %gather3A_317 = tpu.memref_slice %arg6[%multiple_of3A] : memref<4096xf32, #tpu.memory_space<vmem>> -> memref<256xf32, #tpu.memory_space<vmem>>
      %gather3A_318 = tpu.vector_load_idx %gather3A_317[%add3A_20] : memref<256xf32, #tpu.memory_space<vmem>>[vector<16xi32>], vector<16xf32>,
      %gather3A_319 = tpu.memref_slice %arg6[%multiple_of3A] : memref<4096xf32, #tpu.memory_space<vmem>> -> memref<256xf32, #tpu.memory_space<vmem>>
      %gather3A_320 = tpu.vector_load_idx %gather3A_319[%add3A_23] : memref<256xf32, #tpu.memory_space<vmem>>[vector<16xi32>], vector<16xf32>,
      %gather3A_321 = tpu.memref_slice %arg6[%multiple_of3A] : memref<4096xf32, #tpu.memory_space<vmem>> -> memref<256xf32, #tpu.memory_space<vmem>>
      %gather3A_322 = tpu.vector_load_idx %gather3A_321[%add3A_26] : memref<256xf32, #tpu.memory_space<vmem>>[vector<16xi32>], vector<16xf32>,
      %gather3A_323 = tpu.memref_slice %arg6[%multiple_of3A] : memref<4096xf32, #tpu.memory_space<vmem>> -> memref<256xf32, #tpu.memory_space<vmem>>
      %gather3A_324 = tpu.vector_load_idx %gather3A_323[%add3A_29] : memref<256xf32, #tpu.memory_space<vmem>>[vector<16xi32>], vector<16xf32>,
      %gather3A_325 = tpu.memref_slice %arg6[%multiple_of3A] : memref<4096xf32, #tpu.memory_space<vmem>> -> memref<256xf32, #tpu.memory_space<vmem>>
      %gather3A_326 = tpu.vector_load_idx %gather3A_325[%add3A_32] : memref<256xf32, #tpu.memory_space<vmem>>[vector<16xi32>], vector<16xf32>,
      %gather3A_327 = tpu.memref_slice %arg6[%multiple_of3A] : memref<4096xf32, #tpu.memory_space<vmem>> -> memref<256xf32, #tpu.memory_space<vmem>>
      %gather3A_328 = tpu.vector_load_idx %gather3A_327[%add3A_35] : memref<256xf32, #tpu.memory_space<vmem>>[vector<16xi32>], vector<16xf32>,
      %gather3A_329 = tpu.memref_slice %arg6[%multiple_of3A] : memref<4096xf32, #tpu.memory_space<vmem>> -> memref<256xf32, #tpu.memory_space<vmem>>
      %gather3A_330 = tpu.vector_load_idx %gather3A_329[%add3A_38] : memref<256xf32, #tpu.memory_space<vmem>>[vector<16xi32>], vector<16xf32>,
      %gather3A_331 = tpu.memref_slice %arg6[%multiple_of3A] : memref<4096xf32, #tpu.memory_space<vmem>> -> memref<256xf32, #tpu.memory_space<vmem>>
      %gather3A_332 = tpu.vector_load_idx %gather3A_331[%add3A_41] : memref<256xf32, #tpu.memory_space<vmem>>[vector<16xi32>], vector<16xf32>,
      %gather3A_333 = tpu.memref_slice %arg6[%multiple_of3A] : memref<4096xf32, #tpu.memory_space<vmem>> -> memref<256xf32, #tpu.memory_space<vmem>>
      %gather3A_334 = tpu.vector_load_idx %gather3A_333[%add3A_44] : memref<256xf32, #tpu.memory_space<vmem>>[vector<16xi32>], vector<16xf32>,
      %gather3A_335 = tpu.memref_slice %arg6[%multiple_of3A] : memref<4096xf32, #tpu.memory_space<vmem>> -> memref<256xf32, #tpu.memory_space<vmem>>
      %gather3A_336 = tpu.vector_load_idx %gather3A_335[%add3A_47] : memref<256xf32, #tpu.memory_space<vmem>>[vector<16xi32>], vector<16xf32>,
      %gather3A_337 = tpu.memref_slice %arg6[%multiple_of3A] : memref<4096xf32, #tpu.memory_space<vmem>> -> memref<256xf32, #tpu.memory_space<vmem>>
      %gather3A_338 = tpu.vector_load_idx %gather3A_337[%add3A_50] : memref<256xf32, #tpu.memory_space<vmem>>[vector<16xi32>], vector<16xf32>,
      %gather3A_339 = tpu.memref_slice %arg6[%multiple_of3A] : memref<4096xf32, #tpu.memory_space<vmem>> -> memref<256xf32, #tpu.memory_space<vmem>>
      %gather3A_340 = tpu.vector_load_idx %gather3A_339[%add3A_53] : memref<256xf32, #tpu.memory_space<vmem>>[vector<16xi32>], vector<16xf32>,
      %mul3A_341 = arith.constant 16 : i32
      %mul3A_342 = arith.muli %scan3A_307, %mul3A_341 : i32
      %add3A_343 = arith.constant 0 : i32
      %add3A_344 = arith.addi %add3A_343, %mul3A_342 : i32
      %swap3A = arith.index_cast %add3A_344 : i32 to index
      %swap3A_345 = tpu.vector_load %arg5[%swap3A] {strides = array<i32>} : memref<65536xf32, #tpu.memory_space<vmem>>, vector<16xf32>,
      tpu.vector_store %arg5[%swap3A], %gather3A_310 {strides = array<i32>} : memref<65536xf32, #tpu.memory_space<vmem>>, vector<16xf32>,
      %mul3A_346 = arith.constant 16 : i32
      %mul3A_347 = arith.muli %scan3A_307, %mul3A_346 : i32
      %add3A_348 = arith.constant 4096 : i32
      %add3A_349 = arith.addi %add3A_348, %mul3A_347 : i32
      %swap3A_350 = arith.index_cast %add3A_349 : i32 to index
      %swap3A_351 = tpu.vector_load %arg5[%swap3A_350] {strides = array<i32>} : memref<65536xf32, #tpu.memory_space<vmem>>, vector<16xf32>,
      tpu.vector_store %arg5[%swap3A_350], %gather3A_312 {strides = array<i32>} : memref<65536xf32, #tpu.memory_space<vmem>>, vector<16xf32>,
      %mul3A_352 = arith.constant 16 : i32
      %mul3A_353 = arith.muli %scan3A_307, %mul3A_352 : i32
      %add3A_354 = arith.constant 8192 : i32
      %add3A_355 = arith.addi %add3A_354, %mul3A_353 : i32
      %swap3A_356 = arith.index_cast %add3A_355 : i32 to index
      %swap3A_357 = tpu.vector_load %arg5[%swap3A_356] {strides = array<i32>} : memref<65536xf32, #tpu.memory_space<vmem>>, vector<16xf32>,
      tpu.vector_store %arg5[%swap3A_356], %gather3A_314 {strides = array<i32>} : memref<65536xf32, #tpu.memory_space<vmem>>, vector<16xf32>,
      %mul3A_358 = arith.constant 16 : i32
      %mul3A_359 = arith.muli %scan3A_307, %mul3A_358 : i32
      %add3A_360 = arith.constant 12288 : i32
      %add3A_361 = arith.addi %add3A_360, %mul3A_359 : i32
      %swap3A_362 = arith.index_cast %add3A_361 : i32 to index
      %swap3A_363 = tpu.vector_load %arg5[%swap3A_362] {strides = array<i32>} : memref<65536xf32, #tpu.memory_space<vmem>>, vector<16xf32>,
      tpu.vector_store %arg5[%swap3A_362], %gather3A_316 {strides = array<i32>} : memref<65536xf32, #tpu.memory_space<vmem>>, vector<16xf32>,
      %mul3A_364 = arith.constant 16 : i32
      %mul3A_365 = arith.muli %scan3A_307, %mul3A_364 : i32
      %add3A_366 = arith.constant 16384 : i32
      %add3A_367 = arith.addi %add3A_366, %mul3A_365 : i32
      %swap3A_368 = arith.index_cast %add3A_367 : i32 to index
      %swap3A_369 = tpu.vector_load %arg5[%swap3A_368] {strides = array<i32>} : memref<65536xf32, #tpu.memory_space<vmem>>, vector<16xf32>,
      tpu.vector_store %arg5[%swap3A_368], %gather3A_318 {strides = array<i32>} : memref<65536xf32, #tpu.memory_space<vmem>>, vector<16xf32>,
      %mul3A_370 = arith.constant 16 : i32
      %mul3A_371 = arith.muli %scan3A_307, %mul3A_370 : i32
      %add3A_372 = arith.constant 20480 : i32
      %add3A_373 = arith.addi %add3A_372, %mul3A_371 : i32
      %swap3A_374 = arith.index_cast %add3A_373 : i32 to index
      %swap3A_375 = tpu.vector_load %arg5[%swap3A_374] {strides = array<i32>} : memref<65536xf32, #tpu.memory_space<vmem>>, vector<16xf32>,
      tpu.vector_store %arg5[%swap3A_374], %gather3A_320 {strides = array<i32>} : memref<65536xf32, #tpu.memory_space<vmem>>, vector<16xf32>,
      %mul3A_376 = arith.constant 16 : i32
      %mul3A_377 = arith.muli %scan3A_307, %mul3A_376 : i32
      %add3A_378 = arith.constant 24576 : i32
      %add3A_379 = arith.addi %add3A_378, %mul3A_377 : i32
      %swap3A_380 = arith.index_cast %add3A_379 : i32 to index
      %swap3A_381 = tpu.vector_load %arg5[%swap3A_380] {strides = array<i32>} : memref<65536xf32, #tpu.memory_space<vmem>>, vector<16xf32>,
      tpu.vector_store %arg5[%swap3A_380], %gather3A_322 {strides = array<i32>} : memref<65536xf32, #tpu.memory_space<vmem>>, vector<16xf32>,
      %mul3A_382 = arith.constant 16 : i32
      %mul3A_383 = arith.muli %scan3A_307, %mul3A_382 : i32
      %add3A_384 = arith.constant 28672 : i32
      %add3A_385 = arith.addi %add3A_384, %mul3A_383 : i32
      %swap3A_386 = arith.index_cast %add3A_385 : i32 to index
      %swap3A_387 = tpu.vector_load %arg5[%swap3A_386] {strides = array<i32>} : memref<65536xf32, #tpu.memory_space<vmem>>, vector<16xf32>,
      tpu.vector_store %arg5[%swap3A_386], %gather3A_324 {strides = array<i32>} : memref<65536xf32, #tpu.memory_space<vmem>>, vector<16xf32>,
      %mul3A_388 = arith.constant 16 : i32
      %mul3A_389 = arith.muli %scan3A_307, %mul3A_388 : i32
      %add3A_390 = arith.constant 32768 : i32
      %add3A_391 = arith.addi %add3A_390, %mul3A_389 : i32
      %swap3A_392 = arith.index_cast %add3A_391 : i32 to index
      %swap3A_393 = tpu.vector_load %arg5[%swap3A_392] {strides = array<i32>} : memref<65536xf32, #tpu.memory_space<vmem>>, vector<16xf32>,
      tpu.vector_store %arg5[%swap3A_392], %gather3A_326 {strides = array<i32>} : memref<65536xf32, #tpu.memory_space<vmem>>, vector<16xf32>,
      %mul3A_394 = arith.constant 16 : i32
      %mul3A_395 = arith.muli %scan3A_307, %mul3A_394 : i32
      %add3A_396 = arith.constant 36864 : i32
      %add3A_397 = arith.addi %add3A_396, %mul3A_395 : i32
      %swap3A_398 = arith.index_cast %add3A_397 : i32 to index
      %swap3A_399 = tpu.vector_load %arg5[%swap3A_398] {strides = array<i32>} : memref<65536xf32, #tpu.memory_space<vmem>>, vector<16xf32>,
      tpu.vector_store %arg5[%swap3A_398], %gather3A_328 {strides = array<i32>} : memref<65536xf32, #tpu.memory_space<vmem>>, vector<16xf32>,
      %mul3A_400 = arith.constant 16 : i32
      %mul3A_401 = arith.muli %scan3A_307, %mul3A_400 : i32
      %add3A_402 = arith.constant 40960 : i32
      %add3A_403 = arith.addi %add3A_402, %mul3A_401 : i32
      %swap3A_404 = arith.index_cast %add3A_403 : i32 to index
      %swap3A_405 = tpu.vector_load %arg5[%swap3A_404] {strides = array<i32>} : memref<65536xf32, #tpu.memory_space<vmem>>, vector<16xf32>,
      tpu.vector_store %arg5[%swap3A_404], %gather3A_330 {strides = array<i32>} : memref<65536xf32, #tpu.memory_space<vmem>>, vector<16xf32>,
      %mul3A_406 = arith.constant 16 : i32
      %mul3A_407 = arith.muli %scan3A_307, %mul3A_406 : i32
      %add3A_408 = arith.constant 45056 : i32
      %add3A_409 = arith.addi %add3A_408, %mul3A_407 : i32
      %swap3A_410 = arith.index_cast %add3A_409 : i32 to index
      %swap3A_411 = tpu.vector_load %arg5[%swap3A_410] {strides = array<i32>} : memref<65536xf32, #tpu.memory_space<vmem>>, vector<16xf32>,
      tpu.vector_store %arg5[%swap3A_410], %gather3A_332 {strides = array<i32>} : memref<65536xf32, #tpu.memory_space<vmem>>, vector<16xf32>,
      %mul3A_412 = arith.constant 16 : i32
      %mul3A_413 = arith.muli %scan3A_307, %mul3A_412 : i32
      %add3A_414 = arith.constant 49152 : i32
      %add3A_415 = arith.addi %add3A_414, %mul3A_413 : i32
      %swap3A_416 = arith.index_cast %add3A_415 : i32 to index
      %swap3A_417 = tpu.vector_load %arg5[%swap3A_416] {strides = array<i32>} : memref<65536xf32, #tpu.memory_space<vmem>>, vector<16xf32>,
      tpu.vector_store %arg5[%swap3A_416], %gather3A_334 {strides = array<i32>} : memref<65536xf32, #tpu.memory_space<vmem>>, vector<16xf32>,
      %mul3A_418 = arith.constant 16 : i32
      %mul3A_419 = arith.muli %scan3A_307, %mul3A_418 : i32
      %add3A_420 = arith.constant 53248 : i32
      %add3A_421 = arith.addi %add3A_420, %mul3A_419 : i32
      %swap3A_422 = arith.index_cast %add3A_421 : i32 to index
      %swap3A_423 = tpu.vector_load %arg5[%swap3A_422] {strides = array<i32>} : memref<65536xf32, #tpu.memory_space<vmem>>, vector<16xf32>,
      tpu.vector_store %arg5[%swap3A_422], %gather3A_336 {strides = array<i32>} : memref<65536xf32, #tpu.memory_space<vmem>>, vector<16xf32>,
      %mul3A_424 = arith.constant 16 : i32
      %mul3A_425 = arith.muli %scan3A_307, %mul3A_424 : i32
      %add3A_426 = arith.constant 57344 : i32
      %add3A_427 = arith.addi %add3A_426, %mul3A_425 : i32
      %swap3A_428 = arith.index_cast %add3A_427 : i32 to index
      %swap3A_429 = tpu.vector_load %arg5[%swap3A_428] {strides = array<i32>} : memref<65536xf32, #tpu.memory_space<vmem>>, vector<16xf32>,
      tpu.vector_store %arg5[%swap3A_428], %gather3A_338 {strides = array<i32>} : memref<65536xf32, #tpu.memory_space<vmem>>, vector<16xf32>,
      %mul3A_430 = arith.constant 16 : i32
      %mul3A_431 = arith.muli %scan3A_307, %mul3A_430 : i32
      %add3A_432 = arith.constant 61440 : i32
      %add3A_433 = arith.addi %add3A_432, %mul3A_431 : i32
      %swap3A_434 = arith.index_cast %add3A_433 : i32 to index
      %swap3A_435 = tpu.vector_load %arg5[%swap3A_434] {strides = array<i32>} : memref<65536xf32, #tpu.memory_space<vmem>>, vector<16xf32>,
      tpu.vector_store %arg5[%swap3A_434], %gather3A_340 {strides = array<i32>} : memref<65536xf32, #tpu.memory_space<vmem>>, vector<16xf32>,
    }
    %scan3A_68 = arith.constant 16 : i32
    %dma_wait3A_69 = arith.constant 0 : i32
    %dma_wait3A_70 = tpu.memref_slice %arg2[%dma_wait3A_69] : memref<65536xf32, #tpu.memory_space<hbm>> -> memref<4096xf32, #tpu.memory_space<hbm>>
    %dma_wait3A_71 = arith.constant 0 : i32
    %dma_wait3A_72 = tpu.memref_slice %arg2[%dma_wait3A_71] : memref<65536xf32, #tpu.memory_space<hbm>> -> memref<4096xf32, #tpu.memory_space<hbm>>
    tpu.wait_dma2 semaphore(%arg12 : memref<!tpu.dma_semaphore, #tpu.memory_space<semaphore_mem>>) src(%dma_wait3A_72 : memref<4096xf32, #tpu.memory_space<hbm>>) dst(%arg7 : memref<4096xf32, #tpu.memory_space<vmem>>)
    %dma_start3A_73 = arith.constant 8192 : i32
    %dma_start3A_74 = tpu.memref_slice %arg2[%dma_start3A_73] : memref<65536xf32, #tpu.memory_space<hbm>> -> memref<4096xf32, #tpu.memory_space<hbm>>
    %dma_start3A_75 = arith.constant 8192 : i32
    %dma_start3A_76 = tpu.memref_slice %arg2[%dma_start3A_75] : memref<65536xf32, #tpu.memory_space<hbm>> -> memref<4096xf32, #tpu.memory_space<hbm>>
    tpu.enqueue_dma source(%dma_start3A_76 : memref<4096xf32, #tpu.memory_space<hbm>>) target(%arg6 : memref<4096xf32, #tpu.memory_space<vmem>>) target_semaphore(%arg12 : memref<!tpu.dma_semaphore, #tpu.memory_space<semaphore_mem>>)
    %scan3A_77 = arith.constant 0 : i32
    %scan3A_78 = arith.constant 0 : i32
    %scan3A_79 = arith.constant 16 : i32
    %scan3A_80 = arith.addi %scan3A_78, %scan3A_79 : i32
    %scan3A_81 = arith.constant 1 : i32
    scf.for %scan3A_307 = %scan3A_78 to %scan3A_80 step %scan3A_81  : i32 {
      %mul3A_308 = arith.constant 256 : i32
      %mul3A_309 = arith.muli %scan3A_307, %mul3A_308 : i32
      %multiple_of3A = tpu.assume_multiple %mul3A_309, 256 : i32
      %gather3A = tpu.memref_slice %arg7[%multiple_of3A] : memref<4096xf32, #tpu.memory_space<vmem>> -> memref<256xf32, #tpu.memory_space<vmem>>
      %gather3A_310 = tpu.vector_load_idx %gather3A[%add3A_8] : memref<256xf32, #tpu.memory_space<vmem>>[vector<16xi32>], vector<16xf32>,
      %gather3A_311 = tpu.memref_slice %arg7[%multiple_of3A] : memref<4096xf32, #tpu.memory_space<vmem>> -> memref<256xf32, #tpu.memory_space<vmem>>
      %gather3A_312 = tpu.vector_load_idx %gather3A_311[%add3A_11] : memref<256xf32, #tpu.memory_space<vmem>>[vector<16xi32>], vector<16xf32>,
      %gather3A_313 = tpu.memref_slice %arg7[%multiple_of3A] : memref<4096xf32, #tpu.memory_space<vmem>> -> memref<256xf32, #tpu.memory_space<vmem>>
      %gather3A_314 = tpu.vector_load_idx %gather3A_313[%add3A_14] : memref<256xf32, #tpu.memory_space<vmem>>[vector<16xi32>], vector<16xf32>,
      %gather3A_315 = tpu.memref_slice %arg7[%multiple_of3A] : memref<4096xf32, #tpu.memory_space<vmem>> -> memref<256xf32, #tpu.memory_space<vmem>>
      %gather3A_316 = tpu.vector_load_idx %gather3A_315[%add3A_17] : memref<256xf32, #tpu.memory_space<vmem>>[vector<16xi32>], vector<16xf32>,
      %gather3A_317 = tpu.memref_slice %arg7[%multiple_of3A] : memref<4096xf32, #tpu.memory_space<vmem>> -> memref<256xf32, #tpu.memory_space<vmem>>
      %gather3A_318 = tpu.vector_load_idx %gather3A_317[%add3A_20] : memref<256xf32, #tpu.memory_space<vmem>>[vector<16xi32>], vector<16xf32>,
      %gather3A_319 = tpu.memref_slice %arg7[%multiple_of3A] : memref<4096xf32, #tpu.memory_space<vmem>> -> memref<256xf32, #tpu.memory_space<vmem>>
      %gather3A_320 = tpu.vector_load_idx %gather3A_319[%add3A_23] : memref<256xf32, #tpu.memory_space<vmem>>[vector<16xi32>], vector<16xf32>,
      %gather3A_321 = tpu.memref_slice %arg7[%multiple_of3A] : memref<4096xf32, #tpu.memory_space<vmem>> -> memref<256xf32, #tpu.memory_space<vmem>>
      %gather3A_322 = tpu.vector_load_idx %gather3A_321[%add3A_26] : memref<256xf32, #tpu.memory_space<vmem>>[vector<16xi32>], vector<16xf32>,
      %gather3A_323 = tpu.memref_slice %arg7[%multiple_of3A] : memref<4096xf32, #tpu.memory_space<vmem>> -> memref<256xf32, #tpu.memory_space<vmem>>
      %gather3A_324 = tpu.vector_load_idx %gather3A_323[%add3A_29] : memref<256xf32, #tpu.memory_space<vmem>>[vector<16xi32>], vector<16xf32>,
      %gather3A_325 = tpu.memref_slice %arg7[%multiple_of3A] : memref<4096xf32, #tpu.memory_space<vmem>> -> memref<256xf32, #tpu.memory_space<vmem>>
      %gather3A_326 = tpu.vector_load_idx %gather3A_325[%add3A_32] : memref<256xf32, #tpu.memory_space<vmem>>[vector<16xi32>], vector<16xf32>,
      %gather3A_327 = tpu.memref_slice %arg7[%multiple_of3A] : memref<4096xf32, #tpu.memory_space<vmem>> -> memref<256xf32, #tpu.memory_space<vmem>>
      %gather3A_328 = tpu.vector_load_idx %gather3A_327[%add3A_35] : memref<256xf32, #tpu.memory_space<vmem>>[vector<16xi32>], vector<16xf32>,
      %gather3A_329 = tpu.memref_slice %arg7[%multiple_of3A] : memref<4096xf32, #tpu.memory_space<vmem>> -> memref<256xf32, #tpu.memory_space<vmem>>
      %gather3A_330 = tpu.vector_load_idx %gather3A_329[%add3A_38] : memref<256xf32, #tpu.memory_space<vmem>>[vector<16xi32>], vector<16xf32>,
      %gather3A_331 = tpu.memref_slice %arg7[%multiple_of3A] : memref<4096xf32, #tpu.memory_space<vmem>> -> memref<256xf32, #tpu.memory_space<vmem>>
      %gather3A_332 = tpu.vector_load_idx %gather3A_331[%add3A_41] : memref<256xf32, #tpu.memory_space<vmem>>[vector<16xi32>], vector<16xf32>,
      %gather3A_333 = tpu.memref_slice %arg7[%multiple_of3A] : memref<4096xf32, #tpu.memory_space<vmem>> -> memref<256xf32, #tpu.memory_space<vmem>>
      %gather3A_334 = tpu.vector_load_idx %gather3A_333[%add3A_44] : memref<256xf32, #tpu.memory_space<vmem>>[vector<16xi32>], vector<16xf32>,
      %gather3A_335 = tpu.memref_slice %arg7[%multiple_of3A] : memref<4096xf32, #tpu.memory_space<vmem>> -> memref<256xf32, #tpu.memory_space<vmem>>
      %gather3A_336 = tpu.vector_load_idx %gather3A_335[%add3A_47] : memref<256xf32, #tpu.memory_space<vmem>>[vector<16xi32>], vector<16xf32>,
      %gather3A_337 = tpu.memref_slice %arg7[%multiple_of3A] : memref<4096xf32, #tpu.memory_space<vmem>> -> memref<256xf32, #tpu.memory_space<vmem>>
      %gather3A_338 = tpu.vector_load_idx %gather3A_337[%add3A_50] : memref<256xf32, #tpu.memory_space<vmem>>[vector<16xi32>], vector<16xf32>,
      %gather3A_339 = tpu.memref_slice %arg7[%multiple_of3A] : memref<4096xf32, #tpu.memory_space<vmem>> -> memref<256xf32, #tpu.memory_space<vmem>>
      %gather3A_340 = tpu.vector_load_idx %gather3A_339[%add3A_53] : memref<256xf32, #tpu.memory_space<vmem>>[vector<16xi32>], vector<16xf32>,
      %mul3A_341 = arith.constant 16 : i32
      %mul3A_342 = arith.muli %scan3A_307, %mul3A_341 : i32
      %add3A_343 = arith.constant 256 : i32
      %add3A_344 = arith.addi %add3A_343, %mul3A_342 : i32
      %swap3A = arith.index_cast %add3A_344 : i32 to index
      %swap3A_345 = tpu.vector_load %arg5[%swap3A] {strides = array<i32>} : memref<65536xf32, #tpu.memory_space<vmem>>, vector<16xf32>,
      tpu.vector_store %arg5[%swap3A], %gather3A_310 {strides = array<i32>} : memref<65536xf32, #tpu.memory_space<vmem>>, vector<16xf32>,
      %mul3A_346 = arith.constant 16 : i32
      %mul3A_347 = arith.muli %scan3A_307, %mul3A_346 : i32
      %add3A_348 = arith.constant 4352 : i32
      %add3A_349 = arith.addi %add3A_348, %mul3A_347 : i32
      %swap3A_350 = arith.index_cast %add3A_349 : i32 to index
      %swap3A_351 = tpu.vector_load %arg5[%swap3A_350] {strides = array<i32>} : memref<65536xf32, #tpu.memory_space<vmem>>, vector<16xf32>,
      tpu.vector_store %arg5[%swap3A_350], %gather3A_312 {strides = array<i32>} : memref<65536xf32, #tpu.memory_space<vmem>>, vector<16xf32>,
      %mul3A_352 = arith.constant 16 : i32
      %mul3A_353 = arith.muli %scan3A_307, %mul3A_352 : i32
      %add3A_354 = arith.constant 8448 : i32
      %add3A_355 = arith.addi %add3A_354, %mul3A_353 : i32
      %swap3A_356 = arith.index_cast %add3A_355 : i32 to index
      %swap3A_357 = tpu.vector_load %arg5[%swap3A_356] {strides = array<i32>} : memref<65536xf32, #tpu.memory_space<vmem>>, vector<16xf32>,
      tpu.vector_store %arg5[%swap3A_356], %gather3A_314 {strides = array<i32>} : memref<65536xf32, #tpu.memory_space<vmem>>, vector<16xf32>,
      %mul3A_358 = arith.constant 16 : i32
      %mul3A_359 = arith.muli %scan3A_307, %mul3A_358 : i32
      %add3A_360 = arith.constant 12544 : i32
      %add3A_361 = arith.addi %add3A_360, %mul3A_359 : i32
      %swap3A_362 = arith.index_cast %add3A_361 : i32 to index
      %swap3A_363 = tpu.vector_load %arg5[%swap3A_362] {strides = array<i32>} : memref<65536xf32, #tpu.memory_space<vmem>>, vector<16xf32>,
      tpu.vector_store %arg5[%swap3A_362], %gather3A_316 {strides = array<i32>} : memref<65536xf32, #tpu.memory_space<vmem>>, vector<16xf32>,
      %mul3A_364 = arith.constant 16 : i32
      %mul3A_365 = arith.muli %scan3A_307, %mul3A_364 : i32
      %add3A_366 = arith.constant 16640 : i32
      %add3A_367 = arith.addi %add3A_366, %mul3A_365 : i32
      %swap3A_368 = arith.index_cast %add3A_367 : i32 to index
      %swap3A_369 = tpu.vector_load %arg5[%swap3A_368] {strides = array<i32>} : memref<65536xf32, #tpu.memory_space<vmem>>, vector<16xf32>,
      tpu.vector_store %arg5[%swap3A_368], %gather3A_318 {strides = array<i32>} : memref<65536xf32, #tpu.memory_space<vmem>>, vector<16xf32>,
      %mul3A_370 = arith.constant 16 : i32
      %mul3A_371 = arith.muli %scan3A_307, %mul3A_370 : i32
      %add3A_372 = arith.constant 20736 : i32
      %add3A_373 = arith.addi %add3A_372, %mul3A_371 : i32
      %swap3A_374 = arith.index_cast %add3A_373 : i32 to index
      %swap3A_375 = tpu.vector_load %arg5[%swap3A_374] {strides = array<i32>} : memref<65536xf32, #tpu.memory_space<vmem>>, vector<16xf32>,
      tpu.vector_store %arg5[%swap3A_374], %gather3A_320 {strides = array<i32>} : memref<65536xf32, #tpu.memory_space<vmem>>, vector<16xf32>,
      %mul3A_376 = arith.constant 16 : i32
      %mul3A_377 = arith.muli %scan3A_307, %mul3A_376 : i32
      %add3A_378 = arith.constant 24832 : i32
      %add3A_379 = arith.addi %add3A_378, %mul3A_377 : i32
      %swap3A_380 = arith.index_cast %add3A_379 : i32 to index
      %swap3A_381 = tpu.vector_load %arg5[%swap3A_380] {strides = array<i32>} : memref<65536xf32, #tpu.memory_space<vmem>>, vector<16xf32>,
      tpu.vector_store %arg5[%swap3A_380], %gather3A_322 {strides = array<i32>} : memref<65536xf32, #tpu.memory_space<vmem>>, vector<16xf32>,
      %mul3A_382 = arith.constant 16 : i32
      %mul3A_383 = arith.muli %scan3A_307, %mul3A_382 : i32
      %add3A_384 = arith.constant 28928 : i32
      %add3A_385 = arith.addi %add3A_384, %mul3A_383 : i32
      %swap3A_386 = arith.index_cast %add3A_385 : i32 to index
      %swap3A_387 = tpu.vector_load %arg5[%swap3A_386] {strides = array<i32>} : memref<65536xf32, #tpu.memory_space<vmem>>, vector<16xf32>,
      tpu.vector_store %arg5[%swap3A_386], %gather3A_324 {strides = array<i32>} : memref<65536xf32, #tpu.memory_space<vmem>>, vector<16xf32>,
      %mul3A_388 = arith.constant 16 : i32
      %mul3A_389 = arith.muli %scan3A_307, %mul3A_388 : i32
      %add3A_390 = arith.constant 33024 : i32
      %add3A_391 = arith.addi %add3A_390, %mul3A_389 : i32
      %swap3A_392 = arith.index_cast %add3A_391 : i32 to index
      %swap3A_393 = tpu.vector_load %arg5[%swap3A_392] {strides = array<i32>} : memref<65536xf32, #tpu.memory_space<vmem>>, vector<16xf32>,
      tpu.vector_store %arg5[%swap3A_392], %gather3A_326 {strides = array<i32>} : memref<65536xf32, #tpu.memory_space<vmem>>, vector<16xf32>,
      %mul3A_394 = arith.constant 16 : i32
      %mul3A_395 = arith.muli %scan3A_307, %mul3A_394 : i32
      %add3A_396 = arith.constant 37120 : i32
      %add3A_397 = arith.addi %add3A_396, %mul3A_395 : i32
      %swap3A_398 = arith.index_cast %add3A_397 : i32 to index
      %swap3A_399 = tpu.vector_load %arg5[%swap3A_398] {strides = array<i32>} : memref<65536xf32, #tpu.memory_space<vmem>>, vector<16xf32>,
      tpu.vector_store %arg5[%swap3A_398], %gather3A_328 {strides = array<i32>} : memref<65536xf32, #tpu.memory_space<vmem>>, vector<16xf32>,
      %mul3A_400 = arith.constant 16 : i32
      %mul3A_401 = arith.muli %scan3A_307, %mul3A_400 : i32
      %add3A_402 = arith.constant 41216 : i32
      %add3A_403 = arith.addi %add3A_402, %mul3A_401 : i32
      %swap3A_404 = arith.index_cast %add3A_403 : i32 to index
      %swap3A_405 = tpu.vector_load %arg5[%swap3A_404] {strides = array<i32>} : memref<65536xf32, #tpu.memory_space<vmem>>, vector<16xf32>,
      tpu.vector_store %arg5[%swap3A_404], %gather3A_330 {strides = array<i32>} : memref<65536xf32, #tpu.memory_space<vmem>>, vector<16xf32>,
      %mul3A_406 = arith.constant 16 : i32
      %mul3A_407 = arith.muli %scan3A_307, %mul3A_406 : i32
      %add3A_408 = arith.constant 45312 : i32
      %add3A_409 = arith.addi %add3A_408, %mul3A_407 : i32
      %swap3A_410 = arith.index_cast %add3A_409 : i32 to index
      %swap3A_411 = tpu.vector_load %arg5[%swap3A_410] {strides = array<i32>} : memref<65536xf32, #tpu.memory_space<vmem>>, vector<16xf32>,
      tpu.vector_store %arg5[%swap3A_410], %gather3A_332 {strides = array<i32>} : memref<65536xf32, #tpu.memory_space<vmem>>, vector<16xf32>,
      %mul3A_412 = arith.constant 16 : i32
      %mul3A_413 = arith.muli %scan3A_307, %mul3A_412 : i32
      %add3A_414 = arith.constant 49408 : i32
      %add3A_415 = arith.addi %add3A_414, %mul3A_413 : i32
      %swap3A_416 = arith.index_cast %add3A_415 : i32 to index
      %swap3A_417 = tpu.vector_load %arg5[%swap3A_416] {strides = array<i32>} : memref<65536xf32, #tpu.memory_space<vmem>>, vector<16xf32>,
      tpu.vector_store %arg5[%swap3A_416], %gather3A_334 {strides = array<i32>} : memref<65536xf32, #tpu.memory_space<vmem>>, vector<16xf32>,
      %mul3A_418 = arith.constant 16 : i32
      %mul3A_419 = arith.muli %scan3A_307, %mul3A_418 : i32
      %add3A_420 = arith.constant 53504 : i32
      %add3A_421 = arith.addi %add3A_420, %mul3A_419 : i32
      %swap3A_422 = arith.index_cast %add3A_421 : i32 to index
      %swap3A_423 = tpu.vector_load %arg5[%swap3A_422] {strides = array<i32>} : memref<65536xf32, #tpu.memory_space<vmem>>, vector<16xf32>,
      tpu.vector_store %arg5[%swap3A_422], %gather3A_336 {strides = array<i32>} : memref<65536xf32, #tpu.memory_space<vmem>>, vector<16xf32>,
      %mul3A_424 = arith.constant 16 : i32
      %mul3A_425 = arith.muli %scan3A_307, %mul3A_424 : i32
      %add3A_426 = arith.constant 57600 : i32
      %add3A_427 = arith.addi %add3A_426, %mul3A_425 : i32
      %swap3A_428 = arith.index_cast %add3A_427 : i32 to index
      %swap3A_429 = tpu.vector_load %arg5[%swap3A_428] {strides = array<i32>} : memref<65536xf32, #tpu.memory_space<vmem>>, vector<16xf32>,
      tpu.vector_store %arg5[%swap3A_428], %gather3A_338 {strides = array<i32>} : memref<65536xf32, #tpu.memory_space<vmem>>, vector<16xf32>,
      %mul3A_430 = arith.constant 16 : i32
      %mul3A_431 = arith.muli %scan3A_307, %mul3A_430 : i32
      %add3A_432 = arith.constant 61696 : i32
      %add3A_433 = arith.addi %add3A_432, %mul3A_431 : i32
      %swap3A_434 = arith.index_cast %add3A_433 : i32 to index
      %swap3A_435 = tpu.vector_load %arg5[%swap3A_434] {strides = array<i32>} : memref<65536xf32, #tpu.memory_space<vmem>>, vector<16xf32>,
      tpu.vector_store %arg5[%swap3A_434], %gather3A_340 {strides = array<i32>} : memref<65536xf32, #tpu.memory_space<vmem>>, vector<16xf32>,
    }
    %scan3A_82 = arith.constant 16 : i32
    %dma_wait3A_83 = arith.constant 0 : i32
    %dma_wait3A_84 = tpu.memref_slice %arg2[%dma_wait3A_83] : memref<65536xf32, #tpu.memory_space<hbm>> -> memref<4096xf32, #tpu.memory_space<hbm>>
    %dma_wait3A_85 = arith.constant 0 : i32
    %dma_wait3A_86 = tpu.memref_slice %arg2[%dma_wait3A_85] : memref<65536xf32, #tpu.memory_space<hbm>> -> memref<4096xf32, #tpu.memory_space<hbm>>
    tpu.wait_dma2 semaphore(%arg12 : memref<!tpu.dma_semaphore, #tpu.memory_space<semaphore_mem>>) src(%dma_wait3A_86 : memref<4096xf32, #tpu.memory_space<hbm>>) dst(%arg6 : memref<4096xf32, #tpu.memory_space<vmem>>)
    %dma_start3A_87 = arith.constant 12288 : i32
    %dma_start3A_88 = tpu.memref_slice %arg2[%dma_start3A_87] : memref<65536xf32, #tpu.memory_space<hbm>> -> memref<4096xf32, #tpu.memory_space<hbm>>
    %dma_start3A_89 = arith.constant 12288 : i32
    %dma_start3A_90 = tpu.memref_slice %arg2[%dma_start3A_89] : memref<65536xf32, #tpu.memory_space<hbm>> -> memref<4096xf32, #tpu.memory_space<hbm>>
    tpu.enqueue_dma source(%dma_start3A_90 : memref<4096xf32, #tpu.memory_space<hbm>>) target(%arg7 : memref<4096xf32, #tpu.memory_space<vmem>>) target_semaphore(%arg12 : memref<!tpu.dma_semaphore, #tpu.memory_space<semaphore_mem>>)
    %scan3A_91 = arith.constant 0 : i32
    %scan3A_92 = arith.constant 0 : i32
    %scan3A_93 = arith.constant 16 : i32
    %scan3A_94 = arith.addi %scan3A_92, %scan3A_93 : i32
    %scan3A_95 = arith.constant 1 : i32
    scf.for %scan3A_307 = %scan3A_92 to %scan3A_94 step %scan3A_95  : i32 {
      %mul3A_308 = arith.constant 256 : i32
      %mul3A_309 = arith.muli %scan3A_307, %mul3A_308 : i32
      %multiple_of3A = tpu.assume_multiple %mul3A_309, 256 : i32
      %gather3A = tpu.memref_slice %arg6[%multiple_of3A] : memref<4096xf32, #tpu.memory_space<vmem>> -> memref<256xf32, #tpu.memory_space<vmem>>
      %gather3A_310 = tpu.vector_load_idx %gather3A[%add3A_8] : memref<256xf32, #tpu.memory_space<vmem>>[vector<16xi32>], vector<16xf32>,
      %gather3A_311 = tpu.memref_slice %arg6[%multiple_of3A] : memref<4096xf32, #tpu.memory_space<vmem>> -> memref<256xf32, #tpu.memory_space<vmem>>
      %gather3A_312 = tpu.vector_load_idx %gather3A_311[%add3A_11] : memref<256xf32, #tpu.memory_space<vmem>>[vector<16xi32>], vector<16xf32>,
      %gather3A_313 = tpu.memref_slice %arg6[%multiple_of3A] : memref<4096xf32, #tpu.memory_space<vmem>> -> memref<256xf32, #tpu.memory_space<vmem>>
      %gather3A_314 = tpu.vector_load_idx %gather3A_313[%add3A_14] : memref<256xf32, #tpu.memory_space<vmem>>[vector<16xi32>], vector<16xf32>,
      %gather3A_315 = tpu.memref_slice %arg6[%multiple_of3A] : memref<4096xf32, #tpu.memory_space<vmem>> -> memref<256xf32, #tpu.memory_space<vmem>>
      %gather3A_316 = tpu.vector_load_idx %gather3A_315[%add3A_17] : memref<256xf32, #tpu.memory_space<vmem>>[vector<16xi32>], vector<16xf32>,
      %gather3A_317 = tpu.memref_slice %arg6[%multiple_of3A] : memref<4096xf32, #tpu.memory_space<vmem>> -> memref<256xf32, #tpu.memory_space<vmem>>
      %gather3A_318 = tpu.vector_load_idx %gather3A_317[%add3A_20] : memref<256xf32, #tpu.memory_space<vmem>>[vector<16xi32>], vector<16xf32>,
      %gather3A_319 = tpu.memref_slice %arg6[%multiple_of3A] : memref<4096xf32, #tpu.memory_space<vmem>> -> memref<256xf32, #tpu.memory_space<vmem>>
      %gather3A_320 = tpu.vector_load_idx %gather3A_319[%add3A_23] : memref<256xf32, #tpu.memory_space<vmem>>[vector<16xi32>], vector<16xf32>,
      %gather3A_321 = tpu.memref_slice %arg6[%multiple_of3A] : memref<4096xf32, #tpu.memory_space<vmem>> -> memref<256xf32, #tpu.memory_space<vmem>>
      %gather3A_322 = tpu.vector_load_idx %gather3A_321[%add3A_26] : memref<256xf32, #tpu.memory_space<vmem>>[vector<16xi32>], vector<16xf32>,
      %gather3A_323 = tpu.memref_slice %arg6[%multiple_of3A] : memref<4096xf32, #tpu.memory_space<vmem>> -> memref<256xf32, #tpu.memory_space<vmem>>
      %gather3A_324 = tpu.vector_load_idx %gather3A_323[%add3A_29] : memref<256xf32, #tpu.memory_space<vmem>>[vector<16xi32>], vector<16xf32>,
      %gather3A_325 = tpu.memref_slice %arg6[%multiple_of3A] : memref<4096xf32, #tpu.memory_space<vmem>> -> memref<256xf32, #tpu.memory_space<vmem>>
      %gather3A_326 = tpu.vector_load_idx %gather3A_325[%add3A_32] : memref<256xf32, #tpu.memory_space<vmem>>[vector<16xi32>], vector<16xf32>,
      %gather3A_327 = tpu.memref_slice %arg6[%multiple_of3A] : memref<4096xf32, #tpu.memory_space<vmem>> -> memref<256xf32, #tpu.memory_space<vmem>>
      %gather3A_328 = tpu.vector_load_idx %gather3A_327[%add3A_35] : memref<256xf32, #tpu.memory_space<vmem>>[vector<16xi32>], vector<16xf32>,
      %gather3A_329 = tpu.memref_slice %arg6[%multiple_of3A] : memref<4096xf32, #tpu.memory_space<vmem>> -> memref<256xf32, #tpu.memory_space<vmem>>
      %gather3A_330 = tpu.vector_load_idx %gather3A_329[%add3A_38] : memref<256xf32, #tpu.memory_space<vmem>>[vector<16xi32>], vector<16xf32>,
      %gather3A_331 = tpu.memref_slice %arg6[%multiple_of3A] : memref<4096xf32, #tpu.memory_space<vmem>> -> memref<256xf32, #tpu.memory_space<vmem>>
      %gather3A_332 = tpu.vector_load_idx %gather3A_331[%add3A_41] : memref<256xf32, #tpu.memory_space<vmem>>[vector<16xi32>], vector<16xf32>,
      %gather3A_333 = tpu.memref_slice %arg6[%multiple_of3A] : memref<4096xf32, #tpu.memory_space<vmem>> -> memref<256xf32, #tpu.memory_space<vmem>>
      %gather3A_334 = tpu.vector_load_idx %gather3A_333[%add3A_44] : memref<256xf32, #tpu.memory_space<vmem>>[vector<16xi32>], vector<16xf32>,
      %gather3A_335 = tpu.memref_slice %arg6[%multiple_of3A] : memref<4096xf32, #tpu.memory_space<vmem>> -> memref<256xf32, #tpu.memory_space<vmem>>
      %gather3A_336 = tpu.vector_load_idx %gather3A_335[%add3A_47] : memref<256xf32, #tpu.memory_space<vmem>>[vector<16xi32>], vector<16xf32>,
      %gather3A_337 = tpu.memref_slice %arg6[%multiple_of3A] : memref<4096xf32, #tpu.memory_space<vmem>> -> memref<256xf32, #tpu.memory_space<vmem>>
      %gather3A_338 = tpu.vector_load_idx %gather3A_337[%add3A_50] : memref<256xf32, #tpu.memory_space<vmem>>[vector<16xi32>], vector<16xf32>,
      %gather3A_339 = tpu.memref_slice %arg6[%multiple_of3A] : memref<4096xf32, #tpu.memory_space<vmem>> -> memref<256xf32, #tpu.memory_space<vmem>>
      %gather3A_340 = tpu.vector_load_idx %gather3A_339[%add3A_53] : memref<256xf32, #tpu.memory_space<vmem>>[vector<16xi32>], vector<16xf32>,
      %mul3A_341 = arith.constant 16 : i32
      %mul3A_342 = arith.muli %scan3A_307, %mul3A_341 : i32
      %add3A_343 = arith.constant 512 : i32
      %add3A_344 = arith.addi %add3A_343, %mul3A_342 : i32
      %swap3A = arith.index_cast %add3A_344 : i32 to index
      %swap3A_345 = tpu.vector_load %arg5[%swap3A] {strides = array<i32>} : memref<65536xf32, #tpu.memory_space<vmem>>, vector<16xf32>,
      tpu.vector_store %arg5[%swap3A], %gather3A_310 {strides = array<i32>} : memref<65536xf32, #tpu.memory_space<vmem>>, vector<16xf32>,
      %mul3A_346 = arith.constant 16 : i32
      %mul3A_347 = arith.muli %scan3A_307, %mul3A_346 : i32
      %add3A_348 = arith.constant 4608 : i32
      %add3A_349 = arith.addi %add3A_348, %mul3A_347 : i32
      %swap3A_350 = arith.index_cast %add3A_349 : i32 to index
      %swap3A_351 = tpu.vector_load %arg5[%swap3A_350] {strides = array<i32>} : memref<65536xf32, #tpu.memory_space<vmem>>, vector<16xf32>,
      tpu.vector_store %arg5[%swap3A_350], %gather3A_312 {strides = array<i32>} : memref<65536xf32, #tpu.memory_space<vmem>>, vector<16xf32>,
      %mul3A_352 = arith.constant 16 : i32
      %mul3A_353 = arith.muli %scan3A_307, %mul3A_352 : i32
      %add3A_354 = arith.constant 8704 : i32
      %add3A_355 = arith.addi %add3A_354, %mul3A_353 : i32
      %swap3A_356 = arith.index_cast %add3A_355 : i32 to index
      %swap3A_357 = tpu.vector_load %arg5[%swap3A_356] {strides = array<i32>} : memref<65536xf32, #tpu.memory_space<vmem>>, vector<16xf32>,
      tpu.vector_store %arg5[%swap3A_356], %gather3A_314 {strides = array<i32>} : memref<65536xf32, #tpu.memory_space<vmem>>, vector<16xf32>,
      %mul3A_358 = arith.constant 16 : i32
      %mul3A_359 = arith.muli %scan3A_307, %mul3A_358 : i32
      %add3A_360 = arith.constant 12800 : i32
      %add3A_361 = arith.addi %add3A_360, %mul3A_359 : i32
      %swap3A_362 = arith.index_cast %add3A_361 : i32 to index
      %swap3A_363 = tpu.vector_load %arg5[%swap3A_362] {strides = array<i32>} : memref<65536xf32, #tpu.memory_space<vmem>>, vector<16xf32>,
      tpu.vector_store %arg5[%swap3A_362], %gather3A_316 {strides = array<i32>} : memref<65536xf32, #tpu.memory_space<vmem>>, vector<16xf32>,
      %mul3A_364 = arith.constant 16 : i32
      %mul3A_365 = arith.muli %scan3A_307, %mul3A_364 : i32
      %add3A_366 = arith.constant 16896 : i32
      %add3A_367 = arith.addi %add3A_366, %mul3A_365 : i32
      %swap3A_368 = arith.index_cast %add3A_367 : i32 to index
      %swap3A_369 = tpu.vector_load %arg5[%swap3A_368] {strides = array<i32>} : memref<65536xf32, #tpu.memory_space<vmem>>, vector<16xf32>,
      tpu.vector_store %arg5[%swap3A_368], %gather3A_318 {strides = array<i32>} : memref<65536xf32, #tpu.memory_space<vmem>>, vector<16xf32>,
      %mul3A_370 = arith.constant 16 : i32
      %mul3A_371 = arith.muli %scan3A_307, %mul3A_370 : i32
      %add3A_372 = arith.constant 20992 : i32
      %add3A_373 = arith.addi %add3A_372, %mul3A_371 : i32
      %swap3A_374 = arith.index_cast %add3A_373 : i32 to index
      %swap3A_375 = tpu.vector_load %arg5[%swap3A_374] {strides = array<i32>} : memref<65536xf32, #tpu.memory_space<vmem>>, vector<16xf32>,
      tpu.vector_store %arg5[%swap3A_374], %gather3A_320 {strides = array<i32>} : memref<65536xf32, #tpu.memory_space<vmem>>, vector<16xf32>,
      %mul3A_376 = arith.constant 16 : i32
      %mul3A_377 = arith.muli %scan3A_307, %mul3A_376 : i32
      %add3A_378 = arith.constant 25088 : i32
      %add3A_379 = arith.addi %add3A_378, %mul3A_377 : i32
      %swap3A_380 = arith.index_cast %add3A_379 : i32 to index
      %swap3A_381 = tpu.vector_load %arg5[%swap3A_380] {strides = array<i32>} : memref<65536xf32, #tpu.memory_space<vmem>>, vector<16xf32>,
      tpu.vector_store %arg5[%swap3A_380], %gather3A_322 {strides = array<i32>} : memref<65536xf32, #tpu.memory_space<vmem>>, vector<16xf32>,
      %mul3A_382 = arith.constant 16 : i32
      %mul3A_383 = arith.muli %scan3A_307, %mul3A_382 : i32
      %add3A_384 = arith.constant 29184 : i32
      %add3A_385 = arith.addi %add3A_384, %mul3A_383 : i32
      %swap3A_386 = arith.index_cast %add3A_385 : i32 to index
      %swap3A_387 = tpu.vector_load %arg5[%swap3A_386] {strides = array<i32>} : memref<65536xf32, #tpu.memory_space<vmem>>, vector<16xf32>,
      tpu.vector_store %arg5[%swap3A_386], %gather3A_324 {strides = array<i32>} : memref<65536xf32, #tpu.memory_space<vmem>>, vector<16xf32>,
      %mul3A_388 = arith.constant 16 : i32
      %mul3A_389 = arith.muli %scan3A_307, %mul3A_388 : i32
      %add3A_390 = arith.constant 33280 : i32
      %add3A_391 = arith.addi %add3A_390, %mul3A_389 : i32
      %swap3A_392 = arith.index_cast %add3A_391 : i32 to index
      %swap3A_393 = tpu.vector_load %arg5[%swap3A_392] {strides = array<i32>} : memref<65536xf32, #tpu.memory_space<vmem>>, vector<16xf32>,
      tpu.vector_store %arg5[%swap3A_392], %gather3A_326 {strides = array<i32>} : memref<65536xf32, #tpu.memory_space<vmem>>, vector<16xf32>,
      %mul3A_394 = arith.constant 16 : i32
      %mul3A_395 = arith.muli %scan3A_307, %mul3A_394 : i32
      %add3A_396 = arith.constant 37376 : i32
      %add3A_397 = arith.addi %add3A_396, %mul3A_395 : i32
      %swap3A_398 = arith.index_cast %add3A_397 : i32 to index
      %swap3A_399 = tpu.vector_load %arg5[%swap3A_398] {strides = array<i32>} : memref<65536xf32, #tpu.memory_space<vmem>>, vector<16xf32>,
      tpu.vector_store %arg5[%swap3A_398], %gather3A_328 {strides = array<i32>} : memref<65536xf32, #tpu.memory_space<vmem>>, vector<16xf32>,
      %mul3A_400 = arith.constant 16 : i32
      %mul3A_401 = arith.muli %scan3A_307, %mul3A_400 : i32
      %add3A_402 = arith.constant 41472 : i32
      %add3A_403 = arith.addi %add3A_402, %mul3A_401 : i32
      %swap3A_404 = arith.index_cast %add3A_403 : i32 to index
      %swap3A_405 = tpu.vector_load %arg5[%swap3A_404] {strides = array<i32>} : memref<65536xf32, #tpu.memory_space<vmem>>, vector<16xf32>,
      tpu.vector_store %arg5[%swap3A_404], %gather3A_330 {strides = array<i32>} : memref<65536xf32, #tpu.memory_space<vmem>>, vector<16xf32>,
      %mul3A_406 = arith.constant 16 : i32
      %mul3A_407 = arith.muli %scan3A_307, %mul3A_406 : i32
      %add3A_408 = arith.constant 45568 : i32
      %add3A_409 = arith.addi %add3A_408, %mul3A_407 : i32
      %swap3A_410 = arith.index_cast %add3A_409 : i32 to index
      %swap3A_411 = tpu.vector_load %arg5[%swap3A_410] {strides = array<i32>} : memref<65536xf32, #tpu.memory_space<vmem>>, vector<16xf32>,
      tpu.vector_store %arg5[%swap3A_410], %gather3A_332 {strides = array<i32>} : memref<65536xf32, #tpu.memory_space<vmem>>, vector<16xf32>,
      %mul3A_412 = arith.constant 16 : i32
      %mul3A_413 = arith.muli %scan3A_307, %mul3A_412 : i32
      %add3A_414 = arith.constant 49664 : i32
      %add3A_415 = arith.addi %add3A_414, %mul3A_413 : i32
      %swap3A_416 = arith.index_cast %add3A_415 : i32 to index
      %swap3A_417 = tpu.vector_load %arg5[%swap3A_416] {strides = array<i32>} : memref<65536xf32, #tpu.memory_space<vmem>>, vector<16xf32>,
      tpu.vector_store %arg5[%swap3A_416], %gather3A_334 {strides = array<i32>} : memref<65536xf32, #tpu.memory_space<vmem>>, vector<16xf32>,
      %mul3A_418 = arith.constant 16 : i32
      %mul3A_419 = arith.muli %scan3A_307, %mul3A_418 : i32
      %add3A_420 = arith.constant 53760 : i32
      %add3A_421 = arith.addi %add3A_420, %mul3A_419 : i32
      %swap3A_422 = arith.index_cast %add3A_421 : i32 to index
      %swap3A_423 = tpu.vector_load %arg5[%swap3A_422] {strides = array<i32>} : memref<65536xf32, #tpu.memory_space<vmem>>, vector<16xf32>,
      tpu.vector_store %arg5[%swap3A_422], %gather3A_336 {strides = array<i32>} : memref<65536xf32, #tpu.memory_space<vmem>>, vector<16xf32>,
      %mul3A_424 = arith.constant 16 : i32
      %mul3A_425 = arith.muli %scan3A_307, %mul3A_424 : i32
      %add3A_426 = arith.constant 57856 : i32
      %add3A_427 = arith.addi %add3A_426, %mul3A_425 : i32
      %swap3A_428 = arith.index_cast %add3A_427 : i32 to index
      %swap3A_429 = tpu.vector_load %arg5[%swap3A_428] {strides = array<i32>} : memref<65536xf32, #tpu.memory_space<vmem>>, vector<16xf32>,
      tpu.vector_store %arg5[%swap3A_428], %gather3A_338 {strides = array<i32>} : memref<65536xf32, #tpu.memory_space<vmem>>, vector<16xf32>,
      %mul3A_430 = arith.constant 16 : i32
      %mul3A_431 = arith.muli %scan3A_307, %mul3A_430 : i32
      %add3A_432 = arith.constant 61952 : i32
      %add3A_433 = arith.addi %add3A_432, %mul3A_431 : i32
      %swap3A_434 = arith.index_cast %add3A_433 : i32 to index
      %swap3A_435 = tpu.vector_load %arg5[%swap3A_434] {strides = array<i32>} : memref<65536xf32, #tpu.memory_space<vmem>>, vector<16xf32>,
      tpu.vector_store %arg5[%swap3A_434], %gather3A_340 {strides = array<i32>} : memref<65536xf32, #tpu.memory_space<vmem>>, vector<16xf32>,
    }
    %scan3A_96 = arith.constant 16 : i32
    %dma_wait3A_97 = arith.constant 0 : i32
    %dma_wait3A_98 = tpu.memref_slice %arg2[%dma_wait3A_97] : memref<65536xf32, #tpu.memory_space<hbm>> -> memref<4096xf32, #tpu.memory_space<hbm>>
    %dma_wait3A_99 = arith.constant 0 : i32
    %dma_wait3A_100 = tpu.memref_slice %arg2[%dma_wait3A_99] : memref<65536xf32, #tpu.memory_space<hbm>> -> memref<4096xf32, #tpu.memory_space<hbm>>
    tpu.wait_dma2 semaphore(%arg12 : memref<!tpu.dma_semaphore, #tpu.memory_space<semaphore_mem>>) src(%dma_wait3A_100 : memref<4096xf32, #tpu.memory_space<hbm>>) dst(%arg7 : memref<4096xf32, #tpu.memory_space<vmem>>)
    %dma_start3A_101 = arith.constant 16384 : i32
    %dma_start3A_102 = tpu.memref_slice %arg2[%dma_start3A_101] : memref<65536xf32, #tpu.memory_space<hbm>> -> memref<4096xf32, #tpu.memory_space<hbm>>
    %dma_start3A_103 = arith.constant 16384 : i32
    %dma_start3A_104 = tpu.memref_slice %arg2[%dma_start3A_103] : memref<65536xf32, #tpu.memory_space<hbm>> -> memref<4096xf32, #tpu.memory_space<hbm>>
    tpu.enqueue_dma source(%dma_start3A_104 : memref<4096xf32, #tpu.memory_space<hbm>>) target(%arg6 : memref<4096xf32, #tpu.memory_space<vmem>>) target_semaphore(%arg12 : memref<!tpu.dma_semaphore, #tpu.memory_space<semaphore_mem>>)
    %scan3A_105 = arith.constant 0 : i32
    %scan3A_106 = arith.constant 0 : i32
    %scan3A_107 = arith.constant 16 : i32
    %scan3A_108 = arith.addi %scan3A_106, %scan3A_107 : i32
    %scan3A_109 = arith.constant 1 : i32
    scf.for %scan3A_307 = %scan3A_106 to %scan3A_108 step %scan3A_109  : i32 {
      %mul3A_308 = arith.constant 256 : i32
      %mul3A_309 = arith.muli %scan3A_307, %mul3A_308 : i32
      %multiple_of3A = tpu.assume_multiple %mul3A_309, 256 : i32
      %gather3A = tpu.memref_slice %arg7[%multiple_of3A] : memref<4096xf32, #tpu.memory_space<vmem>> -> memref<256xf32, #tpu.memory_space<vmem>>
      %gather3A_310 = tpu.vector_load_idx %gather3A[%add3A_8] : memref<256xf32, #tpu.memory_space<vmem>>[vector<16xi32>], vector<16xf32>,
      %gather3A_311 = tpu.memref_slice %arg7[%multiple_of3A] : memref<4096xf32, #tpu.memory_space<vmem>> -> memref<256xf32, #tpu.memory_space<vmem>>
      %gather3A_312 = tpu.vector_load_idx %gather3A_311[%add3A_11] : memref<256xf32, #tpu.memory_space<vmem>>[vector<16xi32>], vector<16xf32>,
      %gather3A_313 = tpu.memref_slice %arg7[%multiple_of3A] : memref<4096xf32, #tpu.memory_space<vmem>> -> memref<256xf32, #tpu.memory_space<vmem>>
      %gather3A_314 = tpu.vector_load_idx %gather3A_313[%add3A_14] : memref<256xf32, #tpu.memory_space<vmem>>[vector<16xi32>], vector<16xf32>,
      %gather3A_315 = tpu.memref_slice %arg7[%multiple_of3A] : memref<4096xf32, #tpu.memory_space<vmem>> -> memref<256xf32, #tpu.memory_space<vmem>>
      %gather3A_316 = tpu.vector_load_idx %gather3A_315[%add3A_17] : memref<256xf32, #tpu.memory_space<vmem>>[vector<16xi32>], vector<16xf32>,
      %gather3A_317 = tpu.memref_slice %arg7[%multiple_of3A] : memref<4096xf32, #tpu.memory_space<vmem>> -> memref<256xf32, #tpu.memory_space<vmem>>
      %gather3A_318 = tpu.vector_load_idx %gather3A_317[%add3A_20] : memref<256xf32, #tpu.memory_space<vmem>>[vector<16xi32>], vector<16xf32>,
      %gather3A_319 = tpu.memref_slice %arg7[%multiple_of3A] : memref<4096xf32, #tpu.memory_space<vmem>> -> memref<256xf32, #tpu.memory_space<vmem>>
      %gather3A_320 = tpu.vector_load_idx %gather3A_319[%add3A_23] : memref<256xf32, #tpu.memory_space<vmem>>[vector<16xi32>], vector<16xf32>,
      %gather3A_321 = tpu.memref_slice %arg7[%multiple_of3A] : memref<4096xf32, #tpu.memory_space<vmem>> -> memref<256xf32, #tpu.memory_space<vmem>>
      %gather3A_322 = tpu.vector_load_idx %gather3A_321[%add3A_26] : memref<256xf32, #tpu.memory_space<vmem>>[vector<16xi32>], vector<16xf32>,
      %gather3A_323 = tpu.memref_slice %arg7[%multiple_of3A] : memref<4096xf32, #tpu.memory_space<vmem>> -> memref<256xf32, #tpu.memory_space<vmem>>
      %gather3A_324 = tpu.vector_load_idx %gather3A_323[%add3A_29] : memref<256xf32, #tpu.memory_space<vmem>>[vector<16xi32>], vector<16xf32>,
      %gather3A_325 = tpu.memref_slice %arg7[%multiple_of3A] : memref<4096xf32, #tpu.memory_space<vmem>> -> memref<256xf32, #tpu.memory_space<vmem>>
      %gather3A_326 = tpu.vector_load_idx %gather3A_325[%add3A_32] : memref<256xf32, #tpu.memory_space<vmem>>[vector<16xi32>], vector<16xf32>,
      %gather3A_327 = tpu.memref_slice %arg7[%multiple_of3A] : memref<4096xf32, #tpu.memory_space<vmem>> -> memref<256xf32, #tpu.memory_space<vmem>>
      %gather3A_328 = tpu.vector_load_idx %gather3A_327[%add3A_35] : memref<256xf32, #tpu.memory_space<vmem>>[vector<16xi32>], vector<16xf32>,
      %gather3A_329 = tpu.memref_slice %arg7[%multiple_of3A] : memref<4096xf32, #tpu.memory_space<vmem>> -> memref<256xf32, #tpu.memory_space<vmem>>
      %gather3A_330 = tpu.vector_load_idx %gather3A_329[%add3A_38] : memref<256xf32, #tpu.memory_space<vmem>>[vector<16xi32>], vector<16xf32>,
      %gather3A_331 = tpu.memref_slice %arg7[%multiple_of3A] : memref<4096xf32, #tpu.memory_space<vmem>> -> memref<256xf32, #tpu.memory_space<vmem>>
      %gather3A_332 = tpu.vector_load_idx %gather3A_331[%add3A_41] : memref<256xf32, #tpu.memory_space<vmem>>[vector<16xi32>], vector<16xf32>,
      %gather3A_333 = tpu.memref_slice %arg7[%multiple_of3A] : memref<4096xf32, #tpu.memory_space<vmem>> -> memref<256xf32, #tpu.memory_space<vmem>>
      %gather3A_334 = tpu.vector_load_idx %gather3A_333[%add3A_44] : memref<256xf32, #tpu.memory_space<vmem>>[vector<16xi32>], vector<16xf32>,
      %gather3A_335 = tpu.memref_slice %arg7[%multiple_of3A] : memref<4096xf32, #tpu.memory_space<vmem>> -> memref<256xf32, #tpu.memory_space<vmem>>
      %gather3A_336 = tpu.vector_load_idx %gather3A_335[%add3A_47] : memref<256xf32, #tpu.memory_space<vmem>>[vector<16xi32>], vector<16xf32>,
      %gather3A_337 = tpu.memref_slice %arg7[%multiple_of3A] : memref<4096xf32, #tpu.memory_space<vmem>> -> memref<256xf32, #tpu.memory_space<vmem>>
      %gather3A_338 = tpu.vector_load_idx %gather3A_337[%add3A_50] : memref<256xf32, #tpu.memory_space<vmem>>[vector<16xi32>], vector<16xf32>,
      %gather3A_339 = tpu.memref_slice %arg7[%multiple_of3A] : memref<4096xf32, #tpu.memory_space<vmem>> -> memref<256xf32, #tpu.memory_space<vmem>>
      %gather3A_340 = tpu.vector_load_idx %gather3A_339[%add3A_53] : memref<256xf32, #tpu.memory_space<vmem>>[vector<16xi32>], vector<16xf32>,
      %mul3A_341 = arith.constant 16 : i32
      %mul3A_342 = arith.muli %scan3A_307, %mul3A_341 : i32
      %add3A_343 = arith.constant 768 : i32
      %add3A_344 = arith.addi %add3A_343, %mul3A_342 : i32
      %swap3A = arith.index_cast %add3A_344 : i32 to index
      %swap3A_345 = tpu.vector_load %arg5[%swap3A] {strides = array<i32>} : memref<65536xf32, #tpu.memory_space<vmem>>, vector<16xf32>,
      tpu.vector_store %arg5[%swap3A], %gather3A_310 {strides = array<i32>} : memref<65536xf32, #tpu.memory_space<vmem>>, vector<16xf32>,
      %mul3A_346 = arith.constant 16 : i32
      %mul3A_347 = arith.muli %scan3A_307, %mul3A_346 : i32
      %add3A_348 = arith.constant 4864 : i32
      %add3A_349 = arith.addi %add3A_348, %mul3A_347 : i32
      %swap3A_350 = arith.index_cast %add3A_349 : i32 to index
      %swap3A_351 = tpu.vector_load %arg5[%swap3A_350] {strides = array<i32>} : memref<65536xf32, #tpu.memory_space<vmem>>, vector<16xf32>,
      tpu.vector_store %arg5[%swap3A_350], %gather3A_312 {strides = array<i32>} : memref<65536xf32, #tpu.memory_space<vmem>>, vector<16xf32>,
      %mul3A_352 = arith.constant 16 : i32
      %mul3A_353 = arith.muli %scan3A_307, %mul3A_352 : i32
      %add3A_354 = arith.constant 8960 : i32
      %add3A_355 = arith.addi %add3A_354, %mul3A_353 : i32
      %swap3A_356 = arith.index_cast %add3A_355 : i32 to index
      %swap3A_357 = tpu.vector_load %arg5[%swap3A_356] {strides = array<i32>} : memref<65536xf32, #tpu.memory_space<vmem>>, vector<16xf32>,
      tpu.vector_store %arg5[%swap3A_356], %gather3A_314 {strides = array<i32>} : memref<65536xf32, #tpu.memory_space<vmem>>, vector<16xf32>,
      %mul3A_358 = arith.constant 16 : i32
      %mul3A_359 = arith.muli %scan3A_307, %mul3A_358 : i32
      %add3A_360 = arith.constant 13056 : i32
      %add3A_361 = arith.addi %add3A_360, %mul3A_359 : i32
      %swap3A_362 = arith.index_cast %add3A_361 : i32 to index
      %swap3A_363 = tpu.vector_load %arg5[%swap3A_362] {strides = array<i32>} : memref<65536xf32, #tpu.memory_space<vmem>>, vector<16xf32>,
      tpu.vector_store %arg5[%swap3A_362], %gather3A_316 {strides = array<i32>} : memref<65536xf32, #tpu.memory_space<vmem>>, vector<16xf32>,
      %mul3A_364 = arith.constant 16 : i32
      %mul3A_365 = arith.muli %scan3A_307, %mul3A_364 : i32
      %add3A_366 = arith.constant 17152 : i32
      %add3A_367 = arith.addi %add3A_366, %mul3A_365 : i32
      %swap3A_368 = arith.index_cast %add3A_367 : i32 to index
      %swap3A_369 = tpu.vector_load %arg5[%swap3A_368] {strides = array<i32>} : memref<65536xf32, #tpu.memory_space<vmem>>, vector<16xf32>,
      tpu.vector_store %arg5[%swap3A_368], %gather3A_318 {strides = array<i32>} : memref<65536xf32, #tpu.memory_space<vmem>>, vector<16xf32>,
      %mul3A_370 = arith.constant 16 : i32
      %mul3A_371 = arith.muli %scan3A_307, %mul3A_370 : i32
      %add3A_372 = arith.constant 21248 : i32
      %add3A_373 = arith.addi %add3A_372, %mul3A_371 : i32
      %swap3A_374 = arith.index_cast %add3A_373 : i32 to index
      %swap3A_375 = tpu.vector_load %arg5[%swap3A_374] {strides = array<i32>} : memref<65536xf32, #tpu.memory_space<vmem>>, vector<16xf32>,
      tpu.vector_store %arg5[%swap3A_374], %gather3A_320 {strides = array<i32>} : memref<65536xf32, #tpu.memory_space<vmem>>, vector<16xf32>,
      %mul3A_376 = arith.constant 16 : i32
      %mul3A_377 = arith.muli %scan3A_307, %mul3A_376 : i32
      %add3A_378 = arith.constant 25344 : i32
      %add3A_379 = arith.addi %add3A_378, %mul3A_377 : i32
      %swap3A_380 = arith.index_cast %add3A_379 : i32 to index
      %swap3A_381 = tpu.vector_load %arg5[%swap3A_380] {strides = array<i32>} : memref<65536xf32, #tpu.memory_space<vmem>>, vector<16xf32>,
      tpu.vector_store %arg5[%swap3A_380], %gather3A_322 {strides = array<i32>} : memref<65536xf32, #tpu.memory_space<vmem>>, vector<16xf32>,
      %mul3A_382 = arith.constant 16 : i32
      %mul3A_383 = arith.muli %scan3A_307, %mul3A_382 : i32
      %add3A_384 = arith.constant 29440 : i32
      %add3A_385 = arith.addi %add3A_384, %mul3A_383 : i32
      %swap3A_386 = arith.index_cast %add3A_385 : i32 to index
      %swap3A_387 = tpu.vector_load %arg5[%swap3A_386] {strides = array<i32>} : memref<65536xf32, #tpu.memory_space<vmem>>, vector<16xf32>,
      tpu.vector_store %arg5[%swap3A_386], %gather3A_324 {strides = array<i32>} : memref<65536xf32, #tpu.memory_space<vmem>>, vector<16xf32>,
      %mul3A_388 = arith.constant 16 : i32
      %mul3A_389 = arith.muli %scan3A_307, %mul3A_388 : i32
      %add3A_390 = arith.constant 33536 : i32
      %add3A_391 = arith.addi %add3A_390, %mul3A_389 : i32
      %swap3A_392 = arith.index_cast %add3A_391 : i32 to index
      %swap3A_393 = tpu.vector_load %arg5[%swap3A_392] {strides = array<i32>} : memref<65536xf32, #tpu.memory_space<vmem>>, vector<16xf32>,
      tpu.vector_store %arg5[%swap3A_392], %gather3A_326 {strides = array<i32>} : memref<65536xf32, #tpu.memory_space<vmem>>, vector<16xf32>,
      %mul3A_394 = arith.constant 16 : i32
      %mul3A_395 = arith.muli %scan3A_307, %mul3A_394 : i32
      %add3A_396 = arith.constant 37632 : i32
      %add3A_397 = arith.addi %add3A_396, %mul3A_395 : i32
      %swap3A_398 = arith.index_cast %add3A_397 : i32 to index
      %swap3A_399 = tpu.vector_load %arg5[%swap3A_398] {strides = array<i32>} : memref<65536xf32, #tpu.memory_space<vmem>>, vector<16xf32>,
      tpu.vector_store %arg5[%swap3A_398], %gather3A_328 {strides = array<i32>} : memref<65536xf32, #tpu.memory_space<vmem>>, vector<16xf32>,
      %mul3A_400 = arith.constant 16 : i32
      %mul3A_401 = arith.muli %scan3A_307, %mul3A_400 : i32
      %add3A_402 = arith.constant 41728 : i32
      %add3A_403 = arith.addi %add3A_402, %mul3A_401 : i32
      %swap3A_404 = arith.index_cast %add3A_403 : i32 to index
      %swap3A_405 = tpu.vector_load %arg5[%swap3A_404] {strides = array<i32>} : memref<65536xf32, #tpu.memory_space<vmem>>, vector<16xf32>,
      tpu.vector_store %arg5[%swap3A_404], %gather3A_330 {strides = array<i32>} : memref<65536xf32, #tpu.memory_space<vmem>>, vector<16xf32>,
      %mul3A_406 = arith.constant 16 : i32
      %mul3A_407 = arith.muli %scan3A_307, %mul3A_406 : i32
      %add3A_408 = arith.constant 45824 : i32
      %add3A_409 = arith.addi %add3A_408, %mul3A_407 : i32
      %swap3A_410 = arith.index_cast %add3A_409 : i32 to index
      %swap3A_411 = tpu.vector_load %arg5[%swap3A_410] {strides = array<i32>} : memref<65536xf32, #tpu.memory_space<vmem>>, vector<16xf32>,
      tpu.vector_store %arg5[%swap3A_410], %gather3A_332 {strides = array<i32>} : memref<65536xf32, #tpu.memory_space<vmem>>, vector<16xf32>,
      %mul3A_412 = arith.constant 16 : i32
      %mul3A_413 = arith.muli %scan3A_307, %mul3A_412 : i32
      %add3A_414 = arith.constant 49920 : i32
      %add3A_415 = arith.addi %add3A_414, %mul3A_413 : i32
      %swap3A_416 = arith.index_cast %add3A_415 : i32 to index
      %swap3A_417 = tpu.vector_load %arg5[%swap3A_416] {strides = array<i32>} : memref<65536xf32, #tpu.memory_space<vmem>>, vector<16xf32>,
      tpu.vector_store %arg5[%swap3A_416], %gather3A_334 {strides = array<i32>} : memref<65536xf32, #tpu.memory_space<vmem>>, vector<16xf32>,
      %mul3A_418 = arith.constant 16 : i32
      %mul3A_419 = arith.muli %scan3A_307, %mul3A_418 : i32
      %add3A_420 = arith.constant 54016 : i32
      %add3A_421 = arith.addi %add3A_420, %mul3A_419 : i32
      %swap3A_422 = arith.index_cast %add3A_421 : i32 to index
      %swap3A_423 = tpu.vector_load %arg5[%swap3A_422] {strides = array<i32>} : memref<65536xf32, #tpu.memory_space<vmem>>, vector<16xf32>,
      tpu.vector_store %arg5[%swap3A_422], %gather3A_336 {strides = array<i32>} : memref<65536xf32, #tpu.memory_space<vmem>>, vector<16xf32>,
      %mul3A_424 = arith.constant 16 : i32
      %mul3A_425 = arith.muli %scan3A_307, %mul3A_424 : i32
      %add3A_426 = arith.constant 58112 : i32
      %add3A_427 = arith.addi %add3A_426, %mul3A_425 : i32
      %swap3A_428 = arith.index_cast %add3A_427 : i32 to index
      %swap3A_429 = tpu.vector_load %arg5[%swap3A_428] {strides = array<i32>} : memref<65536xf32, #tpu.memory_space<vmem>>, vector<16xf32>,
      tpu.vector_store %arg5[%swap3A_428], %gather3A_338 {strides = array<i32>} : memref<65536xf32, #tpu.memory_space<vmem>>, vector<16xf32>,
      %mul3A_430 = arith.constant 16 : i32
      %mul3A_431 = arith.muli %scan3A_307, %mul3A_430 : i32
      %add3A_432 = arith.constant 62208 : i32
      %add3A_433 = arith.addi %add3A_432, %mul3A_431 : i32
      %swap3A_434 = arith.index_cast %add3A_433 : i32 to index
      %swap3A_435 = tpu.vector_load %arg5[%swap3A_434] {strides = array<i32>} : memref<65536xf32, #tpu.memory_space<vmem>>, vector<16xf32>,
      tpu.vector_store %arg5[%swap3A_434], %gather3A_340 {strides = array<i32>} : memref<65536xf32, #tpu.memory_space<vmem>>, vector<16xf32>,
    }
    %scan3A_110 = arith.constant 16 : i32
    %dma_wait3A_111 = arith.constant 0 : i32
    %dma_wait3A_112 = tpu.memref_slice %arg2[%dma_wait3A_111] : memref<65536xf32, #tpu.memory_space<hbm>> -> memref<4096xf32, #tpu.memory_space<hbm>>
    %dma_wait3A_113 = arith.constant 0 : i32
    %dma_wait3A_114 = tpu.memref_slice %arg2[%dma_wait3A_113] : memref<65536xf32, #tpu.memory_space<hbm>> -> memref<4096xf32, #tpu.memory_space<hbm>>
    tpu.wait_dma2 semaphore(%arg12 : memref<!tpu.dma_semaphore, #tpu.memory_space<semaphore_mem>>) src(%dma_wait3A_114 : memref<4096xf32, #tpu.memory_space<hbm>>) dst(%arg6 : memref<4096xf32, #tpu.memory_space<vmem>>)
    %dma_start3A_115 = arith.constant 20480 : i32
    %dma_start3A_116 = tpu.memref_slice %arg2[%dma_start3A_115] : memref<65536xf32, #tpu.memory_space<hbm>> -> memref<4096xf32, #tpu.memory_space<hbm>>
    %dma_start3A_117 = arith.constant 20480 : i32
    %dma_start3A_118 = tpu.memref_slice %arg2[%dma_start3A_117] : memref<65536xf32, #tpu.memory_space<hbm>> -> memref<4096xf32, #tpu.memory_space<hbm>>
    tpu.enqueue_dma source(%dma_start3A_118 : memref<4096xf32, #tpu.memory_space<hbm>>) target(%arg7 : memref<4096xf32, #tpu.memory_space<vmem>>) target_semaphore(%arg12 : memref<!tpu.dma_semaphore, #tpu.memory_space<semaphore_mem>>)
    %scan3A_119 = arith.constant 0 : i32
    %scan3A_120 = arith.constant 0 : i32
    %scan3A_121 = arith.constant 16 : i32
    %scan3A_122 = arith.addi %scan3A_120, %scan3A_121 : i32
    %scan3A_123 = arith.constant 1 : i32
    scf.for %scan3A_307 = %scan3A_120 to %scan3A_122 step %scan3A_123  : i32 {
      %mul3A_308 = arith.constant 256 : i32
      %mul3A_309 = arith.muli %scan3A_307, %mul3A_308 : i32
      %multiple_of3A = tpu.assume_multiple %mul3A_309, 256 : i32
      %gather3A = tpu.memref_slice %arg6[%multiple_of3A] : memref<4096xf32, #tpu.memory_space<vmem>> -> memref<256xf32, #tpu.memory_space<vmem>>
      %gather3A_310 = tpu.vector_load_idx %gather3A[%add3A_8] : memref<256xf32, #tpu.memory_space<vmem>>[vector<16xi32>], vector<16xf32>,
      %gather3A_311 = tpu.memref_slice %arg6[%multiple_of3A] : memref<4096xf32, #tpu.memory_space<vmem>> -> memref<256xf32, #tpu.memory_space<vmem>>
      %gather3A_312 = tpu.vector_load_idx %gather3A_311[%add3A_11] : memref<256xf32, #tpu.memory_space<vmem>>[vector<16xi32>], vector<16xf32>,
      %gather3A_313 = tpu.memref_slice %arg6[%multiple_of3A] : memref<4096xf32, #tpu.memory_space<vmem>> -> memref<256xf32, #tpu.memory_space<vmem>>
      %gather3A_314 = tpu.vector_load_idx %gather3A_313[%add3A_14] : memref<256xf32, #tpu.memory_space<vmem>>[vector<16xi32>], vector<16xf32>,
      %gather3A_315 = tpu.memref_slice %arg6[%multiple_of3A] : memref<4096xf32, #tpu.memory_space<vmem>> -> memref<256xf32, #tpu.memory_space<vmem>>
      %gather3A_316 = tpu.vector_load_idx %gather3A_315[%add3A_17] : memref<256xf32, #tpu.memory_space<vmem>>[vector<16xi32>], vector<16xf32>,
      %gather3A_317 = tpu.memref_slice %arg6[%multiple_of3A] : memref<4096xf32, #tpu.memory_space<vmem>> -> memref<256xf32, #tpu.memory_space<vmem>>
      %gather3A_318 = tpu.vector_load_idx %gather3A_317[%add3A_20] : memref<256xf32, #tpu.memory_space<vmem>>[vector<16xi32>], vector<16xf32>,
      %gather3A_319 = tpu.memref_slice %arg6[%multiple_of3A] : memref<4096xf32, #tpu.memory_space<vmem>> -> memref<256xf32, #tpu.memory_space<vmem>>
      %gather3A_320 = tpu.vector_load_idx %gather3A_319[%add3A_23] : memref<256xf32, #tpu.memory_space<vmem>>[vector<16xi32>], vector<16xf32>,
      %gather3A_321 = tpu.memref_slice %arg6[%multiple_of3A] : memref<4096xf32, #tpu.memory_space<vmem>> -> memref<256xf32, #tpu.memory_space<vmem>>
      %gather3A_322 = tpu.vector_load_idx %gather3A_321[%add3A_26] : memref<256xf32, #tpu.memory_space<vmem>>[vector<16xi32>], vector<16xf32>,
      %gather3A_323 = tpu.memref_slice %arg6[%multiple_of3A] : memref<4096xf32, #tpu.memory_space<vmem>> -> memref<256xf32, #tpu.memory_space<vmem>>
      %gather3A_324 = tpu.vector_load_idx %gather3A_323[%add3A_29] : memref<256xf32, #tpu.memory_space<vmem>>[vector<16xi32>], vector<16xf32>,
      %gather3A_325 = tpu.memref_slice %arg6[%multiple_of3A] : memref<4096xf32, #tpu.memory_space<vmem>> -> memref<256xf32, #tpu.memory_space<vmem>>
      %gather3A_326 = tpu.vector_load_idx %gather3A_325[%add3A_32] : memref<256xf32, #tpu.memory_space<vmem>>[vector<16xi32>], vector<16xf32>,
      %gather3A_327 = tpu.memref_slice %arg6[%multiple_of3A] : memref<4096xf32, #tpu.memory_space<vmem>> -> memref<256xf32, #tpu.memory_space<vmem>>
      %gather3A_328 = tpu.vector_load_idx %gather3A_327[%add3A_35] : memref<256xf32, #tpu.memory_space<vmem>>[vector<16xi32>], vector<16xf32>,
      %gather3A_329 = tpu.memref_slice %arg6[%multiple_of3A] : memref<4096xf32, #tpu.memory_space<vmem>> -> memref<256xf32, #tpu.memory_space<vmem>>
      %gather3A_330 = tpu.vector_load_idx %gather3A_329[%add3A_38] : memref<256xf32, #tpu.memory_space<vmem>>[vector<16xi32>], vector<16xf32>,
      %gather3A_331 = tpu.memref_slice %arg6[%multiple_of3A] : memref<4096xf32, #tpu.memory_space<vmem>> -> memref<256xf32, #tpu.memory_space<vmem>>
      %gather3A_332 = tpu.vector_load_idx %gather3A_331[%add3A_41] : memref<256xf32, #tpu.memory_space<vmem>>[vector<16xi32>], vector<16xf32>,
      %gather3A_333 = tpu.memref_slice %arg6[%multiple_of3A] : memref<4096xf32, #tpu.memory_space<vmem>> -> memref<256xf32, #tpu.memory_space<vmem>>
      %gather3A_334 = tpu.vector_load_idx %gather3A_333[%add3A_44] : memref<256xf32, #tpu.memory_space<vmem>>[vector<16xi32>], vector<16xf32>,
      %gather3A_335 = tpu.memref_slice %arg6[%multiple_of3A] : memref<4096xf32, #tpu.memory_space<vmem>> -> memref<256xf32, #tpu.memory_space<vmem>>
      %gather3A_336 = tpu.vector_load_idx %gather3A_335[%add3A_47] : memref<256xf32, #tpu.memory_space<vmem>>[vector<16xi32>], vector<16xf32>,
      %gather3A_337 = tpu.memref_slice %arg6[%multiple_of3A] : memref<4096xf32, #tpu.memory_space<vmem>> -> memref<256xf32, #tpu.memory_space<vmem>>
      %gather3A_338 = tpu.vector_load_idx %gather3A_337[%add3A_50] : memref<256xf32, #tpu.memory_space<vmem>>[vector<16xi32>], vector<16xf32>,
      %gather3A_339 = tpu.memref_slice %arg6[%multiple_of3A] : memref<4096xf32, #tpu.memory_space<vmem>> -> memref<256xf32, #tpu.memory_space<vmem>>
      %gather3A_340 = tpu.vector_load_idx %gather3A_339[%add3A_53] : memref<256xf32, #tpu.memory_space<vmem>>[vector<16xi32>], vector<16xf32>,
      %mul3A_341 = arith.constant 16 : i32
      %mul3A_342 = arith.muli %scan3A_307, %mul3A_341 : i32
      %add3A_343 = arith.constant 1024 : i32
      %add3A_344 = arith.addi %add3A_343, %mul3A_342 : i32
      %swap3A = arith.index_cast %add3A_344 : i32 to index
      %swap3A_345 = tpu.vector_load %arg5[%swap3A] {strides = array<i32>} : memref<65536xf32, #tpu.memory_space<vmem>>, vector<16xf32>,
      tpu.vector_store %arg5[%swap3A], %gather3A_310 {strides = array<i32>} : memref<65536xf32, #tpu.memory_space<vmem>>, vector<16xf32>,
      %mul3A_346 = arith.constant 16 : i32
      %mul3A_347 = arith.muli %scan3A_307, %mul3A_346 : i32
      %add3A_348 = arith.constant 5120 : i32
      %add3A_349 = arith.addi %add3A_348, %mul3A_347 : i32
      %swap3A_350 = arith.index_cast %add3A_349 : i32 to index
      %swap3A_351 = tpu.vector_load %arg5[%swap3A_350] {strides = array<i32>} : memref<65536xf32, #tpu.memory_space<vmem>>, vector<16xf32>,
      tpu.vector_store %arg5[%swap3A_350], %gather3A_312 {strides = array<i32>} : memref<65536xf32, #tpu.memory_space<vmem>>, vector<16xf32>,
      %mul3A_352 = arith.constant 16 : i32
      %mul3A_353 = arith.muli %scan3A_307, %mul3A_352 : i32
      %add3A_354 = arith.constant 9216 : i32
      %add3A_355 = arith.addi %add3A_354, %mul3A_353 : i32
      %swap3A_356 = arith.index_cast %add3A_355 : i32 to index
      %swap3A_357 = tpu.vector_load %arg5[%swap3A_356] {strides = array<i32>} : memref<65536xf32, #tpu.memory_space<vmem>>, vector<16xf32>,
      tpu.vector_store %arg5[%swap3A_356], %gather3A_314 {strides = array<i32>} : memref<65536xf32, #tpu.memory_space<vmem>>, vector<16xf32>,
      %mul3A_358 = arith.constant 16 : i32
      %mul3A_359 = arith.muli %scan3A_307, %mul3A_358 : i32
      %add3A_360 = arith.constant 13312 : i32
      %add3A_361 = arith.addi %add3A_360, %mul3A_359 : i32
      %swap3A_362 = arith.index_cast %add3A_361 : i32 to index
      %swap3A_363 = tpu.vector_load %arg5[%swap3A_362] {strides = array<i32>} : memref<65536xf32, #tpu.memory_space<vmem>>, vector<16xf32>,
      tpu.vector_store %arg5[%swap3A_362], %gather3A_316 {strides = array<i32>} : memref<65536xf32, #tpu.memory_space<vmem>>, vector<16xf32>,
      %mul3A_364 = arith.constant 16 : i32
      %mul3A_365 = arith.muli %scan3A_307, %mul3A_364 : i32
      %add3A_366 = arith.constant 17408 : i32
      %add3A_367 = arith.addi %add3A_366, %mul3A_365 : i32
      %swap3A_368 = arith.index_cast %add3A_367 : i32 to index
      %swap3A_369 = tpu.vector_load %arg5[%swap3A_368] {strides = array<i32>} : memref<65536xf32, #tpu.memory_space<vmem>>, vector<16xf32>,
      tpu.vector_store %arg5[%swap3A_368], %gather3A_318 {strides = array<i32>} : memref<65536xf32, #tpu.memory_space<vmem>>, vector<16xf32>,
      %mul3A_370 = arith.constant 16 : i32
      %mul3A_371 = arith.muli %scan3A_307, %mul3A_370 : i32
      %add3A_372 = arith.constant 21504 : i32
      %add3A_373 = arith.addi %add3A_372, %mul3A_371 : i32
      %swap3A_374 = arith.index_cast %add3A_373 : i32 to index
      %swap3A_375 = tpu.vector_load %arg5[%swap3A_374] {strides = array<i32>} : memref<65536xf32, #tpu.memory_space<vmem>>, vector<16xf32>,
      tpu.vector_store %arg5[%swap3A_374], %gather3A_320 {strides = array<i32>} : memref<65536xf32, #tpu.memory_space<vmem>>, vector<16xf32>,
      %mul3A_376 = arith.constant 16 : i32
      %mul3A_377 = arith.muli %scan3A_307, %mul3A_376 : i32
      %add3A_378 = arith.constant 25600 : i32
      %add3A_379 = arith.addi %add3A_378, %mul3A_377 : i32
      %swap3A_380 = arith.index_cast %add3A_379 : i32 to index
      %swap3A_381 = tpu.vector_load %arg5[%swap3A_380] {strides = array<i32>} : memref<65536xf32, #tpu.memory_space<vmem>>, vector<16xf32>,
      tpu.vector_store %arg5[%swap3A_380], %gather3A_322 {strides = array<i32>} : memref<65536xf32, #tpu.memory_space<vmem>>, vector<16xf32>,
      %mul3A_382 = arith.constant 16 : i32
      %mul3A_383 = arith.muli %scan3A_307, %mul3A_382 : i32
      %add3A_384 = arith.constant 29696 : i32
      %add3A_385 = arith.addi %add3A_384, %mul3A_383 : i32
      %swap3A_386 = arith.index_cast %add3A_385 : i32 to index
      %swap3A_387 = tpu.vector_load %arg5[%swap3A_386] {strides = array<i32>} : memref<65536xf32, #tpu.memory_space<vmem>>, vector<16xf32>,
      tpu.vector_store %arg5[%swap3A_386], %gather3A_324 {strides = array<i32>} : memref<65536xf32, #tpu.memory_space<vmem>>, vector<16xf32>,
      %mul3A_388 = arith.constant 16 : i32
      %mul3A_389 = arith.muli %scan3A_307, %mul3A_388 : i32
      %add3A_390 = arith.constant 33792 : i32
      %add3A_391 = arith.addi %add3A_390, %mul3A_389 : i32
      %swap3A_392 = arith.index_cast %add3A_391 : i32 to index
      %swap3A_393 = tpu.vector_load %arg5[%swap3A_392] {strides = array<i32>} : memref<65536xf32, #tpu.memory_space<vmem>>, vector<16xf32>,
      tpu.vector_store %arg5[%swap3A_392], %gather3A_326 {strides = array<i32>} : memref<65536xf32, #tpu.memory_space<vmem>>, vector<16xf32>,
      %mul3A_394 = arith.constant 16 : i32
      %mul3A_395 = arith.muli %scan3A_307, %mul3A_394 : i32
      %add3A_396 = arith.constant 37888 : i32
      %add3A_397 = arith.addi %add3A_396, %mul3A_395 : i32
      %swap3A_398 = arith.index_cast %add3A_397 : i32 to index
      %swap3A_399 = tpu.vector_load %arg5[%swap3A_398] {strides = array<i32>} : memref<65536xf32, #tpu.memory_space<vmem>>, vector<16xf32>,
      tpu.vector_store %arg5[%swap3A_398], %gather3A_328 {strides = array<i32>} : memref<65536xf32, #tpu.memory_space<vmem>>, vector<16xf32>,
      %mul3A_400 = arith.constant 16 : i32
      %mul3A_401 = arith.muli %scan3A_307, %mul3A_400 : i32
      %add3A_402 = arith.constant 41984 : i32
      %add3A_403 = arith.addi %add3A_402, %mul3A_401 : i32
      %swap3A_404 = arith.index_cast %add3A_403 : i32 to index
      %swap3A_405 = tpu.vector_load %arg5[%swap3A_404] {strides = array<i32>} : memref<65536xf32, #tpu.memory_space<vmem>>, vector<16xf32>,
      tpu.vector_store %arg5[%swap3A_404], %gather3A_330 {strides = array<i32>} : memref<65536xf32, #tpu.memory_space<vmem>>, vector<16xf32>,
      %mul3A_406 = arith.constant 16 : i32
      %mul3A_407 = arith.muli %scan3A_307, %mul3A_406 : i32
      %add3A_408 = arith.constant 46080 : i32
      %add3A_409 = arith.addi %add3A_408, %mul3A_407 : i32
      %swap3A_410 = arith.index_cast %add3A_409 : i32 to index
      %swap3A_411 = tpu.vector_load %arg5[%swap3A_410] {strides = array<i32>} : memref<65536xf32, #tpu.memory_space<vmem>>, vector<16xf32>,
      tpu.vector_store %arg5[%swap3A_410], %gather3A_332 {strides = array<i32>} : memref<65536xf32, #tpu.memory_space<vmem>>, vector<16xf32>,
      %mul3A_412 = arith.constant 16 : i32
      %mul3A_413 = arith.muli %scan3A_307, %mul3A_412 : i32
      %add3A_414 = arith.constant 50176 : i32
      %add3A_415 = arith.addi %add3A_414, %mul3A_413 : i32
      %swap3A_416 = arith.index_cast %add3A_415 : i32 to index
      %swap3A_417 = tpu.vector_load %arg5[%swap3A_416] {strides = array<i32>} : memref<65536xf32, #tpu.memory_space<vmem>>, vector<16xf32>,
      tpu.vector_store %arg5[%swap3A_416], %gather3A_334 {strides = array<i32>} : memref<65536xf32, #tpu.memory_space<vmem>>, vector<16xf32>,
      %mul3A_418 = arith.constant 16 : i32
      %mul3A_419 = arith.muli %scan3A_307, %mul3A_418 : i32
      %add3A_420 = arith.constant 54272 : i32
      %add3A_421 = arith.addi %add3A_420, %mul3A_419 : i32
      %swap3A_422 = arith.index_cast %add3A_421 : i32 to index
      %swap3A_423 = tpu.vector_load %arg5[%swap3A_422] {strides = array<i32>} : memref<65536xf32, #tpu.memory_space<vmem>>, vector<16xf32>,
      tpu.vector_store %arg5[%swap3A_422], %gather3A_336 {strides = array<i32>} : memref<65536xf32, #tpu.memory_space<vmem>>, vector<16xf32>,
      %mul3A_424 = arith.constant 16 : i32
      %mul3A_425 = arith.muli %scan3A_307, %mul3A_424 : i32
      %add3A_426 = arith.constant 58368 : i32
      %add3A_427 = arith.addi %add3A_426, %mul3A_425 : i32
      %swap3A_428 = arith.index_cast %add3A_427 : i32 to index
      %swap3A_429 = tpu.vector_load %arg5[%swap3A_428] {strides = array<i32>} : memref<65536xf32, #tpu.memory_space<vmem>>, vector<16xf32>,
      tpu.vector_store %arg5[%swap3A_428], %gather3A_338 {strides = array<i32>} : memref<65536xf32, #tpu.memory_space<vmem>>, vector<16xf32>,
      %mul3A_430 = arith.constant 16 : i32
      %mul3A_431 = arith.muli %scan3A_307, %mul3A_430 : i32
      %add3A_432 = arith.constant 62464 : i32
      %add3A_433 = arith.addi %add3A_432, %mul3A_431 : i32
      %swap3A_434 = arith.index_cast %add3A_433 : i32 to index
      %swap3A_435 = tpu.vector_load %arg5[%swap3A_434] {strides = array<i32>} : memref<65536xf32, #tpu.memory_space<vmem>>, vector<16xf32>,
      tpu.vector_store %arg5[%swap3A_434], %gather3A_340 {strides = array<i32>} : memref<65536xf32, #tpu.memory_space<vmem>>, vector<16xf32>,
    }
    %scan3A_124 = arith.constant 16 : i32
    %dma_wait3A_125 = arith.constant 0 : i32
    %dma_wait3A_126 = tpu.memref_slice %arg2[%dma_wait3A_125] : memref<65536xf32, #tpu.memory_space<hbm>> -> memref<4096xf32, #tpu.memory_space<hbm>>
    %dma_wait3A_127 = arith.constant 0 : i32
    %dma_wait3A_128 = tpu.memref_slice %arg2[%dma_wait3A_127] : memref<65536xf32, #tpu.memory_space<hbm>> -> memref<4096xf32, #tpu.memory_space<hbm>>
    tpu.wait_dma2 semaphore(%arg12 : memref<!tpu.dma_semaphore, #tpu.memory_space<semaphore_mem>>) src(%dma_wait3A_128 : memref<4096xf32, #tpu.memory_space<hbm>>) dst(%arg7 : memref<4096xf32, #tpu.memory_space<vmem>>)
    %dma_start3A_129 = arith.constant 24576 : i32
    %dma_start3A_130 = tpu.memref_slice %arg2[%dma_start3A_129] : memref<65536xf32, #tpu.memory_space<hbm>> -> memref<4096xf32, #tpu.memory_space<hbm>>
    %dma_start3A_131 = arith.constant 24576 : i32
    %dma_start3A_132 = tpu.memref_slice %arg2[%dma_start3A_131] : memref<65536xf32, #tpu.memory_space<hbm>> -> memref<4096xf32, #tpu.memory_space<hbm>>
    tpu.enqueue_dma source(%dma_start3A_132 : memref<4096xf32, #tpu.memory_space<hbm>>) target(%arg6 : memref<4096xf32, #tpu.memory_space<vmem>>) target_semaphore(%arg12 : memref<!tpu.dma_semaphore, #tpu.memory_space<semaphore_mem>>)
    %scan3A_133 = arith.constant 0 : i32
    %scan3A_134 = arith.constant 0 : i32
    %scan3A_135 = arith.constant 16 : i32
    %scan3A_136 = arith.addi %scan3A_134, %scan3A_135 : i32
    %scan3A_137 = arith.constant 1 : i32
    scf.for %scan3A_307 = %scan3A_134 to %scan3A_136 step %scan3A_137  : i32 {
      %mul3A_308 = arith.constant 256 : i32
      %mul3A_309 = arith.muli %scan3A_307, %mul3A_308 : i32
      %multiple_of3A = tpu.assume_multiple %mul3A_309, 256 : i32
      %gather3A = tpu.memref_slice %arg7[%multiple_of3A] : memref<4096xf32, #tpu.memory_space<vmem>> -> memref<256xf32, #tpu.memory_space<vmem>>
      %gather3A_310 = tpu.vector_load_idx %gather3A[%add3A_8] : memref<256xf32, #tpu.memory_space<vmem>>[vector<16xi32>], vector<16xf32>,
      %gather3A_311 = tpu.memref_slice %arg7[%multiple_of3A] : memref<4096xf32, #tpu.memory_space<vmem>> -> memref<256xf32, #tpu.memory_space<vmem>>
      %gather3A_312 = tpu.vector_load_idx %gather3A_311[%add3A_11] : memref<256xf32, #tpu.memory_space<vmem>>[vector<16xi32>], vector<16xf32>,
      %gather3A_313 = tpu.memref_slice %arg7[%multiple_of3A] : memref<4096xf32, #tpu.memory_space<vmem>> -> memref<256xf32, #tpu.memory_space<vmem>>
      %gather3A_314 = tpu.vector_load_idx %gather3A_313[%add3A_14] : memref<256xf32, #tpu.memory_space<vmem>>[vector<16xi32>], vector<16xf32>,
      %gather3A_315 = tpu.memref_slice %arg7[%multiple_of3A] : memref<4096xf32, #tpu.memory_space<vmem>> -> memref<256xf32, #tpu.memory_space<vmem>>
      %gather3A_316 = tpu.vector_load_idx %gather3A_315[%add3A_17] : memref<256xf32, #tpu.memory_space<vmem>>[vector<16xi32>], vector<16xf32>,
      %gather3A_317 = tpu.memref_slice %arg7[%multiple_of3A] : memref<4096xf32, #tpu.memory_space<vmem>> -> memref<256xf32, #tpu.memory_space<vmem>>
      %gather3A_318 = tpu.vector_load_idx %gather3A_317[%add3A_20] : memref<256xf32, #tpu.memory_space<vmem>>[vector<16xi32>], vector<16xf32>,
      %gather3A_319 = tpu.memref_slice %arg7[%multiple_of3A] : memref<4096xf32, #tpu.memory_space<vmem>> -> memref<256xf32, #tpu.memory_space<vmem>>
      %gather3A_320 = tpu.vector_load_idx %gather3A_319[%add3A_23] : memref<256xf32, #tpu.memory_space<vmem>>[vector<16xi32>], vector<16xf32>,
      %gather3A_321 = tpu.memref_slice %arg7[%multiple_of3A] : memref<4096xf32, #tpu.memory_space<vmem>> -> memref<256xf32, #tpu.memory_space<vmem>>
      %gather3A_322 = tpu.vector_load_idx %gather3A_321[%add3A_26] : memref<256xf32, #tpu.memory_space<vmem>>[vector<16xi32>], vector<16xf32>,
      %gather3A_323 = tpu.memref_slice %arg7[%multiple_of3A] : memref<4096xf32, #tpu.memory_space<vmem>> -> memref<256xf32, #tpu.memory_space<vmem>>
      %gather3A_324 = tpu.vector_load_idx %gather3A_323[%add3A_29] : memref<256xf32, #tpu.memory_space<vmem>>[vector<16xi32>], vector<16xf32>,
      %gather3A_325 = tpu.memref_slice %arg7[%multiple_of3A] : memref<4096xf32, #tpu.memory_space<vmem>> -> memref<256xf32, #tpu.memory_space<vmem>>
      %gather3A_326 = tpu.vector_load_idx %gather3A_325[%add3A_32] : memref<256xf32, #tpu.memory_space<vmem>>[vector<16xi32>], vector<16xf32>,
      %gather3A_327 = tpu.memref_slice %arg7[%multiple_of3A] : memref<4096xf32, #tpu.memory_space<vmem>> -> memref<256xf32, #tpu.memory_space<vmem>>
      %gather3A_328 = tpu.vector_load_idx %gather3A_327[%add3A_35] : memref<256xf32, #tpu.memory_space<vmem>>[vector<16xi32>], vector<16xf32>,
      %gather3A_329 = tpu.memref_slice %arg7[%multiple_of3A] : memref<4096xf32, #tpu.memory_space<vmem>> -> memref<256xf32, #tpu.memory_space<vmem>>
      %gather3A_330 = tpu.vector_load_idx %gather3A_329[%add3A_38] : memref<256xf32, #tpu.memory_space<vmem>>[vector<16xi32>], vector<16xf32>,
      %gather3A_331 = tpu.memref_slice %arg7[%multiple_of3A] : memref<4096xf32, #tpu.memory_space<vmem>> -> memref<256xf32, #tpu.memory_space<vmem>>
      %gather3A_332 = tpu.vector_load_idx %gather3A_331[%add3A_41] : memref<256xf32, #tpu.memory_space<vmem>>[vector<16xi32>], vector<16xf32>,
      %gather3A_333 = tpu.memref_slice %arg7[%multiple_of3A] : memref<4096xf32, #tpu.memory_space<vmem>> -> memref<256xf32, #tpu.memory_space<vmem>>
      %gather3A_334 = tpu.vector_load_idx %gather3A_333[%add3A_44] : memref<256xf32, #tpu.memory_space<vmem>>[vector<16xi32>], vector<16xf32>,
      %gather3A_335 = tpu.memref_slice %arg7[%multiple_of3A] : memref<4096xf32, #tpu.memory_space<vmem>> -> memref<256xf32, #tpu.memory_space<vmem>>
      %gather3A_336 = tpu.vector_load_idx %gather3A_335[%add3A_47] : memref<256xf32, #tpu.memory_space<vmem>>[vector<16xi32>], vector<16xf32>,
      %gather3A_337 = tpu.memref_slice %arg7[%multiple_of3A] : memref<4096xf32, #tpu.memory_space<vmem>> -> memref<256xf32, #tpu.memory_space<vmem>>
      %gather3A_338 = tpu.vector_load_idx %gather3A_337[%add3A_50] : memref<256xf32, #tpu.memory_space<vmem>>[vector<16xi32>], vector<16xf32>,
      %gather3A_339 = tpu.memref_slice %arg7[%multiple_of3A] : memref<4096xf32, #tpu.memory_space<vmem>> -> memref<256xf32, #tpu.memory_space<vmem>>
      %gather3A_340 = tpu.vector_load_idx %gather3A_339[%add3A_53] : memref<256xf32, #tpu.memory_space<vmem>>[vector<16xi32>], vector<16xf32>,
      %mul3A_341 = arith.constant 16 : i32
      %mul3A_342 = arith.muli %scan3A_307, %mul3A_341 : i32
      %add3A_343 = arith.constant 1280 : i32
      %add3A_344 = arith.addi %add3A_343, %mul3A_342 : i32
      %swap3A = arith.index_cast %add3A_344 : i32 to index
      %swap3A_345 = tpu.vector_load %arg5[%swap3A] {strides = array<i32>} : memref<65536xf32, #tpu.memory_space<vmem>>, vector<16xf32>,
      tpu.vector_store %arg5[%swap3A], %gather3A_310 {strides = array<i32>} : memref<65536xf32, #tpu.memory_space<vmem>>, vector<16xf32>,
      %mul3A_346 = arith.constant 16 : i32
      %mul3A_347 = arith.muli %scan3A_307, %mul3A_346 : i32
      %add3A_348 = arith.constant 5376 : i32
      %add3A_349 = arith.addi %add3A_348, %mul3A_347 : i32
      %swap3A_350 = arith.index_cast %add3A_349 : i32 to index
      %swap3A_351 = tpu.vector_load %arg5[%swap3A_350] {strides = array<i32>} : memref<65536xf32, #tpu.memory_space<vmem>>, vector<16xf32>,
      tpu.vector_store %arg5[%swap3A_350], %gather3A_312 {strides = array<i32>} : memref<65536xf32, #tpu.memory_space<vmem>>, vector<16xf32>,
      %mul3A_352 = arith.constant 16 : i32
      %mul3A_353 = arith.muli %scan3A_307, %mul3A_352 : i32
      %add3A_354 = arith.constant 9472 : i32
      %add3A_355 = arith.addi %add3A_354, %mul3A_353 : i32
      %swap3A_356 = arith.index_cast %add3A_355 : i32 to index
      %swap3A_357 = tpu.vector_load %arg5[%swap3A_356] {strides = array<i32>} : memref<65536xf32, #tpu.memory_space<vmem>>, vector<16xf32>,
      tpu.vector_store %arg5[%swap3A_356], %gather3A_314 {strides = array<i32>} : memref<65536xf32, #tpu.memory_space<vmem>>, vector<16xf32>,
      %mul3A_358 = arith.constant 16 : i32
      %mul3A_359 = arith.muli %scan3A_307, %mul3A_358 : i32
      %add3A_360 = arith.constant 13568 : i32
      %add3A_361 = arith.addi %add3A_360, %mul3A_359 : i32
      %swap3A_362 = arith.index_cast %add3A_361 : i32 to index
      %swap3A_363 = tpu.vector_load %arg5[%swap3A_362] {strides = array<i32>} : memref<65536xf32, #tpu.memory_space<vmem>>, vector<16xf32>,
      tpu.vector_store %arg5[%swap3A_362], %gather3A_316 {strides = array<i32>} : memref<65536xf32, #tpu.memory_space<vmem>>, vector<16xf32>,
      %mul3A_364 = arith.constant 16 : i32
      %mul3A_365 = arith.muli %scan3A_307, %mul3A_364 : i32
      %add3A_366 = arith.constant 17664 : i32
      %add3A_367 = arith.addi %add3A_366, %mul3A_365 : i32
      %swap3A_368 = arith.index_cast %add3A_367 : i32 to index
      %swap3A_369 = tpu.vector_load %arg5[%swap3A_368] {strides = array<i32>} : memref<65536xf32, #tpu.memory_space<vmem>>, vector<16xf32>,
      tpu.vector_store %arg5[%swap3A_368], %gather3A_318 {strides = array<i32>} : memref<65536xf32, #tpu.memory_space<vmem>>, vector<16xf32>,
      %mul3A_370 = arith.constant 16 : i32
      %mul3A_371 = arith.muli %scan3A_307, %mul3A_370 : i32
      %add3A_372 = arith.constant 21760 : i32
      %add3A_373 = arith.addi %add3A_372, %mul3A_371 : i32
      %swap3A_374 = arith.index_cast %add3A_373 : i32 to index
      %swap3A_375 = tpu.vector_load %arg5[%swap3A_374] {strides = array<i32>} : memref<65536xf32, #tpu.memory_space<vmem>>, vector<16xf32>,
      tpu.vector_store %arg5[%swap3A_374], %gather3A_320 {strides = array<i32>} : memref<65536xf32, #tpu.memory_space<vmem>>, vector<16xf32>,
      %mul3A_376 = arith.constant 16 : i32
      %mul3A_377 = arith.muli %scan3A_307, %mul3A_376 : i32
      %add3A_378 = arith.constant 25856 : i32
      %add3A_379 = arith.addi %add3A_378, %mul3A_377 : i32
      %swap3A_380 = arith.index_cast %add3A_379 : i32 to index
      %swap3A_381 = tpu.vector_load %arg5[%swap3A_380] {strides = array<i32>} : memref<65536xf32, #tpu.memory_space<vmem>>, vector<16xf32>,
      tpu.vector_store %arg5[%swap3A_380], %gather3A_322 {strides = array<i32>} : memref<65536xf32, #tpu.memory_space<vmem>>, vector<16xf32>,
      %mul3A_382 = arith.constant 16 : i32
      %mul3A_383 = arith.muli %scan3A_307, %mul3A_382 : i32
      %add3A_384 = arith.constant 29952 : i32
      %add3A_385 = arith.addi %add3A_384, %mul3A_383 : i32
      %swap3A_386 = arith.index_cast %add3A_385 : i32 to index
      %swap3A_387 = tpu.vector_load %arg5[%swap3A_386] {strides = array<i32>} : memref<65536xf32, #tpu.memory_space<vmem>>, vector<16xf32>,
      tpu.vector_store %arg5[%swap3A_386], %gather3A_324 {strides = array<i32>} : memref<65536xf32, #tpu.memory_space<vmem>>, vector<16xf32>,
      %mul3A_388 = arith.constant 16 : i32
      %mul3A_389 = arith.muli %scan3A_307, %mul3A_388 : i32
      %add3A_390 = arith.constant 34048 : i32
      %add3A_391 = arith.addi %add3A_390, %mul3A_389 : i32
      %swap3A_392 = arith.index_cast %add3A_391 : i32 to index
      %swap3A_393 = tpu.vector_load %arg5[%swap3A_392] {strides = array<i32>} : memref<65536xf32, #tpu.memory_space<vmem>>, vector<16xf32>,
      tpu.vector_store %arg5[%swap3A_392], %gather3A_326 {strides = array<i32>} : memref<65536xf32, #tpu.memory_space<vmem>>, vector<16xf32>,
      %mul3A_394 = arith.constant 16 : i32
      %mul3A_395 = arith.muli %scan3A_307, %mul3A_394 : i32
      %add3A_396 = arith.constant 38144 : i32
      %add3A_397 = arith.addi %add3A_396, %mul3A_395 : i32
      %swap3A_398 = arith.index_cast %add3A_397 : i32 to index
      %swap3A_399 = tpu.vector_load %arg5[%swap3A_398] {strides = array<i32>} : memref<65536xf32, #tpu.memory_space<vmem>>, vector<16xf32>,
      tpu.vector_store %arg5[%swap3A_398], %gather3A_328 {strides = array<i32>} : memref<65536xf32, #tpu.memory_space<vmem>>, vector<16xf32>,
      %mul3A_400 = arith.constant 16 : i32
      %mul3A_401 = arith.muli %scan3A_307, %mul3A_400 : i32
      %add3A_402 = arith.constant 42240 : i32
      %add3A_403 = arith.addi %add3A_402, %mul3A_401 : i32
      %swap3A_404 = arith.index_cast %add3A_403 : i32 to index
      %swap3A_405 = tpu.vector_load %arg5[%swap3A_404] {strides = array<i32>} : memref<65536xf32, #tpu.memory_space<vmem>>, vector<16xf32>,
      tpu.vector_store %arg5[%swap3A_404], %gather3A_330 {strides = array<i32>} : memref<65536xf32, #tpu.memory_space<vmem>>, vector<16xf32>,
      %mul3A_406 = arith.constant 16 : i32
      %mul3A_407 = arith.muli %scan3A_307, %mul3A_406 : i32
      %add3A_408 = arith.constant 46336 : i32
      %add3A_409 = arith.addi %add3A_408, %mul3A_407 : i32
      %swap3A_410 = arith.index_cast %add3A_409 : i32 to index
      %swap3A_411 = tpu.vector_load %arg5[%swap3A_410] {strides = array<i32>} : memref<65536xf32, #tpu.memory_space<vmem>>, vector<16xf32>,
      tpu.vector_store %arg5[%swap3A_410], %gather3A_332 {strides = array<i32>} : memref<65536xf32, #tpu.memory_space<vmem>>, vector<16xf32>,
      %mul3A_412 = arith.constant 16 : i32
      %mul3A_413 = arith.muli %scan3A_307, %mul3A_412 : i32
      %add3A_414 = arith.constant 50432 : i32
      %add3A_415 = arith.addi %add3A_414, %mul3A_413 : i32
      %swap3A_416 = arith.index_cast %add3A_415 : i32 to index
      %swap3A_417 = tpu.vector_load %arg5[%swap3A_416] {strides = array<i32>} : memref<65536xf32, #tpu.memory_space<vmem>>, vector<16xf32>,
      tpu.vector_store %arg5[%swap3A_416], %gather3A_334 {strides = array<i32>} : memref<65536xf32, #tpu.memory_space<vmem>>, vector<16xf32>,
      %mul3A_418 = arith.constant 16 : i32
      %mul3A_419 = arith.muli %scan3A_307, %mul3A_418 : i32
      %add3A_420 = arith.constant 54528 : i32
      %add3A_421 = arith.addi %add3A_420, %mul3A_419 : i32
      %swap3A_422 = arith.index_cast %add3A_421 : i32 to index
      %swap3A_423 = tpu.vector_load %arg5[%swap3A_422] {strides = array<i32>} : memref<65536xf32, #tpu.memory_space<vmem>>, vector<16xf32>,
      tpu.vector_store %arg5[%swap3A_422], %gather3A_336 {strides = array<i32>} : memref<65536xf32, #tpu.memory_space<vmem>>, vector<16xf32>,
      %mul3A_424 = arith.constant 16 : i32
      %mul3A_425 = arith.muli %scan3A_307, %mul3A_424 : i32
      %add3A_426 = arith.constant 58624 : i32
      %add3A_427 = arith.addi %add3A_426, %mul3A_425 : i32
      %swap3A_428 = arith.index_cast %add3A_427 : i32 to index
      %swap3A_429 = tpu.vector_load %arg5[%swap3A_428] {strides = array<i32>} : memref<65536xf32, #tpu.memory_space<vmem>>, vector<16xf32>,
      tpu.vector_store %arg5[%swap3A_428], %gather3A_338 {strides = array<i32>} : memref<65536xf32, #tpu.memory_space<vmem>>, vector<16xf32>,
      %mul3A_430 = arith.constant 16 : i32
      %mul3A_431 = arith.muli %scan3A_307, %mul3A_430 : i32
      %add3A_432 = arith.constant 62720 : i32
      %add3A_433 = arith.addi %add3A_432, %mul3A_431 : i32
      %swap3A_434 = arith.index_cast %add3A_433 : i32 to index
      %swap3A_435 = tpu.vector_load %arg5[%swap3A_434] {strides = array<i32>} : memref<65536xf32, #tpu.memory_space<vmem>>, vector<16xf32>,
      tpu.vector_store %arg5[%swap3A_434], %gather3A_340 {strides = array<i32>} : memref<65536xf32, #tpu.memory_space<vmem>>, vector<16xf32>,
    }
    %scan3A_138 = arith.constant 16 : i32
    %dma_wait3A_139 = arith.constant 0 : i32
    %dma_wait3A_140 = tpu.memref_slice %arg2[%dma_wait3A_139] : memref<65536xf32, #tpu.memory_space<hbm>> -> memref<4096xf32, #tpu.memory_space<hbm>>
    %dma_wait3A_141 = arith.constant 0 : i32
    %dma_wait3A_142 = tpu.memref_slice %arg2[%dma_wait3A_141] : memref<65536xf32, #tpu.memory_space<hbm>> -> memref<4096xf32, #tpu.memory_space<hbm>>
    tpu.wait_dma2 semaphore(%arg12 : memref<!tpu.dma_semaphore, #tpu.memory_space<semaphore_mem>>) src(%dma_wait3A_142 : memref<4096xf32, #tpu.memory_space<hbm>>) dst(%arg6 : memref<4096xf32, #tpu.memory_space<vmem>>)
    %dma_start3A_143 = arith.constant 28672 : i32
    %dma_start3A_144 = tpu.memref_slice %arg2[%dma_start3A_143] : memref<65536xf32, #tpu.memory_space<hbm>> -> memref<4096xf32, #tpu.memory_space<hbm>>
    %dma_start3A_145 = arith.constant 28672 : i32
    %dma_start3A_146 = tpu.memref_slice %arg2[%dma_start3A_145] : memref<65536xf32, #tpu.memory_space<hbm>> -> memref<4096xf32, #tpu.memory_space<hbm>>
    tpu.enqueue_dma source(%dma_start3A_146 : memref<4096xf32, #tpu.memory_space<hbm>>) target(%arg7 : memref<4096xf32, #tpu.memory_space<vmem>>) target_semaphore(%arg12 : memref<!tpu.dma_semaphore, #tpu.memory_space<semaphore_mem>>)
    %scan3A_147 = arith.constant 0 : i32
    %scan3A_148 = arith.constant 0 : i32
    %scan3A_149 = arith.constant 16 : i32
    %scan3A_150 = arith.addi %scan3A_148, %scan3A_149 : i32
    %scan3A_151 = arith.constant 1 : i32
    scf.for %scan3A_307 = %scan3A_148 to %scan3A_150 step %scan3A_151  : i32 {
      %mul3A_308 = arith.constant 256 : i32
      %mul3A_309 = arith.muli %scan3A_307, %mul3A_308 : i32
      %multiple_of3A = tpu.assume_multiple %mul3A_309, 256 : i32
      %gather3A = tpu.memref_slice %arg6[%multiple_of3A] : memref<4096xf32, #tpu.memory_space<vmem>> -> memref<256xf32, #tpu.memory_space<vmem>>
      %gather3A_310 = tpu.vector_load_idx %gather3A[%add3A_8] : memref<256xf32, #tpu.memory_space<vmem>>[vector<16xi32>], vector<16xf32>,
      %gather3A_311 = tpu.memref_slice %arg6[%multiple_of3A] : memref<4096xf32, #tpu.memory_space<vmem>> -> memref<256xf32, #tpu.memory_space<vmem>>
      %gather3A_312 = tpu.vector_load_idx %gather3A_311[%add3A_11] : memref<256xf32, #tpu.memory_space<vmem>>[vector<16xi32>], vector<16xf32>,
      %gather3A_313 = tpu.memref_slice %arg6[%multiple_of3A] : memref<4096xf32, #tpu.memory_space<vmem>> -> memref<256xf32, #tpu.memory_space<vmem>>
      %gather3A_314 = tpu.vector_load_idx %gather3A_313[%add3A_14] : memref<256xf32, #tpu.memory_space<vmem>>[vector<16xi32>], vector<16xf32>,
      %gather3A_315 = tpu.memref_slice %arg6[%multiple_of3A] : memref<4096xf32, #tpu.memory_space<vmem>> -> memref<256xf32, #tpu.memory_space<vmem>>
      %gather3A_316 = tpu.vector_load_idx %gather3A_315[%add3A_17] : memref<256xf32, #tpu.memory_space<vmem>>[vector<16xi32>], vector<16xf32>,
      %gather3A_317 = tpu.memref_slice %arg6[%multiple_of3A] : memref<4096xf32, #tpu.memory_space<vmem>> -> memref<256xf32, #tpu.memory_space<vmem>>
      %gather3A_318 = tpu.vector_load_idx %gather3A_317[%add3A_20] : memref<256xf32, #tpu.memory_space<vmem>>[vector<16xi32>], vector<16xf32>,
      %gather3A_319 = tpu.memref_slice %arg6[%multiple_of3A] : memref<4096xf32, #tpu.memory_space<vmem>> -> memref<256xf32, #tpu.memory_space<vmem>>
      %gather3A_320 = tpu.vector_load_idx %gather3A_319[%add3A_23] : memref<256xf32, #tpu.memory_space<vmem>>[vector<16xi32>], vector<16xf32>,
      %gather3A_321 = tpu.memref_slice %arg6[%multiple_of3A] : memref<4096xf32, #tpu.memory_space<vmem>> -> memref<256xf32, #tpu.memory_space<vmem>>
      %gather3A_322 = tpu.vector_load_idx %gather3A_321[%add3A_26] : memref<256xf32, #tpu.memory_space<vmem>>[vector<16xi32>], vector<16xf32>,
      %gather3A_323 = tpu.memref_slice %arg6[%multiple_of3A] : memref<4096xf32, #tpu.memory_space<vmem>> -> memref<256xf32, #tpu.memory_space<vmem>>
      %gather3A_324 = tpu.vector_load_idx %gather3A_323[%add3A_29] : memref<256xf32, #tpu.memory_space<vmem>>[vector<16xi32>], vector<16xf32>,
      %gather3A_325 = tpu.memref_slice %arg6[%multiple_of3A] : memref<4096xf32, #tpu.memory_space<vmem>> -> memref<256xf32, #tpu.memory_space<vmem>>
      %gather3A_326 = tpu.vector_load_idx %gather3A_325[%add3A_32] : memref<256xf32, #tpu.memory_space<vmem>>[vector<16xi32>], vector<16xf32>,
      %gather3A_327 = tpu.memref_slice %arg6[%multiple_of3A] : memref<4096xf32, #tpu.memory_space<vmem>> -> memref<256xf32, #tpu.memory_space<vmem>>
      %gather3A_328 = tpu.vector_load_idx %gather3A_327[%add3A_35] : memref<256xf32, #tpu.memory_space<vmem>>[vector<16xi32>], vector<16xf32>,
      %gather3A_329 = tpu.memref_slice %arg6[%multiple_of3A] : memref<4096xf32, #tpu.memory_space<vmem>> -> memref<256xf32, #tpu.memory_space<vmem>>
      %gather3A_330 = tpu.vector_load_idx %gather3A_329[%add3A_38] : memref<256xf32, #tpu.memory_space<vmem>>[vector<16xi32>], vector<16xf32>,
      %gather3A_331 = tpu.memref_slice %arg6[%multiple_of3A] : memref<4096xf32, #tpu.memory_space<vmem>> -> memref<256xf32, #tpu.memory_space<vmem>>
      %gather3A_332 = tpu.vector_load_idx %gather3A_331[%add3A_41] : memref<256xf32, #tpu.memory_space<vmem>>[vector<16xi32>], vector<16xf32>,
      %gather3A_333 = tpu.memref_slice %arg6[%multiple_of3A] : memref<4096xf32, #tpu.memory_space<vmem>> -> memref<256xf32, #tpu.memory_space<vmem>>
      %gather3A_334 = tpu.vector_load_idx %gather3A_333[%add3A_44] : memref<256xf32, #tpu.memory_space<vmem>>[vector<16xi32>], vector<16xf32>,
      %gather3A_335 = tpu.memref_slice %arg6[%multiple_of3A] : memref<4096xf32, #tpu.memory_space<vmem>> -> memref<256xf32, #tpu.memory_space<vmem>>
      %gather3A_336 = tpu.vector_load_idx %gather3A_335[%add3A_47] : memref<256xf32, #tpu.memory_space<vmem>>[vector<16xi32>], vector<16xf32>,
      %gather3A_337 = tpu.memref_slice %arg6[%multiple_of3A] : memref<4096xf32, #tpu.memory_space<vmem>> -> memref<256xf32, #tpu.memory_space<vmem>>
      %gather3A_338 = tpu.vector_load_idx %gather3A_337[%add3A_50] : memref<256xf32, #tpu.memory_space<vmem>>[vector<16xi32>], vector<16xf32>,
      %gather3A_339 = tpu.memref_slice %arg6[%multiple_of3A] : memref<4096xf32, #tpu.memory_space<vmem>> -> memref<256xf32, #tpu.memory_space<vmem>>
      %gather3A_340 = tpu.vector_load_idx %gather3A_339[%add3A_53] : memref<256xf32, #tpu.memory_space<vmem>>[vector<16xi32>], vector<16xf32>,
      %mul3A_341 = arith.constant 16 : i32
      %mul3A_342 = arith.muli %scan3A_307, %mul3A_341 : i32
      %add3A_343 = arith.constant 1536 : i32
      %add3A_344 = arith.addi %add3A_343, %mul3A_342 : i32
      %swap3A = arith.index_cast %add3A_344 : i32 to index
      %swap3A_345 = tpu.vector_load %arg5[%swap3A] {strides = array<i32>} : memref<65536xf32, #tpu.memory_space<vmem>>, vector<16xf32>,
      tpu.vector_store %arg5[%swap3A], %gather3A_310 {strides = array<i32>} : memref<65536xf32, #tpu.memory_space<vmem>>, vector<16xf32>,
      %mul3A_346 = arith.constant 16 : i32
      %mul3A_347 = arith.muli %scan3A_307, %mul3A_346 : i32
      %add3A_348 = arith.constant 5632 : i32
      %add3A_349 = arith.addi %add3A_348, %mul3A_347 : i32
      %swap3A_350 = arith.index_cast %add3A_349 : i32 to index
      %swap3A_351 = tpu.vector_load %arg5[%swap3A_350] {strides = array<i32>} : memref<65536xf32, #tpu.memory_space<vmem>>, vector<16xf32>,
      tpu.vector_store %arg5[%swap3A_350], %gather3A_312 {strides = array<i32>} : memref<65536xf32, #tpu.memory_space<vmem>>, vector<16xf32>,
      %mul3A_352 = arith.constant 16 : i32
      %mul3A_353 = arith.muli %scan3A_307, %mul3A_352 : i32
      %add3A_354 = arith.constant 9728 : i32
      %add3A_355 = arith.addi %add3A_354, %mul3A_353 : i32
      %swap3A_356 = arith.index_cast %add3A_355 : i32 to index
      %swap3A_357 = tpu.vector_load %arg5[%swap3A_356] {strides = array<i32>} : memref<65536xf32, #tpu.memory_space<vmem>>, vector<16xf32>,
      tpu.vector_store %arg5[%swap3A_356], %gather3A_314 {strides = array<i32>} : memref<65536xf32, #tpu.memory_space<vmem>>, vector<16xf32>,
      %mul3A_358 = arith.constant 16 : i32
      %mul3A_359 = arith.muli %scan3A_307, %mul3A_358 : i32
      %add3A_360 = arith.constant 13824 : i32
      %add3A_361 = arith.addi %add3A_360, %mul3A_359 : i32
      %swap3A_362 = arith.index_cast %add3A_361 : i32 to index
      %swap3A_363 = tpu.vector_load %arg5[%swap3A_362] {strides = array<i32>} : memref<65536xf32, #tpu.memory_space<vmem>>, vector<16xf32>,
      tpu.vector_store %arg5[%swap3A_362], %gather3A_316 {strides = array<i32>} : memref<65536xf32, #tpu.memory_space<vmem>>, vector<16xf32>,
      %mul3A_364 = arith.constant 16 : i32
      %mul3A_365 = arith.muli %scan3A_307, %mul3A_364 : i32
      %add3A_366 = arith.constant 17920 : i32
      %add3A_367 = arith.addi %add3A_366, %mul3A_365 : i32
      %swap3A_368 = arith.index_cast %add3A_367 : i32 to index
      %swap3A_369 = tpu.vector_load %arg5[%swap3A_368] {strides = array<i32>} : memref<65536xf32, #tpu.memory_space<vmem>>, vector<16xf32>,
      tpu.vector_store %arg5[%swap3A_368], %gather3A_318 {strides = array<i32>} : memref<65536xf32, #tpu.memory_space<vmem>>, vector<16xf32>,
      %mul3A_370 = arith.constant 16 : i32
      %mul3A_371 = arith.muli %scan3A_307, %mul3A_370 : i32
      %add3A_372 = arith.constant 22016 : i32
      %add3A_373 = arith.addi %add3A_372, %mul3A_371 : i32
      %swap3A_374 = arith.index_cast %add3A_373 : i32 to index
      %swap3A_375 = tpu.vector_load %arg5[%swap3A_374] {strides = array<i32>} : memref<65536xf32, #tpu.memory_space<vmem>>, vector<16xf32>,
      tpu.vector_store %arg5[%swap3A_374], %gather3A_320 {strides = array<i32>} : memref<65536xf32, #tpu.memory_space<vmem>>, vector<16xf32>,
      %mul3A_376 = arith.constant 16 : i32
      %mul3A_377 = arith.muli %scan3A_307, %mul3A_376 : i32
      %add3A_378 = arith.constant 26112 : i32
      %add3A_379 = arith.addi %add3A_378, %mul3A_377 : i32
      %swap3A_380 = arith.index_cast %add3A_379 : i32 to index
      %swap3A_381 = tpu.vector_load %arg5[%swap3A_380] {strides = array<i32>} : memref<65536xf32, #tpu.memory_space<vmem>>, vector<16xf32>,
      tpu.vector_store %arg5[%swap3A_380], %gather3A_322 {strides = array<i32>} : memref<65536xf32, #tpu.memory_space<vmem>>, vector<16xf32>,
      %mul3A_382 = arith.constant 16 : i32
      %mul3A_383 = arith.muli %scan3A_307, %mul3A_382 : i32
      %add3A_384 = arith.constant 30208 : i32
      %add3A_385 = arith.addi %add3A_384, %mul3A_383 : i32
      %swap3A_386 = arith.index_cast %add3A_385 : i32 to index
      %swap3A_387 = tpu.vector_load %arg5[%swap3A_386] {strides = array<i32>} : memref<65536xf32, #tpu.memory_space<vmem>>, vector<16xf32>,
      tpu.vector_store %arg5[%swap3A_386], %gather3A_324 {strides = array<i32>} : memref<65536xf32, #tpu.memory_space<vmem>>, vector<16xf32>,
      %mul3A_388 = arith.constant 16 : i32
      %mul3A_389 = arith.muli %scan3A_307, %mul3A_388 : i32
      %add3A_390 = arith.constant 34304 : i32
      %add3A_391 = arith.addi %add3A_390, %mul3A_389 : i32
      %swap3A_392 = arith.index_cast %add3A_391 : i32 to index
      %swap3A_393 = tpu.vector_load %arg5[%swap3A_392] {strides = array<i32>} : memref<65536xf32, #tpu.memory_space<vmem>>, vector<16xf32>,
      tpu.vector_store %arg5[%swap3A_392], %gather3A_326 {strides = array<i32>} : memref<65536xf32, #tpu.memory_space<vmem>>, vector<16xf32>,
      %mul3A_394 = arith.constant 16 : i32
      %mul3A_395 = arith.muli %scan3A_307, %mul3A_394 : i32
      %add3A_396 = arith.constant 38400 : i32
      %add3A_397 = arith.addi %add3A_396, %mul3A_395 : i32
      %swap3A_398 = arith.index_cast %add3A_397 : i32 to index
      %swap3A_399 = tpu.vector_load %arg5[%swap3A_398] {strides = array<i32>} : memref<65536xf32, #tpu.memory_space<vmem>>, vector<16xf32>,
      tpu.vector_store %arg5[%swap3A_398], %gather3A_328 {strides = array<i32>} : memref<65536xf32, #tpu.memory_space<vmem>>, vector<16xf32>,
      %mul3A_400 = arith.constant 16 : i32
      %mul3A_401 = arith.muli %scan3A_307, %mul3A_400 : i32
      %add3A_402 = arith.constant 42496 : i32
      %add3A_403 = arith.addi %add3A_402, %mul3A_401 : i32
      %swap3A_404 = arith.index_cast %add3A_403 : i32 to index
      %swap3A_405 = tpu.vector_load %arg5[%swap3A_404] {strides = array<i32>} : memref<65536xf32, #tpu.memory_space<vmem>>, vector<16xf32>,
      tpu.vector_store %arg5[%swap3A_404], %gather3A_330 {strides = array<i32>} : memref<65536xf32, #tpu.memory_space<vmem>>, vector<16xf32>,
      %mul3A_406 = arith.constant 16 : i32
      %mul3A_407 = arith.muli %scan3A_307, %mul3A_406 : i32
      %add3A_408 = arith.constant 46592 : i32
      %add3A_409 = arith.addi %add3A_408, %mul3A_407 : i32
      %swap3A_410 = arith.index_cast %add3A_409 : i32 to index
      %swap3A_411 = tpu.vector_load %arg5[%swap3A_410] {strides = array<i32>} : memref<65536xf32, #tpu.memory_space<vmem>>, vector<16xf32>,
      tpu.vector_store %arg5[%swap3A_410], %gather3A_332 {strides = array<i32>} : memref<65536xf32, #tpu.memory_space<vmem>>, vector<16xf32>,
      %mul3A_412 = arith.constant 16 : i32
      %mul3A_413 = arith.muli %scan3A_307, %mul3A_412 : i32
      %add3A_414 = arith.constant 50688 : i32
      %add3A_415 = arith.addi %add3A_414, %mul3A_413 : i32
      %swap3A_416 = arith.index_cast %add3A_415 : i32 to index
      %swap3A_417 = tpu.vector_load %arg5[%swap3A_416] {strides = array<i32>} : memref<65536xf32, #tpu.memory_space<vmem>>, vector<16xf32>,
      tpu.vector_store %arg5[%swap3A_416], %gather3A_334 {strides = array<i32>} : memref<65536xf32, #tpu.memory_space<vmem>>, vector<16xf32>,
      %mul3A_418 = arith.constant 16 : i32
      %mul3A_419 = arith.muli %scan3A_307, %mul3A_418 : i32
      %add3A_420 = arith.constant 54784 : i32
      %add3A_421 = arith.addi %add3A_420, %mul3A_419 : i32
      %swap3A_422 = arith.index_cast %add3A_421 : i32 to index
      %swap3A_423 = tpu.vector_load %arg5[%swap3A_422] {strides = array<i32>} : memref<65536xf32, #tpu.memory_space<vmem>>, vector<16xf32>,
      tpu.vector_store %arg5[%swap3A_422], %gather3A_336 {strides = array<i32>} : memref<65536xf32, #tpu.memory_space<vmem>>, vector<16xf32>,
      %mul3A_424 = arith.constant 16 : i32
      %mul3A_425 = arith.muli %scan3A_307, %mul3A_424 : i32
      %add3A_426 = arith.constant 58880 : i32
      %add3A_427 = arith.addi %add3A_426, %mul3A_425 : i32
      %swap3A_428 = arith.index_cast %add3A_427 : i32 to index
      %swap3A_429 = tpu.vector_load %arg5[%swap3A_428] {strides = array<i32>} : memref<65536xf32, #tpu.memory_space<vmem>>, vector<16xf32>,
      tpu.vector_store %arg5[%swap3A_428], %gather3A_338 {strides = array<i32>} : memref<65536xf32, #tpu.memory_space<vmem>>, vector<16xf32>,
      %mul3A_430 = arith.constant 16 : i32
      %mul3A_431 = arith.muli %scan3A_307, %mul3A_430 : i32
      %add3A_432 = arith.constant 62976 : i32
      %add3A_433 = arith.addi %add3A_432, %mul3A_431 : i32
      %swap3A_434 = arith.index_cast %add3A_433 : i32 to index
      %swap3A_435 = tpu.vector_load %arg5[%swap3A_434] {strides = array<i32>} : memref<65536xf32, #tpu.memory_space<vmem>>, vector<16xf32>,
      tpu.vector_store %arg5[%swap3A_434], %gather3A_340 {strides = array<i32>} : memref<65536xf32, #tpu.memory_space<vmem>>, vector<16xf32>,
    }
    %scan3A_152 = arith.constant 16 : i32
    %dma_wait3A_153 = arith.constant 0 : i32
    %dma_wait3A_154 = tpu.memref_slice %arg2[%dma_wait3A_153] : memref<65536xf32, #tpu.memory_space<hbm>> -> memref<4096xf32, #tpu.memory_space<hbm>>
    %dma_wait3A_155 = arith.constant 0 : i32
    %dma_wait3A_156 = tpu.memref_slice %arg2[%dma_wait3A_155] : memref<65536xf32, #tpu.memory_space<hbm>> -> memref<4096xf32, #tpu.memory_space<hbm>>
    tpu.wait_dma2 semaphore(%arg12 : memref<!tpu.dma_semaphore, #tpu.memory_space<semaphore_mem>>) src(%dma_wait3A_156 : memref<4096xf32, #tpu.memory_space<hbm>>) dst(%arg7 : memref<4096xf32, #tpu.memory_space<vmem>>)
    %dma_start3A_157 = arith.constant 32768 : i32
    %dma_start3A_158 = tpu.memref_slice %arg2[%dma_start3A_157] : memref<65536xf32, #tpu.memory_space<hbm>> -> memref<4096xf32, #tpu.memory_space<hbm>>
    %dma_start3A_159 = arith.constant 32768 : i32
    %dma_start3A_160 = tpu.memref_slice %arg2[%dma_start3A_159] : memref<65536xf32, #tpu.memory_space<hbm>> -> memref<4096xf32, #tpu.memory_space<hbm>>
    tpu.enqueue_dma source(%dma_start3A_160 : memref<4096xf32, #tpu.memory_space<hbm>>) target(%arg6 : memref<4096xf32, #tpu.memory_space<vmem>>) target_semaphore(%arg12 : memref<!tpu.dma_semaphore, #tpu.memory_space<semaphore_mem>>)
    %scan3A_161 = arith.constant 0 : i32
    %scan3A_162 = arith.constant 0 : i32
    %scan3A_163 = arith.constant 16 : i32
    %scan3A_164 = arith.addi %scan3A_162, %scan3A_163 : i32
    %scan3A_165 = arith.constant 1 : i32
    scf.for %scan3A_307 = %scan3A_162 to %scan3A_164 step %scan3A_165  : i32 {
      %mul3A_308 = arith.constant 256 : i32
      %mul3A_309 = arith.muli %scan3A_307, %mul3A_308 : i32
      %multiple_of3A = tpu.assume_multiple %mul3A_309, 256 : i32
      %gather3A = tpu.memref_slice %arg7[%multiple_of3A] : memref<4096xf32, #tpu.memory_space<vmem>> -> memref<256xf32, #tpu.memory_space<vmem>>
      %gather3A_310 = tpu.vector_load_idx %gather3A[%add3A_8] : memref<256xf32, #tpu.memory_space<vmem>>[vector<16xi32>], vector<16xf32>,
      %gather3A_311 = tpu.memref_slice %arg7[%multiple_of3A] : memref<4096xf32, #tpu.memory_space<vmem>> -> memref<256xf32, #tpu.memory_space<vmem>>
      %gather3A_312 = tpu.vector_load_idx %gather3A_311[%add3A_11] : memref<256xf32, #tpu.memory_space<vmem>>[vector<16xi32>], vector<16xf32>,
      %gather3A_313 = tpu.memref_slice %arg7[%multiple_of3A] : memref<4096xf32, #tpu.memory_space<vmem>> -> memref<256xf32, #tpu.memory_space<vmem>>
      %gather3A_314 = tpu.vector_load_idx %gather3A_313[%add3A_14] : memref<256xf32, #tpu.memory_space<vmem>>[vector<16xi32>], vector<16xf32>,
      %gather3A_315 = tpu.memref_slice %arg7[%multiple_of3A] : memref<4096xf32, #tpu.memory_space<vmem>> -> memref<256xf32, #tpu.memory_space<vmem>>
      %gather3A_316 = tpu.vector_load_idx %gather3A_315[%add3A_17] : memref<256xf32, #tpu.memory_space<vmem>>[vector<16xi32>], vector<16xf32>,
      %gather3A_317 = tpu.memref_slice %arg7[%multiple_of3A] : memref<4096xf32, #tpu.memory_space<vmem>> -> memref<256xf32, #tpu.memory_space<vmem>>
      %gather3A_318 = tpu.vector_load_idx %gather3A_317[%add3A_20] : memref<256xf32, #tpu.memory_space<vmem>>[vector<16xi32>], vector<16xf32>,
      %gather3A_319 = tpu.memref_slice %arg7[%multiple_of3A] : memref<4096xf32, #tpu.memory_space<vmem>> -> memref<256xf32, #tpu.memory_space<vmem>>
      %gather3A_320 = tpu.vector_load_idx %gather3A_319[%add3A_23] : memref<256xf32, #tpu.memory_space<vmem>>[vector<16xi32>], vector<16xf32>,
      %gather3A_321 = tpu.memref_slice %arg7[%multiple_of3A] : memref<4096xf32, #tpu.memory_space<vmem>> -> memref<256xf32, #tpu.memory_space<vmem>>
      %gather3A_322 = tpu.vector_load_idx %gather3A_321[%add3A_26] : memref<256xf32, #tpu.memory_space<vmem>>[vector<16xi32>], vector<16xf32>,
      %gather3A_323 = tpu.memref_slice %arg7[%multiple_of3A] : memref<4096xf32, #tpu.memory_space<vmem>> -> memref<256xf32, #tpu.memory_space<vmem>>
      %gather3A_324 = tpu.vector_load_idx %gather3A_323[%add3A_29] : memref<256xf32, #tpu.memory_space<vmem>>[vector<16xi32>], vector<16xf32>,
      %gather3A_325 = tpu.memref_slice %arg7[%multiple_of3A] : memref<4096xf32, #tpu.memory_space<vmem>> -> memref<256xf32, #tpu.memory_space<vmem>>
      %gather3A_326 = tpu.vector_load_idx %gather3A_325[%add3A_32] : memref<256xf32, #tpu.memory_space<vmem>>[vector<16xi32>], vector<16xf32>,
      %gather3A_327 = tpu.memref_slice %arg7[%multiple_of3A] : memref<4096xf32, #tpu.memory_space<vmem>> -> memref<256xf32, #tpu.memory_space<vmem>>
      %gather3A_328 = tpu.vector_load_idx %gather3A_327[%add3A_35] : memref<256xf32, #tpu.memory_space<vmem>>[vector<16xi32>], vector<16xf32>,
      %gather3A_329 = tpu.memref_slice %arg7[%multiple_of3A] : memref<4096xf32, #tpu.memory_space<vmem>> -> memref<256xf32, #tpu.memory_space<vmem>>
      %gather3A_330 = tpu.vector_load_idx %gather3A_329[%add3A_38] : memref<256xf32, #tpu.memory_space<vmem>>[vector<16xi32>], vector<16xf32>,
      %gather3A_331 = tpu.memref_slice %arg7[%multiple_of3A] : memref<4096xf32, #tpu.memory_space<vmem>> -> memref<256xf32, #tpu.memory_space<vmem>>
      %gather3A_332 = tpu.vector_load_idx %gather3A_331[%add3A_41] : memref<256xf32, #tpu.memory_space<vmem>>[vector<16xi32>], vector<16xf32>,
      %gather3A_333 = tpu.memref_slice %arg7[%multiple_of3A] : memref<4096xf32, #tpu.memory_space<vmem>> -> memref<256xf32, #tpu.memory_space<vmem>>
      %gather3A_334 = tpu.vector_load_idx %gather3A_333[%add3A_44] : memref<256xf32, #tpu.memory_space<vmem>>[vector<16xi32>], vector<16xf32>,
      %gather3A_335 = tpu.memref_slice %arg7[%multiple_of3A] : memref<4096xf32, #tpu.memory_space<vmem>> -> memref<256xf32, #tpu.memory_space<vmem>>
      %gather3A_336 = tpu.vector_load_idx %gather3A_335[%add3A_47] : memref<256xf32, #tpu.memory_space<vmem>>[vector<16xi32>], vector<16xf32>,
      %gather3A_337 = tpu.memref_slice %arg7[%multiple_of3A] : memref<4096xf32, #tpu.memory_space<vmem>> -> memref<256xf32, #tpu.memory_space<vmem>>
      %gather3A_338 = tpu.vector_load_idx %gather3A_337[%add3A_50] : memref<256xf32, #tpu.memory_space<vmem>>[vector<16xi32>], vector<16xf32>,
      %gather3A_339 = tpu.memref_slice %arg7[%multiple_of3A] : memref<4096xf32, #tpu.memory_space<vmem>> -> memref<256xf32, #tpu.memory_space<vmem>>
      %gather3A_340 = tpu.vector_load_idx %gather3A_339[%add3A_53] : memref<256xf32, #tpu.memory_space<vmem>>[vector<16xi32>], vector<16xf32>,
      %mul3A_341 = arith.constant 16 : i32
      %mul3A_342 = arith.muli %scan3A_307, %mul3A_341 : i32
      %add3A_343 = arith.constant 1792 : i32
      %add3A_344 = arith.addi %add3A_343, %mul3A_342 : i32
      %swap3A = arith.index_cast %add3A_344 : i32 to index
      %swap3A_345 = tpu.vector_load %arg5[%swap3A] {strides = array<i32>} : memref<65536xf32, #tpu.memory_space<vmem>>, vector<16xf32>,
      tpu.vector_store %arg5[%swap3A], %gather3A_310 {strides = array<i32>} : memref<65536xf32, #tpu.memory_space<vmem>>, vector<16xf32>,
      %mul3A_346 = arith.constant 16 : i32
      %mul3A_347 = arith.muli %scan3A_307, %mul3A_346 : i32
      %add3A_348 = arith.constant 5888 : i32
      %add3A_349 = arith.addi %add3A_348, %mul3A_347 : i32
      %swap3A_350 = arith.index_cast %add3A_349 : i32 to index
      %swap3A_351 = tpu.vector_load %arg5[%swap3A_350] {strides = array<i32>} : memref<65536xf32, #tpu.memory_space<vmem>>, vector<16xf32>,
      tpu.vector_store %arg5[%swap3A_350], %gather3A_312 {strides = array<i32>} : memref<65536xf32, #tpu.memory_space<vmem>>, vector<16xf32>,
      %mul3A_352 = arith.constant 16 : i32
      %mul3A_353 = arith.muli %scan3A_307, %mul3A_352 : i32
      %add3A_354 = arith.constant 9984 : i32
      %add3A_355 = arith.addi %add3A_354, %mul3A_353 : i32
      %swap3A_356 = arith.index_cast %add3A_355 : i32 to index
      %swap3A_357 = tpu.vector_load %arg5[%swap3A_356] {strides = array<i32>} : memref<65536xf32, #tpu.memory_space<vmem>>, vector<16xf32>,
      tpu.vector_store %arg5[%swap3A_356], %gather3A_314 {strides = array<i32>} : memref<65536xf32, #tpu.memory_space<vmem>>, vector<16xf32>,
      %mul3A_358 = arith.constant 16 : i32
      %mul3A_359 = arith.muli %scan3A_307, %mul3A_358 : i32
      %add3A_360 = arith.constant 14080 : i32
      %add3A_361 = arith.addi %add3A_360, %mul3A_359 : i32
      %swap3A_362 = arith.index_cast %add3A_361 : i32 to index
      %swap3A_363 = tpu.vector_load %arg5[%swap3A_362] {strides = array<i32>} : memref<65536xf32, #tpu.memory_space<vmem>>, vector<16xf32>,
      tpu.vector_store %arg5[%swap3A_362], %gather3A_316 {strides = array<i32>} : memref<65536xf32, #tpu.memory_space<vmem>>, vector<16xf32>,
      %mul3A_364 = arith.constant 16 : i32
      %mul3A_365 = arith.muli %scan3A_307, %mul3A_364 : i32
      %add3A_366 = arith.constant 18176 : i32
      %add3A_367 = arith.addi %add3A_366, %mul3A_365 : i32
      %swap3A_368 = arith.index_cast %add3A_367 : i32 to index
      %swap3A_369 = tpu.vector_load %arg5[%swap3A_368] {strides = array<i32>} : memref<65536xf32, #tpu.memory_space<vmem>>, vector<16xf32>,
      tpu.vector_store %arg5[%swap3A_368], %gather3A_318 {strides = array<i32>} : memref<65536xf32, #tpu.memory_space<vmem>>, vector<16xf32>,
      %mul3A_370 = arith.constant 16 : i32
      %mul3A_371 = arith.muli %scan3A_307, %mul3A_370 : i32
      %add3A_372 = arith.constant 22272 : i32
      %add3A_373 = arith.addi %add3A_372, %mul3A_371 : i32
      %swap3A_374 = arith.index_cast %add3A_373 : i32 to index
      %swap3A_375 = tpu.vector_load %arg5[%swap3A_374] {strides = array<i32>} : memref<65536xf32, #tpu.memory_space<vmem>>, vector<16xf32>,
      tpu.vector_store %arg5[%swap3A_374], %gather3A_320 {strides = array<i32>} : memref<65536xf32, #tpu.memory_space<vmem>>, vector<16xf32>,
      %mul3A_376 = arith.constant 16 : i32
      %mul3A_377 = arith.muli %scan3A_307, %mul3A_376 : i32
      %add3A_378 = arith.constant 26368 : i32
      %add3A_379 = arith.addi %add3A_378, %mul3A_377 : i32
      %swap3A_380 = arith.index_cast %add3A_379 : i32 to index
      %swap3A_381 = tpu.vector_load %arg5[%swap3A_380] {strides = array<i32>} : memref<65536xf32, #tpu.memory_space<vmem>>, vector<16xf32>,
      tpu.vector_store %arg5[%swap3A_380], %gather3A_322 {strides = array<i32>} : memref<65536xf32, #tpu.memory_space<vmem>>, vector<16xf32>,
      %mul3A_382 = arith.constant 16 : i32
      %mul3A_383 = arith.muli %scan3A_307, %mul3A_382 : i32
      %add3A_384 = arith.constant 30464 : i32
      %add3A_385 = arith.addi %add3A_384, %mul3A_383 : i32
      %swap3A_386 = arith.index_cast %add3A_385 : i32 to index
      %swap3A_387 = tpu.vector_load %arg5[%swap3A_386] {strides = array<i32>} : memref<65536xf32, #tpu.memory_space<vmem>>, vector<16xf32>,
      tpu.vector_store %arg5[%swap3A_386], %gather3A_324 {strides = array<i32>} : memref<65536xf32, #tpu.memory_space<vmem>>, vector<16xf32>,
      %mul3A_388 = arith.constant 16 : i32
      %mul3A_389 = arith.muli %scan3A_307, %mul3A_388 : i32
      %add3A_390 = arith.constant 34560 : i32
      %add3A_391 = arith.addi %add3A_390, %mul3A_389 : i32
      %swap3A_392 = arith.index_cast %add3A_391 : i32 to index
      %swap3A_393 = tpu.vector_load %arg5[%swap3A_392] {strides = array<i32>} : memref<65536xf32, #tpu.memory_space<vmem>>, vector<16xf32>,
      tpu.vector_store %arg5[%swap3A_392], %gather3A_326 {strides = array<i32>} : memref<65536xf32, #tpu.memory_space<vmem>>, vector<16xf32>,
      %mul3A_394 = arith.constant 16 : i32
      %mul3A_395 = arith.muli %scan3A_307, %mul3A_394 : i32
      %add3A_396 = arith.constant 38656 : i32
      %add3A_397 = arith.addi %add3A_396, %mul3A_395 : i32
      %swap3A_398 = arith.index_cast %add3A_397 : i32 to index
      %swap3A_399 = tpu.vector_load %arg5[%swap3A_398] {strides = array<i32>} : memref<65536xf32, #tpu.memory_space<vmem>>, vector<16xf32>,
      tpu.vector_store %arg5[%swap3A_398], %gather3A_328 {strides = array<i32>} : memref<65536xf32, #tpu.memory_space<vmem>>, vector<16xf32>,
      %mul3A_400 = arith.constant 16 : i32
      %mul3A_401 = arith.muli %scan3A_307, %mul3A_400 : i32
      %add3A_402 = arith.constant 42752 : i32
      %add3A_403 = arith.addi %add3A_402, %mul3A_401 : i32
      %swap3A_404 = arith.index_cast %add3A_403 : i32 to index
      %swap3A_405 = tpu.vector_load %arg5[%swap3A_404] {strides = array<i32>} : memref<65536xf32, #tpu.memory_space<vmem>>, vector<16xf32>,
      tpu.vector_store %arg5[%swap3A_404], %gather3A_330 {strides = array<i32>} : memref<65536xf32, #tpu.memory_space<vmem>>, vector<16xf32>,
      %mul3A_406 = arith.constant 16 : i32
      %mul3A_407 = arith.muli %scan3A_307, %mul3A_406 : i32
      %add3A_408 = arith.constant 46848 : i32
      %add3A_409 = arith.addi %add3A_408, %mul3A_407 : i32
      %swap3A_410 = arith.index_cast %add3A_409 : i32 to index
      %swap3A_411 = tpu.vector_load %arg5[%swap3A_410] {strides = array<i32>} : memref<65536xf32, #tpu.memory_space<vmem>>, vector<16xf32>,
      tpu.vector_store %arg5[%swap3A_410], %gather3A_332 {strides = array<i32>} : memref<65536xf32, #tpu.memory_space<vmem>>, vector<16xf32>,
      %mul3A_412 = arith.constant 16 : i32
      %mul3A_413 = arith.muli %scan3A_307, %mul3A_412 : i32
      %add3A_414 = arith.constant 50944 : i32
      %add3A_415 = arith.addi %add3A_414, %mul3A_413 : i32
      %swap3A_416 = arith.index_cast %add3A_415 : i32 to index
      %swap3A_417 = tpu.vector_load %arg5[%swap3A_416] {strides = array<i32>} : memref<65536xf32, #tpu.memory_space<vmem>>, vector<16xf32>,
      tpu.vector_store %arg5[%swap3A_416], %gather3A_334 {strides = array<i32>} : memref<65536xf32, #tpu.memory_space<vmem>>, vector<16xf32>,
      %mul3A_418 = arith.constant 16 : i32
      %mul3A_419 = arith.muli %scan3A_307, %mul3A_418 : i32
      %add3A_420 = arith.constant 55040 : i32
      %add3A_421 = arith.addi %add3A_420, %mul3A_419 : i32
      %swap3A_422 = arith.index_cast %add3A_421 : i32 to index
      %swap3A_423 = tpu.vector_load %arg5[%swap3A_422] {strides = array<i32>} : memref<65536xf32, #tpu.memory_space<vmem>>, vector<16xf32>,
      tpu.vector_store %arg5[%swap3A_422], %gather3A_336 {strides = array<i32>} : memref<65536xf32, #tpu.memory_space<vmem>>, vector<16xf32>,
      %mul3A_424 = arith.constant 16 : i32
      %mul3A_425 = arith.muli %scan3A_307, %mul3A_424 : i32
      %add3A_426 = arith.constant 59136 : i32
      %add3A_427 = arith.addi %add3A_426, %mul3A_425 : i32
      %swap3A_428 = arith.index_cast %add3A_427 : i32 to index
      %swap3A_429 = tpu.vector_load %arg5[%swap3A_428] {strides = array<i32>} : memref<65536xf32, #tpu.memory_space<vmem>>, vector<16xf32>,
      tpu.vector_store %arg5[%swap3A_428], %gather3A_338 {strides = array<i32>} : memref<65536xf32, #tpu.memory_space<vmem>>, vector<16xf32>,
      %mul3A_430 = arith.constant 16 : i32
      %mul3A_431 = arith.muli %scan3A_307, %mul3A_430 : i32
      %add3A_432 = arith.constant 63232 : i32
      %add3A_433 = arith.addi %add3A_432, %mul3A_431 : i32
      %swap3A_434 = arith.index_cast %add3A_433 : i32 to index
      %swap3A_435 = tpu.vector_load %arg5[%swap3A_434] {strides = array<i32>} : memref<65536xf32, #tpu.memory_space<vmem>>, vector<16xf32>,
      tpu.vector_store %arg5[%swap3A_434], %gather3A_340 {strides = array<i32>} : memref<65536xf32, #tpu.memory_space<vmem>>, vector<16xf32>,
    }
    %scan3A_166 = arith.constant 16 : i32
    %dma_wait3A_167 = arith.constant 0 : i32
    %dma_wait3A_168 = tpu.memref_slice %arg2[%dma_wait3A_167] : memref<65536xf32, #tpu.memory_space<hbm>> -> memref<4096xf32, #tpu.memory_space<hbm>>
    %dma_wait3A_169 = arith.constant 0 : i32
    %dma_wait3A_170 = tpu.memref_slice %arg2[%dma_wait3A_169] : memref<65536xf32, #tpu.memory_space<hbm>> -> memref<4096xf32, #tpu.memory_space<hbm>>
    tpu.wait_dma2 semaphore(%arg12 : memref<!tpu.dma_semaphore, #tpu.memory_space<semaphore_mem>>) src(%dma_wait3A_170 : memref<4096xf32, #tpu.memory_space<hbm>>) dst(%arg6 : memref<4096xf32, #tpu.memory_space<vmem>>)
    %dma_start3A_171 = arith.constant 36864 : i32
    %dma_start3A_172 = tpu.memref_slice %arg2[%dma_start3A_171] : memref<65536xf32, #tpu.memory_space<hbm>> -> memref<4096xf32, #tpu.memory_space<hbm>>
    %dma_start3A_173 = arith.constant 36864 : i32
    %dma_start3A_174 = tpu.memref_slice %arg2[%dma_start3A_173] : memref<65536xf32, #tpu.memory_space<hbm>> -> memref<4096xf32, #tpu.memory_space<hbm>>
    tpu.enqueue_dma source(%dma_start3A_174 : memref<4096xf32, #tpu.memory_space<hbm>>) target(%arg7 : memref<4096xf32, #tpu.memory_space<vmem>>) target_semaphore(%arg12 : memref<!tpu.dma_semaphore, #tpu.memory_space<semaphore_mem>>)
    %scan3A_175 = arith.constant 0 : i32
    %scan3A_176 = arith.constant 0 : i32
    %scan3A_177 = arith.constant 16 : i32
    %scan3A_178 = arith.addi %scan3A_176, %scan3A_177 : i32
    %scan3A_179 = arith.constant 1 : i32
    scf.for %scan3A_307 = %scan3A_176 to %scan3A_178 step %scan3A_179  : i32 {
      %mul3A_308 = arith.constant 256 : i32
      %mul3A_309 = arith.muli %scan3A_307, %mul3A_308 : i32
      %multiple_of3A = tpu.assume_multiple %mul3A_309, 256 : i32
      %gather3A = tpu.memref_slice %arg6[%multiple_of3A] : memref<4096xf32, #tpu.memory_space<vmem>> -> memref<256xf32, #tpu.memory_space<vmem>>
      %gather3A_310 = tpu.vector_load_idx %gather3A[%add3A_8] : memref<256xf32, #tpu.memory_space<vmem>>[vector<16xi32>], vector<16xf32>,
      %gather3A_311 = tpu.memref_slice %arg6[%multiple_of3A] : memref<4096xf32, #tpu.memory_space<vmem>> -> memref<256xf32, #tpu.memory_space<vmem>>
      %gather3A_312 = tpu.vector_load_idx %gather3A_311[%add3A_11] : memref<256xf32, #tpu.memory_space<vmem>>[vector<16xi32>], vector<16xf32>,
      %gather3A_313 = tpu.memref_slice %arg6[%multiple_of3A] : memref<4096xf32, #tpu.memory_space<vmem>> -> memref<256xf32, #tpu.memory_space<vmem>>
      %gather3A_314 = tpu.vector_load_idx %gather3A_313[%add3A_14] : memref<256xf32, #tpu.memory_space<vmem>>[vector<16xi32>], vector<16xf32>,
      %gather3A_315 = tpu.memref_slice %arg6[%multiple_of3A] : memref<4096xf32, #tpu.memory_space<vmem>> -> memref<256xf32, #tpu.memory_space<vmem>>
      %gather3A_316 = tpu.vector_load_idx %gather3A_315[%add3A_17] : memref<256xf32, #tpu.memory_space<vmem>>[vector<16xi32>], vector<16xf32>,
      %gather3A_317 = tpu.memref_slice %arg6[%multiple_of3A] : memref<4096xf32, #tpu.memory_space<vmem>> -> memref<256xf32, #tpu.memory_space<vmem>>
      %gather3A_318 = tpu.vector_load_idx %gather3A_317[%add3A_20] : memref<256xf32, #tpu.memory_space<vmem>>[vector<16xi32>], vector<16xf32>,
      %gather3A_319 = tpu.memref_slice %arg6[%multiple_of3A] : memref<4096xf32, #tpu.memory_space<vmem>> -> memref<256xf32, #tpu.memory_space<vmem>>
      %gather3A_320 = tpu.vector_load_idx %gather3A_319[%add3A_23] : memref<256xf32, #tpu.memory_space<vmem>>[vector<16xi32>], vector<16xf32>,
      %gather3A_321 = tpu.memref_slice %arg6[%multiple_of3A] : memref<4096xf32, #tpu.memory_space<vmem>> -> memref<256xf32, #tpu.memory_space<vmem>>
      %gather3A_322 = tpu.vector_load_idx %gather3A_321[%add3A_26] : memref<256xf32, #tpu.memory_space<vmem>>[vector<16xi32>], vector<16xf32>,
      %gather3A_323 = tpu.memref_slice %arg6[%multiple_of3A] : memref<4096xf32, #tpu.memory_space<vmem>> -> memref<256xf32, #tpu.memory_space<vmem>>
      %gather3A_324 = tpu.vector_load_idx %gather3A_323[%add3A_29] : memref<256xf32, #tpu.memory_space<vmem>>[vector<16xi32>], vector<16xf32>,
      %gather3A_325 = tpu.memref_slice %arg6[%multiple_of3A] : memref<4096xf32, #tpu.memory_space<vmem>> -> memref<256xf32, #tpu.memory_space<vmem>>
      %gather3A_326 = tpu.vector_load_idx %gather3A_325[%add3A_32] : memref<256xf32, #tpu.memory_space<vmem>>[vector<16xi32>], vector<16xf32>,
      %gather3A_327 = tpu.memref_slice %arg6[%multiple_of3A] : memref<4096xf32, #tpu.memory_space<vmem>> -> memref<256xf32, #tpu.memory_space<vmem>>
      %gather3A_328 = tpu.vector_load_idx %gather3A_327[%add3A_35] : memref<256xf32, #tpu.memory_space<vmem>>[vector<16xi32>], vector<16xf32>,
      %gather3A_329 = tpu.memref_slice %arg6[%multiple_of3A] : memref<4096xf32, #tpu.memory_space<vmem>> -> memref<256xf32, #tpu.memory_space<vmem>>
      %gather3A_330 = tpu.vector_load_idx %gather3A_329[%add3A_38] : memref<256xf32, #tpu.memory_space<vmem>>[vector<16xi32>], vector<16xf32>,
      %gather3A_331 = tpu.memref_slice %arg6[%multiple_of3A] : memref<4096xf32, #tpu.memory_space<vmem>> -> memref<256xf32, #tpu.memory_space<vmem>>
      %gather3A_332 = tpu.vector_load_idx %gather3A_331[%add3A_41] : memref<256xf32, #tpu.memory_space<vmem>>[vector<16xi32>], vector<16xf32>,
      %gather3A_333 = tpu.memref_slice %arg6[%multiple_of3A] : memref<4096xf32, #tpu.memory_space<vmem>> -> memref<256xf32, #tpu.memory_space<vmem>>
      %gather3A_334 = tpu.vector_load_idx %gather3A_333[%add3A_44] : memref<256xf32, #tpu.memory_space<vmem>>[vector<16xi32>], vector<16xf32>,
      %gather3A_335 = tpu.memref_slice %arg6[%multiple_of3A] : memref<4096xf32, #tpu.memory_space<vmem>> -> memref<256xf32, #tpu.memory_space<vmem>>
      %gather3A_336 = tpu.vector_load_idx %gather3A_335[%add3A_47] : memref<256xf32, #tpu.memory_space<vmem>>[vector<16xi32>], vector<16xf32>,
      %gather3A_337 = tpu.memref_slice %arg6[%multiple_of3A] : memref<4096xf32, #tpu.memory_space<vmem>> -> memref<256xf32, #tpu.memory_space<vmem>>
      %gather3A_338 = tpu.vector_load_idx %gather3A_337[%add3A_50] : memref<256xf32, #tpu.memory_space<vmem>>[vector<16xi32>], vector<16xf32>,
      %gather3A_339 = tpu.memref_slice %arg6[%multiple_of3A] : memref<4096xf32, #tpu.memory_space<vmem>> -> memref<256xf32, #tpu.memory_space<vmem>>
      %gather3A_340 = tpu.vector_load_idx %gather3A_339[%add3A_53] : memref<256xf32, #tpu.memory_space<vmem>>[vector<16xi32>], vector<16xf32>,
      %mul3A_341 = arith.constant 16 : i32
      %mul3A_342 = arith.muli %scan3A_307, %mul3A_341 : i32
      %add3A_343 = arith.constant 2048 : i32
      %add3A_344 = arith.addi %add3A_343, %mul3A_342 : i32
      %swap3A = arith.index_cast %add3A_344 : i32 to index
      %swap3A_345 = tpu.vector_load %arg5[%swap3A] {strides = array<i32>} : memref<65536xf32, #tpu.memory_space<vmem>>, vector<16xf32>,
      tpu.vector_store %arg5[%swap3A], %gather3A_310 {strides = array<i32>} : memref<65536xf32, #tpu.memory_space<vmem>>, vector<16xf32>,
      %mul3A_346 = arith.constant 16 : i32
      %mul3A_347 = arith.muli %scan3A_307, %mul3A_346 : i32
      %add3A_348 = arith.constant 6144 : i32
      %add3A_349 = arith.addi %add3A_348, %mul3A_347 : i32
      %swap3A_350 = arith.index_cast %add3A_349 : i32 to index
      %swap3A_351 = tpu.vector_load %arg5[%swap3A_350] {strides = array<i32>} : memref<65536xf32, #tpu.memory_space<vmem>>, vector<16xf32>,
      tpu.vector_store %arg5[%swap3A_350], %gather3A_312 {strides = array<i32>} : memref<65536xf32, #tpu.memory_space<vmem>>, vector<16xf32>,
      %mul3A_352 = arith.constant 16 : i32
      %mul3A_353 = arith.muli %scan3A_307, %mul3A_352 : i32
      %add3A_354 = arith.constant 10240 : i32
      %add3A_355 = arith.addi %add3A_354, %mul3A_353 : i32
      %swap3A_356 = arith.index_cast %add3A_355 : i32 to index
      %swap3A_357 = tpu.vector_load %arg5[%swap3A_356] {strides = array<i32>} : memref<65536xf32, #tpu.memory_space<vmem>>, vector<16xf32>,
      tpu.vector_store %arg5[%swap3A_356], %gather3A_314 {strides = array<i32>} : memref<65536xf32, #tpu.memory_space<vmem>>, vector<16xf32>,
      %mul3A_358 = arith.constant 16 : i32
      %mul3A_359 = arith.muli %scan3A_307, %mul3A_358 : i32
      %add3A_360 = arith.constant 14336 : i32
      %add3A_361 = arith.addi %add3A_360, %mul3A_359 : i32
      %swap3A_362 = arith.index_cast %add3A_361 : i32 to index
      %swap3A_363 = tpu.vector_load %arg5[%swap3A_362] {strides = array<i32>} : memref<65536xf32, #tpu.memory_space<vmem>>, vector<16xf32>,
      tpu.vector_store %arg5[%swap3A_362], %gather3A_316 {strides = array<i32>} : memref<65536xf32, #tpu.memory_space<vmem>>, vector<16xf32>,
      %mul3A_364 = arith.constant 16 : i32
      %mul3A_365 = arith.muli %scan3A_307, %mul3A_364 : i32
      %add3A_366 = arith.constant 18432 : i32
      %add3A_367 = arith.addi %add3A_366, %mul3A_365 : i32
      %swap3A_368 = arith.index_cast %add3A_367 : i32 to index
      %swap3A_369 = tpu.vector_load %arg5[%swap3A_368] {strides = array<i32>} : memref<65536xf32, #tpu.memory_space<vmem>>, vector<16xf32>,
      tpu.vector_store %arg5[%swap3A_368], %gather3A_318 {strides = array<i32>} : memref<65536xf32, #tpu.memory_space<vmem>>, vector<16xf32>,
      %mul3A_370 = arith.constant 16 : i32
      %mul3A_371 = arith.muli %scan3A_307, %mul3A_370 : i32
      %add3A_372 = arith.constant 22528 : i32
      %add3A_373 = arith.addi %add3A_372, %mul3A_371 : i32
      %swap3A_374 = arith.index_cast %add3A_373 : i32 to index
      %swap3A_375 = tpu.vector_load %arg5[%swap3A_374] {strides = array<i32>} : memref<65536xf32, #tpu.memory_space<vmem>>, vector<16xf32>,
      tpu.vector_store %arg5[%swap3A_374], %gather3A_320 {strides = array<i32>} : memref<65536xf32, #tpu.memory_space<vmem>>, vector<16xf32>,
      %mul3A_376 = arith.constant 16 : i32
      %mul3A_377 = arith.muli %scan3A_307, %mul3A_376 : i32
      %add3A_378 = arith.constant 26624 : i32
      %add3A_379 = arith.addi %add3A_378, %mul3A_377 : i32
      %swap3A_380 = arith.index_cast %add3A_379 : i32 to index
      %swap3A_381 = tpu.vector_load %arg5[%swap3A_380] {strides = array<i32>} : memref<65536xf32, #tpu.memory_space<vmem>>, vector<16xf32>,
      tpu.vector_store %arg5[%swap3A_380], %gather3A_322 {strides = array<i32>} : memref<65536xf32, #tpu.memory_space<vmem>>, vector<16xf32>,
      %mul3A_382 = arith.constant 16 : i32
      %mul3A_383 = arith.muli %scan3A_307, %mul3A_382 : i32
      %add3A_384 = arith.constant 30720 : i32
      %add3A_385 = arith.addi %add3A_384, %mul3A_383 : i32
      %swap3A_386 = arith.index_cast %add3A_385 : i32 to index
      %swap3A_387 = tpu.vector_load %arg5[%swap3A_386] {strides = array<i32>} : memref<65536xf32, #tpu.memory_space<vmem>>, vector<16xf32>,
      tpu.vector_store %arg5[%swap3A_386], %gather3A_324 {strides = array<i32>} : memref<65536xf32, #tpu.memory_space<vmem>>, vector<16xf32>,
      %mul3A_388 = arith.constant 16 : i32
      %mul3A_389 = arith.muli %scan3A_307, %mul3A_388 : i32
      %add3A_390 = arith.constant 34816 : i32
      %add3A_391 = arith.addi %add3A_390, %mul3A_389 : i32
      %swap3A_392 = arith.index_cast %add3A_391 : i32 to index
      %swap3A_393 = tpu.vector_load %arg5[%swap3A_392] {strides = array<i32>} : memref<65536xf32, #tpu.memory_space<vmem>>, vector<16xf32>,
      tpu.vector_store %arg5[%swap3A_392], %gather3A_326 {strides = array<i32>} : memref<65536xf32, #tpu.memory_space<vmem>>, vector<16xf32>,
      %mul3A_394 = arith.constant 16 : i32
      %mul3A_395 = arith.muli %scan3A_307, %mul3A_394 : i32
      %add3A_396 = arith.constant 38912 : i32
      %add3A_397 = arith.addi %add3A_396, %mul3A_395 : i32
      %swap3A_398 = arith.index_cast %add3A_397 : i32 to index
      %swap3A_399 = tpu.vector_load %arg5[%swap3A_398] {strides = array<i32>} : memref<65536xf32, #tpu.memory_space<vmem>>, vector<16xf32>,
      tpu.vector_store %arg5[%swap3A_398], %gather3A_328 {strides = array<i32>} : memref<65536xf32, #tpu.memory_space<vmem>>, vector<16xf32>,
      %mul3A_400 = arith.constant 16 : i32
      %mul3A_401 = arith.muli %scan3A_307, %mul3A_400 : i32
      %add3A_402 = arith.constant 43008 : i32
      %add3A_403 = arith.addi %add3A_402, %mul3A_401 : i32
      %swap3A_404 = arith.index_cast %add3A_403 : i32 to index
      %swap3A_405 = tpu.vector_load %arg5[%swap3A_404] {strides = array<i32>} : memref<65536xf32, #tpu.memory_space<vmem>>, vector<16xf32>,
      tpu.vector_store %arg5[%swap3A_404], %gather3A_330 {strides = array<i32>} : memref<65536xf32, #tpu.memory_space<vmem>>, vector<16xf32>,
      %mul3A_406 = arith.constant 16 : i32
      %mul3A_407 = arith.muli %scan3A_307, %mul3A_406 : i32
      %add3A_408 = arith.constant 47104 : i32
      %add3A_409 = arith.addi %add3A_408, %mul3A_407 : i32
      %swap3A_410 = arith.index_cast %add3A_409 : i32 to index
      %swap3A_411 = tpu.vector_load %arg5[%swap3A_410] {strides = array<i32>} : memref<65536xf32, #tpu.memory_space<vmem>>, vector<16xf32>,
      tpu.vector_store %arg5[%swap3A_410], %gather3A_332 {strides = array<i32>} : memref<65536xf32, #tpu.memory_space<vmem>>, vector<16xf32>,
      %mul3A_412 = arith.constant 16 : i32
      %mul3A_413 = arith.muli %scan3A_307, %mul3A_412 : i32
      %add3A_414 = arith.constant 51200 : i32
      %add3A_415 = arith.addi %add3A_414, %mul3A_413 : i32
      %swap3A_416 = arith.index_cast %add3A_415 : i32 to index
      %swap3A_417 = tpu.vector_load %arg5[%swap3A_416] {strides = array<i32>} : memref<65536xf32, #tpu.memory_space<vmem>>, vector<16xf32>,
      tpu.vector_store %arg5[%swap3A_416], %gather3A_334 {strides = array<i32>} : memref<65536xf32, #tpu.memory_space<vmem>>, vector<16xf32>,
      %mul3A_418 = arith.constant 16 : i32
      %mul3A_419 = arith.muli %scan3A_307, %mul3A_418 : i32
      %add3A_420 = arith.constant 55296 : i32
      %add3A_421 = arith.addi %add3A_420, %mul3A_419 : i32
      %swap3A_422 = arith.index_cast %add3A_421 : i32 to index
      %swap3A_423 = tpu.vector_load %arg5[%swap3A_422] {strides = array<i32>} : memref<65536xf32, #tpu.memory_space<vmem>>, vector<16xf32>,
      tpu.vector_store %arg5[%swap3A_422], %gather3A_336 {strides = array<i32>} : memref<65536xf32, #tpu.memory_space<vmem>>, vector<16xf32>,
      %mul3A_424 = arith.constant 16 : i32
      %mul3A_425 = arith.muli %scan3A_307, %mul3A_424 : i32
      %add3A_426 = arith.constant 59392 : i32
      %add3A_427 = arith.addi %add3A_426, %mul3A_425 : i32
      %swap3A_428 = arith.index_cast %add3A_427 : i32 to index
      %swap3A_429 = tpu.vector_load %arg5[%swap3A_428] {strides = array<i32>} : memref<65536xf32, #tpu.memory_space<vmem>>, vector<16xf32>,
      tpu.vector_store %arg5[%swap3A_428], %gather3A_338 {strides = array<i32>} : memref<65536xf32, #tpu.memory_space<vmem>>, vector<16xf32>,
      %mul3A_430 = arith.constant 16 : i32
      %mul3A_431 = arith.muli %scan3A_307, %mul3A_430 : i32
      %add3A_432 = arith.constant 63488 : i32
      %add3A_433 = arith.addi %add3A_432, %mul3A_431 : i32
      %swap3A_434 = arith.index_cast %add3A_433 : i32 to index
      %swap3A_435 = tpu.vector_load %arg5[%swap3A_434] {strides = array<i32>} : memref<65536xf32, #tpu.memory_space<vmem>>, vector<16xf32>,
      tpu.vector_store %arg5[%swap3A_434], %gather3A_340 {strides = array<i32>} : memref<65536xf32, #tpu.memory_space<vmem>>, vector<16xf32>,
    }
    %scan3A_180 = arith.constant 16 : i32
    %dma_wait3A_181 = arith.constant 0 : i32
    %dma_wait3A_182 = tpu.memref_slice %arg2[%dma_wait3A_181] : memref<65536xf32, #tpu.memory_space<hbm>> -> memref<4096xf32, #tpu.memory_space<hbm>>
    %dma_wait3A_183 = arith.constant 0 : i32
    %dma_wait3A_184 = tpu.memref_slice %arg2[%dma_wait3A_183] : memref<65536xf32, #tpu.memory_space<hbm>> -> memref<4096xf32, #tpu.memory_space<hbm>>
    tpu.wait_dma2 semaphore(%arg12 : memref<!tpu.dma_semaphore, #tpu.memory_space<semaphore_mem>>) src(%dma_wait3A_184 : memref<4096xf32, #tpu.memory_space<hbm>>) dst(%arg7 : memref<4096xf32, #tpu.memory_space<vmem>>)
    %dma_start3A_185 = arith.constant 40960 : i32
    %dma_start3A_186 = tpu.memref_slice %arg2[%dma_start3A_185] : memref<65536xf32, #tpu.memory_space<hbm>> -> memref<4096xf32, #tpu.memory_space<hbm>>
    %dma_start3A_187 = arith.constant 40960 : i32
    %dma_start3A_188 = tpu.memref_slice %arg2[%dma_start3A_187] : memref<65536xf32, #tpu.memory_space<hbm>> -> memref<4096xf32, #tpu.memory_space<hbm>>
    tpu.enqueue_dma source(%dma_start3A_188 : memref<4096xf32, #tpu.memory_space<hbm>>) target(%arg6 : memref<4096xf32, #tpu.memory_space<vmem>>) target_semaphore(%arg12 : memref<!tpu.dma_semaphore, #tpu.memory_space<semaphore_mem>>)
    %scan3A_189 = arith.constant 0 : i32
    %scan3A_190 = arith.constant 0 : i32
    %scan3A_191 = arith.constant 16 : i32
    %scan3A_192 = arith.addi %scan3A_190, %scan3A_191 : i32
    %scan3A_193 = arith.constant 1 : i32
    scf.for %scan3A_307 = %scan3A_190 to %scan3A_192 step %scan3A_193  : i32 {
      %mul3A_308 = arith.constant 256 : i32
      %mul3A_309 = arith.muli %scan3A_307, %mul3A_308 : i32
      %multiple_of3A = tpu.assume_multiple %mul3A_309, 256 : i32
      %gather3A = tpu.memref_slice %arg7[%multiple_of3A] : memref<4096xf32, #tpu.memory_space<vmem>> -> memref<256xf32, #tpu.memory_space<vmem>>
      %gather3A_310 = tpu.vector_load_idx %gather3A[%add3A_8] : memref<256xf32, #tpu.memory_space<vmem>>[vector<16xi32>], vector<16xf32>,
      %gather3A_311 = tpu.memref_slice %arg7[%multiple_of3A] : memref<4096xf32, #tpu.memory_space<vmem>> -> memref<256xf32, #tpu.memory_space<vmem>>
      %gather3A_312 = tpu.vector_load_idx %gather3A_311[%add3A_11] : memref<256xf32, #tpu.memory_space<vmem>>[vector<16xi32>], vector<16xf32>,
      %gather3A_313 = tpu.memref_slice %arg7[%multiple_of3A] : memref<4096xf32, #tpu.memory_space<vmem>> -> memref<256xf32, #tpu.memory_space<vmem>>
      %gather3A_314 = tpu.vector_load_idx %gather3A_313[%add3A_14] : memref<256xf32, #tpu.memory_space<vmem>>[vector<16xi32>], vector<16xf32>,
      %gather3A_315 = tpu.memref_slice %arg7[%multiple_of3A] : memref<4096xf32, #tpu.memory_space<vmem>> -> memref<256xf32, #tpu.memory_space<vmem>>
      %gather3A_316 = tpu.vector_load_idx %gather3A_315[%add3A_17] : memref<256xf32, #tpu.memory_space<vmem>>[vector<16xi32>], vector<16xf32>,
      %gather3A_317 = tpu.memref_slice %arg7[%multiple_of3A] : memref<4096xf32, #tpu.memory_space<vmem>> -> memref<256xf32, #tpu.memory_space<vmem>>
      %gather3A_318 = tpu.vector_load_idx %gather3A_317[%add3A_20] : memref<256xf32, #tpu.memory_space<vmem>>[vector<16xi32>], vector<16xf32>,
      %gather3A_319 = tpu.memref_slice %arg7[%multiple_of3A] : memref<4096xf32, #tpu.memory_space<vmem>> -> memref<256xf32, #tpu.memory_space<vmem>>
      %gather3A_320 = tpu.vector_load_idx %gather3A_319[%add3A_23] : memref<256xf32, #tpu.memory_space<vmem>>[vector<16xi32>], vector<16xf32>,
      %gather3A_321 = tpu.memref_slice %arg7[%multiple_of3A] : memref<4096xf32, #tpu.memory_space<vmem>> -> memref<256xf32, #tpu.memory_space<vmem>>
      %gather3A_322 = tpu.vector_load_idx %gather3A_321[%add3A_26] : memref<256xf32, #tpu.memory_space<vmem>>[vector<16xi32>], vector<16xf32>,
      %gather3A_323 = tpu.memref_slice %arg7[%multiple_of3A] : memref<4096xf32, #tpu.memory_space<vmem>> -> memref<256xf32, #tpu.memory_space<vmem>>
      %gather3A_324 = tpu.vector_load_idx %gather3A_323[%add3A_29] : memref<256xf32, #tpu.memory_space<vmem>>[vector<16xi32>], vector<16xf32>,
      %gather3A_325 = tpu.memref_slice %arg7[%multiple_of3A] : memref<4096xf32, #tpu.memory_space<vmem>> -> memref<256xf32, #tpu.memory_space<vmem>>
      %gather3A_326 = tpu.vector_load_idx %gather3A_325[%add3A_32] : memref<256xf32, #tpu.memory_space<vmem>>[vector<16xi32>], vector<16xf32>,
      %gather3A_327 = tpu.memref_slice %arg7[%multiple_of3A] : memref<4096xf32, #tpu.memory_space<vmem>> -> memref<256xf32, #tpu.memory_space<vmem>>
      %gather3A_328 = tpu.vector_load_idx %gather3A_327[%add3A_35] : memref<256xf32, #tpu.memory_space<vmem>>[vector<16xi32>], vector<16xf32>,
      %gather3A_329 = tpu.memref_slice %arg7[%multiple_of3A] : memref<4096xf32, #tpu.memory_space<vmem>> -> memref<256xf32, #tpu.memory_space<vmem>>
      %gather3A_330 = tpu.vector_load_idx %gather3A_329[%add3A_38] : memref<256xf32, #tpu.memory_space<vmem>>[vector<16xi32>], vector<16xf32>,
      %gather3A_331 = tpu.memref_slice %arg7[%multiple_of3A] : memref<4096xf32, #tpu.memory_space<vmem>> -> memref<256xf32, #tpu.memory_space<vmem>>
      %gather3A_332 = tpu.vector_load_idx %gather3A_331[%add3A_41] : memref<256xf32, #tpu.memory_space<vmem>>[vector<16xi32>], vector<16xf32>,
      %gather3A_333 = tpu.memref_slice %arg7[%multiple_of3A] : memref<4096xf32, #tpu.memory_space<vmem>> -> memref<256xf32, #tpu.memory_space<vmem>>
      %gather3A_334 = tpu.vector_load_idx %gather3A_333[%add3A_44] : memref<256xf32, #tpu.memory_space<vmem>>[vector<16xi32>], vector<16xf32>,
      %gather3A_335 = tpu.memref_slice %arg7[%multiple_of3A] : memref<4096xf32, #tpu.memory_space<vmem>> -> memref<256xf32, #tpu.memory_space<vmem>>
      %gather3A_336 = tpu.vector_load_idx %gather3A_335[%add3A_47] : memref<256xf32, #tpu.memory_space<vmem>>[vector<16xi32>], vector<16xf32>,
      %gather3A_337 = tpu.memref_slice %arg7[%multiple_of3A] : memref<4096xf32, #tpu.memory_space<vmem>> -> memref<256xf32, #tpu.memory_space<vmem>>
      %gather3A_338 = tpu.vector_load_idx %gather3A_337[%add3A_50] : memref<256xf32, #tpu.memory_space<vmem>>[vector<16xi32>], vector<16xf32>,
      %gather3A_339 = tpu.memref_slice %arg7[%multiple_of3A] : memref<4096xf32, #tpu.memory_space<vmem>> -> memref<256xf32, #tpu.memory_space<vmem>>
      %gather3A_340 = tpu.vector_load_idx %gather3A_339[%add3A_53] : memref<256xf32, #tpu.memory_space<vmem>>[vector<16xi32>], vector<16xf32>,
      %mul3A_341 = arith.constant 16 : i32
      %mul3A_342 = arith.muli %scan3A_307, %mul3A_341 : i32
      %add3A_343 = arith.constant 2304 : i32
      %add3A_344 = arith.addi %add3A_343, %mul3A_342 : i32
      %swap3A = arith.index_cast %add3A_344 : i32 to index
      %swap3A_345 = tpu.vector_load %arg5[%swap3A] {strides = array<i32>} : memref<65536xf32, #tpu.memory_space<vmem>>, vector<16xf32>,
      tpu.vector_store %arg5[%swap3A], %gather3A_310 {strides = array<i32>} : memref<65536xf32, #tpu.memory_space<vmem>>, vector<16xf32>,
      %mul3A_346 = arith.constant 16 : i32
      %mul3A_347 = arith.muli %scan3A_307, %mul3A_346 : i32
      %add3A_348 = arith.constant 6400 : i32
      %add3A_349 = arith.addi %add3A_348, %mul3A_347 : i32
      %swap3A_350 = arith.index_cast %add3A_349 : i32 to index
      %swap3A_351 = tpu.vector_load %arg5[%swap3A_350] {strides = array<i32>} : memref<65536xf32, #tpu.memory_space<vmem>>, vector<16xf32>,
      tpu.vector_store %arg5[%swap3A_350], %gather3A_312 {strides = array<i32>} : memref<65536xf32, #tpu.memory_space<vmem>>, vector<16xf32>,
      %mul3A_352 = arith.constant 16 : i32
      %mul3A_353 = arith.muli %scan3A_307, %mul3A_352 : i32
      %add3A_354 = arith.constant 10496 : i32
      %add3A_355 = arith.addi %add3A_354, %mul3A_353 : i32
      %swap3A_356 = arith.index_cast %add3A_355 : i32 to index
      %swap3A_357 = tpu.vector_load %arg5[%swap3A_356] {strides = array<i32>} : memref<65536xf32, #tpu.memory_space<vmem>>, vector<16xf32>,
      tpu.vector_store %arg5[%swap3A_356], %gather3A_314 {strides = array<i32>} : memref<65536xf32, #tpu.memory_space<vmem>>, vector<16xf32>,
      %mul3A_358 = arith.constant 16 : i32
      %mul3A_359 = arith.muli %scan3A_307, %mul3A_358 : i32
      %add3A_360 = arith.constant 14592 : i32
      %add3A_361 = arith.addi %add3A_360, %mul3A_359 : i32
      %swap3A_362 = arith.index_cast %add3A_361 : i32 to index
      %swap3A_363 = tpu.vector_load %arg5[%swap3A_362] {strides = array<i32>} : memref<65536xf32, #tpu.memory_space<vmem>>, vector<16xf32>,
      tpu.vector_store %arg5[%swap3A_362], %gather3A_316 {strides = array<i32>} : memref<65536xf32, #tpu.memory_space<vmem>>, vector<16xf32>,
      %mul3A_364 = arith.constant 16 : i32
      %mul3A_365 = arith.muli %scan3A_307, %mul3A_364 : i32
      %add3A_366 = arith.constant 18688 : i32
      %add3A_367 = arith.addi %add3A_366, %mul3A_365 : i32
      %swap3A_368 = arith.index_cast %add3A_367 : i32 to index
      %swap3A_369 = tpu.vector_load %arg5[%swap3A_368] {strides = array<i32>} : memref<65536xf32, #tpu.memory_space<vmem>>, vector<16xf32>,
      tpu.vector_store %arg5[%swap3A_368], %gather3A_318 {strides = array<i32>} : memref<65536xf32, #tpu.memory_space<vmem>>, vector<16xf32>,
      %mul3A_370 = arith.constant 16 : i32
      %mul3A_371 = arith.muli %scan3A_307, %mul3A_370 : i32
      %add3A_372 = arith.constant 22784 : i32
      %add3A_373 = arith.addi %add3A_372, %mul3A_371 : i32
      %swap3A_374 = arith.index_cast %add3A_373 : i32 to index
      %swap3A_375 = tpu.vector_load %arg5[%swap3A_374] {strides = array<i32>} : memref<65536xf32, #tpu.memory_space<vmem>>, vector<16xf32>,
      tpu.vector_store %arg5[%swap3A_374], %gather3A_320 {strides = array<i32>} : memref<65536xf32, #tpu.memory_space<vmem>>, vector<16xf32>,
      %mul3A_376 = arith.constant 16 : i32
      %mul3A_377 = arith.muli %scan3A_307, %mul3A_376 : i32
      %add3A_378 = arith.constant 26880 : i32
      %add3A_379 = arith.addi %add3A_378, %mul3A_377 : i32
      %swap3A_380 = arith.index_cast %add3A_379 : i32 to index
      %swap3A_381 = tpu.vector_load %arg5[%swap3A_380] {strides = array<i32>} : memref<65536xf32, #tpu.memory_space<vmem>>, vector<16xf32>,
      tpu.vector_store %arg5[%swap3A_380], %gather3A_322 {strides = array<i32>} : memref<65536xf32, #tpu.memory_space<vmem>>, vector<16xf32>,
      %mul3A_382 = arith.constant 16 : i32
      %mul3A_383 = arith.muli %scan3A_307, %mul3A_382 : i32
      %add3A_384 = arith.constant 30976 : i32
      %add3A_385 = arith.addi %add3A_384, %mul3A_383 : i32
      %swap3A_386 = arith.index_cast %add3A_385 : i32 to index
      %swap3A_387 = tpu.vector_load %arg5[%swap3A_386] {strides = array<i32>} : memref<65536xf32, #tpu.memory_space<vmem>>, vector<16xf32>,
      tpu.vector_store %arg5[%swap3A_386], %gather3A_324 {strides = array<i32>} : memref<65536xf32, #tpu.memory_space<vmem>>, vector<16xf32>,
      %mul3A_388 = arith.constant 16 : i32
      %mul3A_389 = arith.muli %scan3A_307, %mul3A_388 : i32
      %add3A_390 = arith.constant 35072 : i32
      %add3A_391 = arith.addi %add3A_390, %mul3A_389 : i32
      %swap3A_392 = arith.index_cast %add3A_391 : i32 to index
      %swap3A_393 = tpu.vector_load %arg5[%swap3A_392] {strides = array<i32>} : memref<65536xf32, #tpu.memory_space<vmem>>, vector<16xf32>,
      tpu.vector_store %arg5[%swap3A_392], %gather3A_326 {strides = array<i32>} : memref<65536xf32, #tpu.memory_space<vmem>>, vector<16xf32>,
      %mul3A_394 = arith.constant 16 : i32
      %mul3A_395 = arith.muli %scan3A_307, %mul3A_394 : i32
      %add3A_396 = arith.constant 39168 : i32
      %add3A_397 = arith.addi %add3A_396, %mul3A_395 : i32
      %swap3A_398 = arith.index_cast %add3A_397 : i32 to index
      %swap3A_399 = tpu.vector_load %arg5[%swap3A_398] {strides = array<i32>} : memref<65536xf32, #tpu.memory_space<vmem>>, vector<16xf32>,
      tpu.vector_store %arg5[%swap3A_398], %gather3A_328 {strides = array<i32>} : memref<65536xf32, #tpu.memory_space<vmem>>, vector<16xf32>,
      %mul3A_400 = arith.constant 16 : i32
      %mul3A_401 = arith.muli %scan3A_307, %mul3A_400 : i32
      %add3A_402 = arith.constant 43264 : i32
      %add3A_403 = arith.addi %add3A_402, %mul3A_401 : i32
      %swap3A_404 = arith.index_cast %add3A_403 : i32 to index
      %swap3A_405 = tpu.vector_load %arg5[%swap3A_404] {strides = array<i32>} : memref<65536xf32, #tpu.memory_space<vmem>>, vector<16xf32>,
      tpu.vector_store %arg5[%swap3A_404], %gather3A_330 {strides = array<i32>} : memref<65536xf32, #tpu.memory_space<vmem>>, vector<16xf32>,
      %mul3A_406 = arith.constant 16 : i32
      %mul3A_407 = arith.muli %scan3A_307, %mul3A_406 : i32
      %add3A_408 = arith.constant 47360 : i32
      %add3A_409 = arith.addi %add3A_408, %mul3A_407 : i32
      %swap3A_410 = arith.index_cast %add3A_409 : i32 to index
      %swap3A_411 = tpu.vector_load %arg5[%swap3A_410] {strides = array<i32>} : memref<65536xf32, #tpu.memory_space<vmem>>, vector<16xf32>,
      tpu.vector_store %arg5[%swap3A_410], %gather3A_332 {strides = array<i32>} : memref<65536xf32, #tpu.memory_space<vmem>>, vector<16xf32>,
      %mul3A_412 = arith.constant 16 : i32
      %mul3A_413 = arith.muli %scan3A_307, %mul3A_412 : i32
      %add3A_414 = arith.constant 51456 : i32
      %add3A_415 = arith.addi %add3A_414, %mul3A_413 : i32
      %swap3A_416 = arith.index_cast %add3A_415 : i32 to index
      %swap3A_417 = tpu.vector_load %arg5[%swap3A_416] {strides = array<i32>} : memref<65536xf32, #tpu.memory_space<vmem>>, vector<16xf32>,
      tpu.vector_store %arg5[%swap3A_416], %gather3A_334 {strides = array<i32>} : memref<65536xf32, #tpu.memory_space<vmem>>, vector<16xf32>,
      %mul3A_418 = arith.constant 16 : i32
      %mul3A_419 = arith.muli %scan3A_307, %mul3A_418 : i32
      %add3A_420 = arith.constant 55552 : i32
      %add3A_421 = arith.addi %add3A_420, %mul3A_419 : i32
      %swap3A_422 = arith.index_cast %add3A_421 : i32 to index
      %swap3A_423 = tpu.vector_load %arg5[%swap3A_422] {strides = array<i32>} : memref<65536xf32, #tpu.memory_space<vmem>>, vector<16xf32>,
      tpu.vector_store %arg5[%swap3A_422], %gather3A_336 {strides = array<i32>} : memref<65536xf32, #tpu.memory_space<vmem>>, vector<16xf32>,
      %mul3A_424 = arith.constant 16 : i32
      %mul3A_425 = arith.muli %scan3A_307, %mul3A_424 : i32
      %add3A_426 = arith.constant 59648 : i32
      %add3A_427 = arith.addi %add3A_426, %mul3A_425 : i32
      %swap3A_428 = arith.index_cast %add3A_427 : i32 to index
      %swap3A_429 = tpu.vector_load %arg5[%swap3A_428] {strides = array<i32>} : memref<65536xf32, #tpu.memory_space<vmem>>, vector<16xf32>,
      tpu.vector_store %arg5[%swap3A_428], %gather3A_338 {strides = array<i32>} : memref<65536xf32, #tpu.memory_space<vmem>>, vector<16xf32>,
      %mul3A_430 = arith.constant 16 : i32
      %mul3A_431 = arith.muli %scan3A_307, %mul3A_430 : i32
      %add3A_432 = arith.constant 63744 : i32
      %add3A_433 = arith.addi %add3A_432, %mul3A_431 : i32
      %swap3A_434 = arith.index_cast %add3A_433 : i32 to index
      %swap3A_435 = tpu.vector_load %arg5[%swap3A_434] {strides = array<i32>} : memref<65536xf32, #tpu.memory_space<vmem>>, vector<16xf32>,
      tpu.vector_store %arg5[%swap3A_434], %gather3A_340 {strides = array<i32>} : memref<65536xf32, #tpu.memory_space<vmem>>, vector<16xf32>,
    }
    %scan3A_194 = arith.constant 16 : i32
    %dma_wait3A_195 = arith.constant 0 : i32
    %dma_wait3A_196 = tpu.memref_slice %arg2[%dma_wait3A_195] : memref<65536xf32, #tpu.memory_space<hbm>> -> memref<4096xf32, #tpu.memory_space<hbm>>
    %dma_wait3A_197 = arith.constant 0 : i32
    %dma_wait3A_198 = tpu.memref_slice %arg2[%dma_wait3A_197] : memref<65536xf32, #tpu.memory_space<hbm>> -> memref<4096xf32, #tpu.memory_space<hbm>>
    tpu.wait_dma2 semaphore(%arg12 : memref<!tpu.dma_semaphore, #tpu.memory_space<semaphore_mem>>) src(%dma_wait3A_198 : memref<4096xf32, #tpu.memory_space<hbm>>) dst(%arg6 : memref<4096xf32, #tpu.memory_space<vmem>>)
    %dma_start3A_199 = arith.constant 45056 : i32
    %dma_start3A_200 = tpu.memref_slice %arg2[%dma_start3A_199] : memref<65536xf32, #tpu.memory_space<hbm>> -> memref<4096xf32, #tpu.memory_space<hbm>>
    %dma_start3A_201 = arith.constant 45056 : i32
    %dma_start3A_202 = tpu.memref_slice %arg2[%dma_start3A_201] : memref<65536xf32, #tpu.memory_space<hbm>> -> memref<4096xf32, #tpu.memory_space<hbm>>
    tpu.enqueue_dma source(%dma_start3A_202 : memref<4096xf32, #tpu.memory_space<hbm>>) target(%arg7 : memref<4096xf32, #tpu.memory_space<vmem>>) target_semaphore(%arg12 : memref<!tpu.dma_semaphore, #tpu.memory_space<semaphore_mem>>)
    %scan3A_203 = arith.constant 0 : i32
    %scan3A_204 = arith.constant 0 : i32
    %scan3A_205 = arith.constant 16 : i32
    %scan3A_206 = arith.addi %scan3A_204, %scan3A_205 : i32
    %scan3A_207 = arith.constant 1 : i32
    scf.for %scan3A_307 = %scan3A_204 to %scan3A_206 step %scan3A_207  : i32 {
      %mul3A_308 = arith.constant 256 : i32
      %mul3A_309 = arith.muli %scan3A_307, %mul3A_308 : i32
      %multiple_of3A = tpu.assume_multiple %mul3A_309, 256 : i32
      %gather3A = tpu.memref_slice %arg6[%multiple_of3A] : memref<4096xf32, #tpu.memory_space<vmem>> -> memref<256xf32, #tpu.memory_space<vmem>>
      %gather3A_310 = tpu.vector_load_idx %gather3A[%add3A_8] : memref<256xf32, #tpu.memory_space<vmem>>[vector<16xi32>], vector<16xf32>,
      %gather3A_311 = tpu.memref_slice %arg6[%multiple_of3A] : memref<4096xf32, #tpu.memory_space<vmem>> -> memref<256xf32, #tpu.memory_space<vmem>>
      %gather3A_312 = tpu.vector_load_idx %gather3A_311[%add3A_11] : memref<256xf32, #tpu.memory_space<vmem>>[vector<16xi32>], vector<16xf32>,
      %gather3A_313 = tpu.memref_slice %arg6[%multiple_of3A] : memref<4096xf32, #tpu.memory_space<vmem>> -> memref<256xf32, #tpu.memory_space<vmem>>
      %gather3A_314 = tpu.vector_load_idx %gather3A_313[%add3A_14] : memref<256xf32, #tpu.memory_space<vmem>>[vector<16xi32>], vector<16xf32>,
      %gather3A_315 = tpu.memref_slice %arg6[%multiple_of3A] : memref<4096xf32, #tpu.memory_space<vmem>> -> memref<256xf32, #tpu.memory_space<vmem>>
      %gather3A_316 = tpu.vector_load_idx %gather3A_315[%add3A_17] : memref<256xf32, #tpu.memory_space<vmem>>[vector<16xi32>], vector<16xf32>,
      %gather3A_317 = tpu.memref_slice %arg6[%multiple_of3A] : memref<4096xf32, #tpu.memory_space<vmem>> -> memref<256xf32, #tpu.memory_space<vmem>>
      %gather3A_318 = tpu.vector_load_idx %gather3A_317[%add3A_20] : memref<256xf32, #tpu.memory_space<vmem>>[vector<16xi32>], vector<16xf32>,
      %gather3A_319 = tpu.memref_slice %arg6[%multiple_of3A] : memref<4096xf32, #tpu.memory_space<vmem>> -> memref<256xf32, #tpu.memory_space<vmem>>
      %gather3A_320 = tpu.vector_load_idx %gather3A_319[%add3A_23] : memref<256xf32, #tpu.memory_space<vmem>>[vector<16xi32>], vector<16xf32>,
      %gather3A_321 = tpu.memref_slice %arg6[%multiple_of3A] : memref<4096xf32, #tpu.memory_space<vmem>> -> memref<256xf32, #tpu.memory_space<vmem>>
      %gather3A_322 = tpu.vector_load_idx %gather3A_321[%add3A_26] : memref<256xf32, #tpu.memory_space<vmem>>[vector<16xi32>], vector<16xf32>,
      %gather3A_323 = tpu.memref_slice %arg6[%multiple_of3A] : memref<4096xf32, #tpu.memory_space<vmem>> -> memref<256xf32, #tpu.memory_space<vmem>>
      %gather3A_324 = tpu.vector_load_idx %gather3A_323[%add3A_29] : memref<256xf32, #tpu.memory_space<vmem>>[vector<16xi32>], vector<16xf32>,
      %gather3A_325 = tpu.memref_slice %arg6[%multiple_of3A] : memref<4096xf32, #tpu.memory_space<vmem>> -> memref<256xf32, #tpu.memory_space<vmem>>
      %gather3A_326 = tpu.vector_load_idx %gather3A_325[%add3A_32] : memref<256xf32, #tpu.memory_space<vmem>>[vector<16xi32>], vector<16xf32>,
      %gather3A_327 = tpu.memref_slice %arg6[%multiple_of3A] : memref<4096xf32, #tpu.memory_space<vmem>> -> memref<256xf32, #tpu.memory_space<vmem>>
      %gather3A_328 = tpu.vector_load_idx %gather3A_327[%add3A_35] : memref<256xf32, #tpu.memory_space<vmem>>[vector<16xi32>], vector<16xf32>,
      %gather3A_329 = tpu.memref_slice %arg6[%multiple_of3A] : memref<4096xf32, #tpu.memory_space<vmem>> -> memref<256xf32, #tpu.memory_space<vmem>>
      %gather3A_330 = tpu.vector_load_idx %gather3A_329[%add3A_38] : memref<256xf32, #tpu.memory_space<vmem>>[vector<16xi32>], vector<16xf32>,
      %gather3A_331 = tpu.memref_slice %arg6[%multiple_of3A] : memref<4096xf32, #tpu.memory_space<vmem>> -> memref<256xf32, #tpu.memory_space<vmem>>
      %gather3A_332 = tpu.vector_load_idx %gather3A_331[%add3A_41] : memref<256xf32, #tpu.memory_space<vmem>>[vector<16xi32>], vector<16xf32>,
      %gather3A_333 = tpu.memref_slice %arg6[%multiple_of3A] : memref<4096xf32, #tpu.memory_space<vmem>> -> memref<256xf32, #tpu.memory_space<vmem>>
      %gather3A_334 = tpu.vector_load_idx %gather3A_333[%add3A_44] : memref<256xf32, #tpu.memory_space<vmem>>[vector<16xi32>], vector<16xf32>,
      %gather3A_335 = tpu.memref_slice %arg6[%multiple_of3A] : memref<4096xf32, #tpu.memory_space<vmem>> -> memref<256xf32, #tpu.memory_space<vmem>>
      %gather3A_336 = tpu.vector_load_idx %gather3A_335[%add3A_47] : memref<256xf32, #tpu.memory_space<vmem>>[vector<16xi32>], vector<16xf32>,
      %gather3A_337 = tpu.memref_slice %arg6[%multiple_of3A] : memref<4096xf32, #tpu.memory_space<vmem>> -> memref<256xf32, #tpu.memory_space<vmem>>
      %gather3A_338 = tpu.vector_load_idx %gather3A_337[%add3A_50] : memref<256xf32, #tpu.memory_space<vmem>>[vector<16xi32>], vector<16xf32>,
      %gather3A_339 = tpu.memref_slice %arg6[%multiple_of3A] : memref<4096xf32, #tpu.memory_space<vmem>> -> memref<256xf32, #tpu.memory_space<vmem>>
      %gather3A_340 = tpu.vector_load_idx %gather3A_339[%add3A_53] : memref<256xf32, #tpu.memory_space<vmem>>[vector<16xi32>], vector<16xf32>,
      %mul3A_341 = arith.constant 16 : i32
      %mul3A_342 = arith.muli %scan3A_307, %mul3A_341 : i32
      %add3A_343 = arith.constant 2560 : i32
      %add3A_344 = arith.addi %add3A_343, %mul3A_342 : i32
      %swap3A = arith.index_cast %add3A_344 : i32 to index
      %swap3A_345 = tpu.vector_load %arg5[%swap3A] {strides = array<i32>} : memref<65536xf32, #tpu.memory_space<vmem>>, vector<16xf32>,
      tpu.vector_store %arg5[%swap3A], %gather3A_310 {strides = array<i32>} : memref<65536xf32, #tpu.memory_space<vmem>>, vector<16xf32>,
      %mul3A_346 = arith.constant 16 : i32
      %mul3A_347 = arith.muli %scan3A_307, %mul3A_346 : i32
      %add3A_348 = arith.constant 6656 : i32
      %add3A_349 = arith.addi %add3A_348, %mul3A_347 : i32
      %swap3A_350 = arith.index_cast %add3A_349 : i32 to index
      %swap3A_351 = tpu.vector_load %arg5[%swap3A_350] {strides = array<i32>} : memref<65536xf32, #tpu.memory_space<vmem>>, vector<16xf32>,
      tpu.vector_store %arg5[%swap3A_350], %gather3A_312 {strides = array<i32>} : memref<65536xf32, #tpu.memory_space<vmem>>, vector<16xf32>,
      %mul3A_352 = arith.constant 16 : i32
      %mul3A_353 = arith.muli %scan3A_307, %mul3A_352 : i32
      %add3A_354 = arith.constant 10752 : i32
      %add3A_355 = arith.addi %add3A_354, %mul3A_353 : i32
      %swap3A_356 = arith.index_cast %add3A_355 : i32 to index
      %swap3A_357 = tpu.vector_load %arg5[%swap3A_356] {strides = array<i32>} : memref<65536xf32, #tpu.memory_space<vmem>>, vector<16xf32>,
      tpu.vector_store %arg5[%swap3A_356], %gather3A_314 {strides = array<i32>} : memref<65536xf32, #tpu.memory_space<vmem>>, vector<16xf32>,
      %mul3A_358 = arith.constant 16 : i32
      %mul3A_359 = arith.muli %scan3A_307, %mul3A_358 : i32
      %add3A_360 = arith.constant 14848 : i32
      %add3A_361 = arith.addi %add3A_360, %mul3A_359 : i32
      %swap3A_362 = arith.index_cast %add3A_361 : i32 to index
      %swap3A_363 = tpu.vector_load %arg5[%swap3A_362] {strides = array<i32>} : memref<65536xf32, #tpu.memory_space<vmem>>, vector<16xf32>,
      tpu.vector_store %arg5[%swap3A_362], %gather3A_316 {strides = array<i32>} : memref<65536xf32, #tpu.memory_space<vmem>>, vector<16xf32>,
      %mul3A_364 = arith.constant 16 : i32
      %mul3A_365 = arith.muli %scan3A_307, %mul3A_364 : i32
      %add3A_366 = arith.constant 18944 : i32
      %add3A_367 = arith.addi %add3A_366, %mul3A_365 : i32
      %swap3A_368 = arith.index_cast %add3A_367 : i32 to index
      %swap3A_369 = tpu.vector_load %arg5[%swap3A_368] {strides = array<i32>} : memref<65536xf32, #tpu.memory_space<vmem>>, vector<16xf32>,
      tpu.vector_store %arg5[%swap3A_368], %gather3A_318 {strides = array<i32>} : memref<65536xf32, #tpu.memory_space<vmem>>, vector<16xf32>,
      %mul3A_370 = arith.constant 16 : i32
      %mul3A_371 = arith.muli %scan3A_307, %mul3A_370 : i32
      %add3A_372 = arith.constant 23040 : i32
      %add3A_373 = arith.addi %add3A_372, %mul3A_371 : i32
      %swap3A_374 = arith.index_cast %add3A_373 : i32 to index
      %swap3A_375 = tpu.vector_load %arg5[%swap3A_374] {strides = array<i32>} : memref<65536xf32, #tpu.memory_space<vmem>>, vector<16xf32>,
      tpu.vector_store %arg5[%swap3A_374], %gather3A_320 {strides = array<i32>} : memref<65536xf32, #tpu.memory_space<vmem>>, vector<16xf32>,
      %mul3A_376 = arith.constant 16 : i32
      %mul3A_377 = arith.muli %scan3A_307, %mul3A_376 : i32
      %add3A_378 = arith.constant 27136 : i32
      %add3A_379 = arith.addi %add3A_378, %mul3A_377 : i32
      %swap3A_380 = arith.index_cast %add3A_379 : i32 to index
      %swap3A_381 = tpu.vector_load %arg5[%swap3A_380] {strides = array<i32>} : memref<65536xf32, #tpu.memory_space<vmem>>, vector<16xf32>,
      tpu.vector_store %arg5[%swap3A_380], %gather3A_322 {strides = array<i32>} : memref<65536xf32, #tpu.memory_space<vmem>>, vector<16xf32>,
      %mul3A_382 = arith.constant 16 : i32
      %mul3A_383 = arith.muli %scan3A_307, %mul3A_382 : i32
      %add3A_384 = arith.constant 31232 : i32
      %add3A_385 = arith.addi %add3A_384, %mul3A_383 : i32
      %swap3A_386 = arith.index_cast %add3A_385 : i32 to index
      %swap3A_387 = tpu.vector_load %arg5[%swap3A_386] {strides = array<i32>} : memref<65536xf32, #tpu.memory_space<vmem>>, vector<16xf32>,
      tpu.vector_store %arg5[%swap3A_386], %gather3A_324 {strides = array<i32>} : memref<65536xf32, #tpu.memory_space<vmem>>, vector<16xf32>,
      %mul3A_388 = arith.constant 16 : i32
      %mul3A_389 = arith.muli %scan3A_307, %mul3A_388 : i32
      %add3A_390 = arith.constant 35328 : i32
      %add3A_391 = arith.addi %add3A_390, %mul3A_389 : i32
      %swap3A_392 = arith.index_cast %add3A_391 : i32 to index
      %swap3A_393 = tpu.vector_load %arg5[%swap3A_392] {strides = array<i32>} : memref<65536xf32, #tpu.memory_space<vmem>>, vector<16xf32>,
      tpu.vector_store %arg5[%swap3A_392], %gather3A_326 {strides = array<i32>} : memref<65536xf32, #tpu.memory_space<vmem>>, vector<16xf32>,
      %mul3A_394 = arith.constant 16 : i32
      %mul3A_395 = arith.muli %scan3A_307, %mul3A_394 : i32
      %add3A_396 = arith.constant 39424 : i32
      %add3A_397 = arith.addi %add3A_396, %mul3A_395 : i32
      %swap3A_398 = arith.index_cast %add3A_397 : i32 to index
      %swap3A_399 = tpu.vector_load %arg5[%swap3A_398] {strides = array<i32>} : memref<65536xf32, #tpu.memory_space<vmem>>, vector<16xf32>,
      tpu.vector_store %arg5[%swap3A_398], %gather3A_328 {strides = array<i32>} : memref<65536xf32, #tpu.memory_space<vmem>>, vector<16xf32>,
      %mul3A_400 = arith.constant 16 : i32
      %mul3A_401 = arith.muli %scan3A_307, %mul3A_400 : i32
      %add3A_402 = arith.constant 43520 : i32
      %add3A_403 = arith.addi %add3A_402, %mul3A_401 : i32
      %swap3A_404 = arith.index_cast %add3A_403 : i32 to index
      %swap3A_405 = tpu.vector_load %arg5[%swap3A_404] {strides = array<i32>} : memref<65536xf32, #tpu.memory_space<vmem>>, vector<16xf32>,
      tpu.vector_store %arg5[%swap3A_404], %gather3A_330 {strides = array<i32>} : memref<65536xf32, #tpu.memory_space<vmem>>, vector<16xf32>,
      %mul3A_406 = arith.constant 16 : i32
      %mul3A_407 = arith.muli %scan3A_307, %mul3A_406 : i32
      %add3A_408 = arith.constant 47616 : i32
      %add3A_409 = arith.addi %add3A_408, %mul3A_407 : i32
      %swap3A_410 = arith.index_cast %add3A_409 : i32 to index
      %swap3A_411 = tpu.vector_load %arg5[%swap3A_410] {strides = array<i32>} : memref<65536xf32, #tpu.memory_space<vmem>>, vector<16xf32>,
      tpu.vector_store %arg5[%swap3A_410], %gather3A_332 {strides = array<i32>} : memref<65536xf32, #tpu.memory_space<vmem>>, vector<16xf32>,
      %mul3A_412 = arith.constant 16 : i32
      %mul3A_413 = arith.muli %scan3A_307, %mul3A_412 : i32
      %add3A_414 = arith.constant 51712 : i32
      %add3A_415 = arith.addi %add3A_414, %mul3A_413 : i32
      %swap3A_416 = arith.index_cast %add3A_415 : i32 to index
      %swap3A_417 = tpu.vector_load %arg5[%swap3A_416] {strides = array<i32>} : memref<65536xf32, #tpu.memory_space<vmem>>, vector<16xf32>,
      tpu.vector_store %arg5[%swap3A_416], %gather3A_334 {strides = array<i32>} : memref<65536xf32, #tpu.memory_space<vmem>>, vector<16xf32>,
      %mul3A_418 = arith.constant 16 : i32
      %mul3A_419 = arith.muli %scan3A_307, %mul3A_418 : i32
      %add3A_420 = arith.constant 55808 : i32
      %add3A_421 = arith.addi %add3A_420, %mul3A_419 : i32
      %swap3A_422 = arith.index_cast %add3A_421 : i32 to index
      %swap3A_423 = tpu.vector_load %arg5[%swap3A_422] {strides = array<i32>} : memref<65536xf32, #tpu.memory_space<vmem>>, vector<16xf32>,
      tpu.vector_store %arg5[%swap3A_422], %gather3A_336 {strides = array<i32>} : memref<65536xf32, #tpu.memory_space<vmem>>, vector<16xf32>,
      %mul3A_424 = arith.constant 16 : i32
      %mul3A_425 = arith.muli %scan3A_307, %mul3A_424 : i32
      %add3A_426 = arith.constant 59904 : i32
      %add3A_427 = arith.addi %add3A_426, %mul3A_425 : i32
      %swap3A_428 = arith.index_cast %add3A_427 : i32 to index
      %swap3A_429 = tpu.vector_load %arg5[%swap3A_428] {strides = array<i32>} : memref<65536xf32, #tpu.memory_space<vmem>>, vector<16xf32>,
      tpu.vector_store %arg5[%swap3A_428], %gather3A_338 {strides = array<i32>} : memref<65536xf32, #tpu.memory_space<vmem>>, vector<16xf32>,
      %mul3A_430 = arith.constant 16 : i32
      %mul3A_431 = arith.muli %scan3A_307, %mul3A_430 : i32
      %add3A_432 = arith.constant 64000 : i32
      %add3A_433 = arith.addi %add3A_432, %mul3A_431 : i32
      %swap3A_434 = arith.index_cast %add3A_433 : i32 to index
      %swap3A_435 = tpu.vector_load %arg5[%swap3A_434] {strides = array<i32>} : memref<65536xf32, #tpu.memory_space<vmem>>, vector<16xf32>,
      tpu.vector_store %arg5[%swap3A_434], %gather3A_340 {strides = array<i32>} : memref<65536xf32, #tpu.memory_space<vmem>>, vector<16xf32>,
    }
    %scan3A_208 = arith.constant 16 : i32
    %dma_wait3A_209 = arith.constant 0 : i32
    %dma_wait3A_210 = tpu.memref_slice %arg2[%dma_wait3A_209] : memref<65536xf32, #tpu.memory_space<hbm>> -> memref<4096xf32, #tpu.memory_space<hbm>>
    %dma_wait3A_211 = arith.constant 0 : i32
    %dma_wait3A_212 = tpu.memref_slice %arg2[%dma_wait3A_211] : memref<65536xf32, #tpu.memory_space<hbm>> -> memref<4096xf32, #tpu.memory_space<hbm>>
    tpu.wait_dma2 semaphore(%arg12 : memref<!tpu.dma_semaphore, #tpu.memory_space<semaphore_mem>>) src(%dma_wait3A_212 : memref<4096xf32, #tpu.memory_space<hbm>>) dst(%arg7 : memref<4096xf32, #tpu.memory_space<vmem>>)
    %dma_start3A_213 = arith.constant 49152 : i32
    %dma_start3A_214 = tpu.memref_slice %arg2[%dma_start3A_213] : memref<65536xf32, #tpu.memory_space<hbm>> -> memref<4096xf32, #tpu.memory_space<hbm>>
    %dma_start3A_215 = arith.constant 49152 : i32
    %dma_start3A_216 = tpu.memref_slice %arg2[%dma_start3A_215] : memref<65536xf32, #tpu.memory_space<hbm>> -> memref<4096xf32, #tpu.memory_space<hbm>>
    tpu.enqueue_dma source(%dma_start3A_216 : memref<4096xf32, #tpu.memory_space<hbm>>) target(%arg6 : memref<4096xf32, #tpu.memory_space<vmem>>) target_semaphore(%arg12 : memref<!tpu.dma_semaphore, #tpu.memory_space<semaphore_mem>>)
    %scan3A_217 = arith.constant 0 : i32
    %scan3A_218 = arith.constant 0 : i32
    %scan3A_219 = arith.constant 16 : i32
    %scan3A_220 = arith.addi %scan3A_218, %scan3A_219 : i32
    %scan3A_221 = arith.constant 1 : i32
    scf.for %scan3A_307 = %scan3A_218 to %scan3A_220 step %scan3A_221  : i32 {
      %mul3A_308 = arith.constant 256 : i32
      %mul3A_309 = arith.muli %scan3A_307, %mul3A_308 : i32
      %multiple_of3A = tpu.assume_multiple %mul3A_309, 256 : i32
      %gather3A = tpu.memref_slice %arg7[%multiple_of3A] : memref<4096xf32, #tpu.memory_space<vmem>> -> memref<256xf32, #tpu.memory_space<vmem>>
      %gather3A_310 = tpu.vector_load_idx %gather3A[%add3A_8] : memref<256xf32, #tpu.memory_space<vmem>>[vector<16xi32>], vector<16xf32>,
      %gather3A_311 = tpu.memref_slice %arg7[%multiple_of3A] : memref<4096xf32, #tpu.memory_space<vmem>> -> memref<256xf32, #tpu.memory_space<vmem>>
      %gather3A_312 = tpu.vector_load_idx %gather3A_311[%add3A_11] : memref<256xf32, #tpu.memory_space<vmem>>[vector<16xi32>], vector<16xf32>,
      %gather3A_313 = tpu.memref_slice %arg7[%multiple_of3A] : memref<4096xf32, #tpu.memory_space<vmem>> -> memref<256xf32, #tpu.memory_space<vmem>>
      %gather3A_314 = tpu.vector_load_idx %gather3A_313[%add3A_14] : memref<256xf32, #tpu.memory_space<vmem>>[vector<16xi32>], vector<16xf32>,
      %gather3A_315 = tpu.memref_slice %arg7[%multiple_of3A] : memref<4096xf32, #tpu.memory_space<vmem>> -> memref<256xf32, #tpu.memory_space<vmem>>
      %gather3A_316 = tpu.vector_load_idx %gather3A_315[%add3A_17] : memref<256xf32, #tpu.memory_space<vmem>>[vector<16xi32>], vector<16xf32>,
      %gather3A_317 = tpu.memref_slice %arg7[%multiple_of3A] : memref<4096xf32, #tpu.memory_space<vmem>> -> memref<256xf32, #tpu.memory_space<vmem>>
      %gather3A_318 = tpu.vector_load_idx %gather3A_317[%add3A_20] : memref<256xf32, #tpu.memory_space<vmem>>[vector<16xi32>], vector<16xf32>,
      %gather3A_319 = tpu.memref_slice %arg7[%multiple_of3A] : memref<4096xf32, #tpu.memory_space<vmem>> -> memref<256xf32, #tpu.memory_space<vmem>>
      %gather3A_320 = tpu.vector_load_idx %gather3A_319[%add3A_23] : memref<256xf32, #tpu.memory_space<vmem>>[vector<16xi32>], vector<16xf32>,
      %gather3A_321 = tpu.memref_slice %arg7[%multiple_of3A] : memref<4096xf32, #tpu.memory_space<vmem>> -> memref<256xf32, #tpu.memory_space<vmem>>
      %gather3A_322 = tpu.vector_load_idx %gather3A_321[%add3A_26] : memref<256xf32, #tpu.memory_space<vmem>>[vector<16xi32>], vector<16xf32>,
      %gather3A_323 = tpu.memref_slice %arg7[%multiple_of3A] : memref<4096xf32, #tpu.memory_space<vmem>> -> memref<256xf32, #tpu.memory_space<vmem>>
      %gather3A_324 = tpu.vector_load_idx %gather3A_323[%add3A_29] : memref<256xf32, #tpu.memory_space<vmem>>[vector<16xi32>], vector<16xf32>,
      %gather3A_325 = tpu.memref_slice %arg7[%multiple_of3A] : memref<4096xf32, #tpu.memory_space<vmem>> -> memref<256xf32, #tpu.memory_space<vmem>>
      %gather3A_326 = tpu.vector_load_idx %gather3A_325[%add3A_32] : memref<256xf32, #tpu.memory_space<vmem>>[vector<16xi32>], vector<16xf32>,
      %gather3A_327 = tpu.memref_slice %arg7[%multiple_of3A] : memref<4096xf32, #tpu.memory_space<vmem>> -> memref<256xf32, #tpu.memory_space<vmem>>
      %gather3A_328 = tpu.vector_load_idx %gather3A_327[%add3A_35] : memref<256xf32, #tpu.memory_space<vmem>>[vector<16xi32>], vector<16xf32>,
      %gather3A_329 = tpu.memref_slice %arg7[%multiple_of3A] : memref<4096xf32, #tpu.memory_space<vmem>> -> memref<256xf32, #tpu.memory_space<vmem>>
      %gather3A_330 = tpu.vector_load_idx %gather3A_329[%add3A_38] : memref<256xf32, #tpu.memory_space<vmem>>[vector<16xi32>], vector<16xf32>,
      %gather3A_331 = tpu.memref_slice %arg7[%multiple_of3A] : memref<4096xf32, #tpu.memory_space<vmem>> -> memref<256xf32, #tpu.memory_space<vmem>>
      %gather3A_332 = tpu.vector_load_idx %gather3A_331[%add3A_41] : memref<256xf32, #tpu.memory_space<vmem>>[vector<16xi32>], vector<16xf32>,
      %gather3A_333 = tpu.memref_slice %arg7[%multiple_of3A] : memref<4096xf32, #tpu.memory_space<vmem>> -> memref<256xf32, #tpu.memory_space<vmem>>
      %gather3A_334 = tpu.vector_load_idx %gather3A_333[%add3A_44] : memref<256xf32, #tpu.memory_space<vmem>>[vector<16xi32>], vector<16xf32>,
      %gather3A_335 = tpu.memref_slice %arg7[%multiple_of3A] : memref<4096xf32, #tpu.memory_space<vmem>> -> memref<256xf32, #tpu.memory_space<vmem>>
      %gather3A_336 = tpu.vector_load_idx %gather3A_335[%add3A_47] : memref<256xf32, #tpu.memory_space<vmem>>[vector<16xi32>], vector<16xf32>,
      %gather3A_337 = tpu.memref_slice %arg7[%multiple_of3A] : memref<4096xf32, #tpu.memory_space<vmem>> -> memref<256xf32, #tpu.memory_space<vmem>>
      %gather3A_338 = tpu.vector_load_idx %gather3A_337[%add3A_50] : memref<256xf32, #tpu.memory_space<vmem>>[vector<16xi32>], vector<16xf32>,
      %gather3A_339 = tpu.memref_slice %arg7[%multiple_of3A] : memref<4096xf32, #tpu.memory_space<vmem>> -> memref<256xf32, #tpu.memory_space<vmem>>
      %gather3A_340 = tpu.vector_load_idx %gather3A_339[%add3A_53] : memref<256xf32, #tpu.memory_space<vmem>>[vector<16xi32>], vector<16xf32>,
      %mul3A_341 = arith.constant 16 : i32
      %mul3A_342 = arith.muli %scan3A_307, %mul3A_341 : i32
      %add3A_343 = arith.constant 2816 : i32
      %add3A_344 = arith.addi %add3A_343, %mul3A_342 : i32
      %swap3A = arith.index_cast %add3A_344 : i32 to index
      %swap3A_345 = tpu.vector_load %arg5[%swap3A] {strides = array<i32>} : memref<65536xf32, #tpu.memory_space<vmem>>, vector<16xf32>,
      tpu.vector_store %arg5[%swap3A], %gather3A_310 {strides = array<i32>} : memref<65536xf32, #tpu.memory_space<vmem>>, vector<16xf32>,
      %mul3A_346 = arith.constant 16 : i32
      %mul3A_347 = arith.muli %scan3A_307, %mul3A_346 : i32
      %add3A_348 = arith.constant 6912 : i32
      %add3A_349 = arith.addi %add3A_348, %mul3A_347 : i32
      %swap3A_350 = arith.index_cast %add3A_349 : i32 to index
      %swap3A_351 = tpu.vector_load %arg5[%swap3A_350] {strides = array<i32>} : memref<65536xf32, #tpu.memory_space<vmem>>, vector<16xf32>,
      tpu.vector_store %arg5[%swap3A_350], %gather3A_312 {strides = array<i32>} : memref<65536xf32, #tpu.memory_space<vmem>>, vector<16xf32>,
      %mul3A_352 = arith.constant 16 : i32
      %mul3A_353 = arith.muli %scan3A_307, %mul3A_352 : i32
      %add3A_354 = arith.constant 11008 : i32
      %add3A_355 = arith.addi %add3A_354, %mul3A_353 : i32
      %swap3A_356 = arith.index_cast %add3A_355 : i32 to index
      %swap3A_357 = tpu.vector_load %arg5[%swap3A_356] {strides = array<i32>} : memref<65536xf32, #tpu.memory_space<vmem>>, vector<16xf32>,
      tpu.vector_store %arg5[%swap3A_356], %gather3A_314 {strides = array<i32>} : memref<65536xf32, #tpu.memory_space<vmem>>, vector<16xf32>,
      %mul3A_358 = arith.constant 16 : i32
      %mul3A_359 = arith.muli %scan3A_307, %mul3A_358 : i32
      %add3A_360 = arith.constant 15104 : i32
      %add3A_361 = arith.addi %add3A_360, %mul3A_359 : i32
      %swap3A_362 = arith.index_cast %add3A_361 : i32 to index
      %swap3A_363 = tpu.vector_load %arg5[%swap3A_362] {strides = array<i32>} : memref<65536xf32, #tpu.memory_space<vmem>>, vector<16xf32>,
      tpu.vector_store %arg5[%swap3A_362], %gather3A_316 {strides = array<i32>} : memref<65536xf32, #tpu.memory_space<vmem>>, vector<16xf32>,
      %mul3A_364 = arith.constant 16 : i32
      %mul3A_365 = arith.muli %scan3A_307, %mul3A_364 : i32
      %add3A_366 = arith.constant 19200 : i32
      %add3A_367 = arith.addi %add3A_366, %mul3A_365 : i32
      %swap3A_368 = arith.index_cast %add3A_367 : i32 to index
      %swap3A_369 = tpu.vector_load %arg5[%swap3A_368] {strides = array<i32>} : memref<65536xf32, #tpu.memory_space<vmem>>, vector<16xf32>,
      tpu.vector_store %arg5[%swap3A_368], %gather3A_318 {strides = array<i32>} : memref<65536xf32, #tpu.memory_space<vmem>>, vector<16xf32>,
      %mul3A_370 = arith.constant 16 : i32
      %mul3A_371 = arith.muli %scan3A_307, %mul3A_370 : i32
      %add3A_372 = arith.constant 23296 : i32
      %add3A_373 = arith.addi %add3A_372, %mul3A_371 : i32
      %swap3A_374 = arith.index_cast %add3A_373 : i32 to index
      %swap3A_375 = tpu.vector_load %arg5[%swap3A_374] {strides = array<i32>} : memref<65536xf32, #tpu.memory_space<vmem>>, vector<16xf32>,
      tpu.vector_store %arg5[%swap3A_374], %gather3A_320 {strides = array<i32>} : memref<65536xf32, #tpu.memory_space<vmem>>, vector<16xf32>,
      %mul3A_376 = arith.constant 16 : i32
      %mul3A_377 = arith.muli %scan3A_307, %mul3A_376 : i32
      %add3A_378 = arith.constant 27392 : i32
      %add3A_379 = arith.addi %add3A_378, %mul3A_377 : i32
      %swap3A_380 = arith.index_cast %add3A_379 : i32 to index
      %swap3A_381 = tpu.vector_load %arg5[%swap3A_380] {strides = array<i32>} : memref<65536xf32, #tpu.memory_space<vmem>>, vector<16xf32>,
      tpu.vector_store %arg5[%swap3A_380], %gather3A_322 {strides = array<i32>} : memref<65536xf32, #tpu.memory_space<vmem>>, vector<16xf32>,
      %mul3A_382 = arith.constant 16 : i32
      %mul3A_383 = arith.muli %scan3A_307, %mul3A_382 : i32
      %add3A_384 = arith.constant 31488 : i32
      %add3A_385 = arith.addi %add3A_384, %mul3A_383 : i32
      %swap3A_386 = arith.index_cast %add3A_385 : i32 to index
      %swap3A_387 = tpu.vector_load %arg5[%swap3A_386] {strides = array<i32>} : memref<65536xf32, #tpu.memory_space<vmem>>, vector<16xf32>,
      tpu.vector_store %arg5[%swap3A_386], %gather3A_324 {strides = array<i32>} : memref<65536xf32, #tpu.memory_space<vmem>>, vector<16xf32>,
      %mul3A_388 = arith.constant 16 : i32
      %mul3A_389 = arith.muli %scan3A_307, %mul3A_388 : i32
      %add3A_390 = arith.constant 35584 : i32
      %add3A_391 = arith.addi %add3A_390, %mul3A_389 : i32
      %swap3A_392 = arith.index_cast %add3A_391 : i32 to index
      %swap3A_393 = tpu.vector_load %arg5[%swap3A_392] {strides = array<i32>} : memref<65536xf32, #tpu.memory_space<vmem>>, vector<16xf32>,
      tpu.vector_store %arg5[%swap3A_392], %gather3A_326 {strides = array<i32>} : memref<65536xf32, #tpu.memory_space<vmem>>, vector<16xf32>,
      %mul3A_394 = arith.constant 16 : i32
      %mul3A_395 = arith.muli %scan3A_307, %mul3A_394 : i32
      %add3A_396 = arith.constant 39680 : i32
      %add3A_397 = arith.addi %add3A_396, %mul3A_395 : i32
      %swap3A_398 = arith.index_cast %add3A_397 : i32 to index
      %swap3A_399 = tpu.vector_load %arg5[%swap3A_398] {strides = array<i32>} : memref<65536xf32, #tpu.memory_space<vmem>>, vector<16xf32>,
      tpu.vector_store %arg5[%swap3A_398], %gather3A_328 {strides = array<i32>} : memref<65536xf32, #tpu.memory_space<vmem>>, vector<16xf32>,
      %mul3A_400 = arith.constant 16 : i32
      %mul3A_401 = arith.muli %scan3A_307, %mul3A_400 : i32
      %add3A_402 = arith.constant 43776 : i32
      %add3A_403 = arith.addi %add3A_402, %mul3A_401 : i32
      %swap3A_404 = arith.index_cast %add3A_403 : i32 to index
      %swap3A_405 = tpu.vector_load %arg5[%swap3A_404] {strides = array<i32>} : memref<65536xf32, #tpu.memory_space<vmem>>, vector<16xf32>,
      tpu.vector_store %arg5[%swap3A_404], %gather3A_330 {strides = array<i32>} : memref<65536xf32, #tpu.memory_space<vmem>>, vector<16xf32>,
      %mul3A_406 = arith.constant 16 : i32
      %mul3A_407 = arith.muli %scan3A_307, %mul3A_406 : i32
      %add3A_408 = arith.constant 47872 : i32
      %add3A_409 = arith.addi %add3A_408, %mul3A_407 : i32
      %swap3A_410 = arith.index_cast %add3A_409 : i32 to index
      %swap3A_411 = tpu.vector_load %arg5[%swap3A_410] {strides = array<i32>} : memref<65536xf32, #tpu.memory_space<vmem>>, vector<16xf32>,
      tpu.vector_store %arg5[%swap3A_410], %gather3A_332 {strides = array<i32>} : memref<65536xf32, #tpu.memory_space<vmem>>, vector<16xf32>,
      %mul3A_412 = arith.constant 16 : i32
      %mul3A_413 = arith.muli %scan3A_307, %mul3A_412 : i32
      %add3A_414 = arith.constant 51968 : i32
      %add3A_415 = arith.addi %add3A_414, %mul3A_413 : i32
      %swap3A_416 = arith.index_cast %add3A_415 : i32 to index
      %swap3A_417 = tpu.vector_load %arg5[%swap3A_416] {strides = array<i32>} : memref<65536xf32, #tpu.memory_space<vmem>>, vector<16xf32>,
      tpu.vector_store %arg5[%swap3A_416], %gather3A_334 {strides = array<i32>} : memref<65536xf32, #tpu.memory_space<vmem>>, vector<16xf32>,
      %mul3A_418 = arith.constant 16 : i32
      %mul3A_419 = arith.muli %scan3A_307, %mul3A_418 : i32
      %add3A_420 = arith.constant 56064 : i32
      %add3A_421 = arith.addi %add3A_420, %mul3A_419 : i32
      %swap3A_422 = arith.index_cast %add3A_421 : i32 to index
      %swap3A_423 = tpu.vector_load %arg5[%swap3A_422] {strides = array<i32>} : memref<65536xf32, #tpu.memory_space<vmem>>, vector<16xf32>,
      tpu.vector_store %arg5[%swap3A_422], %gather3A_336 {strides = array<i32>} : memref<65536xf32, #tpu.memory_space<vmem>>, vector<16xf32>,
      %mul3A_424 = arith.constant 16 : i32
      %mul3A_425 = arith.muli %scan3A_307, %mul3A_424 : i32
      %add3A_426 = arith.constant 60160 : i32
      %add3A_427 = arith.addi %add3A_426, %mul3A_425 : i32
      %swap3A_428 = arith.index_cast %add3A_427 : i32 to index
      %swap3A_429 = tpu.vector_load %arg5[%swap3A_428] {strides = array<i32>} : memref<65536xf32, #tpu.memory_space<vmem>>, vector<16xf32>,
      tpu.vector_store %arg5[%swap3A_428], %gather3A_338 {strides = array<i32>} : memref<65536xf32, #tpu.memory_space<vmem>>, vector<16xf32>,
      %mul3A_430 = arith.constant 16 : i32
      %mul3A_431 = arith.muli %scan3A_307, %mul3A_430 : i32
      %add3A_432 = arith.constant 64256 : i32
      %add3A_433 = arith.addi %add3A_432, %mul3A_431 : i32
      %swap3A_434 = arith.index_cast %add3A_433 : i32 to index
      %swap3A_435 = tpu.vector_load %arg5[%swap3A_434] {strides = array<i32>} : memref<65536xf32, #tpu.memory_space<vmem>>, vector<16xf32>,
      tpu.vector_store %arg5[%swap3A_434], %gather3A_340 {strides = array<i32>} : memref<65536xf32, #tpu.memory_space<vmem>>, vector<16xf32>,
    }
    %scan3A_222 = arith.constant 16 : i32
    %dma_wait3A_223 = arith.constant 0 : i32
    %dma_wait3A_224 = tpu.memref_slice %arg2[%dma_wait3A_223] : memref<65536xf32, #tpu.memory_space<hbm>> -> memref<4096xf32, #tpu.memory_space<hbm>>
    %dma_wait3A_225 = arith.constant 0 : i32
    %dma_wait3A_226 = tpu.memref_slice %arg2[%dma_wait3A_225] : memref<65536xf32, #tpu.memory_space<hbm>> -> memref<4096xf32, #tpu.memory_space<hbm>>
    tpu.wait_dma2 semaphore(%arg12 : memref<!tpu.dma_semaphore, #tpu.memory_space<semaphore_mem>>) src(%dma_wait3A_226 : memref<4096xf32, #tpu.memory_space<hbm>>) dst(%arg6 : memref<4096xf32, #tpu.memory_space<vmem>>)
    %dma_start3A_227 = arith.constant 53248 : i32
    %dma_start3A_228 = tpu.memref_slice %arg2[%dma_start3A_227] : memref<65536xf32, #tpu.memory_space<hbm>> -> memref<4096xf32, #tpu.memory_space<hbm>>
    %dma_start3A_229 = arith.constant 53248 : i32
    %dma_start3A_230 = tpu.memref_slice %arg2[%dma_start3A_229] : memref<65536xf32, #tpu.memory_space<hbm>> -> memref<4096xf32, #tpu.memory_space<hbm>>
    tpu.enqueue_dma source(%dma_start3A_230 : memref<4096xf32, #tpu.memory_space<hbm>>) target(%arg7 : memref<4096xf32, #tpu.memory_space<vmem>>) target_semaphore(%arg12 : memref<!tpu.dma_semaphore, #tpu.memory_space<semaphore_mem>>)
    %scan3A_231 = arith.constant 0 : i32
    %scan3A_232 = arith.constant 0 : i32
    %scan3A_233 = arith.constant 16 : i32
    %scan3A_234 = arith.addi %scan3A_232, %scan3A_233 : i32
    %scan3A_235 = arith.constant 1 : i32
    scf.for %scan3A_307 = %scan3A_232 to %scan3A_234 step %scan3A_235  : i32 {
      %mul3A_308 = arith.constant 256 : i32
      %mul3A_309 = arith.muli %scan3A_307, %mul3A_308 : i32
      %multiple_of3A = tpu.assume_multiple %mul3A_309, 256 : i32
      %gather3A = tpu.memref_slice %arg6[%multiple_of3A] : memref<4096xf32, #tpu.memory_space<vmem>> -> memref<256xf32, #tpu.memory_space<vmem>>
      %gather3A_310 = tpu.vector_load_idx %gather3A[%add3A_8] : memref<256xf32, #tpu.memory_space<vmem>>[vector<16xi32>], vector<16xf32>,
      %gather3A_311 = tpu.memref_slice %arg6[%multiple_of3A] : memref<4096xf32, #tpu.memory_space<vmem>> -> memref<256xf32, #tpu.memory_space<vmem>>
      %gather3A_312 = tpu.vector_load_idx %gather3A_311[%add3A_11] : memref<256xf32, #tpu.memory_space<vmem>>[vector<16xi32>], vector<16xf32>,
      %gather3A_313 = tpu.memref_slice %arg6[%multiple_of3A] : memref<4096xf32, #tpu.memory_space<vmem>> -> memref<256xf32, #tpu.memory_space<vmem>>
      %gather3A_314 = tpu.vector_load_idx %gather3A_313[%add3A_14] : memref<256xf32, #tpu.memory_space<vmem>>[vector<16xi32>], vector<16xf32>,
      %gather3A_315 = tpu.memref_slice %arg6[%multiple_of3A] : memref<4096xf32, #tpu.memory_space<vmem>> -> memref<256xf32, #tpu.memory_space<vmem>>
      %gather3A_316 = tpu.vector_load_idx %gather3A_315[%add3A_17] : memref<256xf32, #tpu.memory_space<vmem>>[vector<16xi32>], vector<16xf32>,
      %gather3A_317 = tpu.memref_slice %arg6[%multiple_of3A] : memref<4096xf32, #tpu.memory_space<vmem>> -> memref<256xf32, #tpu.memory_space<vmem>>
      %gather3A_318 = tpu.vector_load_idx %gather3A_317[%add3A_20] : memref<256xf32, #tpu.memory_space<vmem>>[vector<16xi32>], vector<16xf32>,
      %gather3A_319 = tpu.memref_slice %arg6[%multiple_of3A] : memref<4096xf32, #tpu.memory_space<vmem>> -> memref<256xf32, #tpu.memory_space<vmem>>
      %gather3A_320 = tpu.vector_load_idx %gather3A_319[%add3A_23] : memref<256xf32, #tpu.memory_space<vmem>>[vector<16xi32>], vector<16xf32>,
      %gather3A_321 = tpu.memref_slice %arg6[%multiple_of3A] : memref<4096xf32, #tpu.memory_space<vmem>> -> memref<256xf32, #tpu.memory_space<vmem>>
      %gather3A_322 = tpu.vector_load_idx %gather3A_321[%add3A_26] : memref<256xf32, #tpu.memory_space<vmem>>[vector<16xi32>], vector<16xf32>,
      %gather3A_323 = tpu.memref_slice %arg6[%multiple_of3A] : memref<4096xf32, #tpu.memory_space<vmem>> -> memref<256xf32, #tpu.memory_space<vmem>>
      %gather3A_324 = tpu.vector_load_idx %gather3A_323[%add3A_29] : memref<256xf32, #tpu.memory_space<vmem>>[vector<16xi32>], vector<16xf32>,
      %gather3A_325 = tpu.memref_slice %arg6[%multiple_of3A] : memref<4096xf32, #tpu.memory_space<vmem>> -> memref<256xf32, #tpu.memory_space<vmem>>
      %gather3A_326 = tpu.vector_load_idx %gather3A_325[%add3A_32] : memref<256xf32, #tpu.memory_space<vmem>>[vector<16xi32>], vector<16xf32>,
      %gather3A_327 = tpu.memref_slice %arg6[%multiple_of3A] : memref<4096xf32, #tpu.memory_space<vmem>> -> memref<256xf32, #tpu.memory_space<vmem>>
      %gather3A_328 = tpu.vector_load_idx %gather3A_327[%add3A_35] : memref<256xf32, #tpu.memory_space<vmem>>[vector<16xi32>], vector<16xf32>,
      %gather3A_329 = tpu.memref_slice %arg6[%multiple_of3A] : memref<4096xf32, #tpu.memory_space<vmem>> -> memref<256xf32, #tpu.memory_space<vmem>>
      %gather3A_330 = tpu.vector_load_idx %gather3A_329[%add3A_38] : memref<256xf32, #tpu.memory_space<vmem>>[vector<16xi32>], vector<16xf32>,
      %gather3A_331 = tpu.memref_slice %arg6[%multiple_of3A] : memref<4096xf32, #tpu.memory_space<vmem>> -> memref<256xf32, #tpu.memory_space<vmem>>
      %gather3A_332 = tpu.vector_load_idx %gather3A_331[%add3A_41] : memref<256xf32, #tpu.memory_space<vmem>>[vector<16xi32>], vector<16xf32>,
      %gather3A_333 = tpu.memref_slice %arg6[%multiple_of3A] : memref<4096xf32, #tpu.memory_space<vmem>> -> memref<256xf32, #tpu.memory_space<vmem>>
      %gather3A_334 = tpu.vector_load_idx %gather3A_333[%add3A_44] : memref<256xf32, #tpu.memory_space<vmem>>[vector<16xi32>], vector<16xf32>,
      %gather3A_335 = tpu.memref_slice %arg6[%multiple_of3A] : memref<4096xf32, #tpu.memory_space<vmem>> -> memref<256xf32, #tpu.memory_space<vmem>>
      %gather3A_336 = tpu.vector_load_idx %gather3A_335[%add3A_47] : memref<256xf32, #tpu.memory_space<vmem>>[vector<16xi32>], vector<16xf32>,
      %gather3A_337 = tpu.memref_slice %arg6[%multiple_of3A] : memref<4096xf32, #tpu.memory_space<vmem>> -> memref<256xf32, #tpu.memory_space<vmem>>
      %gather3A_338 = tpu.vector_load_idx %gather3A_337[%add3A_50] : memref<256xf32, #tpu.memory_space<vmem>>[vector<16xi32>], vector<16xf32>,
      %gather3A_339 = tpu.memref_slice %arg6[%multiple_of3A] : memref<4096xf32, #tpu.memory_space<vmem>> -> memref<256xf32, #tpu.memory_space<vmem>>
      %gather3A_340 = tpu.vector_load_idx %gather3A_339[%add3A_53] : memref<256xf32, #tpu.memory_space<vmem>>[vector<16xi32>], vector<16xf32>,
      %mul3A_341 = arith.constant 16 : i32
      %mul3A_342 = arith.muli %scan3A_307, %mul3A_341 : i32
      %add3A_343 = arith.constant 3072 : i32
      %add3A_344 = arith.addi %add3A_343, %mul3A_342 : i32
      %swap3A = arith.index_cast %add3A_344 : i32 to index
      %swap3A_345 = tpu.vector_load %arg5[%swap3A] {strides = array<i32>} : memref<65536xf32, #tpu.memory_space<vmem>>, vector<16xf32>,
      tpu.vector_store %arg5[%swap3A], %gather3A_310 {strides = array<i32>} : memref<65536xf32, #tpu.memory_space<vmem>>, vector<16xf32>,
      %mul3A_346 = arith.constant 16 : i32
      %mul3A_347 = arith.muli %scan3A_307, %mul3A_346 : i32
      %add3A_348 = arith.constant 7168 : i32
      %add3A_349 = arith.addi %add3A_348, %mul3A_347 : i32
      %swap3A_350 = arith.index_cast %add3A_349 : i32 to index
      %swap3A_351 = tpu.vector_load %arg5[%swap3A_350] {strides = array<i32>} : memref<65536xf32, #tpu.memory_space<vmem>>, vector<16xf32>,
      tpu.vector_store %arg5[%swap3A_350], %gather3A_312 {strides = array<i32>} : memref<65536xf32, #tpu.memory_space<vmem>>, vector<16xf32>,
      %mul3A_352 = arith.constant 16 : i32
      %mul3A_353 = arith.muli %scan3A_307, %mul3A_352 : i32
      %add3A_354 = arith.constant 11264 : i32
      %add3A_355 = arith.addi %add3A_354, %mul3A_353 : i32
      %swap3A_356 = arith.index_cast %add3A_355 : i32 to index
      %swap3A_357 = tpu.vector_load %arg5[%swap3A_356] {strides = array<i32>} : memref<65536xf32, #tpu.memory_space<vmem>>, vector<16xf32>,
      tpu.vector_store %arg5[%swap3A_356], %gather3A_314 {strides = array<i32>} : memref<65536xf32, #tpu.memory_space<vmem>>, vector<16xf32>,
      %mul3A_358 = arith.constant 16 : i32
      %mul3A_359 = arith.muli %scan3A_307, %mul3A_358 : i32
      %add3A_360 = arith.constant 15360 : i32
      %add3A_361 = arith.addi %add3A_360, %mul3A_359 : i32
      %swap3A_362 = arith.index_cast %add3A_361 : i32 to index
      %swap3A_363 = tpu.vector_load %arg5[%swap3A_362] {strides = array<i32>} : memref<65536xf32, #tpu.memory_space<vmem>>, vector<16xf32>,
      tpu.vector_store %arg5[%swap3A_362], %gather3A_316 {strides = array<i32>} : memref<65536xf32, #tpu.memory_space<vmem>>, vector<16xf32>,
      %mul3A_364 = arith.constant 16 : i32
      %mul3A_365 = arith.muli %scan3A_307, %mul3A_364 : i32
      %add3A_366 = arith.constant 19456 : i32
      %add3A_367 = arith.addi %add3A_366, %mul3A_365 : i32
      %swap3A_368 = arith.index_cast %add3A_367 : i32 to index
      %swap3A_369 = tpu.vector_load %arg5[%swap3A_368] {strides = array<i32>} : memref<65536xf32, #tpu.memory_space<vmem>>, vector<16xf32>,
      tpu.vector_store %arg5[%swap3A_368], %gather3A_318 {strides = array<i32>} : memref<65536xf32, #tpu.memory_space<vmem>>, vector<16xf32>,
      %mul3A_370 = arith.constant 16 : i32
      %mul3A_371 = arith.muli %scan3A_307, %mul3A_370 : i32
      %add3A_372 = arith.constant 23552 : i32
      %add3A_373 = arith.addi %add3A_372, %mul3A_371 : i32
      %swap3A_374 = arith.index_cast %add3A_373 : i32 to index
      %swap3A_375 = tpu.vector_load %arg5[%swap3A_374] {strides = array<i32>} : memref<65536xf32, #tpu.memory_space<vmem>>, vector<16xf32>,
      tpu.vector_store %arg5[%swap3A_374], %gather3A_320 {strides = array<i32>} : memref<65536xf32, #tpu.memory_space<vmem>>, vector<16xf32>,
      %mul3A_376 = arith.constant 16 : i32
      %mul3A_377 = arith.muli %scan3A_307, %mul3A_376 : i32
      %add3A_378 = arith.constant 27648 : i32
      %add3A_379 = arith.addi %add3A_378, %mul3A_377 : i32
      %swap3A_380 = arith.index_cast %add3A_379 : i32 to index
      %swap3A_381 = tpu.vector_load %arg5[%swap3A_380] {strides = array<i32>} : memref<65536xf32, #tpu.memory_space<vmem>>, vector<16xf32>,
      tpu.vector_store %arg5[%swap3A_380], %gather3A_322 {strides = array<i32>} : memref<65536xf32, #tpu.memory_space<vmem>>, vector<16xf32>,
      %mul3A_382 = arith.constant 16 : i32
      %mul3A_383 = arith.muli %scan3A_307, %mul3A_382 : i32
      %add3A_384 = arith.constant 31744 : i32
      %add3A_385 = arith.addi %add3A_384, %mul3A_383 : i32
      %swap3A_386 = arith.index_cast %add3A_385 : i32 to index
      %swap3A_387 = tpu.vector_load %arg5[%swap3A_386] {strides = array<i32>} : memref<65536xf32, #tpu.memory_space<vmem>>, vector<16xf32>,
      tpu.vector_store %arg5[%swap3A_386], %gather3A_324 {strides = array<i32>} : memref<65536xf32, #tpu.memory_space<vmem>>, vector<16xf32>,
      %mul3A_388 = arith.constant 16 : i32
      %mul3A_389 = arith.muli %scan3A_307, %mul3A_388 : i32
      %add3A_390 = arith.constant 35840 : i32
      %add3A_391 = arith.addi %add3A_390, %mul3A_389 : i32
      %swap3A_392 = arith.index_cast %add3A_391 : i32 to index
      %swap3A_393 = tpu.vector_load %arg5[%swap3A_392] {strides = array<i32>} : memref<65536xf32, #tpu.memory_space<vmem>>, vector<16xf32>,
      tpu.vector_store %arg5[%swap3A_392], %gather3A_326 {strides = array<i32>} : memref<65536xf32, #tpu.memory_space<vmem>>, vector<16xf32>,
      %mul3A_394 = arith.constant 16 : i32
      %mul3A_395 = arith.muli %scan3A_307, %mul3A_394 : i32
      %add3A_396 = arith.constant 39936 : i32
      %add3A_397 = arith.addi %add3A_396, %mul3A_395 : i32
      %swap3A_398 = arith.index_cast %add3A_397 : i32 to index
      %swap3A_399 = tpu.vector_load %arg5[%swap3A_398] {strides = array<i32>} : memref<65536xf32, #tpu.memory_space<vmem>>, vector<16xf32>,
      tpu.vector_store %arg5[%swap3A_398], %gather3A_328 {strides = array<i32>} : memref<65536xf32, #tpu.memory_space<vmem>>, vector<16xf32>,
      %mul3A_400 = arith.constant 16 : i32
      %mul3A_401 = arith.muli %scan3A_307, %mul3A_400 : i32
      %add3A_402 = arith.constant 44032 : i32
      %add3A_403 = arith.addi %add3A_402, %mul3A_401 : i32
      %swap3A_404 = arith.index_cast %add3A_403 : i32 to index
      %swap3A_405 = tpu.vector_load %arg5[%swap3A_404] {strides = array<i32>} : memref<65536xf32, #tpu.memory_space<vmem>>, vector<16xf32>,
      tpu.vector_store %arg5[%swap3A_404], %gather3A_330 {strides = array<i32>} : memref<65536xf32, #tpu.memory_space<vmem>>, vector<16xf32>,
      %mul3A_406 = arith.constant 16 : i32
      %mul3A_407 = arith.muli %scan3A_307, %mul3A_406 : i32
      %add3A_408 = arith.constant 48128 : i32
      %add3A_409 = arith.addi %add3A_408, %mul3A_407 : i32
      %swap3A_410 = arith.index_cast %add3A_409 : i32 to index
      %swap3A_411 = tpu.vector_load %arg5[%swap3A_410] {strides = array<i32>} : memref<65536xf32, #tpu.memory_space<vmem>>, vector<16xf32>,
      tpu.vector_store %arg5[%swap3A_410], %gather3A_332 {strides = array<i32>} : memref<65536xf32, #tpu.memory_space<vmem>>, vector<16xf32>,
      %mul3A_412 = arith.constant 16 : i32
      %mul3A_413 = arith.muli %scan3A_307, %mul3A_412 : i32
      %add3A_414 = arith.constant 52224 : i32
      %add3A_415 = arith.addi %add3A_414, %mul3A_413 : i32
      %swap3A_416 = arith.index_cast %add3A_415 : i32 to index
      %swap3A_417 = tpu.vector_load %arg5[%swap3A_416] {strides = array<i32>} : memref<65536xf32, #tpu.memory_space<vmem>>, vector<16xf32>,
      tpu.vector_store %arg5[%swap3A_416], %gather3A_334 {strides = array<i32>} : memref<65536xf32, #tpu.memory_space<vmem>>, vector<16xf32>,
      %mul3A_418 = arith.constant 16 : i32
      %mul3A_419 = arith.muli %scan3A_307, %mul3A_418 : i32
      %add3A_420 = arith.constant 56320 : i32
      %add3A_421 = arith.addi %add3A_420, %mul3A_419 : i32
      %swap3A_422 = arith.index_cast %add3A_421 : i32 to index
      %swap3A_423 = tpu.vector_load %arg5[%swap3A_422] {strides = array<i32>} : memref<65536xf32, #tpu.memory_space<vmem>>, vector<16xf32>,
      tpu.vector_store %arg5[%swap3A_422], %gather3A_336 {strides = array<i32>} : memref<65536xf32, #tpu.memory_space<vmem>>, vector<16xf32>,
      %mul3A_424 = arith.constant 16 : i32
      %mul3A_425 = arith.muli %scan3A_307, %mul3A_424 : i32
      %add3A_426 = arith.constant 60416 : i32
      %add3A_427 = arith.addi %add3A_426, %mul3A_425 : i32
      %swap3A_428 = arith.index_cast %add3A_427 : i32 to index
      %swap3A_429 = tpu.vector_load %arg5[%swap3A_428] {strides = array<i32>} : memref<65536xf32, #tpu.memory_space<vmem>>, vector<16xf32>,
      tpu.vector_store %arg5[%swap3A_428], %gather3A_338 {strides = array<i32>} : memref<65536xf32, #tpu.memory_space<vmem>>, vector<16xf32>,
      %mul3A_430 = arith.constant 16 : i32
      %mul3A_431 = arith.muli %scan3A_307, %mul3A_430 : i32
      %add3A_432 = arith.constant 64512 : i32
      %add3A_433 = arith.addi %add3A_432, %mul3A_431 : i32
      %swap3A_434 = arith.index_cast %add3A_433 : i32 to index
      %swap3A_435 = tpu.vector_load %arg5[%swap3A_434] {strides = array<i32>} : memref<65536xf32, #tpu.memory_space<vmem>>, vector<16xf32>,
      tpu.vector_store %arg5[%swap3A_434], %gather3A_340 {strides = array<i32>} : memref<65536xf32, #tpu.memory_space<vmem>>, vector<16xf32>,
    }
    %scan3A_236 = arith.constant 16 : i32
    %dma_wait3A_237 = arith.constant 0 : i32
    %dma_wait3A_238 = tpu.memref_slice %arg2[%dma_wait3A_237] : memref<65536xf32, #tpu.memory_space<hbm>> -> memref<4096xf32, #tpu.memory_space<hbm>>
    %dma_wait3A_239 = arith.constant 0 : i32
    %dma_wait3A_240 = tpu.memref_slice %arg2[%dma_wait3A_239] : memref<65536xf32, #tpu.memory_space<hbm>> -> memref<4096xf32, #tpu.memory_space<hbm>>
    tpu.wait_dma2 semaphore(%arg12 : memref<!tpu.dma_semaphore, #tpu.memory_space<semaphore_mem>>) src(%dma_wait3A_240 : memref<4096xf32, #tpu.memory_space<hbm>>) dst(%arg7 : memref<4096xf32, #tpu.memory_space<vmem>>)
    %dma_start3A_241 = arith.constant 57344 : i32
    %dma_start3A_242 = tpu.memref_slice %arg2[%dma_start3A_241] : memref<65536xf32, #tpu.memory_space<hbm>> -> memref<4096xf32, #tpu.memory_space<hbm>>
    %dma_start3A_243 = arith.constant 57344 : i32
    %dma_start3A_244 = tpu.memref_slice %arg2[%dma_start3A_243] : memref<65536xf32, #tpu.memory_space<hbm>> -> memref<4096xf32, #tpu.memory_space<hbm>>
    tpu.enqueue_dma source(%dma_start3A_244 : memref<4096xf32, #tpu.memory_space<hbm>>) target(%arg6 : memref<4096xf32, #tpu.memory_space<vmem>>) target_semaphore(%arg12 : memref<!tpu.dma_semaphore, #tpu.memory_space<semaphore_mem>>)
    %scan3A_245 = arith.constant 0 : i32
    %scan3A_246 = arith.constant 0 : i32
    %scan3A_247 = arith.constant 16 : i32
    %scan3A_248 = arith.addi %scan3A_246, %scan3A_247 : i32
    %scan3A_249 = arith.constant 1 : i32
    scf.for %scan3A_307 = %scan3A_246 to %scan3A_248 step %scan3A_249  : i32 {
      %mul3A_308 = arith.constant 256 : i32
      %mul3A_309 = arith.muli %scan3A_307, %mul3A_308 : i32
      %multiple_of3A = tpu.assume_multiple %mul3A_309, 256 : i32
      %gather3A = tpu.memref_slice %arg7[%multiple_of3A] : memref<4096xf32, #tpu.memory_space<vmem>> -> memref<256xf32, #tpu.memory_space<vmem>>
      %gather3A_310 = tpu.vector_load_idx %gather3A[%add3A_8] : memref<256xf32, #tpu.memory_space<vmem>>[vector<16xi32>], vector<16xf32>,
      %gather3A_311 = tpu.memref_slice %arg7[%multiple_of3A] : memref<4096xf32, #tpu.memory_space<vmem>> -> memref<256xf32, #tpu.memory_space<vmem>>
      %gather3A_312 = tpu.vector_load_idx %gather3A_311[%add3A_11] : memref<256xf32, #tpu.memory_space<vmem>>[vector<16xi32>], vector<16xf32>,
      %gather3A_313 = tpu.memref_slice %arg7[%multiple_of3A] : memref<4096xf32, #tpu.memory_space<vmem>> -> memref<256xf32, #tpu.memory_space<vmem>>
      %gather3A_314 = tpu.vector_load_idx %gather3A_313[%add3A_14] : memref<256xf32, #tpu.memory_space<vmem>>[vector<16xi32>], vector<16xf32>,
      %gather3A_315 = tpu.memref_slice %arg7[%multiple_of3A] : memref<4096xf32, #tpu.memory_space<vmem>> -> memref<256xf32, #tpu.memory_space<vmem>>
      %gather3A_316 = tpu.vector_load_idx %gather3A_315[%add3A_17] : memref<256xf32, #tpu.memory_space<vmem>>[vector<16xi32>], vector<16xf32>,
      %gather3A_317 = tpu.memref_slice %arg7[%multiple_of3A] : memref<4096xf32, #tpu.memory_space<vmem>> -> memref<256xf32, #tpu.memory_space<vmem>>
      %gather3A_318 = tpu.vector_load_idx %gather3A_317[%add3A_20] : memref<256xf32, #tpu.memory_space<vmem>>[vector<16xi32>], vector<16xf32>,
      %gather3A_319 = tpu.memref_slice %arg7[%multiple_of3A] : memref<4096xf32, #tpu.memory_space<vmem>> -> memref<256xf32, #tpu.memory_space<vmem>>
      %gather3A_320 = tpu.vector_load_idx %gather3A_319[%add3A_23] : memref<256xf32, #tpu.memory_space<vmem>>[vector<16xi32>], vector<16xf32>,
      %gather3A_321 = tpu.memref_slice %arg7[%multiple_of3A] : memref<4096xf32, #tpu.memory_space<vmem>> -> memref<256xf32, #tpu.memory_space<vmem>>
      %gather3A_322 = tpu.vector_load_idx %gather3A_321[%add3A_26] : memref<256xf32, #tpu.memory_space<vmem>>[vector<16xi32>], vector<16xf32>,
      %gather3A_323 = tpu.memref_slice %arg7[%multiple_of3A] : memref<4096xf32, #tpu.memory_space<vmem>> -> memref<256xf32, #tpu.memory_space<vmem>>
      %gather3A_324 = tpu.vector_load_idx %gather3A_323[%add3A_29] : memref<256xf32, #tpu.memory_space<vmem>>[vector<16xi32>], vector<16xf32>,
      %gather3A_325 = tpu.memref_slice %arg7[%multiple_of3A] : memref<4096xf32, #tpu.memory_space<vmem>> -> memref<256xf32, #tpu.memory_space<vmem>>
      %gather3A_326 = tpu.vector_load_idx %gather3A_325[%add3A_32] : memref<256xf32, #tpu.memory_space<vmem>>[vector<16xi32>], vector<16xf32>,
      %gather3A_327 = tpu.memref_slice %arg7[%multiple_of3A] : memref<4096xf32, #tpu.memory_space<vmem>> -> memref<256xf32, #tpu.memory_space<vmem>>
      %gather3A_328 = tpu.vector_load_idx %gather3A_327[%add3A_35] : memref<256xf32, #tpu.memory_space<vmem>>[vector<16xi32>], vector<16xf32>,
      %gather3A_329 = tpu.memref_slice %arg7[%multiple_of3A] : memref<4096xf32, #tpu.memory_space<vmem>> -> memref<256xf32, #tpu.memory_space<vmem>>
      %gather3A_330 = tpu.vector_load_idx %gather3A_329[%add3A_38] : memref<256xf32, #tpu.memory_space<vmem>>[vector<16xi32>], vector<16xf32>,
      %gather3A_331 = tpu.memref_slice %arg7[%multiple_of3A] : memref<4096xf32, #tpu.memory_space<vmem>> -> memref<256xf32, #tpu.memory_space<vmem>>
      %gather3A_332 = tpu.vector_load_idx %gather3A_331[%add3A_41] : memref<256xf32, #tpu.memory_space<vmem>>[vector<16xi32>], vector<16xf32>,
      %gather3A_333 = tpu.memref_slice %arg7[%multiple_of3A] : memref<4096xf32, #tpu.memory_space<vmem>> -> memref<256xf32, #tpu.memory_space<vmem>>
      %gather3A_334 = tpu.vector_load_idx %gather3A_333[%add3A_44] : memref<256xf32, #tpu.memory_space<vmem>>[vector<16xi32>], vector<16xf32>,
      %gather3A_335 = tpu.memref_slice %arg7[%multiple_of3A] : memref<4096xf32, #tpu.memory_space<vmem>> -> memref<256xf32, #tpu.memory_space<vmem>>
      %gather3A_336 = tpu.vector_load_idx %gather3A_335[%add3A_47] : memref<256xf32, #tpu.memory_space<vmem>>[vector<16xi32>], vector<16xf32>,
      %gather3A_337 = tpu.memref_slice %arg7[%multiple_of3A] : memref<4096xf32, #tpu.memory_space<vmem>> -> memref<256xf32, #tpu.memory_space<vmem>>
      %gather3A_338 = tpu.vector_load_idx %gather3A_337[%add3A_50] : memref<256xf32, #tpu.memory_space<vmem>>[vector<16xi32>], vector<16xf32>,
      %gather3A_339 = tpu.memref_slice %arg7[%multiple_of3A] : memref<4096xf32, #tpu.memory_space<vmem>> -> memref<256xf32, #tpu.memory_space<vmem>>
      %gather3A_340 = tpu.vector_load_idx %gather3A_339[%add3A_53] : memref<256xf32, #tpu.memory_space<vmem>>[vector<16xi32>], vector<16xf32>,
      %mul3A_341 = arith.constant 16 : i32
      %mul3A_342 = arith.muli %scan3A_307, %mul3A_341 : i32
      %add3A_343 = arith.constant 3328 : i32
      %add3A_344 = arith.addi %add3A_343, %mul3A_342 : i32
      %swap3A = arith.index_cast %add3A_344 : i32 to index
      %swap3A_345 = tpu.vector_load %arg5[%swap3A] {strides = array<i32>} : memref<65536xf32, #tpu.memory_space<vmem>>, vector<16xf32>,
      tpu.vector_store %arg5[%swap3A], %gather3A_310 {strides = array<i32>} : memref<65536xf32, #tpu.memory_space<vmem>>, vector<16xf32>,
      %mul3A_346 = arith.constant 16 : i32
      %mul3A_347 = arith.muli %scan3A_307, %mul3A_346 : i32
      %add3A_348 = arith.constant 7424 : i32
      %add3A_349 = arith.addi %add3A_348, %mul3A_347 : i32
      %swap3A_350 = arith.index_cast %add3A_349 : i32 to index
      %swap3A_351 = tpu.vector_load %arg5[%swap3A_350] {strides = array<i32>} : memref<65536xf32, #tpu.memory_space<vmem>>, vector<16xf32>,
      tpu.vector_store %arg5[%swap3A_350], %gather3A_312 {strides = array<i32>} : memref<65536xf32, #tpu.memory_space<vmem>>, vector<16xf32>,
      %mul3A_352 = arith.constant 16 : i32
      %mul3A_353 = arith.muli %scan3A_307, %mul3A_352 : i32
      %add3A_354 = arith.constant 11520 : i32
      %add3A_355 = arith.addi %add3A_354, %mul3A_353 : i32
      %swap3A_356 = arith.index_cast %add3A_355 : i32 to index
      %swap3A_357 = tpu.vector_load %arg5[%swap3A_356] {strides = array<i32>} : memref<65536xf32, #tpu.memory_space<vmem>>, vector<16xf32>,
      tpu.vector_store %arg5[%swap3A_356], %gather3A_314 {strides = array<i32>} : memref<65536xf32, #tpu.memory_space<vmem>>, vector<16xf32>,
      %mul3A_358 = arith.constant 16 : i32
      %mul3A_359 = arith.muli %scan3A_307, %mul3A_358 : i32
      %add3A_360 = arith.constant 15616 : i32
      %add3A_361 = arith.addi %add3A_360, %mul3A_359 : i32
      %swap3A_362 = arith.index_cast %add3A_361 : i32 to index
      %swap3A_363 = tpu.vector_load %arg5[%swap3A_362] {strides = array<i32>} : memref<65536xf32, #tpu.memory_space<vmem>>, vector<16xf32>,
      tpu.vector_store %arg5[%swap3A_362], %gather3A_316 {strides = array<i32>} : memref<65536xf32, #tpu.memory_space<vmem>>, vector<16xf32>,
      %mul3A_364 = arith.constant 16 : i32
      %mul3A_365 = arith.muli %scan3A_307, %mul3A_364 : i32
      %add3A_366 = arith.constant 19712 : i32
      %add3A_367 = arith.addi %add3A_366, %mul3A_365 : i32
      %swap3A_368 = arith.index_cast %add3A_367 : i32 to index
      %swap3A_369 = tpu.vector_load %arg5[%swap3A_368] {strides = array<i32>} : memref<65536xf32, #tpu.memory_space<vmem>>, vector<16xf32>,
      tpu.vector_store %arg5[%swap3A_368], %gather3A_318 {strides = array<i32>} : memref<65536xf32, #tpu.memory_space<vmem>>, vector<16xf32>,
      %mul3A_370 = arith.constant 16 : i32
      %mul3A_371 = arith.muli %scan3A_307, %mul3A_370 : i32
      %add3A_372 = arith.constant 23808 : i32
      %add3A_373 = arith.addi %add3A_372, %mul3A_371 : i32
      %swap3A_374 = arith.index_cast %add3A_373 : i32 to index
      %swap3A_375 = tpu.vector_load %arg5[%swap3A_374] {strides = array<i32>} : memref<65536xf32, #tpu.memory_space<vmem>>, vector<16xf32>,
      tpu.vector_store %arg5[%swap3A_374], %gather3A_320 {strides = array<i32>} : memref<65536xf32, #tpu.memory_space<vmem>>, vector<16xf32>,
      %mul3A_376 = arith.constant 16 : i32
      %mul3A_377 = arith.muli %scan3A_307, %mul3A_376 : i32
      %add3A_378 = arith.constant 27904 : i32
      %add3A_379 = arith.addi %add3A_378, %mul3A_377 : i32
      %swap3A_380 = arith.index_cast %add3A_379 : i32 to index
      %swap3A_381 = tpu.vector_load %arg5[%swap3A_380] {strides = array<i32>} : memref<65536xf32, #tpu.memory_space<vmem>>, vector<16xf32>,
      tpu.vector_store %arg5[%swap3A_380], %gather3A_322 {strides = array<i32>} : memref<65536xf32, #tpu.memory_space<vmem>>, vector<16xf32>,
      %mul3A_382 = arith.constant 16 : i32
      %mul3A_383 = arith.muli %scan3A_307, %mul3A_382 : i32
      %add3A_384 = arith.constant 32000 : i32
      %add3A_385 = arith.addi %add3A_384, %mul3A_383 : i32
      %swap3A_386 = arith.index_cast %add3A_385 : i32 to index
      %swap3A_387 = tpu.vector_load %arg5[%swap3A_386] {strides = array<i32>} : memref<65536xf32, #tpu.memory_space<vmem>>, vector<16xf32>,
      tpu.vector_store %arg5[%swap3A_386], %gather3A_324 {strides = array<i32>} : memref<65536xf32, #tpu.memory_space<vmem>>, vector<16xf32>,
      %mul3A_388 = arith.constant 16 : i32
      %mul3A_389 = arith.muli %scan3A_307, %mul3A_388 : i32
      %add3A_390 = arith.constant 36096 : i32
      %add3A_391 = arith.addi %add3A_390, %mul3A_389 : i32
      %swap3A_392 = arith.index_cast %add3A_391 : i32 to index
      %swap3A_393 = tpu.vector_load %arg5[%swap3A_392] {strides = array<i32>} : memref<65536xf32, #tpu.memory_space<vmem>>, vector<16xf32>,
      tpu.vector_store %arg5[%swap3A_392], %gather3A_326 {strides = array<i32>} : memref<65536xf32, #tpu.memory_space<vmem>>, vector<16xf32>,
      %mul3A_394 = arith.constant 16 : i32
      %mul3A_395 = arith.muli %scan3A_307, %mul3A_394 : i32
      %add3A_396 = arith.constant 40192 : i32
      %add3A_397 = arith.addi %add3A_396, %mul3A_395 : i32
      %swap3A_398 = arith.index_cast %add3A_397 : i32 to index
      %swap3A_399 = tpu.vector_load %arg5[%swap3A_398] {strides = array<i32>} : memref<65536xf32, #tpu.memory_space<vmem>>, vector<16xf32>,
      tpu.vector_store %arg5[%swap3A_398], %gather3A_328 {strides = array<i32>} : memref<65536xf32, #tpu.memory_space<vmem>>, vector<16xf32>,
      %mul3A_400 = arith.constant 16 : i32
      %mul3A_401 = arith.muli %scan3A_307, %mul3A_400 : i32
      %add3A_402 = arith.constant 44288 : i32
      %add3A_403 = arith.addi %add3A_402, %mul3A_401 : i32
      %swap3A_404 = arith.index_cast %add3A_403 : i32 to index
      %swap3A_405 = tpu.vector_load %arg5[%swap3A_404] {strides = array<i32>} : memref<65536xf32, #tpu.memory_space<vmem>>, vector<16xf32>,
      tpu.vector_store %arg5[%swap3A_404], %gather3A_330 {strides = array<i32>} : memref<65536xf32, #tpu.memory_space<vmem>>, vector<16xf32>,
      %mul3A_406 = arith.constant 16 : i32
      %mul3A_407 = arith.muli %scan3A_307, %mul3A_406 : i32
      %add3A_408 = arith.constant 48384 : i32
      %add3A_409 = arith.addi %add3A_408, %mul3A_407 : i32
      %swap3A_410 = arith.index_cast %add3A_409 : i32 to index
      %swap3A_411 = tpu.vector_load %arg5[%swap3A_410] {strides = array<i32>} : memref<65536xf32, #tpu.memory_space<vmem>>, vector<16xf32>,
      tpu.vector_store %arg5[%swap3A_410], %gather3A_332 {strides = array<i32>} : memref<65536xf32, #tpu.memory_space<vmem>>, vector<16xf32>,
      %mul3A_412 = arith.constant 16 : i32
      %mul3A_413 = arith.muli %scan3A_307, %mul3A_412 : i32
      %add3A_414 = arith.constant 52480 : i32
      %add3A_415 = arith.addi %add3A_414, %mul3A_413 : i32
      %swap3A_416 = arith.index_cast %add3A_415 : i32 to index
      %swap3A_417 = tpu.vector_load %arg5[%swap3A_416] {strides = array<i32>} : memref<65536xf32, #tpu.memory_space<vmem>>, vector<16xf32>,
      tpu.vector_store %arg5[%swap3A_416], %gather3A_334 {strides = array<i32>} : memref<65536xf32, #tpu.memory_space<vmem>>, vector<16xf32>,
      %mul3A_418 = arith.constant 16 : i32
      %mul3A_419 = arith.muli %scan3A_307, %mul3A_418 : i32
      %add3A_420 = arith.constant 56576 : i32
      %add3A_421 = arith.addi %add3A_420, %mul3A_419 : i32
      %swap3A_422 = arith.index_cast %add3A_421 : i32 to index
      %swap3A_423 = tpu.vector_load %arg5[%swap3A_422] {strides = array<i32>} : memref<65536xf32, #tpu.memory_space<vmem>>, vector<16xf32>,
      tpu.vector_store %arg5[%swap3A_422], %gather3A_336 {strides = array<i32>} : memref<65536xf32, #tpu.memory_space<vmem>>, vector<16xf32>,
      %mul3A_424 = arith.constant 16 : i32
      %mul3A_425 = arith.muli %scan3A_307, %mul3A_424 : i32
      %add3A_426 = arith.constant 60672 : i32
      %add3A_427 = arith.addi %add3A_426, %mul3A_425 : i32
      %swap3A_428 = arith.index_cast %add3A_427 : i32 to index
      %swap3A_429 = tpu.vector_load %arg5[%swap3A_428] {strides = array<i32>} : memref<65536xf32, #tpu.memory_space<vmem>>, vector<16xf32>,
      tpu.vector_store %arg5[%swap3A_428], %gather3A_338 {strides = array<i32>} : memref<65536xf32, #tpu.memory_space<vmem>>, vector<16xf32>,
      %mul3A_430 = arith.constant 16 : i32
      %mul3A_431 = arith.muli %scan3A_307, %mul3A_430 : i32
      %add3A_432 = arith.constant 64768 : i32
      %add3A_433 = arith.addi %add3A_432, %mul3A_431 : i32
      %swap3A_434 = arith.index_cast %add3A_433 : i32 to index
      %swap3A_435 = tpu.vector_load %arg5[%swap3A_434] {strides = array<i32>} : memref<65536xf32, #tpu.memory_space<vmem>>, vector<16xf32>,
      tpu.vector_store %arg5[%swap3A_434], %gather3A_340 {strides = array<i32>} : memref<65536xf32, #tpu.memory_space<vmem>>, vector<16xf32>,
    }
    %scan3A_250 = arith.constant 16 : i32
    %dma_wait3A_251 = arith.constant 0 : i32
    %dma_wait3A_252 = tpu.memref_slice %arg2[%dma_wait3A_251] : memref<65536xf32, #tpu.memory_space<hbm>> -> memref<4096xf32, #tpu.memory_space<hbm>>
    %dma_wait3A_253 = arith.constant 0 : i32
    %dma_wait3A_254 = tpu.memref_slice %arg2[%dma_wait3A_253] : memref<65536xf32, #tpu.memory_space<hbm>> -> memref<4096xf32, #tpu.memory_space<hbm>>
    tpu.wait_dma2 semaphore(%arg12 : memref<!tpu.dma_semaphore, #tpu.memory_space<semaphore_mem>>) src(%dma_wait3A_254 : memref<4096xf32, #tpu.memory_space<hbm>>) dst(%arg6 : memref<4096xf32, #tpu.memory_space<vmem>>)
    %dma_start3A_255 = arith.constant 61440 : i32
    %dma_start3A_256 = tpu.memref_slice %arg2[%dma_start3A_255] : memref<65536xf32, #tpu.memory_space<hbm>> -> memref<4096xf32, #tpu.memory_space<hbm>>
    %dma_start3A_257 = arith.constant 61440 : i32
    %dma_start3A_258 = tpu.memref_slice %arg2[%dma_start3A_257] : memref<65536xf32, #tpu.memory_space<hbm>> -> memref<4096xf32, #tpu.memory_space<hbm>>
    tpu.enqueue_dma source(%dma_start3A_258 : memref<4096xf32, #tpu.memory_space<hbm>>) target(%arg7 : memref<4096xf32, #tpu.memory_space<vmem>>) target_semaphore(%arg12 : memref<!tpu.dma_semaphore, #tpu.memory_space<semaphore_mem>>)
    %scan3A_259 = arith.constant 0 : i32
    %scan3A_260 = arith.constant 0 : i32
    %scan3A_261 = arith.constant 16 : i32
    %scan3A_262 = arith.addi %scan3A_260, %scan3A_261 : i32
    %scan3A_263 = arith.constant 1 : i32
    scf.for %scan3A_307 = %scan3A_260 to %scan3A_262 step %scan3A_263  : i32 {
      %mul3A_308 = arith.constant 256 : i32
      %mul3A_309 = arith.muli %scan3A_307, %mul3A_308 : i32
      %multiple_of3A = tpu.assume_multiple %mul3A_309, 256 : i32
      %gather3A = tpu.memref_slice %arg6[%multiple_of3A] : memref<4096xf32, #tpu.memory_space<vmem>> -> memref<256xf32, #tpu.memory_space<vmem>>
      %gather3A_310 = tpu.vector_load_idx %gather3A[%add3A_8] : memref<256xf32, #tpu.memory_space<vmem>>[vector<16xi32>], vector<16xf32>,
      %gather3A_311 = tpu.memref_slice %arg6[%multiple_of3A] : memref<4096xf32, #tpu.memory_space<vmem>> -> memref<256xf32, #tpu.memory_space<vmem>>
      %gather3A_312 = tpu.vector_load_idx %gather3A_311[%add3A_11] : memref<256xf32, #tpu.memory_space<vmem>>[vector<16xi32>], vector<16xf32>,
      %gather3A_313 = tpu.memref_slice %arg6[%multiple_of3A] : memref<4096xf32, #tpu.memory_space<vmem>> -> memref<256xf32, #tpu.memory_space<vmem>>
      %gather3A_314 = tpu.vector_load_idx %gather3A_313[%add3A_14] : memref<256xf32, #tpu.memory_space<vmem>>[vector<16xi32>], vector<16xf32>,
      %gather3A_315 = tpu.memref_slice %arg6[%multiple_of3A] : memref<4096xf32, #tpu.memory_space<vmem>> -> memref<256xf32, #tpu.memory_space<vmem>>
      %gather3A_316 = tpu.vector_load_idx %gather3A_315[%add3A_17] : memref<256xf32, #tpu.memory_space<vmem>>[vector<16xi32>], vector<16xf32>,
      %gather3A_317 = tpu.memref_slice %arg6[%multiple_of3A] : memref<4096xf32, #tpu.memory_space<vmem>> -> memref<256xf32, #tpu.memory_space<vmem>>
      %gather3A_318 = tpu.vector_load_idx %gather3A_317[%add3A_20] : memref<256xf32, #tpu.memory_space<vmem>>[vector<16xi32>], vector<16xf32>,
      %gather3A_319 = tpu.memref_slice %arg6[%multiple_of3A] : memref<4096xf32, #tpu.memory_space<vmem>> -> memref<256xf32, #tpu.memory_space<vmem>>
      %gather3A_320 = tpu.vector_load_idx %gather3A_319[%add3A_23] : memref<256xf32, #tpu.memory_space<vmem>>[vector<16xi32>], vector<16xf32>,
      %gather3A_321 = tpu.memref_slice %arg6[%multiple_of3A] : memref<4096xf32, #tpu.memory_space<vmem>> -> memref<256xf32, #tpu.memory_space<vmem>>
      %gather3A_322 = tpu.vector_load_idx %gather3A_321[%add3A_26] : memref<256xf32, #tpu.memory_space<vmem>>[vector<16xi32>], vector<16xf32>,
      %gather3A_323 = tpu.memref_slice %arg6[%multiple_of3A] : memref<4096xf32, #tpu.memory_space<vmem>> -> memref<256xf32, #tpu.memory_space<vmem>>
      %gather3A_324 = tpu.vector_load_idx %gather3A_323[%add3A_29] : memref<256xf32, #tpu.memory_space<vmem>>[vector<16xi32>], vector<16xf32>,
      %gather3A_325 = tpu.memref_slice %arg6[%multiple_of3A] : memref<4096xf32, #tpu.memory_space<vmem>> -> memref<256xf32, #tpu.memory_space<vmem>>
      %gather3A_326 = tpu.vector_load_idx %gather3A_325[%add3A_32] : memref<256xf32, #tpu.memory_space<vmem>>[vector<16xi32>], vector<16xf32>,
      %gather3A_327 = tpu.memref_slice %arg6[%multiple_of3A] : memref<4096xf32, #tpu.memory_space<vmem>> -> memref<256xf32, #tpu.memory_space<vmem>>
      %gather3A_328 = tpu.vector_load_idx %gather3A_327[%add3A_35] : memref<256xf32, #tpu.memory_space<vmem>>[vector<16xi32>], vector<16xf32>,
      %gather3A_329 = tpu.memref_slice %arg6[%multiple_of3A] : memref<4096xf32, #tpu.memory_space<vmem>> -> memref<256xf32, #tpu.memory_space<vmem>>
      %gather3A_330 = tpu.vector_load_idx %gather3A_329[%add3A_38] : memref<256xf32, #tpu.memory_space<vmem>>[vector<16xi32>], vector<16xf32>,
      %gather3A_331 = tpu.memref_slice %arg6[%multiple_of3A] : memref<4096xf32, #tpu.memory_space<vmem>> -> memref<256xf32, #tpu.memory_space<vmem>>
      %gather3A_332 = tpu.vector_load_idx %gather3A_331[%add3A_41] : memref<256xf32, #tpu.memory_space<vmem>>[vector<16xi32>], vector<16xf32>,
      %gather3A_333 = tpu.memref_slice %arg6[%multiple_of3A] : memref<4096xf32, #tpu.memory_space<vmem>> -> memref<256xf32, #tpu.memory_space<vmem>>
      %gather3A_334 = tpu.vector_load_idx %gather3A_333[%add3A_44] : memref<256xf32, #tpu.memory_space<vmem>>[vector<16xi32>], vector<16xf32>,
      %gather3A_335 = tpu.memref_slice %arg6[%multiple_of3A] : memref<4096xf32, #tpu.memory_space<vmem>> -> memref<256xf32, #tpu.memory_space<vmem>>
      %gather3A_336 = tpu.vector_load_idx %gather3A_335[%add3A_47] : memref<256xf32, #tpu.memory_space<vmem>>[vector<16xi32>], vector<16xf32>,
      %gather3A_337 = tpu.memref_slice %arg6[%multiple_of3A] : memref<4096xf32, #tpu.memory_space<vmem>> -> memref<256xf32, #tpu.memory_space<vmem>>
      %gather3A_338 = tpu.vector_load_idx %gather3A_337[%add3A_50] : memref<256xf32, #tpu.memory_space<vmem>>[vector<16xi32>], vector<16xf32>,
      %gather3A_339 = tpu.memref_slice %arg6[%multiple_of3A] : memref<4096xf32, #tpu.memory_space<vmem>> -> memref<256xf32, #tpu.memory_space<vmem>>
      %gather3A_340 = tpu.vector_load_idx %gather3A_339[%add3A_53] : memref<256xf32, #tpu.memory_space<vmem>>[vector<16xi32>], vector<16xf32>,
      %mul3A_341 = arith.constant 16 : i32
      %mul3A_342 = arith.muli %scan3A_307, %mul3A_341 : i32
      %add3A_343 = arith.constant 3584 : i32
      %add3A_344 = arith.addi %add3A_343, %mul3A_342 : i32
      %swap3A = arith.index_cast %add3A_344 : i32 to index
      %swap3A_345 = tpu.vector_load %arg5[%swap3A] {strides = array<i32>} : memref<65536xf32, #tpu.memory_space<vmem>>, vector<16xf32>,
      tpu.vector_store %arg5[%swap3A], %gather3A_310 {strides = array<i32>} : memref<65536xf32, #tpu.memory_space<vmem>>, vector<16xf32>,
      %mul3A_346 = arith.constant 16 : i32
      %mul3A_347 = arith.muli %scan3A_307, %mul3A_346 : i32
      %add3A_348 = arith.constant 7680 : i32
      %add3A_349 = arith.addi %add3A_348, %mul3A_347 : i32
      %swap3A_350 = arith.index_cast %add3A_349 : i32 to index
      %swap3A_351 = tpu.vector_load %arg5[%swap3A_350] {strides = array<i32>} : memref<65536xf32, #tpu.memory_space<vmem>>, vector<16xf32>,
      tpu.vector_store %arg5[%swap3A_350], %gather3A_312 {strides = array<i32>} : memref<65536xf32, #tpu.memory_space<vmem>>, vector<16xf32>,
      %mul3A_352 = arith.constant 16 : i32
      %mul3A_353 = arith.muli %scan3A_307, %mul3A_352 : i32
      %add3A_354 = arith.constant 11776 : i32
      %add3A_355 = arith.addi %add3A_354, %mul3A_353 : i32
      %swap3A_356 = arith.index_cast %add3A_355 : i32 to index
      %swap3A_357 = tpu.vector_load %arg5[%swap3A_356] {strides = array<i32>} : memref<65536xf32, #tpu.memory_space<vmem>>, vector<16xf32>,
      tpu.vector_store %arg5[%swap3A_356], %gather3A_314 {strides = array<i32>} : memref<65536xf32, #tpu.memory_space<vmem>>, vector<16xf32>,
      %mul3A_358 = arith.constant 16 : i32
      %mul3A_359 = arith.muli %scan3A_307, %mul3A_358 : i32
      %add3A_360 = arith.constant 15872 : i32
      %add3A_361 = arith.addi %add3A_360, %mul3A_359 : i32
      %swap3A_362 = arith.index_cast %add3A_361 : i32 to index
      %swap3A_363 = tpu.vector_load %arg5[%swap3A_362] {strides = array<i32>} : memref<65536xf32, #tpu.memory_space<vmem>>, vector<16xf32>,
      tpu.vector_store %arg5[%swap3A_362], %gather3A_316 {strides = array<i32>} : memref<65536xf32, #tpu.memory_space<vmem>>, vector<16xf32>,
      %mul3A_364 = arith.constant 16 : i32
      %mul3A_365 = arith.muli %scan3A_307, %mul3A_364 : i32
      %add3A_366 = arith.constant 19968 : i32
      %add3A_367 = arith.addi %add3A_366, %mul3A_365 : i32
      %swap3A_368 = arith.index_cast %add3A_367 : i32 to index
      %swap3A_369 = tpu.vector_load %arg5[%swap3A_368] {strides = array<i32>} : memref<65536xf32, #tpu.memory_space<vmem>>, vector<16xf32>,
      tpu.vector_store %arg5[%swap3A_368], %gather3A_318 {strides = array<i32>} : memref<65536xf32, #tpu.memory_space<vmem>>, vector<16xf32>,
      %mul3A_370 = arith.constant 16 : i32
      %mul3A_371 = arith.muli %scan3A_307, %mul3A_370 : i32
      %add3A_372 = arith.constant 24064 : i32
      %add3A_373 = arith.addi %add3A_372, %mul3A_371 : i32
      %swap3A_374 = arith.index_cast %add3A_373 : i32 to index
      %swap3A_375 = tpu.vector_load %arg5[%swap3A_374] {strides = array<i32>} : memref<65536xf32, #tpu.memory_space<vmem>>, vector<16xf32>,
      tpu.vector_store %arg5[%swap3A_374], %gather3A_320 {strides = array<i32>} : memref<65536xf32, #tpu.memory_space<vmem>>, vector<16xf32>,
      %mul3A_376 = arith.constant 16 : i32
      %mul3A_377 = arith.muli %scan3A_307, %mul3A_376 : i32
      %add3A_378 = arith.constant 28160 : i32
      %add3A_379 = arith.addi %add3A_378, %mul3A_377 : i32
      %swap3A_380 = arith.index_cast %add3A_379 : i32 to index
      %swap3A_381 = tpu.vector_load %arg5[%swap3A_380] {strides = array<i32>} : memref<65536xf32, #tpu.memory_space<vmem>>, vector<16xf32>,
      tpu.vector_store %arg5[%swap3A_380], %gather3A_322 {strides = array<i32>} : memref<65536xf32, #tpu.memory_space<vmem>>, vector<16xf32>,
      %mul3A_382 = arith.constant 16 : i32
      %mul3A_383 = arith.muli %scan3A_307, %mul3A_382 : i32
      %add3A_384 = arith.constant 32256 : i32
      %add3A_385 = arith.addi %add3A_384, %mul3A_383 : i32
      %swap3A_386 = arith.index_cast %add3A_385 : i32 to index
      %swap3A_387 = tpu.vector_load %arg5[%swap3A_386] {strides = array<i32>} : memref<65536xf32, #tpu.memory_space<vmem>>, vector<16xf32>,
      tpu.vector_store %arg5[%swap3A_386], %gather3A_324 {strides = array<i32>} : memref<65536xf32, #tpu.memory_space<vmem>>, vector<16xf32>,
      %mul3A_388 = arith.constant 16 : i32
      %mul3A_389 = arith.muli %scan3A_307, %mul3A_388 : i32
      %add3A_390 = arith.constant 36352 : i32
      %add3A_391 = arith.addi %add3A_390, %mul3A_389 : i32
      %swap3A_392 = arith.index_cast %add3A_391 : i32 to index
      %swap3A_393 = tpu.vector_load %arg5[%swap3A_392] {strides = array<i32>} : memref<65536xf32, #tpu.memory_space<vmem>>, vector<16xf32>,
      tpu.vector_store %arg5[%swap3A_392], %gather3A_326 {strides = array<i32>} : memref<65536xf32, #tpu.memory_space<vmem>>, vector<16xf32>,
      %mul3A_394 = arith.constant 16 : i32
      %mul3A_395 = arith.muli %scan3A_307, %mul3A_394 : i32
      %add3A_396 = arith.constant 40448 : i32
      %add3A_397 = arith.addi %add3A_396, %mul3A_395 : i32
      %swap3A_398 = arith.index_cast %add3A_397 : i32 to index
      %swap3A_399 = tpu.vector_load %arg5[%swap3A_398] {strides = array<i32>} : memref<65536xf32, #tpu.memory_space<vmem>>, vector<16xf32>,
      tpu.vector_store %arg5[%swap3A_398], %gather3A_328 {strides = array<i32>} : memref<65536xf32, #tpu.memory_space<vmem>>, vector<16xf32>,
      %mul3A_400 = arith.constant 16 : i32
      %mul3A_401 = arith.muli %scan3A_307, %mul3A_400 : i32
      %add3A_402 = arith.constant 44544 : i32
      %add3A_403 = arith.addi %add3A_402, %mul3A_401 : i32
      %swap3A_404 = arith.index_cast %add3A_403 : i32 to index
      %swap3A_405 = tpu.vector_load %arg5[%swap3A_404] {strides = array<i32>} : memref<65536xf32, #tpu.memory_space<vmem>>, vector<16xf32>,
      tpu.vector_store %arg5[%swap3A_404], %gather3A_330 {strides = array<i32>} : memref<65536xf32, #tpu.memory_space<vmem>>, vector<16xf32>,
      %mul3A_406 = arith.constant 16 : i32
      %mul3A_407 = arith.muli %scan3A_307, %mul3A_406 : i32
      %add3A_408 = arith.constant 48640 : i32
      %add3A_409 = arith.addi %add3A_408, %mul3A_407 : i32
      %swap3A_410 = arith.index_cast %add3A_409 : i32 to index
      %swap3A_411 = tpu.vector_load %arg5[%swap3A_410] {strides = array<i32>} : memref<65536xf32, #tpu.memory_space<vmem>>, vector<16xf32>,
      tpu.vector_store %arg5[%swap3A_410], %gather3A_332 {strides = array<i32>} : memref<65536xf32, #tpu.memory_space<vmem>>, vector<16xf32>,
      %mul3A_412 = arith.constant 16 : i32
      %mul3A_413 = arith.muli %scan3A_307, %mul3A_412 : i32
      %add3A_414 = arith.constant 52736 : i32
      %add3A_415 = arith.addi %add3A_414, %mul3A_413 : i32
      %swap3A_416 = arith.index_cast %add3A_415 : i32 to index
      %swap3A_417 = tpu.vector_load %arg5[%swap3A_416] {strides = array<i32>} : memref<65536xf32, #tpu.memory_space<vmem>>, vector<16xf32>,
      tpu.vector_store %arg5[%swap3A_416], %gather3A_334 {strides = array<i32>} : memref<65536xf32, #tpu.memory_space<vmem>>, vector<16xf32>,
      %mul3A_418 = arith.constant 16 : i32
      %mul3A_419 = arith.muli %scan3A_307, %mul3A_418 : i32
      %add3A_420 = arith.constant 56832 : i32
      %add3A_421 = arith.addi %add3A_420, %mul3A_419 : i32
      %swap3A_422 = arith.index_cast %add3A_421 : i32 to index
      %swap3A_423 = tpu.vector_load %arg5[%swap3A_422] {strides = array<i32>} : memref<65536xf32, #tpu.memory_space<vmem>>, vector<16xf32>,
      tpu.vector_store %arg5[%swap3A_422], %gather3A_336 {strides = array<i32>} : memref<65536xf32, #tpu.memory_space<vmem>>, vector<16xf32>,
      %mul3A_424 = arith.constant 16 : i32
      %mul3A_425 = arith.muli %scan3A_307, %mul3A_424 : i32
      %add3A_426 = arith.constant 60928 : i32
      %add3A_427 = arith.addi %add3A_426, %mul3A_425 : i32
      %swap3A_428 = arith.index_cast %add3A_427 : i32 to index
      %swap3A_429 = tpu.vector_load %arg5[%swap3A_428] {strides = array<i32>} : memref<65536xf32, #tpu.memory_space<vmem>>, vector<16xf32>,
      tpu.vector_store %arg5[%swap3A_428], %gather3A_338 {strides = array<i32>} : memref<65536xf32, #tpu.memory_space<vmem>>, vector<16xf32>,
      %mul3A_430 = arith.constant 16 : i32
      %mul3A_431 = arith.muli %scan3A_307, %mul3A_430 : i32
      %add3A_432 = arith.constant 65024 : i32
      %add3A_433 = arith.addi %add3A_432, %mul3A_431 : i32
      %swap3A_434 = arith.index_cast %add3A_433 : i32 to index
      %swap3A_435 = tpu.vector_load %arg5[%swap3A_434] {strides = array<i32>} : memref<65536xf32, #tpu.memory_space<vmem>>, vector<16xf32>,
      tpu.vector_store %arg5[%swap3A_434], %gather3A_340 {strides = array<i32>} : memref<65536xf32, #tpu.memory_space<vmem>>, vector<16xf32>,
    }
    %scan3A_264 = arith.constant 16 : i32
    %dma_wait3A_265 = arith.constant 0 : i32
    %dma_wait3A_266 = tpu.memref_slice %arg2[%dma_wait3A_265] : memref<65536xf32, #tpu.memory_space<hbm>> -> memref<4096xf32, #tpu.memory_space<hbm>>
    %dma_wait3A_267 = arith.constant 0 : i32
    %dma_wait3A_268 = tpu.memref_slice %arg2[%dma_wait3A_267] : memref<65536xf32, #tpu.memory_space<hbm>> -> memref<4096xf32, #tpu.memory_space<hbm>>
    tpu.wait_dma2 semaphore(%arg12 : memref<!tpu.dma_semaphore, #tpu.memory_space<semaphore_mem>>) src(%dma_wait3A_268 : memref<4096xf32, #tpu.memory_space<hbm>>) dst(%arg7 : memref<4096xf32, #tpu.memory_space<vmem>>)
    %scan3A_269 = arith.constant 0 : i32
    %scan3A_270 = arith.constant 0 : i32
    %scan3A_271 = arith.constant 16 : i32
    %scan3A_272 = arith.addi %scan3A_270, %scan3A_271 : i32
    %scan3A_273 = arith.constant 1 : i32
    scf.for %scan3A_307 = %scan3A_270 to %scan3A_272 step %scan3A_273  : i32 {
      %mul3A_308 = arith.constant 256 : i32
      %mul3A_309 = arith.muli %scan3A_307, %mul3A_308 : i32
      %multiple_of3A = tpu.assume_multiple %mul3A_309, 256 : i32
      %gather3A = tpu.memref_slice %arg7[%multiple_of3A] : memref<4096xf32, #tpu.memory_space<vmem>> -> memref<256xf32, #tpu.memory_space<vmem>>
      %gather3A_310 = tpu.vector_load_idx %gather3A[%add3A_8] : memref<256xf32, #tpu.memory_space<vmem>>[vector<16xi32>], vector<16xf32>,
      %gather3A_311 = tpu.memref_slice %arg7[%multiple_of3A] : memref<4096xf32, #tpu.memory_space<vmem>> -> memref<256xf32, #tpu.memory_space<vmem>>
      %gather3A_312 = tpu.vector_load_idx %gather3A_311[%add3A_11] : memref<256xf32, #tpu.memory_space<vmem>>[vector<16xi32>], vector<16xf32>,
      %gather3A_313 = tpu.memref_slice %arg7[%multiple_of3A] : memref<4096xf32, #tpu.memory_space<vmem>> -> memref<256xf32, #tpu.memory_space<vmem>>
      %gather3A_314 = tpu.vector_load_idx %gather3A_313[%add3A_14] : memref<256xf32, #tpu.memory_space<vmem>>[vector<16xi32>], vector<16xf32>,
      %gather3A_315 = tpu.memref_slice %arg7[%multiple_of3A] : memref<4096xf32, #tpu.memory_space<vmem>> -> memref<256xf32, #tpu.memory_space<vmem>>
      %gather3A_316 = tpu.vector_load_idx %gather3A_315[%add3A_17] : memref<256xf32, #tpu.memory_space<vmem>>[vector<16xi32>], vector<16xf32>,
      %gather3A_317 = tpu.memref_slice %arg7[%multiple_of3A] : memref<4096xf32, #tpu.memory_space<vmem>> -> memref<256xf32, #tpu.memory_space<vmem>>
      %gather3A_318 = tpu.vector_load_idx %gather3A_317[%add3A_20] : memref<256xf32, #tpu.memory_space<vmem>>[vector<16xi32>], vector<16xf32>,
      %gather3A_319 = tpu.memref_slice %arg7[%multiple_of3A] : memref<4096xf32, #tpu.memory_space<vmem>> -> memref<256xf32, #tpu.memory_space<vmem>>
      %gather3A_320 = tpu.vector_load_idx %gather3A_319[%add3A_23] : memref<256xf32, #tpu.memory_space<vmem>>[vector<16xi32>], vector<16xf32>,
      %gather3A_321 = tpu.memref_slice %arg7[%multiple_of3A] : memref<4096xf32, #tpu.memory_space<vmem>> -> memref<256xf32, #tpu.memory_space<vmem>>
      %gather3A_322 = tpu.vector_load_idx %gather3A_321[%add3A_26] : memref<256xf32, #tpu.memory_space<vmem>>[vector<16xi32>], vector<16xf32>,
      %gather3A_323 = tpu.memref_slice %arg7[%multiple_of3A] : memref<4096xf32, #tpu.memory_space<vmem>> -> memref<256xf32, #tpu.memory_space<vmem>>
      %gather3A_324 = tpu.vector_load_idx %gather3A_323[%add3A_29] : memref<256xf32, #tpu.memory_space<vmem>>[vector<16xi32>], vector<16xf32>,
      %gather3A_325 = tpu.memref_slice %arg7[%multiple_of3A] : memref<4096xf32, #tpu.memory_space<vmem>> -> memref<256xf32, #tpu.memory_space<vmem>>
      %gather3A_326 = tpu.vector_load_idx %gather3A_325[%add3A_32] : memref<256xf32, #tpu.memory_space<vmem>>[vector<16xi32>], vector<16xf32>,
      %gather3A_327 = tpu.memref_slice %arg7[%multiple_of3A] : memref<4096xf32, #tpu.memory_space<vmem>> -> memref<256xf32, #tpu.memory_space<vmem>>
      %gather3A_328 = tpu.vector_load_idx %gather3A_327[%add3A_35] : memref<256xf32, #tpu.memory_space<vmem>>[vector<16xi32>], vector<16xf32>,
      %gather3A_329 = tpu.memref_slice %arg7[%multiple_of3A] : memref<4096xf32, #tpu.memory_space<vmem>> -> memref<256xf32, #tpu.memory_space<vmem>>
      %gather3A_330 = tpu.vector_load_idx %gather3A_329[%add3A_38] : memref<256xf32, #tpu.memory_space<vmem>>[vector<16xi32>], vector<16xf32>,
      %gather3A_331 = tpu.memref_slice %arg7[%multiple_of3A] : memref<4096xf32, #tpu.memory_space<vmem>> -> memref<256xf32, #tpu.memory_space<vmem>>
      %gather3A_332 = tpu.vector_load_idx %gather3A_331[%add3A_41] : memref<256xf32, #tpu.memory_space<vmem>>[vector<16xi32>], vector<16xf32>,
      %gather3A_333 = tpu.memref_slice %arg7[%multiple_of3A] : memref<4096xf32, #tpu.memory_space<vmem>> -> memref<256xf32, #tpu.memory_space<vmem>>
      %gather3A_334 = tpu.vector_load_idx %gather3A_333[%add3A_44] : memref<256xf32, #tpu.memory_space<vmem>>[vector<16xi32>], vector<16xf32>,
      %gather3A_335 = tpu.memref_slice %arg7[%multiple_of3A] : memref<4096xf32, #tpu.memory_space<vmem>> -> memref<256xf32, #tpu.memory_space<vmem>>
      %gather3A_336 = tpu.vector_load_idx %gather3A_335[%add3A_47] : memref<256xf32, #tpu.memory_space<vmem>>[vector<16xi32>], vector<16xf32>,
      %gather3A_337 = tpu.memref_slice %arg7[%multiple_of3A] : memref<4096xf32, #tpu.memory_space<vmem>> -> memref<256xf32, #tpu.memory_space<vmem>>
      %gather3A_338 = tpu.vector_load_idx %gather3A_337[%add3A_50] : memref<256xf32, #tpu.memory_space<vmem>>[vector<16xi32>], vector<16xf32>,
      %gather3A_339 = tpu.memref_slice %arg7[%multiple_of3A] : memref<4096xf32, #tpu.memory_space<vmem>> -> memref<256xf32, #tpu.memory_space<vmem>>
      %gather3A_340 = tpu.vector_load_idx %gather3A_339[%add3A_53] : memref<256xf32, #tpu.memory_space<vmem>>[vector<16xi32>], vector<16xf32>,
      %mul3A_341 = arith.constant 16 : i32
      %mul3A_342 = arith.muli %scan3A_307, %mul3A_341 : i32
      %add3A_343 = arith.constant 3840 : i32
      %add3A_344 = arith.addi %add3A_343, %mul3A_342 : i32
      %swap3A = arith.index_cast %add3A_344 : i32 to index
      %swap3A_345 = tpu.vector_load %arg5[%swap3A] {strides = array<i32>} : memref<65536xf32, #tpu.memory_space<vmem>>, vector<16xf32>,
      tpu.vector_store %arg5[%swap3A], %gather3A_310 {strides = array<i32>} : memref<65536xf32, #tpu.memory_space<vmem>>, vector<16xf32>,
      %mul3A_346 = arith.constant 16 : i32
      %mul3A_347 = arith.muli %scan3A_307, %mul3A_346 : i32
      %add3A_348 = arith.constant 7936 : i32
      %add3A_349 = arith.addi %add3A_348, %mul3A_347 : i32
      %swap3A_350 = arith.index_cast %add3A_349 : i32 to index
      %swap3A_351 = tpu.vector_load %arg5[%swap3A_350] {strides = array<i32>} : memref<65536xf32, #tpu.memory_space<vmem>>, vector<16xf32>,
      tpu.vector_store %arg5[%swap3A_350], %gather3A_312 {strides = array<i32>} : memref<65536xf32, #tpu.memory_space<vmem>>, vector<16xf32>,
      %mul3A_352 = arith.constant 16 : i32
      %mul3A_353 = arith.muli %scan3A_307, %mul3A_352 : i32
      %add3A_354 = arith.constant 12032 : i32
      %add3A_355 = arith.addi %add3A_354, %mul3A_353 : i32
      %swap3A_356 = arith.index_cast %add3A_355 : i32 to index
      %swap3A_357 = tpu.vector_load %arg5[%swap3A_356] {strides = array<i32>} : memref<65536xf32, #tpu.memory_space<vmem>>, vector<16xf32>,
      tpu.vector_store %arg5[%swap3A_356], %gather3A_314 {strides = array<i32>} : memref<65536xf32, #tpu.memory_space<vmem>>, vector<16xf32>,
      %mul3A_358 = arith.constant 16 : i32
      %mul3A_359 = arith.muli %scan3A_307, %mul3A_358 : i32
      %add3A_360 = arith.constant 16128 : i32
      %add3A_361 = arith.addi %add3A_360, %mul3A_359 : i32
      %swap3A_362 = arith.index_cast %add3A_361 : i32 to index
      %swap3A_363 = tpu.vector_load %arg5[%swap3A_362] {strides = array<i32>} : memref<65536xf32, #tpu.memory_space<vmem>>, vector<16xf32>,
      tpu.vector_store %arg5[%swap3A_362], %gather3A_316 {strides = array<i32>} : memref<65536xf32, #tpu.memory_space<vmem>>, vector<16xf32>,
      %mul3A_364 = arith.constant 16 : i32
      %mul3A_365 = arith.muli %scan3A_307, %mul3A_364 : i32
      %add3A_366 = arith.constant 20224 : i32
      %add3A_367 = arith.addi %add3A_366, %mul3A_365 : i32
      %swap3A_368 = arith.index_cast %add3A_367 : i32 to index
      %swap3A_369 = tpu.vector_load %arg5[%swap3A_368] {strides = array<i32>} : memref<65536xf32, #tpu.memory_space<vmem>>, vector<16xf32>,
      tpu.vector_store %arg5[%swap3A_368], %gather3A_318 {strides = array<i32>} : memref<65536xf32, #tpu.memory_space<vmem>>, vector<16xf32>,
      %mul3A_370 = arith.constant 16 : i32
      %mul3A_371 = arith.muli %scan3A_307, %mul3A_370 : i32
      %add3A_372 = arith.constant 24320 : i32
      %add3A_373 = arith.addi %add3A_372, %mul3A_371 : i32
      %swap3A_374 = arith.index_cast %add3A_373 : i32 to index
      %swap3A_375 = tpu.vector_load %arg5[%swap3A_374] {strides = array<i32>} : memref<65536xf32, #tpu.memory_space<vmem>>, vector<16xf32>,
      tpu.vector_store %arg5[%swap3A_374], %gather3A_320 {strides = array<i32>} : memref<65536xf32, #tpu.memory_space<vmem>>, vector<16xf32>,
      %mul3A_376 = arith.constant 16 : i32
      %mul3A_377 = arith.muli %scan3A_307, %mul3A_376 : i32
      %add3A_378 = arith.constant 28416 : i32
      %add3A_379 = arith.addi %add3A_378, %mul3A_377 : i32
      %swap3A_380 = arith.index_cast %add3A_379 : i32 to index
      %swap3A_381 = tpu.vector_load %arg5[%swap3A_380] {strides = array<i32>} : memref<65536xf32, #tpu.memory_space<vmem>>, vector<16xf32>,
      tpu.vector_store %arg5[%swap3A_380], %gather3A_322 {strides = array<i32>} : memref<65536xf32, #tpu.memory_space<vmem>>, vector<16xf32>,
      %mul3A_382 = arith.constant 16 : i32
      %mul3A_383 = arith.muli %scan3A_307, %mul3A_382 : i32
      %add3A_384 = arith.constant 32512 : i32
      %add3A_385 = arith.addi %add3A_384, %mul3A_383 : i32
      %swap3A_386 = arith.index_cast %add3A_385 : i32 to index
      %swap3A_387 = tpu.vector_load %arg5[%swap3A_386] {strides = array<i32>} : memref<65536xf32, #tpu.memory_space<vmem>>, vector<16xf32>,
      tpu.vector_store %arg5[%swap3A_386], %gather3A_324 {strides = array<i32>} : memref<65536xf32, #tpu.memory_space<vmem>>, vector<16xf32>,
      %mul3A_388 = arith.constant 16 : i32
      %mul3A_389 = arith.muli %scan3A_307, %mul3A_388 : i32
      %add3A_390 = arith.constant 36608 : i32
      %add3A_391 = arith.addi %add3A_390, %mul3A_389 : i32
      %swap3A_392 = arith.index_cast %add3A_391 : i32 to index
      %swap3A_393 = tpu.vector_load %arg5[%swap3A_392] {strides = array<i32>} : memref<65536xf32, #tpu.memory_space<vmem>>, vector<16xf32>,
      tpu.vector_store %arg5[%swap3A_392], %gather3A_326 {strides = array<i32>} : memref<65536xf32, #tpu.memory_space<vmem>>, vector<16xf32>,
      %mul3A_394 = arith.constant 16 : i32
      %mul3A_395 = arith.muli %scan3A_307, %mul3A_394 : i32
      %add3A_396 = arith.constant 40704 : i32
      %add3A_397 = arith.addi %add3A_396, %mul3A_395 : i32
      %swap3A_398 = arith.index_cast %add3A_397 : i32 to index
      %swap3A_399 = tpu.vector_load %arg5[%swap3A_398] {strides = array<i32>} : memref<65536xf32, #tpu.memory_space<vmem>>, vector<16xf32>,
      tpu.vector_store %arg5[%swap3A_398], %gather3A_328 {strides = array<i32>} : memref<65536xf32, #tpu.memory_space<vmem>>, vector<16xf32>,
      %mul3A_400 = arith.constant 16 : i32
      %mul3A_401 = arith.muli %scan3A_307, %mul3A_400 : i32
      %add3A_402 = arith.constant 44800 : i32
      %add3A_403 = arith.addi %add3A_402, %mul3A_401 : i32
      %swap3A_404 = arith.index_cast %add3A_403 : i32 to index
      %swap3A_405 = tpu.vector_load %arg5[%swap3A_404] {strides = array<i32>} : memref<65536xf32, #tpu.memory_space<vmem>>, vector<16xf32>,
      tpu.vector_store %arg5[%swap3A_404], %gather3A_330 {strides = array<i32>} : memref<65536xf32, #tpu.memory_space<vmem>>, vector<16xf32>,
      %mul3A_406 = arith.constant 16 : i32
      %mul3A_407 = arith.muli %scan3A_307, %mul3A_406 : i32
      %add3A_408 = arith.constant 48896 : i32
      %add3A_409 = arith.addi %add3A_408, %mul3A_407 : i32
      %swap3A_410 = arith.index_cast %add3A_409 : i32 to index
      %swap3A_411 = tpu.vector_load %arg5[%swap3A_410] {strides = array<i32>} : memref<65536xf32, #tpu.memory_space<vmem>>, vector<16xf32>,
      tpu.vector_store %arg5[%swap3A_410], %gather3A_332 {strides = array<i32>} : memref<65536xf32, #tpu.memory_space<vmem>>, vector<16xf32>,
      %mul3A_412 = arith.constant 16 : i32
      %mul3A_413 = arith.muli %scan3A_307, %mul3A_412 : i32
      %add3A_414 = arith.constant 52992 : i32
      %add3A_415 = arith.addi %add3A_414, %mul3A_413 : i32
      %swap3A_416 = arith.index_cast %add3A_415 : i32 to index
      %swap3A_417 = tpu.vector_load %arg5[%swap3A_416] {strides = array<i32>} : memref<65536xf32, #tpu.memory_space<vmem>>, vector<16xf32>,
      tpu.vector_store %arg5[%swap3A_416], %gather3A_334 {strides = array<i32>} : memref<65536xf32, #tpu.memory_space<vmem>>, vector<16xf32>,
      %mul3A_418 = arith.constant 16 : i32
      %mul3A_419 = arith.muli %scan3A_307, %mul3A_418 : i32
      %add3A_420 = arith.constant 57088 : i32
      %add3A_421 = arith.addi %add3A_420, %mul3A_419 : i32
      %swap3A_422 = arith.index_cast %add3A_421 : i32 to index
      %swap3A_423 = tpu.vector_load %arg5[%swap3A_422] {strides = array<i32>} : memref<65536xf32, #tpu.memory_space<vmem>>, vector<16xf32>,
      tpu.vector_store %arg5[%swap3A_422], %gather3A_336 {strides = array<i32>} : memref<65536xf32, #tpu.memory_space<vmem>>, vector<16xf32>,
      %mul3A_424 = arith.constant 16 : i32
      %mul3A_425 = arith.muli %scan3A_307, %mul3A_424 : i32
      %add3A_426 = arith.constant 61184 : i32
      %add3A_427 = arith.addi %add3A_426, %mul3A_425 : i32
      %swap3A_428 = arith.index_cast %add3A_427 : i32 to index
      %swap3A_429 = tpu.vector_load %arg5[%swap3A_428] {strides = array<i32>} : memref<65536xf32, #tpu.memory_space<vmem>>, vector<16xf32>,
      tpu.vector_store %arg5[%swap3A_428], %gather3A_338 {strides = array<i32>} : memref<65536xf32, #tpu.memory_space<vmem>>, vector<16xf32>,
      %mul3A_430 = arith.constant 16 : i32
      %mul3A_431 = arith.muli %scan3A_307, %mul3A_430 : i32
      %add3A_432 = arith.constant 65280 : i32
      %add3A_433 = arith.addi %add3A_432, %mul3A_431 : i32
      %swap3A_434 = arith.index_cast %add3A_433 : i32 to index
      %swap3A_435 = tpu.vector_load %arg5[%swap3A_434] {strides = array<i32>} : memref<65536xf32, #tpu.memory_space<vmem>>, vector<16xf32>,
      tpu.vector_store %arg5[%swap3A_434], %gather3A_340 {strides = array<i32>} : memref<65536xf32, #tpu.memory_space<vmem>>, vector<16xf32>,
    }
    %scan3A_274 = arith.constant 16 : i32
    %mul3A_275 = arith.constant 32 : i32
    %mul3A_276 = arith.muli %add3A, %mul3A_275 : i32
    %add3A_277 = arith.constant 0 : i32
    %add3A_278 = arith.addi %mul3A_2, %add3A_277 : i32
    %dma_start3A_279 = arith.constant 0 : i32
    %dma_start3A_280 = tpu.memref_slice %arg8[%dma_start3A_279] : memref<1040xi32, #tpu.memory_space<vmem>> -> memref<1024xi32, #tpu.memory_space<vmem>>
    %dma_start3A_281 = tpu.memref_slice %arg3[%add3A_278] : memref<1048576xi32, #tpu.memory_space<hbm>> -> memref<1024xi32, #tpu.memory_space<hbm>>
    %dma_start3A_282 = arith.constant 0 : i32
    %dma_start3A_283 = tpu.memref_slice %arg8[%dma_start3A_282] : memref<1040xi32, #tpu.memory_space<vmem>> -> memref<1024xi32, #tpu.memory_space<vmem>>
    %dma_start3A_284 = tpu.memref_slice %arg3[%add3A_278] : memref<1048576xi32, #tpu.memory_space<hbm>> -> memref<1024xi32, #tpu.memory_space<hbm>>
    tpu.enqueue_dma source(%dma_start3A_284 : memref<1024xi32, #tpu.memory_space<hbm>>) target(%dma_start3A_283 : memref<1024xi32, #tpu.memory_space<vmem>>) target_semaphore(%arg12 : memref<!tpu.dma_semaphore, #tpu.memory_space<semaphore_mem>>)
    %scan3A_285 = arith.constant 0 : i32
    %scan3A_286 = arith.constant 0 : i32
    %scan3A_287 = arith.constant 16 : i32
    %scan3A_288 = arith.addi %scan3A_286, %scan3A_287 : i32
    %scan3A_289 = arith.constant 1 : i32
    scf.for %scan3A_307 = %scan3A_286 to %scan3A_288 step %scan3A_289  : i32 {
      %mul3A_308 = arith.constant 2 : i32
      %mul3A_309 = arith.muli %scan3A_307, %mul3A_308 : i32
      %add3A_310 = arith.constant 0 : i32
      %add3A_311 = arith.addi %mul3A_309, %add3A_310 : i32
      %add3A_312 = arith.constant 0 : i32
      %add3A_313 = arith.addi %mul3A_2, %add3A_312 : i32
      %dma_wait3A_314 = arith.constant 0 : i32
      %dma_wait3A_315 = tpu.memref_slice %arg8[%dma_wait3A_314] : memref<1040xi32, #tpu.memory_space<vmem>> -> memref<1024xi32, #tpu.memory_space<vmem>>
      %dma_wait3A_316 = tpu.memref_slice %arg3[%add3A_313] : memref<1048576xi32, #tpu.memory_space<hbm>> -> memref<1024xi32, #tpu.memory_space<hbm>>
      %dma_wait3A_317 = arith.constant 0 : i32
      %dma_wait3A_318 = tpu.memref_slice %arg8[%dma_wait3A_317] : memref<1040xi32, #tpu.memory_space<vmem>> -> memref<1024xi32, #tpu.memory_space<vmem>>
      %dma_wait3A_319 = tpu.memref_slice %arg3[%add3A_313] : memref<1048576xi32, #tpu.memory_space<hbm>> -> memref<1024xi32, #tpu.memory_space<hbm>>
      tpu.wait_dma2 semaphore(%arg12 : memref<!tpu.dma_semaphore, #tpu.memory_space<semaphore_mem>>) src(%dma_wait3A_319 : memref<1024xi32, #tpu.memory_space<hbm>>) dst(%dma_wait3A_318 : memref<1024xi32, #tpu.memory_space<vmem>>)
      %lt3A = arith.constant 31 : i32
      %lt3A_320 = arith.cmpi slt, %add3A_311, %lt3A : i32
      %convert_element_type3A = arith.extui %lt3A_320 : i1 to i32
      %cond3A = arith.constant 0 : i32
      %cond3A_321 = arith.cmpi ne, %convert_element_type3A, %cond3A : i32
      scf.if %cond3A_321 {
        %add3A_667 = arith.constant 1 : i32
        %add3A_668 = arith.addi %add3A_311, %add3A_667 : i32
        %mul3A_669 = arith.constant 1024 : i32
        %mul3A_670 = arith.muli %add3A_668, %mul3A_669 : i32
        %add3A_671 = arith.addi %mul3A_2, %mul3A_670 : i32
        %dma_start3A_672 = arith.constant 0 : i32
        %dma_start3A_673 = tpu.memref_slice %arg9[%dma_start3A_672] : memref<1040xi32, #tpu.memory_space<vmem>> -> memref<1024xi32, #tpu.memory_space<vmem>>
        %dma_start3A_674 = tpu.memref_slice %arg3[%add3A_671] : memref<1048576xi32, #tpu.memory_space<hbm>> -> memref<1024xi32, #tpu.memory_space<hbm>>
        %dma_start3A_675 = arith.constant 0 : i32
        %dma_start3A_676 = tpu.memref_slice %arg9[%dma_start3A_675] : memref<1040xi32, #tpu.memory_space<vmem>> -> memref<1024xi32, #tpu.memory_space<vmem>>
        %dma_start3A_677 = tpu.memref_slice %arg3[%add3A_671] : memref<1048576xi32, #tpu.memory_space<hbm>> -> memref<1024xi32, #tpu.memory_space<hbm>>
        tpu.enqueue_dma source(%dma_start3A_677 : memref<1024xi32, #tpu.memory_space<hbm>>) target(%dma_start3A_676 : memref<1024xi32, #tpu.memory_space<vmem>>) target_semaphore(%arg12 : memref<!tpu.dma_semaphore, #tpu.memory_space<semaphore_mem>>)
      } else {
      }
      %ge3A = arith.constant 1 : i32
      %ge3A_322 = arith.cmpi sge, %scan3A_307, %ge3A : i32
      %convert_element_type3A_323 = arith.extui %ge3A_322 : i1 to i32
      %cond3A_324 = arith.constant 0 : i32
      %cond3A_325 = arith.cmpi ne, %convert_element_type3A_323, %cond3A_324 : i32
      scf.if %cond3A_325 {
        %add3A_667 = arith.constant 0 : i32
        %add3A_668 = arith.addi %mul3A_276, %add3A_667 : i32
        %dma_wait3A_669 = arith.constant 0 : i32
        %dma_wait3A_670 = arith.constant 0 : i32
        %dma_wait3A_671 = tpu.memref_slice %arg4[%dma_wait3A_669, %add3A_668, %dma_wait3A_670] : memref<16x1024x1024xf32, #tpu.memory_space<hbm>> -> memref<16x1x1024xf32, #tpu.memory_space<hbm>>
        %dma_wait3A_672 = arith.constant 0 : i32
        %dma_wait3A_673 = arith.constant 0 : i32
        %dma_wait3A_674 = tpu.memref_slice %arg4[%dma_wait3A_672, %add3A_668, %dma_wait3A_673] : memref<16x1024x1024xf32, #tpu.memory_space<hbm>> -> memref<16x1x1024xf32, #tpu.memory_space<hbm>>
        tpu.wait_dma2 semaphore(%arg13 : memref<!tpu.dma_semaphore, #tpu.memory_space<semaphore_mem>>) src(%arg10 : memref<16x1x1024xf32, #tpu.memory_space<vmem>>) dst(%dma_wait3A_674 : memref<16x1x1024xf32, #tpu.memory_space<hbm>>)
      } else {
      }
      %get3A = arith.constant 0 : index
      %get3A_326 = tpu.vector_load %arg8[%get3A] {strides = array<i32>} : memref<1040xi32, #tpu.memory_space<vmem>>, vector<16xi32>,
      %gather3A = arith.constant 0 : i32
      %gather3A_327 = tpu.memref_slice %arg5[%gather3A] : memref<65536xf32, #tpu.memory_space<vmem>> -> memref<4096xf32, #tpu.memory_space<vmem>>
      %gather3A_328 = tpu.vector_load_idx %gather3A_327[%get3A_326] : memref<4096xf32, #tpu.memory_space<vmem>>[vector<16xi32>], vector<16xf32>,
      %gather3A_329 = arith.constant 4096 : i32
      %gather3A_330 = tpu.memref_slice %arg5[%gather3A_329] : memref<65536xf32, #tpu.memory_space<vmem>> -> memref<4096xf32, #tpu.memory_space<vmem>>
      %gather3A_331 = tpu.vector_load_idx %gather3A_330[%get3A_326] : memref<4096xf32, #tpu.memory_space<vmem>>[vector<16xi32>], vector<16xf32>,
      %gather3A_332 = arith.constant 8192 : i32
      %gather3A_333 = tpu.memref_slice %arg5[%gather3A_332] : memref<65536xf32, #tpu.memory_space<vmem>> -> memref<4096xf32, #tpu.memory_space<vmem>>
      %gather3A_334 = tpu.vector_load_idx %gather3A_333[%get3A_326] : memref<4096xf32, #tpu.memory_space<vmem>>[vector<16xi32>], vector<16xf32>,
      %gather3A_335 = arith.constant 12288 : i32
      %gather3A_336 = tpu.memref_slice %arg5[%gather3A_335] : memref<65536xf32, #tpu.memory_space<vmem>> -> memref<4096xf32, #tpu.memory_space<vmem>>
      %gather3A_337 = tpu.vector_load_idx %gather3A_336[%get3A_326] : memref<4096xf32, #tpu.memory_space<vmem>>[vector<16xi32>], vector<16xf32>,
      %gather3A_338 = arith.constant 16384 : i32
      %gather3A_339 = tpu.memref_slice %arg5[%gather3A_338] : memref<65536xf32, #tpu.memory_space<vmem>> -> memref<4096xf32, #tpu.memory_space<vmem>>
      %gather3A_340 = tpu.vector_load_idx %gather3A_339[%get3A_326] : memref<4096xf32, #tpu.memory_space<vmem>>[vector<16xi32>], vector<16xf32>,
      %gather3A_341 = arith.constant 20480 : i32
      %gather3A_342 = tpu.memref_slice %arg5[%gather3A_341] : memref<65536xf32, #tpu.memory_space<vmem>> -> memref<4096xf32, #tpu.memory_space<vmem>>
      %gather3A_343 = tpu.vector_load_idx %gather3A_342[%get3A_326] : memref<4096xf32, #tpu.memory_space<vmem>>[vector<16xi32>], vector<16xf32>,
      %gather3A_344 = arith.constant 24576 : i32
      %gather3A_345 = tpu.memref_slice %arg5[%gather3A_344] : memref<65536xf32, #tpu.memory_space<vmem>> -> memref<4096xf32, #tpu.memory_space<vmem>>
      %gather3A_346 = tpu.vector_load_idx %gather3A_345[%get3A_326] : memref<4096xf32, #tpu.memory_space<vmem>>[vector<16xi32>], vector<16xf32>,
      %gather3A_347 = arith.constant 28672 : i32
      %gather3A_348 = tpu.memref_slice %arg5[%gather3A_347] : memref<65536xf32, #tpu.memory_space<vmem>> -> memref<4096xf32, #tpu.memory_space<vmem>>
      %gather3A_349 = tpu.vector_load_idx %gather3A_348[%get3A_326] : memref<4096xf32, #tpu.memory_space<vmem>>[vector<16xi32>], vector<16xf32>,
      %gather3A_350 = arith.constant 32768 : i32
      %gather3A_351 = tpu.memref_slice %arg5[%gather3A_350] : memref<65536xf32, #tpu.memory_space<vmem>> -> memref<4096xf32, #tpu.memory_space<vmem>>
      %gather3A_352 = tpu.vector_load_idx %gather3A_351[%get3A_326] : memref<4096xf32, #tpu.memory_space<vmem>>[vector<16xi32>], vector<16xf32>,
      %gather3A_353 = arith.constant 36864 : i32
      %gather3A_354 = tpu.memref_slice %arg5[%gather3A_353] : memref<65536xf32, #tpu.memory_space<vmem>> -> memref<4096xf32, #tpu.memory_space<vmem>>
      %gather3A_355 = tpu.vector_load_idx %gather3A_354[%get3A_326] : memref<4096xf32, #tpu.memory_space<vmem>>[vector<16xi32>], vector<16xf32>,
      %gather3A_356 = arith.constant 40960 : i32
      %gather3A_357 = tpu.memref_slice %arg5[%gather3A_356] : memref<65536xf32, #tpu.memory_space<vmem>> -> memref<4096xf32, #tpu.memory_space<vmem>>
      %gather3A_358 = tpu.vector_load_idx %gather3A_357[%get3A_326] : memref<4096xf32, #tpu.memory_space<vmem>>[vector<16xi32>], vector<16xf32>,
      %gather3A_359 = arith.constant 45056 : i32
      %gather3A_360 = tpu.memref_slice %arg5[%gather3A_359] : memref<65536xf32, #tpu.memory_space<vmem>> -> memref<4096xf32, #tpu.memory_space<vmem>>
      %gather3A_361 = tpu.vector_load_idx %gather3A_360[%get3A_326] : memref<4096xf32, #tpu.memory_space<vmem>>[vector<16xi32>], vector<16xf32>,
      %gather3A_362 = arith.constant 49152 : i32
      %gather3A_363 = tpu.memref_slice %arg5[%gather3A_362] : memref<65536xf32, #tpu.memory_space<vmem>> -> memref<4096xf32, #tpu.memory_space<vmem>>
      %gather3A_364 = tpu.vector_load_idx %gather3A_363[%get3A_326] : memref<4096xf32, #tpu.memory_space<vmem>>[vector<16xi32>], vector<16xf32>,
      %gather3A_365 = arith.constant 53248 : i32
      %gather3A_366 = tpu.memref_slice %arg5[%gather3A_365] : memref<65536xf32, #tpu.memory_space<vmem>> -> memref<4096xf32, #tpu.memory_space<vmem>>
      %gather3A_367 = tpu.vector_load_idx %gather3A_366[%get3A_326] : memref<4096xf32, #tpu.memory_space<vmem>>[vector<16xi32>], vector<16xf32>,
      %gather3A_368 = arith.constant 57344 : i32
      %gather3A_369 = tpu.memref_slice %arg5[%gather3A_368] : memref<65536xf32, #tpu.memory_space<vmem>> -> memref<4096xf32, #tpu.memory_space<vmem>>
      %gather3A_370 = tpu.vector_load_idx %gather3A_369[%get3A_326] : memref<4096xf32, #tpu.memory_space<vmem>>[vector<16xi32>], vector<16xf32>,
      %gather3A_371 = arith.constant 61440 : i32
      %gather3A_372 = tpu.memref_slice %arg5[%gather3A_371] : memref<65536xf32, #tpu.memory_space<vmem>> -> memref<4096xf32, #tpu.memory_space<vmem>>
      %gather3A_373 = tpu.vector_load_idx %gather3A_372[%get3A_326] : memref<4096xf32, #tpu.memory_space<vmem>>[vector<16xi32>], vector<16xf32>,
      %get3A_374 = arith.constant 16 : index
      %get3A_375 = tpu.vector_load %arg8[%get3A_374] {strides = array<i32>} : memref<1040xi32, #tpu.memory_space<vmem>>, vector<16xi32>,
      %scan3A_376 = arith.constant 1 : i32
      %scan3A_377 = arith.constant 63 : i32
      %scan3A_378 = arith.addi %scan3A_376, %scan3A_377 : i32
      %scan3A_379 = arith.constant 1 : i32
      %scan3A_380:17 = scf.for %scan3A_667 = %scan3A_376 to %scan3A_378 step %scan3A_379 iter_args(%scan3A_668 = %get3A_375, %scan3A_669 = %gather3A_328, %scan3A_670 = %gather3A_331, %scan3A_671 = %gather3A_334, %scan3A_672 = %gather3A_337, %scan3A_673 = %gather3A_340, %scan3A_674 = %gather3A_343, %scan3A_675 = %gather3A_346, %scan3A_676 = %gather3A_349, %scan3A_677 = %gather3A_352, %scan3A_678 = %gather3A_355, %scan3A_679 = %gather3A_358, %scan3A_680 = %gather3A_361, %scan3A_681 = %gather3A_364, %scan3A_682 = %gather3A_367, %scan3A_683 = %gather3A_370, %scan3A_684 = %gather3A_373) -> (vector<16xi32>, vector<16xf32>, vector<16xf32>, vector<16xf32>, vector<16xf32>, vector<16xf32>, vector<16xf32>, vector<16xf32>, vector<16xf32>, vector<16xf32>, vector<16xf32>, vector<16xf32>, vector<16xf32>, vector<16xf32>, vector<16xf32>, vector<16xf32>, vector<16xf32>)  : i32 {
        %gather3A_685 = arith.constant 0 : i32
        %gather3A_686 = tpu.memref_slice %arg5[%gather3A_685] : memref<65536xf32, #tpu.memory_space<vmem>> -> memref<4096xf32, #tpu.memory_space<vmem>>
        %gather3A_687 = tpu.vector_load_idx %gather3A_686[%scan3A_668] : memref<4096xf32, #tpu.memory_space<vmem>>[vector<16xi32>], vector<16xf32>,
        %gather3A_688 = arith.constant 4096 : i32
        %gather3A_689 = tpu.memref_slice %arg5[%gather3A_688] : memref<65536xf32, #tpu.memory_space<vmem>> -> memref<4096xf32, #tpu.memory_space<vmem>>
        %gather3A_690 = tpu.vector_load_idx %gather3A_689[%scan3A_668] : memref<4096xf32, #tpu.memory_space<vmem>>[vector<16xi32>], vector<16xf32>,
        %gather3A_691 = arith.constant 8192 : i32
        %gather3A_692 = tpu.memref_slice %arg5[%gather3A_691] : memref<65536xf32, #tpu.memory_space<vmem>> -> memref<4096xf32, #tpu.memory_space<vmem>>
        %gather3A_693 = tpu.vector_load_idx %gather3A_692[%scan3A_668] : memref<4096xf32, #tpu.memory_space<vmem>>[vector<16xi32>], vector<16xf32>,
        %gather3A_694 = arith.constant 12288 : i32
        %gather3A_695 = tpu.memref_slice %arg5[%gather3A_694] : memref<65536xf32, #tpu.memory_space<vmem>> -> memref<4096xf32, #tpu.memory_space<vmem>>
        %gather3A_696 = tpu.vector_load_idx %gather3A_695[%scan3A_668] : memref<4096xf32, #tpu.memory_space<vmem>>[vector<16xi32>], vector<16xf32>,
        %gather3A_697 = arith.constant 16384 : i32
        %gather3A_698 = tpu.memref_slice %arg5[%gather3A_697] : memref<65536xf32, #tpu.memory_space<vmem>> -> memref<4096xf32, #tpu.memory_space<vmem>>
        %gather3A_699 = tpu.vector_load_idx %gather3A_698[%scan3A_668] : memref<4096xf32, #tpu.memory_space<vmem>>[vector<16xi32>], vector<16xf32>,
        %gather3A_700 = arith.constant 20480 : i32
        %gather3A_701 = tpu.memref_slice %arg5[%gather3A_700] : memref<65536xf32, #tpu.memory_space<vmem>> -> memref<4096xf32, #tpu.memory_space<vmem>>
        %gather3A_702 = tpu.vector_load_idx %gather3A_701[%scan3A_668] : memref<4096xf32, #tpu.memory_space<vmem>>[vector<16xi32>], vector<16xf32>,
        %gather3A_703 = arith.constant 24576 : i32
        %gather3A_704 = tpu.memref_slice %arg5[%gather3A_703] : memref<65536xf32, #tpu.memory_space<vmem>> -> memref<4096xf32, #tpu.memory_space<vmem>>
        %gather3A_705 = tpu.vector_load_idx %gather3A_704[%scan3A_668] : memref<4096xf32, #tpu.memory_space<vmem>>[vector<16xi32>], vector<16xf32>,
        %gather3A_706 = arith.constant 28672 : i32
        %gather3A_707 = tpu.memref_slice %arg5[%gather3A_706] : memref<65536xf32, #tpu.memory_space<vmem>> -> memref<4096xf32, #tpu.memory_space<vmem>>
        %gather3A_708 = tpu.vector_load_idx %gather3A_707[%scan3A_668] : memref<4096xf32, #tpu.memory_space<vmem>>[vector<16xi32>], vector<16xf32>,
        %gather3A_709 = arith.constant 32768 : i32
        %gather3A_710 = tpu.memref_slice %arg5[%gather3A_709] : memref<65536xf32, #tpu.memory_space<vmem>> -> memref<4096xf32, #tpu.memory_space<vmem>>
        %gather3A_711 = tpu.vector_load_idx %gather3A_710[%scan3A_668] : memref<4096xf32, #tpu.memory_space<vmem>>[vector<16xi32>], vector<16xf32>,
        %gather3A_712 = arith.constant 36864 : i32
        %gather3A_713 = tpu.memref_slice %arg5[%gather3A_712] : memref<65536xf32, #tpu.memory_space<vmem>> -> memref<4096xf32, #tpu.memory_space<vmem>>
        %gather3A_714 = tpu.vector_load_idx %gather3A_713[%scan3A_668] : memref<4096xf32, #tpu.memory_space<vmem>>[vector<16xi32>], vector<16xf32>,
        %gather3A_715 = arith.constant 40960 : i32
        %gather3A_716 = tpu.memref_slice %arg5[%gather3A_715] : memref<65536xf32, #tpu.memory_space<vmem>> -> memref<4096xf32, #tpu.memory_space<vmem>>
        %gather3A_717 = tpu.vector_load_idx %gather3A_716[%scan3A_668] : memref<4096xf32, #tpu.memory_space<vmem>>[vector<16xi32>], vector<16xf32>,
        %gather3A_718 = arith.constant 45056 : i32
        %gather3A_719 = tpu.memref_slice %arg5[%gather3A_718] : memref<65536xf32, #tpu.memory_space<vmem>> -> memref<4096xf32, #tpu.memory_space<vmem>>
        %gather3A_720 = tpu.vector_load_idx %gather3A_719[%scan3A_668] : memref<4096xf32, #tpu.memory_space<vmem>>[vector<16xi32>], vector<16xf32>,
        %gather3A_721 = arith.constant 49152 : i32
        %gather3A_722 = tpu.memref_slice %arg5[%gather3A_721] : memref<65536xf32, #tpu.memory_space<vmem>> -> memref<4096xf32, #tpu.memory_space<vmem>>
        %gather3A_723 = tpu.vector_load_idx %gather3A_722[%scan3A_668] : memref<4096xf32, #tpu.memory_space<vmem>>[vector<16xi32>], vector<16xf32>,
        %gather3A_724 = arith.constant 53248 : i32
        %gather3A_725 = tpu.memref_slice %arg5[%gather3A_724] : memref<65536xf32, #tpu.memory_space<vmem>> -> memref<4096xf32, #tpu.memory_space<vmem>>
        %gather3A_726 = tpu.vector_load_idx %gather3A_725[%scan3A_668] : memref<4096xf32, #tpu.memory_space<vmem>>[vector<16xi32>], vector<16xf32>,
        %gather3A_727 = arith.constant 57344 : i32
        %gather3A_728 = tpu.memref_slice %arg5[%gather3A_727] : memref<65536xf32, #tpu.memory_space<vmem>> -> memref<4096xf32, #tpu.memory_space<vmem>>
        %gather3A_729 = tpu.vector_load_idx %gather3A_728[%scan3A_668] : memref<4096xf32, #tpu.memory_space<vmem>>[vector<16xi32>], vector<16xf32>,
        %gather3A_730 = arith.constant 61440 : i32
        %gather3A_731 = tpu.memref_slice %arg5[%gather3A_730] : memref<65536xf32, #tpu.memory_space<vmem>> -> memref<4096xf32, #tpu.memory_space<vmem>>
        %gather3A_732 = tpu.vector_load_idx %gather3A_731[%scan3A_668] : memref<4096xf32, #tpu.memory_space<vmem>>[vector<16xi32>], vector<16xf32>,
        %add3A_733 = arith.constant 1 : i32
        %add3A_734 = arith.addi %scan3A_667, %add3A_733 : i32
        %mul3A_735 = arith.constant 16 : i32
        %mul3A_736 = arith.muli %add3A_734, %mul3A_735 : i32
        %get3A_737 = arith.index_cast %mul3A_736 : i32 to index
        %get3A_738 = tpu.vector_load %arg8[%get3A_737] {strides = array<i32>} : memref<1040xi32, #tpu.memory_space<vmem>>, vector<16xi32>,
        %sub3A = arith.constant 1 : i32
        %sub3A_739 = arith.subi %scan3A_667, %sub3A : i32
        %mul3A_740 = arith.constant 16 : i32
        %mul3A_741 = arith.muli %sub3A_739, %mul3A_740 : i32
        %swap3A_742 = arith.constant 0 : i32
        %swap3A_743 = arith.constant 0 : i32
        %swap3A_744 = arith.index_cast %swap3A_742 : i32 to index
        %swap3A_745 = arith.index_cast %swap3A_743 : i32 to index
        %swap3A_746 = arith.index_cast %mul3A_741 : i32 to index
        %swap3A_747 = tpu.vector_load %arg10[%swap3A_744, %swap3A_745, %swap3A_746] {strides = array<i32>} : memref<16x1x1024xf32, #tpu.memory_space<vmem>>, vector<16xf32>,
        tpu.vector_store %arg10[%swap3A_744, %swap3A_745, %swap3A_746], %scan3A_669 {strides = array<i32>} : memref<16x1x1024xf32, #tpu.memory_space<vmem>>, vector<16xf32>,
        %mul3A_748 = arith.constant 16 : i32
        %mul3A_749 = arith.muli %sub3A_739, %mul3A_748 : i32
        %swap3A_750 = arith.constant 1 : i32
        %swap3A_751 = arith.constant 0 : i32
        %swap3A_752 = arith.index_cast %swap3A_750 : i32 to index
        %swap3A_753 = arith.index_cast %swap3A_751 : i32 to index
        %swap3A_754 = arith.index_cast %mul3A_749 : i32 to index
        %swap3A_755 = tpu.vector_load %arg10[%swap3A_752, %swap3A_753, %swap3A_754] {strides = array<i32>} : memref<16x1x1024xf32, #tpu.memory_space<vmem>>, vector<16xf32>,
        tpu.vector_store %arg10[%swap3A_752, %swap3A_753, %swap3A_754], %scan3A_670 {strides = array<i32>} : memref<16x1x1024xf32, #tpu.memory_space<vmem>>, vector<16xf32>,
        %mul3A_756 = arith.constant 16 : i32
        %mul3A_757 = arith.muli %sub3A_739, %mul3A_756 : i32
        %swap3A_758 = arith.constant 2 : i32
        %swap3A_759 = arith.constant 0 : i32
        %swap3A_760 = arith.index_cast %swap3A_758 : i32 to index
        %swap3A_761 = arith.index_cast %swap3A_759 : i32 to index
        %swap3A_762 = arith.index_cast %mul3A_757 : i32 to index
        %swap3A_763 = tpu.vector_load %arg10[%swap3A_760, %swap3A_761, %swap3A_762] {strides = array<i32>} : memref<16x1x1024xf32, #tpu.memory_space<vmem>>, vector<16xf32>,
        tpu.vector_store %arg10[%swap3A_760, %swap3A_761, %swap3A_762], %scan3A_671 {strides = array<i32>} : memref<16x1x1024xf32, #tpu.memory_space<vmem>>, vector<16xf32>,
        %mul3A_764 = arith.constant 16 : i32
        %mul3A_765 = arith.muli %sub3A_739, %mul3A_764 : i32
        %swap3A_766 = arith.constant 3 : i32
        %swap3A_767 = arith.constant 0 : i32
        %swap3A_768 = arith.index_cast %swap3A_766 : i32 to index
        %swap3A_769 = arith.index_cast %swap3A_767 : i32 to index
        %swap3A_770 = arith.index_cast %mul3A_765 : i32 to index
        %swap3A_771 = tpu.vector_load %arg10[%swap3A_768, %swap3A_769, %swap3A_770] {strides = array<i32>} : memref<16x1x1024xf32, #tpu.memory_space<vmem>>, vector<16xf32>,
        tpu.vector_store %arg10[%swap3A_768, %swap3A_769, %swap3A_770], %scan3A_672 {strides = array<i32>} : memref<16x1x1024xf32, #tpu.memory_space<vmem>>, vector<16xf32>,
        %mul3A_772 = arith.constant 16 : i32
        %mul3A_773 = arith.muli %sub3A_739, %mul3A_772 : i32
        %swap3A_774 = arith.constant 4 : i32
        %swap3A_775 = arith.constant 0 : i32
        %swap3A_776 = arith.index_cast %swap3A_774 : i32 to index
        %swap3A_777 = arith.index_cast %swap3A_775 : i32 to index
        %swap3A_778 = arith.index_cast %mul3A_773 : i32 to index
        %swap3A_779 = tpu.vector_load %arg10[%swap3A_776, %swap3A_777, %swap3A_778] {strides = array<i32>} : memref<16x1x1024xf32, #tpu.memory_space<vmem>>, vector<16xf32>,
        tpu.vector_store %arg10[%swap3A_776, %swap3A_777, %swap3A_778], %scan3A_673 {strides = array<i32>} : memref<16x1x1024xf32, #tpu.memory_space<vmem>>, vector<16xf32>,
        %mul3A_780 = arith.constant 16 : i32
        %mul3A_781 = arith.muli %sub3A_739, %mul3A_780 : i32
        %swap3A_782 = arith.constant 5 : i32
        %swap3A_783 = arith.constant 0 : i32
        %swap3A_784 = arith.index_cast %swap3A_782 : i32 to index
        %swap3A_785 = arith.index_cast %swap3A_783 : i32 to index
        %swap3A_786 = arith.index_cast %mul3A_781 : i32 to index
        %swap3A_787 = tpu.vector_load %arg10[%swap3A_784, %swap3A_785, %swap3A_786] {strides = array<i32>} : memref<16x1x1024xf32, #tpu.memory_space<vmem>>, vector<16xf32>,
        tpu.vector_store %arg10[%swap3A_784, %swap3A_785, %swap3A_786], %scan3A_674 {strides = array<i32>} : memref<16x1x1024xf32, #tpu.memory_space<vmem>>, vector<16xf32>,
        %mul3A_788 = arith.constant 16 : i32
        %mul3A_789 = arith.muli %sub3A_739, %mul3A_788 : i32
        %swap3A_790 = arith.constant 6 : i32
        %swap3A_791 = arith.constant 0 : i32
        %swap3A_792 = arith.index_cast %swap3A_790 : i32 to index
        %swap3A_793 = arith.index_cast %swap3A_791 : i32 to index
        %swap3A_794 = arith.index_cast %mul3A_789 : i32 to index
        %swap3A_795 = tpu.vector_load %arg10[%swap3A_792, %swap3A_793, %swap3A_794] {strides = array<i32>} : memref<16x1x1024xf32, #tpu.memory_space<vmem>>, vector<16xf32>,
        tpu.vector_store %arg10[%swap3A_792, %swap3A_793, %swap3A_794], %scan3A_675 {strides = array<i32>} : memref<16x1x1024xf32, #tpu.memory_space<vmem>>, vector<16xf32>,
        %mul3A_796 = arith.constant 16 : i32
        %mul3A_797 = arith.muli %sub3A_739, %mul3A_796 : i32
        %swap3A_798 = arith.constant 7 : i32
        %swap3A_799 = arith.constant 0 : i32
        %swap3A_800 = arith.index_cast %swap3A_798 : i32 to index
        %swap3A_801 = arith.index_cast %swap3A_799 : i32 to index
        %swap3A_802 = arith.index_cast %mul3A_797 : i32 to index
        %swap3A_803 = tpu.vector_load %arg10[%swap3A_800, %swap3A_801, %swap3A_802] {strides = array<i32>} : memref<16x1x1024xf32, #tpu.memory_space<vmem>>, vector<16xf32>,
        tpu.vector_store %arg10[%swap3A_800, %swap3A_801, %swap3A_802], %scan3A_676 {strides = array<i32>} : memref<16x1x1024xf32, #tpu.memory_space<vmem>>, vector<16xf32>,
        %mul3A_804 = arith.constant 16 : i32
        %mul3A_805 = arith.muli %sub3A_739, %mul3A_804 : i32
        %swap3A_806 = arith.constant 8 : i32
        %swap3A_807 = arith.constant 0 : i32
        %swap3A_808 = arith.index_cast %swap3A_806 : i32 to index
        %swap3A_809 = arith.index_cast %swap3A_807 : i32 to index
        %swap3A_810 = arith.index_cast %mul3A_805 : i32 to index
        %swap3A_811 = tpu.vector_load %arg10[%swap3A_808, %swap3A_809, %swap3A_810] {strides = array<i32>} : memref<16x1x1024xf32, #tpu.memory_space<vmem>>, vector<16xf32>,
        tpu.vector_store %arg10[%swap3A_808, %swap3A_809, %swap3A_810], %scan3A_677 {strides = array<i32>} : memref<16x1x1024xf32, #tpu.memory_space<vmem>>, vector<16xf32>,
        %mul3A_812 = arith.constant 16 : i32
        %mul3A_813 = arith.muli %sub3A_739, %mul3A_812 : i32
        %swap3A_814 = arith.constant 9 : i32
        %swap3A_815 = arith.constant 0 : i32
        %swap3A_816 = arith.index_cast %swap3A_814 : i32 to index
        %swap3A_817 = arith.index_cast %swap3A_815 : i32 to index
        %swap3A_818 = arith.index_cast %mul3A_813 : i32 to index
        %swap3A_819 = tpu.vector_load %arg10[%swap3A_816, %swap3A_817, %swap3A_818] {strides = array<i32>} : memref<16x1x1024xf32, #tpu.memory_space<vmem>>, vector<16xf32>,
        tpu.vector_store %arg10[%swap3A_816, %swap3A_817, %swap3A_818], %scan3A_678 {strides = array<i32>} : memref<16x1x1024xf32, #tpu.memory_space<vmem>>, vector<16xf32>,
        %mul3A_820 = arith.constant 16 : i32
        %mul3A_821 = arith.muli %sub3A_739, %mul3A_820 : i32
        %swap3A_822 = arith.constant 10 : i32
        %swap3A_823 = arith.constant 0 : i32
        %swap3A_824 = arith.index_cast %swap3A_822 : i32 to index
        %swap3A_825 = arith.index_cast %swap3A_823 : i32 to index
        %swap3A_826 = arith.index_cast %mul3A_821 : i32 to index
        %swap3A_827 = tpu.vector_load %arg10[%swap3A_824, %swap3A_825, %swap3A_826] {strides = array<i32>} : memref<16x1x1024xf32, #tpu.memory_space<vmem>>, vector<16xf32>,
        tpu.vector_store %arg10[%swap3A_824, %swap3A_825, %swap3A_826], %scan3A_679 {strides = array<i32>} : memref<16x1x1024xf32, #tpu.memory_space<vmem>>, vector<16xf32>,
        %mul3A_828 = arith.constant 16 : i32
        %mul3A_829 = arith.muli %sub3A_739, %mul3A_828 : i32
        %swap3A_830 = arith.constant 11 : i32
        %swap3A_831 = arith.constant 0 : i32
        %swap3A_832 = arith.index_cast %swap3A_830 : i32 to index
        %swap3A_833 = arith.index_cast %swap3A_831 : i32 to index
        %swap3A_834 = arith.index_cast %mul3A_829 : i32 to index
        %swap3A_835 = tpu.vector_load %arg10[%swap3A_832, %swap3A_833, %swap3A_834] {strides = array<i32>} : memref<16x1x1024xf32, #tpu.memory_space<vmem>>, vector<16xf32>,
        tpu.vector_store %arg10[%swap3A_832, %swap3A_833, %swap3A_834], %scan3A_680 {strides = array<i32>} : memref<16x1x1024xf32, #tpu.memory_space<vmem>>, vector<16xf32>,
        %mul3A_836 = arith.constant 16 : i32
        %mul3A_837 = arith.muli %sub3A_739, %mul3A_836 : i32
        %swap3A_838 = arith.constant 12 : i32
        %swap3A_839 = arith.constant 0 : i32
        %swap3A_840 = arith.index_cast %swap3A_838 : i32 to index
        %swap3A_841 = arith.index_cast %swap3A_839 : i32 to index
        %swap3A_842 = arith.index_cast %mul3A_837 : i32 to index
        %swap3A_843 = tpu.vector_load %arg10[%swap3A_840, %swap3A_841, %swap3A_842] {strides = array<i32>} : memref<16x1x1024xf32, #tpu.memory_space<vmem>>, vector<16xf32>,
        tpu.vector_store %arg10[%swap3A_840, %swap3A_841, %swap3A_842], %scan3A_681 {strides = array<i32>} : memref<16x1x1024xf32, #tpu.memory_space<vmem>>, vector<16xf32>,
        %mul3A_844 = arith.constant 16 : i32
        %mul3A_845 = arith.muli %sub3A_739, %mul3A_844 : i32
        %swap3A_846 = arith.constant 13 : i32
        %swap3A_847 = arith.constant 0 : i32
        %swap3A_848 = arith.index_cast %swap3A_846 : i32 to index
        %swap3A_849 = arith.index_cast %swap3A_847 : i32 to index
        %swap3A_850 = arith.index_cast %mul3A_845 : i32 to index
        %swap3A_851 = tpu.vector_load %arg10[%swap3A_848, %swap3A_849, %swap3A_850] {strides = array<i32>} : memref<16x1x1024xf32, #tpu.memory_space<vmem>>, vector<16xf32>,
        tpu.vector_store %arg10[%swap3A_848, %swap3A_849, %swap3A_850], %scan3A_682 {strides = array<i32>} : memref<16x1x1024xf32, #tpu.memory_space<vmem>>, vector<16xf32>,
        %mul3A_852 = arith.constant 16 : i32
        %mul3A_853 = arith.muli %sub3A_739, %mul3A_852 : i32
        %swap3A_854 = arith.constant 14 : i32
        %swap3A_855 = arith.constant 0 : i32
        %swap3A_856 = arith.index_cast %swap3A_854 : i32 to index
        %swap3A_857 = arith.index_cast %swap3A_855 : i32 to index
        %swap3A_858 = arith.index_cast %mul3A_853 : i32 to index
        %swap3A_859 = tpu.vector_load %arg10[%swap3A_856, %swap3A_857, %swap3A_858] {strides = array<i32>} : memref<16x1x1024xf32, #tpu.memory_space<vmem>>, vector<16xf32>,
        tpu.vector_store %arg10[%swap3A_856, %swap3A_857, %swap3A_858], %scan3A_683 {strides = array<i32>} : memref<16x1x1024xf32, #tpu.memory_space<vmem>>, vector<16xf32>,
        %mul3A_860 = arith.constant 16 : i32
        %mul3A_861 = arith.muli %sub3A_739, %mul3A_860 : i32
        %swap3A_862 = arith.constant 15 : i32
        %swap3A_863 = arith.constant 0 : i32
        %swap3A_864 = arith.index_cast %swap3A_862 : i32 to index
        %swap3A_865 = arith.index_cast %swap3A_863 : i32 to index
        %swap3A_866 = arith.index_cast %mul3A_861 : i32 to index
        %swap3A_867 = tpu.vector_load %arg10[%swap3A_864, %swap3A_865, %swap3A_866] {strides = array<i32>} : memref<16x1x1024xf32, #tpu.memory_space<vmem>>, vector<16xf32>,
        tpu.vector_store %arg10[%swap3A_864, %swap3A_865, %swap3A_866], %scan3A_684 {strides = array<i32>} : memref<16x1x1024xf32, #tpu.memory_space<vmem>>, vector<16xf32>,
        scf.yield %get3A_738, %gather3A_687, %gather3A_690, %gather3A_693, %gather3A_696, %gather3A_699, %gather3A_702, %gather3A_705, %gather3A_708, %gather3A_711, %gather3A_714, %gather3A_717, %gather3A_720, %gather3A_723, %gather3A_726, %gather3A_729, %gather3A_732 : vector<16xi32>, vector<16xf32>, vector<16xf32>, vector<16xf32>, vector<16xf32>, vector<16xf32>, vector<16xf32>, vector<16xf32>, vector<16xf32>, vector<16xf32>, vector<16xf32>, vector<16xf32>, vector<16xf32>, vector<16xf32>, vector<16xf32>, vector<16xf32>, vector<16xf32>
      }
      %scan3A_381 = arith.constant 63 : i32
      %swap3A = arith.constant 0 : i32
      %swap3A_382 = arith.constant 0 : i32
      %swap3A_383 = arith.index_cast %swap3A : i32 to index
      %swap3A_384 = arith.index_cast %swap3A_382 : i32 to index
      %swap3A_385 = arith.constant 1008 : index
      %swap3A_386 = tpu.vector_load %arg10[%swap3A_383, %swap3A_384, %swap3A_385] {strides = array<i32>} : memref<16x1x1024xf32, #tpu.memory_space<vmem>>, vector<16xf32>,
      tpu.vector_store %arg10[%swap3A_383, %swap3A_384, %swap3A_385], %scan3A_380#1 {strides = array<i32>} : memref<16x1x1024xf32, #tpu.memory_space<vmem>>, vector<16xf32>,
      %swap3A_387 = arith.constant 1 : i32
      %swap3A_388 = arith.constant 0 : i32
      %swap3A_389 = arith.index_cast %swap3A_387 : i32 to index
      %swap3A_390 = arith.index_cast %swap3A_388 : i32 to index
      %swap3A_391 = arith.constant 1008 : index
      %swap3A_392 = tpu.vector_load %arg10[%swap3A_389, %swap3A_390, %swap3A_391] {strides = array<i32>} : memref<16x1x1024xf32, #tpu.memory_space<vmem>>, vector<16xf32>,
      tpu.vector_store %arg10[%swap3A_389, %swap3A_390, %swap3A_391], %scan3A_380#2 {strides = array<i32>} : memref<16x1x1024xf32, #tpu.memory_space<vmem>>, vector<16xf32>,
      %swap3A_393 = arith.constant 2 : i32
      %swap3A_394 = arith.constant 0 : i32
      %swap3A_395 = arith.index_cast %swap3A_393 : i32 to index
      %swap3A_396 = arith.index_cast %swap3A_394 : i32 to index
      %swap3A_397 = arith.constant 1008 : index
      %swap3A_398 = tpu.vector_load %arg10[%swap3A_395, %swap3A_396, %swap3A_397] {strides = array<i32>} : memref<16x1x1024xf32, #tpu.memory_space<vmem>>, vector<16xf32>,
      tpu.vector_store %arg10[%swap3A_395, %swap3A_396, %swap3A_397], %scan3A_380#3 {strides = array<i32>} : memref<16x1x1024xf32, #tpu.memory_space<vmem>>, vector<16xf32>,
      %swap3A_399 = arith.constant 3 : i32
      %swap3A_400 = arith.constant 0 : i32
      %swap3A_401 = arith.index_cast %swap3A_399 : i32 to index
      %swap3A_402 = arith.index_cast %swap3A_400 : i32 to index
      %swap3A_403 = arith.constant 1008 : index
      %swap3A_404 = tpu.vector_load %arg10[%swap3A_401, %swap3A_402, %swap3A_403] {strides = array<i32>} : memref<16x1x1024xf32, #tpu.memory_space<vmem>>, vector<16xf32>,
      tpu.vector_store %arg10[%swap3A_401, %swap3A_402, %swap3A_403], %scan3A_380#4 {strides = array<i32>} : memref<16x1x1024xf32, #tpu.memory_space<vmem>>, vector<16xf32>,
      %swap3A_405 = arith.constant 4 : i32
      %swap3A_406 = arith.constant 0 : i32
      %swap3A_407 = arith.index_cast %swap3A_405 : i32 to index
      %swap3A_408 = arith.index_cast %swap3A_406 : i32 to index
      %swap3A_409 = arith.constant 1008 : index
      %swap3A_410 = tpu.vector_load %arg10[%swap3A_407, %swap3A_408, %swap3A_409] {strides = array<i32>} : memref<16x1x1024xf32, #tpu.memory_space<vmem>>, vector<16xf32>,
      tpu.vector_store %arg10[%swap3A_407, %swap3A_408, %swap3A_409], %scan3A_380#5 {strides = array<i32>} : memref<16x1x1024xf32, #tpu.memory_space<vmem>>, vector<16xf32>,
      %swap3A_411 = arith.constant 5 : i32
      %swap3A_412 = arith.constant 0 : i32
      %swap3A_413 = arith.index_cast %swap3A_411 : i32 to index
      %swap3A_414 = arith.index_cast %swap3A_412 : i32 to index
      %swap3A_415 = arith.constant 1008 : index
      %swap3A_416 = tpu.vector_load %arg10[%swap3A_413, %swap3A_414, %swap3A_415] {strides = array<i32>} : memref<16x1x1024xf32, #tpu.memory_space<vmem>>, vector<16xf32>,
      tpu.vector_store %arg10[%swap3A_413, %swap3A_414, %swap3A_415], %scan3A_380#6 {strides = array<i32>} : memref<16x1x1024xf32, #tpu.memory_space<vmem>>, vector<16xf32>,
      %swap3A_417 = arith.constant 6 : i32
      %swap3A_418 = arith.constant 0 : i32
      %swap3A_419 = arith.index_cast %swap3A_417 : i32 to index
      %swap3A_420 = arith.index_cast %swap3A_418 : i32 to index
      %swap3A_421 = arith.constant 1008 : index
      %swap3A_422 = tpu.vector_load %arg10[%swap3A_419, %swap3A_420, %swap3A_421] {strides = array<i32>} : memref<16x1x1024xf32, #tpu.memory_space<vmem>>, vector<16xf32>,
      tpu.vector_store %arg10[%swap3A_419, %swap3A_420, %swap3A_421], %scan3A_380#7 {strides = array<i32>} : memref<16x1x1024xf32, #tpu.memory_space<vmem>>, vector<16xf32>,
      %swap3A_423 = arith.constant 7 : i32
      %swap3A_424 = arith.constant 0 : i32
      %swap3A_425 = arith.index_cast %swap3A_423 : i32 to index
      %swap3A_426 = arith.index_cast %swap3A_424 : i32 to index
      %swap3A_427 = arith.constant 1008 : index
      %swap3A_428 = tpu.vector_load %arg10[%swap3A_425, %swap3A_426, %swap3A_427] {strides = array<i32>} : memref<16x1x1024xf32, #tpu.memory_space<vmem>>, vector<16xf32>,
      tpu.vector_store %arg10[%swap3A_425, %swap3A_426, %swap3A_427], %scan3A_380#8 {strides = array<i32>} : memref<16x1x1024xf32, #tpu.memory_space<vmem>>, vector<16xf32>,
      %swap3A_429 = arith.constant 8 : i32
      %swap3A_430 = arith.constant 0 : i32
      %swap3A_431 = arith.index_cast %swap3A_429 : i32 to index
      %swap3A_432 = arith.index_cast %swap3A_430 : i32 to index
      %swap3A_433 = arith.constant 1008 : index
      %swap3A_434 = tpu.vector_load %arg10[%swap3A_431, %swap3A_432, %swap3A_433] {strides = array<i32>} : memref<16x1x1024xf32, #tpu.memory_space<vmem>>, vector<16xf32>,
      tpu.vector_store %arg10[%swap3A_431, %swap3A_432, %swap3A_433], %scan3A_380#9 {strides = array<i32>} : memref<16x1x1024xf32, #tpu.memory_space<vmem>>, vector<16xf32>,
      %swap3A_435 = arith.constant 9 : i32
      %swap3A_436 = arith.constant 0 : i32
      %swap3A_437 = arith.index_cast %swap3A_435 : i32 to index
      %swap3A_438 = arith.index_cast %swap3A_436 : i32 to index
      %swap3A_439 = arith.constant 1008 : index
      %swap3A_440 = tpu.vector_load %arg10[%swap3A_437, %swap3A_438, %swap3A_439] {strides = array<i32>} : memref<16x1x1024xf32, #tpu.memory_space<vmem>>, vector<16xf32>,
      tpu.vector_store %arg10[%swap3A_437, %swap3A_438, %swap3A_439], %scan3A_380#10 {strides = array<i32>} : memref<16x1x1024xf32, #tpu.memory_space<vmem>>, vector<16xf32>,
      %swap3A_441 = arith.constant 10 : i32
      %swap3A_442 = arith.constant 0 : i32
      %swap3A_443 = arith.index_cast %swap3A_441 : i32 to index
      %swap3A_444 = arith.index_cast %swap3A_442 : i32 to index
      %swap3A_445 = arith.constant 1008 : index
      %swap3A_446 = tpu.vector_load %arg10[%swap3A_443, %swap3A_444, %swap3A_445] {strides = array<i32>} : memref<16x1x1024xf32, #tpu.memory_space<vmem>>, vector<16xf32>,
      tpu.vector_store %arg10[%swap3A_443, %swap3A_444, %swap3A_445], %scan3A_380#11 {strides = array<i32>} : memref<16x1x1024xf32, #tpu.memory_space<vmem>>, vector<16xf32>,
      %swap3A_447 = arith.constant 11 : i32
      %swap3A_448 = arith.constant 0 : i32
      %swap3A_449 = arith.index_cast %swap3A_447 : i32 to index
      %swap3A_450 = arith.index_cast %swap3A_448 : i32 to index
      %swap3A_451 = arith.constant 1008 : index
      %swap3A_452 = tpu.vector_load %arg10[%swap3A_449, %swap3A_450, %swap3A_451] {strides = array<i32>} : memref<16x1x1024xf32, #tpu.memory_space<vmem>>, vector<16xf32>,
      tpu.vector_store %arg10[%swap3A_449, %swap3A_450, %swap3A_451], %scan3A_380#12 {strides = array<i32>} : memref<16x1x1024xf32, #tpu.memory_space<vmem>>, vector<16xf32>,
      %swap3A_453 = arith.constant 12 : i32
      %swap3A_454 = arith.constant 0 : i32
      %swap3A_455 = arith.index_cast %swap3A_453 : i32 to index
      %swap3A_456 = arith.index_cast %swap3A_454 : i32 to index
      %swap3A_457 = arith.constant 1008 : index
      %swap3A_458 = tpu.vector_load %arg10[%swap3A_455, %swap3A_456, %swap3A_457] {strides = array<i32>} : memref<16x1x1024xf32, #tpu.memory_space<vmem>>, vector<16xf32>,
      tpu.vector_store %arg10[%swap3A_455, %swap3A_456, %swap3A_457], %scan3A_380#13 {strides = array<i32>} : memref<16x1x1024xf32, #tpu.memory_space<vmem>>, vector<16xf32>,
      %swap3A_459 = arith.constant 13 : i32
      %swap3A_460 = arith.constant 0 : i32
      %swap3A_461 = arith.index_cast %swap3A_459 : i32 to index
      %swap3A_462 = arith.index_cast %swap3A_460 : i32 to index
      %swap3A_463 = arith.constant 1008 : index
      %swap3A_464 = tpu.vector_load %arg10[%swap3A_461, %swap3A_462, %swap3A_463] {strides = array<i32>} : memref<16x1x1024xf32, #tpu.memory_space<vmem>>, vector<16xf32>,
      tpu.vector_store %arg10[%swap3A_461, %swap3A_462, %swap3A_463], %scan3A_380#14 {strides = array<i32>} : memref<16x1x1024xf32, #tpu.memory_space<vmem>>, vector<16xf32>,
      %swap3A_465 = arith.constant 14 : i32
      %swap3A_466 = arith.constant 0 : i32
      %swap3A_467 = arith.index_cast %swap3A_465 : i32 to index
      %swap3A_468 = arith.index_cast %swap3A_466 : i32 to index
      %swap3A_469 = arith.constant 1008 : index
      %swap3A_470 = tpu.vector_load %arg10[%swap3A_467, %swap3A_468, %swap3A_469] {strides = array<i32>} : memref<16x1x1024xf32, #tpu.memory_space<vmem>>, vector<16xf32>,
      tpu.vector_store %arg10[%swap3A_467, %swap3A_468, %swap3A_469], %scan3A_380#15 {strides = array<i32>} : memref<16x1x1024xf32, #tpu.memory_space<vmem>>, vector<16xf32>,
      %swap3A_471 = arith.constant 15 : i32
      %swap3A_472 = arith.constant 0 : i32
      %swap3A_473 = arith.index_cast %swap3A_471 : i32 to index
      %swap3A_474 = arith.index_cast %swap3A_472 : i32 to index
      %swap3A_475 = arith.constant 1008 : index
      %swap3A_476 = tpu.vector_load %arg10[%swap3A_473, %swap3A_474, %swap3A_475] {strides = array<i32>} : memref<16x1x1024xf32, #tpu.memory_space<vmem>>, vector<16xf32>,
      tpu.vector_store %arg10[%swap3A_473, %swap3A_474, %swap3A_475], %scan3A_380#16 {strides = array<i32>} : memref<16x1x1024xf32, #tpu.memory_space<vmem>>, vector<16xf32>,
      %add3A_477 = arith.addi %mul3A_276, %add3A_311 : i32
      %dma_start3A_478 = arith.constant 0 : i32
      %dma_start3A_479 = arith.constant 0 : i32
      %dma_start3A_480 = tpu.memref_slice %arg4[%dma_start3A_478, %add3A_477, %dma_start3A_479] : memref<16x1024x1024xf32, #tpu.memory_space<hbm>> -> memref<16x1x1024xf32, #tpu.memory_space<hbm>>
      %dma_start3A_481 = arith.constant 0 : i32
      %dma_start3A_482 = arith.constant 0 : i32
      %dma_start3A_483 = tpu.memref_slice %arg4[%dma_start3A_481, %add3A_477, %dma_start3A_482] : memref<16x1024x1024xf32, #tpu.memory_space<hbm>> -> memref<16x1x1024xf32, #tpu.memory_space<hbm>>
      tpu.enqueue_dma source(%arg10 : memref<16x1x1024xf32, #tpu.memory_space<vmem>>) target(%dma_start3A_483 : memref<16x1x1024xf32, #tpu.memory_space<hbm>>) target_semaphore(%arg13 : memref<!tpu.dma_semaphore, #tpu.memory_space<semaphore_mem>>)
      %mul3A_484 = arith.constant 2 : i32
      %mul3A_485 = arith.muli %scan3A_307, %mul3A_484 : i32
      %add3A_486 = arith.constant 1 : i32
      %add3A_487 = arith.addi %mul3A_485, %add3A_486 : i32
      %add3A_488 = arith.constant 0 : i32
      %add3A_489 = arith.addi %mul3A_2, %add3A_488 : i32
      %dma_wait3A_490 = arith.constant 0 : i32
      %dma_wait3A_491 = tpu.memref_slice %arg9[%dma_wait3A_490] : memref<1040xi32, #tpu.memory_space<vmem>> -> memref<1024xi32, #tpu.memory_space<vmem>>
      %dma_wait3A_492 = tpu.memref_slice %arg3[%add3A_489] : memref<1048576xi32, #tpu.memory_space<hbm>> -> memref<1024xi32, #tpu.memory_space<hbm>>
      %dma_wait3A_493 = arith.constant 0 : i32
      %dma_wait3A_494 = tpu.memref_slice %arg9[%dma_wait3A_493] : memref<1040xi32, #tpu.memory_space<vmem>> -> memref<1024xi32, #tpu.memory_space<vmem>>
      %dma_wait3A_495 = tpu.memref_slice %arg3[%add3A_489] : memref<1048576xi32, #tpu.memory_space<hbm>> -> memref<1024xi32, #tpu.memory_space<hbm>>
      tpu.wait_dma2 semaphore(%arg12 : memref<!tpu.dma_semaphore, #tpu.memory_space<semaphore_mem>>) src(%dma_wait3A_495 : memref<1024xi32, #tpu.memory_space<hbm>>) dst(%dma_wait3A_494 : memref<1024xi32, #tpu.memory_space<vmem>>)
      %lt3A_496 = arith.constant 31 : i32
      %lt3A_497 = arith.cmpi slt, %add3A_487, %lt3A_496 : i32
      %convert_element_type3A_498 = arith.extui %lt3A_497 : i1 to i32
      %cond3A_499 = arith.constant 0 : i32
      %cond3A_500 = arith.cmpi ne, %convert_element_type3A_498, %cond3A_499 : i32
      scf.if %cond3A_500 {
        %add3A_667 = arith.constant 1 : i32
        %add3A_668 = arith.addi %add3A_487, %add3A_667 : i32
        %mul3A_669 = arith.constant 1024 : i32
        %mul3A_670 = arith.muli %add3A_668, %mul3A_669 : i32
        %add3A_671 = arith.addi %mul3A_2, %mul3A_670 : i32
        %dma_start3A_672 = arith.constant 0 : i32
        %dma_start3A_673 = tpu.memref_slice %arg8[%dma_start3A_672] : memref<1040xi32, #tpu.memory_space<vmem>> -> memref<1024xi32, #tpu.memory_space<vmem>>
        %dma_start3A_674 = tpu.memref_slice %arg3[%add3A_671] : memref<1048576xi32, #tpu.memory_space<hbm>> -> memref<1024xi32, #tpu.memory_space<hbm>>
        %dma_start3A_675 = arith.constant 0 : i32
        %dma_start3A_676 = tpu.memref_slice %arg8[%dma_start3A_675] : memref<1040xi32, #tpu.memory_space<vmem>> -> memref<1024xi32, #tpu.memory_space<vmem>>
        %dma_start3A_677 = tpu.memref_slice %arg3[%add3A_671] : memref<1048576xi32, #tpu.memory_space<hbm>> -> memref<1024xi32, #tpu.memory_space<hbm>>
        tpu.enqueue_dma source(%dma_start3A_677 : memref<1024xi32, #tpu.memory_space<hbm>>) target(%dma_start3A_676 : memref<1024xi32, #tpu.memory_space<vmem>>) target_semaphore(%arg12 : memref<!tpu.dma_semaphore, #tpu.memory_space<semaphore_mem>>)
      } else {
      }
      %ge3A_501 = arith.constant 1 : i32
      %ge3A_502 = arith.cmpi sge, %scan3A_307, %ge3A_501 : i32
      %convert_element_type3A_503 = arith.extui %ge3A_502 : i1 to i32
      %cond3A_504 = arith.constant 0 : i32
      %cond3A_505 = arith.cmpi ne, %convert_element_type3A_503, %cond3A_504 : i32
      scf.if %cond3A_505 {
        %add3A_667 = arith.constant 0 : i32
        %add3A_668 = arith.addi %mul3A_276, %add3A_667 : i32
        %dma_wait3A_669 = arith.constant 0 : i32
        %dma_wait3A_670 = arith.constant 0 : i32
        %dma_wait3A_671 = tpu.memref_slice %arg4[%dma_wait3A_669, %add3A_668, %dma_wait3A_670] : memref<16x1024x1024xf32, #tpu.memory_space<hbm>> -> memref<16x1x1024xf32, #tpu.memory_space<hbm>>
        %dma_wait3A_672 = arith.constant 0 : i32
        %dma_wait3A_673 = arith.constant 0 : i32
        %dma_wait3A_674 = tpu.memref_slice %arg4[%dma_wait3A_672, %add3A_668, %dma_wait3A_673] : memref<16x1024x1024xf32, #tpu.memory_space<hbm>> -> memref<16x1x1024xf32, #tpu.memory_space<hbm>>
        tpu.wait_dma2 semaphore(%arg13 : memref<!tpu.dma_semaphore, #tpu.memory_space<semaphore_mem>>) src(%arg11 : memref<16x1x1024xf32, #tpu.memory_space<vmem>>) dst(%dma_wait3A_674 : memref<16x1x1024xf32, #tpu.memory_space<hbm>>)
      } else {
      }
      %get3A_506 = arith.constant 0 : index
      %get3A_507 = tpu.vector_load %arg9[%get3A_506] {strides = array<i32>} : memref<1040xi32, #tpu.memory_space<vmem>>, vector<16xi32>,
      %gather3A_508 = arith.constant 0 : i32
      %gather3A_509 = tpu.memref_slice %arg5[%gather3A_508] : memref<65536xf32, #tpu.memory_space<vmem>> -> memref<4096xf32, #tpu.memory_space<vmem>>
      %gather3A_510 = tpu.vector_load_idx %gather3A_509[%get3A_507] : memref<4096xf32, #tpu.memory_space<vmem>>[vector<16xi32>], vector<16xf32>,
      %gather3A_511 = arith.constant 4096 : i32
      %gather3A_512 = tpu.memref_slice %arg5[%gather3A_511] : memref<65536xf32, #tpu.memory_space<vmem>> -> memref<4096xf32, #tpu.memory_space<vmem>>
      %gather3A_513 = tpu.vector_load_idx %gather3A_512[%get3A_507] : memref<4096xf32, #tpu.memory_space<vmem>>[vector<16xi32>], vector<16xf32>,
      %gather3A_514 = arith.constant 8192 : i32
      %gather3A_515 = tpu.memref_slice %arg5[%gather3A_514] : memref<65536xf32, #tpu.memory_space<vmem>> -> memref<4096xf32, #tpu.memory_space<vmem>>
      %gather3A_516 = tpu.vector_load_idx %gather3A_515[%get3A_507] : memref<4096xf32, #tpu.memory_space<vmem>>[vector<16xi32>], vector<16xf32>,
      %gather3A_517 = arith.constant 12288 : i32
      %gather3A_518 = tpu.memref_slice %arg5[%gather3A_517] : memref<65536xf32, #tpu.memory_space<vmem>> -> memref<4096xf32, #tpu.memory_space<vmem>>
      %gather3A_519 = tpu.vector_load_idx %gather3A_518[%get3A_507] : memref<4096xf32, #tpu.memory_space<vmem>>[vector<16xi32>], vector<16xf32>,
      %gather3A_520 = arith.constant 16384 : i32
      %gather3A_521 = tpu.memref_slice %arg5[%gather3A_520] : memref<65536xf32, #tpu.memory_space<vmem>> -> memref<4096xf32, #tpu.memory_space<vmem>>
      %gather3A_522 = tpu.vector_load_idx %gather3A_521[%get3A_507] : memref<4096xf32, #tpu.memory_space<vmem>>[vector<16xi32>], vector<16xf32>,
      %gather3A_523 = arith.constant 20480 : i32
      %gather3A_524 = tpu.memref_slice %arg5[%gather3A_523] : memref<65536xf32, #tpu.memory_space<vmem>> -> memref<4096xf32, #tpu.memory_space<vmem>>
      %gather3A_525 = tpu.vector_load_idx %gather3A_524[%get3A_507] : memref<4096xf32, #tpu.memory_space<vmem>>[vector<16xi32>], vector<16xf32>,
      %gather3A_526 = arith.constant 24576 : i32
      %gather3A_527 = tpu.memref_slice %arg5[%gather3A_526] : memref<65536xf32, #tpu.memory_space<vmem>> -> memref<4096xf32, #tpu.memory_space<vmem>>
      %gather3A_528 = tpu.vector_load_idx %gather3A_527[%get3A_507] : memref<4096xf32, #tpu.memory_space<vmem>>[vector<16xi32>], vector<16xf32>,
      %gather3A_529 = arith.constant 28672 : i32
      %gather3A_530 = tpu.memref_slice %arg5[%gather3A_529] : memref<65536xf32, #tpu.memory_space<vmem>> -> memref<4096xf32, #tpu.memory_space<vmem>>
      %gather3A_531 = tpu.vector_load_idx %gather3A_530[%get3A_507] : memref<4096xf32, #tpu.memory_space<vmem>>[vector<16xi32>], vector<16xf32>,
      %gather3A_532 = arith.constant 32768 : i32
      %gather3A_533 = tpu.memref_slice %arg5[%gather3A_532] : memref<65536xf32, #tpu.memory_space<vmem>> -> memref<4096xf32, #tpu.memory_space<vmem>>
      %gather3A_534 = tpu.vector_load_idx %gather3A_533[%get3A_507] : memref<4096xf32, #tpu.memory_space<vmem>>[vector<16xi32>], vector<16xf32>,
      %gather3A_535 = arith.constant 36864 : i32
      %gather3A_536 = tpu.memref_slice %arg5[%gather3A_535] : memref<65536xf32, #tpu.memory_space<vmem>> -> memref<4096xf32, #tpu.memory_space<vmem>>
      %gather3A_537 = tpu.vector_load_idx %gather3A_536[%get3A_507] : memref<4096xf32, #tpu.memory_space<vmem>>[vector<16xi32>], vector<16xf32>,
      %gather3A_538 = arith.constant 40960 : i32
      %gather3A_539 = tpu.memref_slice %arg5[%gather3A_538] : memref<65536xf32, #tpu.memory_space<vmem>> -> memref<4096xf32, #tpu.memory_space<vmem>>
      %gather3A_540 = tpu.vector_load_idx %gather3A_539[%get3A_507] : memref<4096xf32, #tpu.memory_space<vmem>>[vector<16xi32>], vector<16xf32>,
      %gather3A_541 = arith.constant 45056 : i32
      %gather3A_542 = tpu.memref_slice %arg5[%gather3A_541] : memref<65536xf32, #tpu.memory_space<vmem>> -> memref<4096xf32, #tpu.memory_space<vmem>>
      %gather3A_543 = tpu.vector_load_idx %gather3A_542[%get3A_507] : memref<4096xf32, #tpu.memory_space<vmem>>[vector<16xi32>], vector<16xf32>,
      %gather3A_544 = arith.constant 49152 : i32
      %gather3A_545 = tpu.memref_slice %arg5[%gather3A_544] : memref<65536xf32, #tpu.memory_space<vmem>> -> memref<4096xf32, #tpu.memory_space<vmem>>
      %gather3A_546 = tpu.vector_load_idx %gather3A_545[%get3A_507] : memref<4096xf32, #tpu.memory_space<vmem>>[vector<16xi32>], vector<16xf32>,
      %gather3A_547 = arith.constant 53248 : i32
      %gather3A_548 = tpu.memref_slice %arg5[%gather3A_547] : memref<65536xf32, #tpu.memory_space<vmem>> -> memref<4096xf32, #tpu.memory_space<vmem>>
      %gather3A_549 = tpu.vector_load_idx %gather3A_548[%get3A_507] : memref<4096xf32, #tpu.memory_space<vmem>>[vector<16xi32>], vector<16xf32>,
      %gather3A_550 = arith.constant 57344 : i32
      %gather3A_551 = tpu.memref_slice %arg5[%gather3A_550] : memref<65536xf32, #tpu.memory_space<vmem>> -> memref<4096xf32, #tpu.memory_space<vmem>>
      %gather3A_552 = tpu.vector_load_idx %gather3A_551[%get3A_507] : memref<4096xf32, #tpu.memory_space<vmem>>[vector<16xi32>], vector<16xf32>,
      %gather3A_553 = arith.constant 61440 : i32
      %gather3A_554 = tpu.memref_slice %arg5[%gather3A_553] : memref<65536xf32, #tpu.memory_space<vmem>> -> memref<4096xf32, #tpu.memory_space<vmem>>
      %gather3A_555 = tpu.vector_load_idx %gather3A_554[%get3A_507] : memref<4096xf32, #tpu.memory_space<vmem>>[vector<16xi32>], vector<16xf32>,
      %get3A_556 = arith.constant 16 : index
      %get3A_557 = tpu.vector_load %arg9[%get3A_556] {strides = array<i32>} : memref<1040xi32, #tpu.memory_space<vmem>>, vector<16xi32>,
      %scan3A_558 = arith.constant 1 : i32
      %scan3A_559 = arith.constant 63 : i32
      %scan3A_560 = arith.addi %scan3A_558, %scan3A_559 : i32
      %scan3A_561 = arith.constant 1 : i32
      %scan3A_562:17 = scf.for %scan3A_667 = %scan3A_558 to %scan3A_560 step %scan3A_561 iter_args(%scan3A_668 = %get3A_557, %scan3A_669 = %gather3A_510, %scan3A_670 = %gather3A_513, %scan3A_671 = %gather3A_516, %scan3A_672 = %gather3A_519, %scan3A_673 = %gather3A_522, %scan3A_674 = %gather3A_525, %scan3A_675 = %gather3A_528, %scan3A_676 = %gather3A_531, %scan3A_677 = %gather3A_534, %scan3A_678 = %gather3A_537, %scan3A_679 = %gather3A_540, %scan3A_680 = %gather3A_543, %scan3A_681 = %gather3A_546, %scan3A_682 = %gather3A_549, %scan3A_683 = %gather3A_552, %scan3A_684 = %gather3A_555) -> (vector<16xi32>, vector<16xf32>, vector<16xf32>, vector<16xf32>, vector<16xf32>, vector<16xf32>, vector<16xf32>, vector<16xf32>, vector<16xf32>, vector<16xf32>, vector<16xf32>, vector<16xf32>, vector<16xf32>, vector<16xf32>, vector<16xf32>, vector<16xf32>, vector<16xf32>)  : i32 {
        %gather3A_685 = arith.constant 0 : i32
        %gather3A_686 = tpu.memref_slice %arg5[%gather3A_685] : memref<65536xf32, #tpu.memory_space<vmem>> -> memref<4096xf32, #tpu.memory_space<vmem>>
        %gather3A_687 = tpu.vector_load_idx %gather3A_686[%scan3A_668] : memref<4096xf32, #tpu.memory_space<vmem>>[vector<16xi32>], vector<16xf32>,
        %gather3A_688 = arith.constant 4096 : i32
        %gather3A_689 = tpu.memref_slice %arg5[%gather3A_688] : memref<65536xf32, #tpu.memory_space<vmem>> -> memref<4096xf32, #tpu.memory_space<vmem>>
        %gather3A_690 = tpu.vector_load_idx %gather3A_689[%scan3A_668] : memref<4096xf32, #tpu.memory_space<vmem>>[vector<16xi32>], vector<16xf32>,
        %gather3A_691 = arith.constant 8192 : i32
        %gather3A_692 = tpu.memref_slice %arg5[%gather3A_691] : memref<65536xf32, #tpu.memory_space<vmem>> -> memref<4096xf32, #tpu.memory_space<vmem>>
        %gather3A_693 = tpu.vector_load_idx %gather3A_692[%scan3A_668] : memref<4096xf32, #tpu.memory_space<vmem>>[vector<16xi32>], vector<16xf32>,
        %gather3A_694 = arith.constant 12288 : i32
        %gather3A_695 = tpu.memref_slice %arg5[%gather3A_694] : memref<65536xf32, #tpu.memory_space<vmem>> -> memref<4096xf32, #tpu.memory_space<vmem>>
        %gather3A_696 = tpu.vector_load_idx %gather3A_695[%scan3A_668] : memref<4096xf32, #tpu.memory_space<vmem>>[vector<16xi32>], vector<16xf32>,
        %gather3A_697 = arith.constant 16384 : i32
        %gather3A_698 = tpu.memref_slice %arg5[%gather3A_697] : memref<65536xf32, #tpu.memory_space<vmem>> -> memref<4096xf32, #tpu.memory_space<vmem>>
        %gather3A_699 = tpu.vector_load_idx %gather3A_698[%scan3A_668] : memref<4096xf32, #tpu.memory_space<vmem>>[vector<16xi32>], vector<16xf32>,
        %gather3A_700 = arith.constant 20480 : i32
        %gather3A_701 = tpu.memref_slice %arg5[%gather3A_700] : memref<65536xf32, #tpu.memory_space<vmem>> -> memref<4096xf32, #tpu.memory_space<vmem>>
        %gather3A_702 = tpu.vector_load_idx %gather3A_701[%scan3A_668] : memref<4096xf32, #tpu.memory_space<vmem>>[vector<16xi32>], vector<16xf32>,
        %gather3A_703 = arith.constant 24576 : i32
        %gather3A_704 = tpu.memref_slice %arg5[%gather3A_703] : memref<65536xf32, #tpu.memory_space<vmem>> -> memref<4096xf32, #tpu.memory_space<vmem>>
        %gather3A_705 = tpu.vector_load_idx %gather3A_704[%scan3A_668] : memref<4096xf32, #tpu.memory_space<vmem>>[vector<16xi32>], vector<16xf32>,
        %gather3A_706 = arith.constant 28672 : i32
        %gather3A_707 = tpu.memref_slice %arg5[%gather3A_706] : memref<65536xf32, #tpu.memory_space<vmem>> -> memref<4096xf32, #tpu.memory_space<vmem>>
        %gather3A_708 = tpu.vector_load_idx %gather3A_707[%scan3A_668] : memref<4096xf32, #tpu.memory_space<vmem>>[vector<16xi32>], vector<16xf32>,
        %gather3A_709 = arith.constant 32768 : i32
        %gather3A_710 = tpu.memref_slice %arg5[%gather3A_709] : memref<65536xf32, #tpu.memory_space<vmem>> -> memref<4096xf32, #tpu.memory_space<vmem>>
        %gather3A_711 = tpu.vector_load_idx %gather3A_710[%scan3A_668] : memref<4096xf32, #tpu.memory_space<vmem>>[vector<16xi32>], vector<16xf32>,
        %gather3A_712 = arith.constant 36864 : i32
        %gather3A_713 = tpu.memref_slice %arg5[%gather3A_712] : memref<65536xf32, #tpu.memory_space<vmem>> -> memref<4096xf32, #tpu.memory_space<vmem>>
        %gather3A_714 = tpu.vector_load_idx %gather3A_713[%scan3A_668] : memref<4096xf32, #tpu.memory_space<vmem>>[vector<16xi32>], vector<16xf32>,
        %gather3A_715 = arith.constant 40960 : i32
        %gather3A_716 = tpu.memref_slice %arg5[%gather3A_715] : memref<65536xf32, #tpu.memory_space<vmem>> -> memref<4096xf32, #tpu.memory_space<vmem>>
        %gather3A_717 = tpu.vector_load_idx %gather3A_716[%scan3A_668] : memref<4096xf32, #tpu.memory_space<vmem>>[vector<16xi32>], vector<16xf32>,
        %gather3A_718 = arith.constant 45056 : i32
        %gather3A_719 = tpu.memref_slice %arg5[%gather3A_718] : memref<65536xf32, #tpu.memory_space<vmem>> -> memref<4096xf32, #tpu.memory_space<vmem>>
        %gather3A_720 = tpu.vector_load_idx %gather3A_719[%scan3A_668] : memref<4096xf32, #tpu.memory_space<vmem>>[vector<16xi32>], vector<16xf32>,
        %gather3A_721 = arith.constant 49152 : i32
        %gather3A_722 = tpu.memref_slice %arg5[%gather3A_721] : memref<65536xf32, #tpu.memory_space<vmem>> -> memref<4096xf32, #tpu.memory_space<vmem>>
        %gather3A_723 = tpu.vector_load_idx %gather3A_722[%scan3A_668] : memref<4096xf32, #tpu.memory_space<vmem>>[vector<16xi32>], vector<16xf32>,
        %gather3A_724 = arith.constant 53248 : i32
        %gather3A_725 = tpu.memref_slice %arg5[%gather3A_724] : memref<65536xf32, #tpu.memory_space<vmem>> -> memref<4096xf32, #tpu.memory_space<vmem>>
        %gather3A_726 = tpu.vector_load_idx %gather3A_725[%scan3A_668] : memref<4096xf32, #tpu.memory_space<vmem>>[vector<16xi32>], vector<16xf32>,
        %gather3A_727 = arith.constant 57344 : i32
        %gather3A_728 = tpu.memref_slice %arg5[%gather3A_727] : memref<65536xf32, #tpu.memory_space<vmem>> -> memref<4096xf32, #tpu.memory_space<vmem>>
        %gather3A_729 = tpu.vector_load_idx %gather3A_728[%scan3A_668] : memref<4096xf32, #tpu.memory_space<vmem>>[vector<16xi32>], vector<16xf32>,
        %gather3A_730 = arith.constant 61440 : i32
        %gather3A_731 = tpu.memref_slice %arg5[%gather3A_730] : memref<65536xf32, #tpu.memory_space<vmem>> -> memref<4096xf32, #tpu.memory_space<vmem>>
        %gather3A_732 = tpu.vector_load_idx %gather3A_731[%scan3A_668] : memref<4096xf32, #tpu.memory_space<vmem>>[vector<16xi32>], vector<16xf32>,
        %add3A_733 = arith.constant 1 : i32
        %add3A_734 = arith.addi %scan3A_667, %add3A_733 : i32
        %mul3A_735 = arith.constant 16 : i32
        %mul3A_736 = arith.muli %add3A_734, %mul3A_735 : i32
        %get3A_737 = arith.index_cast %mul3A_736 : i32 to index
        %get3A_738 = tpu.vector_load %arg9[%get3A_737] {strides = array<i32>} : memref<1040xi32, #tpu.memory_space<vmem>>, vector<16xi32>,
        %sub3A = arith.constant 1 : i32
        %sub3A_739 = arith.subi %scan3A_667, %sub3A : i32
        %mul3A_740 = arith.constant 16 : i32
        %mul3A_741 = arith.muli %sub3A_739, %mul3A_740 : i32
        %swap3A_742 = arith.constant 0 : i32
        %swap3A_743 = arith.constant 0 : i32
        %swap3A_744 = arith.index_cast %swap3A_742 : i32 to index
        %swap3A_745 = arith.index_cast %swap3A_743 : i32 to index
        %swap3A_746 = arith.index_cast %mul3A_741 : i32 to index
        %swap3A_747 = tpu.vector_load %arg11[%swap3A_744, %swap3A_745, %swap3A_746] {strides = array<i32>} : memref<16x1x1024xf32, #tpu.memory_space<vmem>>, vector<16xf32>,
        tpu.vector_store %arg11[%swap3A_744, %swap3A_745, %swap3A_746], %scan3A_669 {strides = array<i32>} : memref<16x1x1024xf32, #tpu.memory_space<vmem>>, vector<16xf32>,
        %mul3A_748 = arith.constant 16 : i32
        %mul3A_749 = arith.muli %sub3A_739, %mul3A_748 : i32
        %swap3A_750 = arith.constant 1 : i32
        %swap3A_751 = arith.constant 0 : i32
        %swap3A_752 = arith.index_cast %swap3A_750 : i32 to index
        %swap3A_753 = arith.index_cast %swap3A_751 : i32 to index
        %swap3A_754 = arith.index_cast %mul3A_749 : i32 to index
        %swap3A_755 = tpu.vector_load %arg11[%swap3A_752, %swap3A_753, %swap3A_754] {strides = array<i32>} : memref<16x1x1024xf32, #tpu.memory_space<vmem>>, vector<16xf32>,
        tpu.vector_store %arg11[%swap3A_752, %swap3A_753, %swap3A_754], %scan3A_670 {strides = array<i32>} : memref<16x1x1024xf32, #tpu.memory_space<vmem>>, vector<16xf32>,
        %mul3A_756 = arith.constant 16 : i32
        %mul3A_757 = arith.muli %sub3A_739, %mul3A_756 : i32
        %swap3A_758 = arith.constant 2 : i32
        %swap3A_759 = arith.constant 0 : i32
        %swap3A_760 = arith.index_cast %swap3A_758 : i32 to index
        %swap3A_761 = arith.index_cast %swap3A_759 : i32 to index
        %swap3A_762 = arith.index_cast %mul3A_757 : i32 to index
        %swap3A_763 = tpu.vector_load %arg11[%swap3A_760, %swap3A_761, %swap3A_762] {strides = array<i32>} : memref<16x1x1024xf32, #tpu.memory_space<vmem>>, vector<16xf32>,
        tpu.vector_store %arg11[%swap3A_760, %swap3A_761, %swap3A_762], %scan3A_671 {strides = array<i32>} : memref<16x1x1024xf32, #tpu.memory_space<vmem>>, vector<16xf32>,
        %mul3A_764 = arith.constant 16 : i32
        %mul3A_765 = arith.muli %sub3A_739, %mul3A_764 : i32
        %swap3A_766 = arith.constant 3 : i32
        %swap3A_767 = arith.constant 0 : i32
        %swap3A_768 = arith.index_cast %swap3A_766 : i32 to index
        %swap3A_769 = arith.index_cast %swap3A_767 : i32 to index
        %swap3A_770 = arith.index_cast %mul3A_765 : i32 to index
        %swap3A_771 = tpu.vector_load %arg11[%swap3A_768, %swap3A_769, %swap3A_770] {strides = array<i32>} : memref<16x1x1024xf32, #tpu.memory_space<vmem>>, vector<16xf32>,
        tpu.vector_store %arg11[%swap3A_768, %swap3A_769, %swap3A_770], %scan3A_672 {strides = array<i32>} : memref<16x1x1024xf32, #tpu.memory_space<vmem>>, vector<16xf32>,
        %mul3A_772 = arith.constant 16 : i32
        %mul3A_773 = arith.muli %sub3A_739, %mul3A_772 : i32
        %swap3A_774 = arith.constant 4 : i32
        %swap3A_775 = arith.constant 0 : i32
        %swap3A_776 = arith.index_cast %swap3A_774 : i32 to index
        %swap3A_777 = arith.index_cast %swap3A_775 : i32 to index
        %swap3A_778 = arith.index_cast %mul3A_773 : i32 to index
        %swap3A_779 = tpu.vector_load %arg11[%swap3A_776, %swap3A_777, %swap3A_778] {strides = array<i32>} : memref<16x1x1024xf32, #tpu.memory_space<vmem>>, vector<16xf32>,
        tpu.vector_store %arg11[%swap3A_776, %swap3A_777, %swap3A_778], %scan3A_673 {strides = array<i32>} : memref<16x1x1024xf32, #tpu.memory_space<vmem>>, vector<16xf32>,
        %mul3A_780 = arith.constant 16 : i32
        %mul3A_781 = arith.muli %sub3A_739, %mul3A_780 : i32
        %swap3A_782 = arith.constant 5 : i32
        %swap3A_783 = arith.constant 0 : i32
        %swap3A_784 = arith.index_cast %swap3A_782 : i32 to index
        %swap3A_785 = arith.index_cast %swap3A_783 : i32 to index
        %swap3A_786 = arith.index_cast %mul3A_781 : i32 to index
        %swap3A_787 = tpu.vector_load %arg11[%swap3A_784, %swap3A_785, %swap3A_786] {strides = array<i32>} : memref<16x1x1024xf32, #tpu.memory_space<vmem>>, vector<16xf32>,
        tpu.vector_store %arg11[%swap3A_784, %swap3A_785, %swap3A_786], %scan3A_674 {strides = array<i32>} : memref<16x1x1024xf32, #tpu.memory_space<vmem>>, vector<16xf32>,
        %mul3A_788 = arith.constant 16 : i32
        %mul3A_789 = arith.muli %sub3A_739, %mul3A_788 : i32
        %swap3A_790 = arith.constant 6 : i32
        %swap3A_791 = arith.constant 0 : i32
        %swap3A_792 = arith.index_cast %swap3A_790 : i32 to index
        %swap3A_793 = arith.index_cast %swap3A_791 : i32 to index
        %swap3A_794 = arith.index_cast %mul3A_789 : i32 to index
        %swap3A_795 = tpu.vector_load %arg11[%swap3A_792, %swap3A_793, %swap3A_794] {strides = array<i32>} : memref<16x1x1024xf32, #tpu.memory_space<vmem>>, vector<16xf32>,
        tpu.vector_store %arg11[%swap3A_792, %swap3A_793, %swap3A_794], %scan3A_675 {strides = array<i32>} : memref<16x1x1024xf32, #tpu.memory_space<vmem>>, vector<16xf32>,
        %mul3A_796 = arith.constant 16 : i32
        %mul3A_797 = arith.muli %sub3A_739, %mul3A_796 : i32
        %swap3A_798 = arith.constant 7 : i32
        %swap3A_799 = arith.constant 0 : i32
        %swap3A_800 = arith.index_cast %swap3A_798 : i32 to index
        %swap3A_801 = arith.index_cast %swap3A_799 : i32 to index
        %swap3A_802 = arith.index_cast %mul3A_797 : i32 to index
        %swap3A_803 = tpu.vector_load %arg11[%swap3A_800, %swap3A_801, %swap3A_802] {strides = array<i32>} : memref<16x1x1024xf32, #tpu.memory_space<vmem>>, vector<16xf32>,
        tpu.vector_store %arg11[%swap3A_800, %swap3A_801, %swap3A_802], %scan3A_676 {strides = array<i32>} : memref<16x1x1024xf32, #tpu.memory_space<vmem>>, vector<16xf32>,
        %mul3A_804 = arith.constant 16 : i32
        %mul3A_805 = arith.muli %sub3A_739, %mul3A_804 : i32
        %swap3A_806 = arith.constant 8 : i32
        %swap3A_807 = arith.constant 0 : i32
        %swap3A_808 = arith.index_cast %swap3A_806 : i32 to index
        %swap3A_809 = arith.index_cast %swap3A_807 : i32 to index
        %swap3A_810 = arith.index_cast %mul3A_805 : i32 to index
        %swap3A_811 = tpu.vector_load %arg11[%swap3A_808, %swap3A_809, %swap3A_810] {strides = array<i32>} : memref<16x1x1024xf32, #tpu.memory_space<vmem>>, vector<16xf32>,
        tpu.vector_store %arg11[%swap3A_808, %swap3A_809, %swap3A_810], %scan3A_677 {strides = array<i32>} : memref<16x1x1024xf32, #tpu.memory_space<vmem>>, vector<16xf32>,
        %mul3A_812 = arith.constant 16 : i32
        %mul3A_813 = arith.muli %sub3A_739, %mul3A_812 : i32
        %swap3A_814 = arith.constant 9 : i32
        %swap3A_815 = arith.constant 0 : i32
        %swap3A_816 = arith.index_cast %swap3A_814 : i32 to index
        %swap3A_817 = arith.index_cast %swap3A_815 : i32 to index
        %swap3A_818 = arith.index_cast %mul3A_813 : i32 to index
        %swap3A_819 = tpu.vector_load %arg11[%swap3A_816, %swap3A_817, %swap3A_818] {strides = array<i32>} : memref<16x1x1024xf32, #tpu.memory_space<vmem>>, vector<16xf32>,
        tpu.vector_store %arg11[%swap3A_816, %swap3A_817, %swap3A_818], %scan3A_678 {strides = array<i32>} : memref<16x1x1024xf32, #tpu.memory_space<vmem>>, vector<16xf32>,
        %mul3A_820 = arith.constant 16 : i32
        %mul3A_821 = arith.muli %sub3A_739, %mul3A_820 : i32
        %swap3A_822 = arith.constant 10 : i32
        %swap3A_823 = arith.constant 0 : i32
        %swap3A_824 = arith.index_cast %swap3A_822 : i32 to index
        %swap3A_825 = arith.index_cast %swap3A_823 : i32 to index
        %swap3A_826 = arith.index_cast %mul3A_821 : i32 to index
        %swap3A_827 = tpu.vector_load %arg11[%swap3A_824, %swap3A_825, %swap3A_826] {strides = array<i32>} : memref<16x1x1024xf32, #tpu.memory_space<vmem>>, vector<16xf32>,
        tpu.vector_store %arg11[%swap3A_824, %swap3A_825, %swap3A_826], %scan3A_679 {strides = array<i32>} : memref<16x1x1024xf32, #tpu.memory_space<vmem>>, vector<16xf32>,
        %mul3A_828 = arith.constant 16 : i32
        %mul3A_829 = arith.muli %sub3A_739, %mul3A_828 : i32
        %swap3A_830 = arith.constant 11 : i32
        %swap3A_831 = arith.constant 0 : i32
        %swap3A_832 = arith.index_cast %swap3A_830 : i32 to index
        %swap3A_833 = arith.index_cast %swap3A_831 : i32 to index
        %swap3A_834 = arith.index_cast %mul3A_829 : i32 to index
        %swap3A_835 = tpu.vector_load %arg11[%swap3A_832, %swap3A_833, %swap3A_834] {strides = array<i32>} : memref<16x1x1024xf32, #tpu.memory_space<vmem>>, vector<16xf32>,
        tpu.vector_store %arg11[%swap3A_832, %swap3A_833, %swap3A_834], %scan3A_680 {strides = array<i32>} : memref<16x1x1024xf32, #tpu.memory_space<vmem>>, vector<16xf32>,
        %mul3A_836 = arith.constant 16 : i32
        %mul3A_837 = arith.muli %sub3A_739, %mul3A_836 : i32
        %swap3A_838 = arith.constant 12 : i32
        %swap3A_839 = arith.constant 0 : i32
        %swap3A_840 = arith.index_cast %swap3A_838 : i32 to index
        %swap3A_841 = arith.index_cast %swap3A_839 : i32 to index
        %swap3A_842 = arith.index_cast %mul3A_837 : i32 to index
        %swap3A_843 = tpu.vector_load %arg11[%swap3A_840, %swap3A_841, %swap3A_842] {strides = array<i32>} : memref<16x1x1024xf32, #tpu.memory_space<vmem>>, vector<16xf32>,
        tpu.vector_store %arg11[%swap3A_840, %swap3A_841, %swap3A_842], %scan3A_681 {strides = array<i32>} : memref<16x1x1024xf32, #tpu.memory_space<vmem>>, vector<16xf32>,
        %mul3A_844 = arith.constant 16 : i32
        %mul3A_845 = arith.muli %sub3A_739, %mul3A_844 : i32
        %swap3A_846 = arith.constant 13 : i32
        %swap3A_847 = arith.constant 0 : i32
        %swap3A_848 = arith.index_cast %swap3A_846 : i32 to index
        %swap3A_849 = arith.index_cast %swap3A_847 : i32 to index
        %swap3A_850 = arith.index_cast %mul3A_845 : i32 to index
        %swap3A_851 = tpu.vector_load %arg11[%swap3A_848, %swap3A_849, %swap3A_850] {strides = array<i32>} : memref<16x1x1024xf32, #tpu.memory_space<vmem>>, vector<16xf32>,
        tpu.vector_store %arg11[%swap3A_848, %swap3A_849, %swap3A_850], %scan3A_682 {strides = array<i32>} : memref<16x1x1024xf32, #tpu.memory_space<vmem>>, vector<16xf32>,
        %mul3A_852 = arith.constant 16 : i32
        %mul3A_853 = arith.muli %sub3A_739, %mul3A_852 : i32
        %swap3A_854 = arith.constant 14 : i32
        %swap3A_855 = arith.constant 0 : i32
        %swap3A_856 = arith.index_cast %swap3A_854 : i32 to index
        %swap3A_857 = arith.index_cast %swap3A_855 : i32 to index
        %swap3A_858 = arith.index_cast %mul3A_853 : i32 to index
        %swap3A_859 = tpu.vector_load %arg11[%swap3A_856, %swap3A_857, %swap3A_858] {strides = array<i32>} : memref<16x1x1024xf32, #tpu.memory_space<vmem>>, vector<16xf32>,
        tpu.vector_store %arg11[%swap3A_856, %swap3A_857, %swap3A_858], %scan3A_683 {strides = array<i32>} : memref<16x1x1024xf32, #tpu.memory_space<vmem>>, vector<16xf32>,
        %mul3A_860 = arith.constant 16 : i32
        %mul3A_861 = arith.muli %sub3A_739, %mul3A_860 : i32
        %swap3A_862 = arith.constant 15 : i32
        %swap3A_863 = arith.constant 0 : i32
        %swap3A_864 = arith.index_cast %swap3A_862 : i32 to index
        %swap3A_865 = arith.index_cast %swap3A_863 : i32 to index
        %swap3A_866 = arith.index_cast %mul3A_861 : i32 to index
        %swap3A_867 = tpu.vector_load %arg11[%swap3A_864, %swap3A_865, %swap3A_866] {strides = array<i32>} : memref<16x1x1024xf32, #tpu.memory_space<vmem>>, vector<16xf32>,
        tpu.vector_store %arg11[%swap3A_864, %swap3A_865, %swap3A_866], %scan3A_684 {strides = array<i32>} : memref<16x1x1024xf32, #tpu.memory_space<vmem>>, vector<16xf32>,
        scf.yield %get3A_738, %gather3A_687, %gather3A_690, %gather3A_693, %gather3A_696, %gather3A_699, %gather3A_702, %gather3A_705, %gather3A_708, %gather3A_711, %gather3A_714, %gather3A_717, %gather3A_720, %gather3A_723, %gather3A_726, %gather3A_729, %gather3A_732 : vector<16xi32>, vector<16xf32>, vector<16xf32>, vector<16xf32>, vector<16xf32>, vector<16xf32>, vector<16xf32>, vector<16xf32>, vector<16xf32>, vector<16xf32>, vector<16xf32>, vector<16xf32>, vector<16xf32>, vector<16xf32>, vector<16xf32>, vector<16xf32>, vector<16xf32>
      }
      %scan3A_563 = arith.constant 63 : i32
      %swap3A_564 = arith.constant 0 : i32
      %swap3A_565 = arith.constant 0 : i32
      %swap3A_566 = arith.index_cast %swap3A_564 : i32 to index
      %swap3A_567 = arith.index_cast %swap3A_565 : i32 to index
      %swap3A_568 = arith.constant 1008 : index
      %swap3A_569 = tpu.vector_load %arg11[%swap3A_566, %swap3A_567, %swap3A_568] {strides = array<i32>} : memref<16x1x1024xf32, #tpu.memory_space<vmem>>, vector<16xf32>,
      tpu.vector_store %arg11[%swap3A_566, %swap3A_567, %swap3A_568], %scan3A_562#1 {strides = array<i32>} : memref<16x1x1024xf32, #tpu.memory_space<vmem>>, vector<16xf32>,
      %swap3A_570 = arith.constant 1 : i32
      %swap3A_571 = arith.constant 0 : i32
      %swap3A_572 = arith.index_cast %swap3A_570 : i32 to index
      %swap3A_573 = arith.index_cast %swap3A_571 : i32 to index
      %swap3A_574 = arith.constant 1008 : index
      %swap3A_575 = tpu.vector_load %arg11[%swap3A_572, %swap3A_573, %swap3A_574] {strides = array<i32>} : memref<16x1x1024xf32, #tpu.memory_space<vmem>>, vector<16xf32>,
      tpu.vector_store %arg11[%swap3A_572, %swap3A_573, %swap3A_574], %scan3A_562#2 {strides = array<i32>} : memref<16x1x1024xf32, #tpu.memory_space<vmem>>, vector<16xf32>,
      %swap3A_576 = arith.constant 2 : i32
      %swap3A_577 = arith.constant 0 : i32
      %swap3A_578 = arith.index_cast %swap3A_576 : i32 to index
      %swap3A_579 = arith.index_cast %swap3A_577 : i32 to index
      %swap3A_580 = arith.constant 1008 : index
      %swap3A_581 = tpu.vector_load %arg11[%swap3A_578, %swap3A_579, %swap3A_580] {strides = array<i32>} : memref<16x1x1024xf32, #tpu.memory_space<vmem>>, vector<16xf32>,
      tpu.vector_store %arg11[%swap3A_578, %swap3A_579, %swap3A_580], %scan3A_562#3 {strides = array<i32>} : memref<16x1x1024xf32, #tpu.memory_space<vmem>>, vector<16xf32>,
      %swap3A_582 = arith.constant 3 : i32
      %swap3A_583 = arith.constant 0 : i32
      %swap3A_584 = arith.index_cast %swap3A_582 : i32 to index
      %swap3A_585 = arith.index_cast %swap3A_583 : i32 to index
      %swap3A_586 = arith.constant 1008 : index
      %swap3A_587 = tpu.vector_load %arg11[%swap3A_584, %swap3A_585, %swap3A_586] {strides = array<i32>} : memref<16x1x1024xf32, #tpu.memory_space<vmem>>, vector<16xf32>,
      tpu.vector_store %arg11[%swap3A_584, %swap3A_585, %swap3A_586], %scan3A_562#4 {strides = array<i32>} : memref<16x1x1024xf32, #tpu.memory_space<vmem>>, vector<16xf32>,
      %swap3A_588 = arith.constant 4 : i32
      %swap3A_589 = arith.constant 0 : i32
      %swap3A_590 = arith.index_cast %swap3A_588 : i32 to index
      %swap3A_591 = arith.index_cast %swap3A_589 : i32 to index
      %swap3A_592 = arith.constant 1008 : index
      %swap3A_593 = tpu.vector_load %arg11[%swap3A_590, %swap3A_591, %swap3A_592] {strides = array<i32>} : memref<16x1x1024xf32, #tpu.memory_space<vmem>>, vector<16xf32>,
      tpu.vector_store %arg11[%swap3A_590, %swap3A_591, %swap3A_592], %scan3A_562#5 {strides = array<i32>} : memref<16x1x1024xf32, #tpu.memory_space<vmem>>, vector<16xf32>,
      %swap3A_594 = arith.constant 5 : i32
      %swap3A_595 = arith.constant 0 : i32
      %swap3A_596 = arith.index_cast %swap3A_594 : i32 to index
      %swap3A_597 = arith.index_cast %swap3A_595 : i32 to index
      %swap3A_598 = arith.constant 1008 : index
      %swap3A_599 = tpu.vector_load %arg11[%swap3A_596, %swap3A_597, %swap3A_598] {strides = array<i32>} : memref<16x1x1024xf32, #tpu.memory_space<vmem>>, vector<16xf32>,
      tpu.vector_store %arg11[%swap3A_596, %swap3A_597, %swap3A_598], %scan3A_562#6 {strides = array<i32>} : memref<16x1x1024xf32, #tpu.memory_space<vmem>>, vector<16xf32>,
      %swap3A_600 = arith.constant 6 : i32
      %swap3A_601 = arith.constant 0 : i32
      %swap3A_602 = arith.index_cast %swap3A_600 : i32 to index
      %swap3A_603 = arith.index_cast %swap3A_601 : i32 to index
      %swap3A_604 = arith.constant 1008 : index
      %swap3A_605 = tpu.vector_load %arg11[%swap3A_602, %swap3A_603, %swap3A_604] {strides = array<i32>} : memref<16x1x1024xf32, #tpu.memory_space<vmem>>, vector<16xf32>,
      tpu.vector_store %arg11[%swap3A_602, %swap3A_603, %swap3A_604], %scan3A_562#7 {strides = array<i32>} : memref<16x1x1024xf32, #tpu.memory_space<vmem>>, vector<16xf32>,
      %swap3A_606 = arith.constant 7 : i32
      %swap3A_607 = arith.constant 0 : i32
      %swap3A_608 = arith.index_cast %swap3A_606 : i32 to index
      %swap3A_609 = arith.index_cast %swap3A_607 : i32 to index
      %swap3A_610 = arith.constant 1008 : index
      %swap3A_611 = tpu.vector_load %arg11[%swap3A_608, %swap3A_609, %swap3A_610] {strides = array<i32>} : memref<16x1x1024xf32, #tpu.memory_space<vmem>>, vector<16xf32>,
      tpu.vector_store %arg11[%swap3A_608, %swap3A_609, %swap3A_610], %scan3A_562#8 {strides = array<i32>} : memref<16x1x1024xf32, #tpu.memory_space<vmem>>, vector<16xf32>,
      %swap3A_612 = arith.constant 8 : i32
      %swap3A_613 = arith.constant 0 : i32
      %swap3A_614 = arith.index_cast %swap3A_612 : i32 to index
      %swap3A_615 = arith.index_cast %swap3A_613 : i32 to index
      %swap3A_616 = arith.constant 1008 : index
      %swap3A_617 = tpu.vector_load %arg11[%swap3A_614, %swap3A_615, %swap3A_616] {strides = array<i32>} : memref<16x1x1024xf32, #tpu.memory_space<vmem>>, vector<16xf32>,
      tpu.vector_store %arg11[%swap3A_614, %swap3A_615, %swap3A_616], %scan3A_562#9 {strides = array<i32>} : memref<16x1x1024xf32, #tpu.memory_space<vmem>>, vector<16xf32>,
      %swap3A_618 = arith.constant 9 : i32
      %swap3A_619 = arith.constant 0 : i32
      %swap3A_620 = arith.index_cast %swap3A_618 : i32 to index
      %swap3A_621 = arith.index_cast %swap3A_619 : i32 to index
      %swap3A_622 = arith.constant 1008 : index
      %swap3A_623 = tpu.vector_load %arg11[%swap3A_620, %swap3A_621, %swap3A_622] {strides = array<i32>} : memref<16x1x1024xf32, #tpu.memory_space<vmem>>, vector<16xf32>,
      tpu.vector_store %arg11[%swap3A_620, %swap3A_621, %swap3A_622], %scan3A_562#10 {strides = array<i32>} : memref<16x1x1024xf32, #tpu.memory_space<vmem>>, vector<16xf32>,
      %swap3A_624 = arith.constant 10 : i32
      %swap3A_625 = arith.constant 0 : i32
      %swap3A_626 = arith.index_cast %swap3A_624 : i32 to index
      %swap3A_627 = arith.index_cast %swap3A_625 : i32 to index
      %swap3A_628 = arith.constant 1008 : index
      %swap3A_629 = tpu.vector_load %arg11[%swap3A_626, %swap3A_627, %swap3A_628] {strides = array<i32>} : memref<16x1x1024xf32, #tpu.memory_space<vmem>>, vector<16xf32>,
      tpu.vector_store %arg11[%swap3A_626, %swap3A_627, %swap3A_628], %scan3A_562#11 {strides = array<i32>} : memref<16x1x1024xf32, #tpu.memory_space<vmem>>, vector<16xf32>,
      %swap3A_630 = arith.constant 11 : i32
      %swap3A_631 = arith.constant 0 : i32
      %swap3A_632 = arith.index_cast %swap3A_630 : i32 to index
      %swap3A_633 = arith.index_cast %swap3A_631 : i32 to index
      %swap3A_634 = arith.constant 1008 : index
      %swap3A_635 = tpu.vector_load %arg11[%swap3A_632, %swap3A_633, %swap3A_634] {strides = array<i32>} : memref<16x1x1024xf32, #tpu.memory_space<vmem>>, vector<16xf32>,
      tpu.vector_store %arg11[%swap3A_632, %swap3A_633, %swap3A_634], %scan3A_562#12 {strides = array<i32>} : memref<16x1x1024xf32, #tpu.memory_space<vmem>>, vector<16xf32>,
      %swap3A_636 = arith.constant 12 : i32
      %swap3A_637 = arith.constant 0 : i32
      %swap3A_638 = arith.index_cast %swap3A_636 : i32 to index
      %swap3A_639 = arith.index_cast %swap3A_637 : i32 to index
      %swap3A_640 = arith.constant 1008 : index
      %swap3A_641 = tpu.vector_load %arg11[%swap3A_638, %swap3A_639, %swap3A_640] {strides = array<i32>} : memref<16x1x1024xf32, #tpu.memory_space<vmem>>, vector<16xf32>,
      tpu.vector_store %arg11[%swap3A_638, %swap3A_639, %swap3A_640], %scan3A_562#13 {strides = array<i32>} : memref<16x1x1024xf32, #tpu.memory_space<vmem>>, vector<16xf32>,
      %swap3A_642 = arith.constant 13 : i32
      %swap3A_643 = arith.constant 0 : i32
      %swap3A_644 = arith.index_cast %swap3A_642 : i32 to index
      %swap3A_645 = arith.index_cast %swap3A_643 : i32 to index
      %swap3A_646 = arith.constant 1008 : index
      %swap3A_647 = tpu.vector_load %arg11[%swap3A_644, %swap3A_645, %swap3A_646] {strides = array<i32>} : memref<16x1x1024xf32, #tpu.memory_space<vmem>>, vector<16xf32>,
      tpu.vector_store %arg11[%swap3A_644, %swap3A_645, %swap3A_646], %scan3A_562#14 {strides = array<i32>} : memref<16x1x1024xf32, #tpu.memory_space<vmem>>, vector<16xf32>,
      %swap3A_648 = arith.constant 14 : i32
      %swap3A_649 = arith.constant 0 : i32
      %swap3A_650 = arith.index_cast %swap3A_648 : i32 to index
      %swap3A_651 = arith.index_cast %swap3A_649 : i32 to index
      %swap3A_652 = arith.constant 1008 : index
      %swap3A_653 = tpu.vector_load %arg11[%swap3A_650, %swap3A_651, %swap3A_652] {strides = array<i32>} : memref<16x1x1024xf32, #tpu.memory_space<vmem>>, vector<16xf32>,
      tpu.vector_store %arg11[%swap3A_650, %swap3A_651, %swap3A_652], %scan3A_562#15 {strides = array<i32>} : memref<16x1x1024xf32, #tpu.memory_space<vmem>>, vector<16xf32>,
      %swap3A_654 = arith.constant 15 : i32
      %swap3A_655 = arith.constant 0 : i32
      %swap3A_656 = arith.index_cast %swap3A_654 : i32 to index
      %swap3A_657 = arith.index_cast %swap3A_655 : i32 to index
      %swap3A_658 = arith.constant 1008 : index
      %swap3A_659 = tpu.vector_load %arg11[%swap3A_656, %swap3A_657, %swap3A_658] {strides = array<i32>} : memref<16x1x1024xf32, #tpu.memory_space<vmem>>, vector<16xf32>,
      tpu.vector_store %arg11[%swap3A_656, %swap3A_657, %swap3A_658], %scan3A_562#16 {strides = array<i32>} : memref<16x1x1024xf32, #tpu.memory_space<vmem>>, vector<16xf32>,
      %add3A_660 = arith.addi %mul3A_276, %add3A_487 : i32
      %dma_start3A_661 = arith.constant 0 : i32
      %dma_start3A_662 = arith.constant 0 : i32
      %dma_start3A_663 = tpu.memref_slice %arg4[%dma_start3A_661, %add3A_660, %dma_start3A_662] : memref<16x1024x1024xf32, #tpu.memory_space<hbm>> -> memref<16x1x1024xf32, #tpu.memory_space<hbm>>
      %dma_start3A_664 = arith.constant 0 : i32
      %dma_start3A_665 = arith.constant 0 : i32
      %dma_start3A_666 = tpu.memref_slice %arg4[%dma_start3A_664, %add3A_660, %dma_start3A_665] : memref<16x1024x1024xf32, #tpu.memory_space<hbm>> -> memref<16x1x1024xf32, #tpu.memory_space<hbm>>
      tpu.enqueue_dma source(%arg11 : memref<16x1x1024xf32, #tpu.memory_space<vmem>>) target(%dma_start3A_666 : memref<16x1x1024xf32, #tpu.memory_space<hbm>>) target_semaphore(%arg13 : memref<!tpu.dma_semaphore, #tpu.memory_space<semaphore_mem>>)
    }
    %scan3A_290 = arith.constant 16 : i32
    %add3A_291 = arith.constant 0 : i32
    %add3A_292 = arith.addi %mul3A_276, %add3A_291 : i32
    %dma_wait3A_293 = arith.constant 0 : i32
    %dma_wait3A_294 = arith.constant 0 : i32
    %dma_wait3A_295 = tpu.memref_slice %arg4[%dma_wait3A_293, %add3A_292, %dma_wait3A_294] : memref<16x1024x1024xf32, #tpu.memory_space<hbm>> -> memref<16x1x1024xf32, #tpu.memory_space<hbm>>
    %dma_wait3A_296 = arith.constant 0 : i32
    %dma_wait3A_297 = arith.constant 0 : i32
    %dma_wait3A_298 = tpu.memref_slice %arg4[%dma_wait3A_296, %add3A_292, %dma_wait3A_297] : memref<16x1024x1024xf32, #tpu.memory_space<hbm>> -> memref<16x1x1024xf32, #tpu.memory_space<hbm>>
    tpu.wait_dma2 semaphore(%arg13 : memref<!tpu.dma_semaphore, #tpu.memory_space<semaphore_mem>>) src(%arg10 : memref<16x1x1024xf32, #tpu.memory_space<vmem>>) dst(%dma_wait3A_298 : memref<16x1x1024xf32, #tpu.memory_space<hbm>>)
    %add3A_299 = arith.constant 0 : i32
    %add3A_300 = arith.addi %mul3A_276, %add3A_299 : i32
    %dma_wait3A_301 = arith.constant 0 : i32
    %dma_wait3A_302 = arith.constant 0 : i32
    %dma_wait3A_303 = tpu.memref_slice %arg4[%dma_wait3A_301, %add3A_300, %dma_wait3A_302] : memref<16x1024x1024xf32, #tpu.memory_space<hbm>> -> memref<16x1x1024xf32, #tpu.memory_space<hbm>>
    %dma_wait3A_304 = arith.constant 0 : i32
    %dma_wait3A_305 = arith.constant 0 : i32
    %dma_wait3A_306 = tpu.memref_slice %arg4[%dma_wait3A_304, %add3A_300, %dma_wait3A_305] : memref<16x1024x1024xf32, #tpu.memory_space<hbm>> -> memref<16x1x1024xf32, #tpu.memory_space<hbm>>
    tpu.wait_dma2 semaphore(%arg13 : memref<!tpu.dma_semaphore, #tpu.memory_space<semaphore_mem>>) src(%arg11 : memref<16x1x1024xf32, #tpu.memory_space<vmem>>) dst(%dma_wait3A_306 : memref<16x1x1024xf32, #tpu.memory_space<hbm>>)
    return
  }
}

</mosaic_0001>

<sc_bundles>
// kernel: _rel_bias.3.cloned.1.call-start
scs
__scs_entry_jumppad:
0x0: {  	(pc) =	sbr.rel $0x88, $3  }
0x1: {  	(tag) =	ssettag $0x0;
	lr =	simm.s32 $0x1  }
0x2: {  	[smem:$0x3F9F] =	sst lr;
	_ =	strace $0xD0000000  }
0x3: {  	_ = 	snop  }
0x4: {  	_ = 	snop  }
0x5: {  	_ = 	snop  }
0x6: {  	_ = 	snop  }
0x7: {  	_ = 	snop  }
__scs_overlays_trampoline_lowered:
0x8: {  	[smem:$0x3FAE] =	sst s0  }
0x9: {  	[smem:$0x3FAF] =	sst s1  }
0xa: {  	[smem:$0x3FB0] =	sst s2  }
0xb: {  	[smem:$0x3FB1] =	sst s3  }
0xc: {  	[smem:$0x3FB2] =	sst s4  }
0xd: {  	[smem:$0x3FB3] =	sst s5  }
0xe: {  	[smem:$0x3FB4] =	sst s6  }
0xf: {  	[smem:$0x3FB5] =	sst s7  }
0x10: {  	[smem:$0x3FB6] =	sst s8  }
0x11: {  	[smem:$0x3FB7] =	sst s9;
	s0 =	simm.s32 @!p0 $0x0  }
0x12: {  	s1 =	sld [smem:$0x3F9D];
	s0 =	simm.s32 @p0 $0x1  }
0x13: {  	[smem:$0x3FB8] =	sst s0;
	s0 =	simm.s32 @!p1 $0x0  }
0x14: {  	s2 =	sld [smem:$0x3F9C];
	s0 =	simm.s32 @p1 $0x1  }
0x15: {  	[smem:$0x3FB9] =	sst s0;
	s0 =	simm.s32 @!p2 $0x0  }
0x16: {  	s3 =	sld [smem:$0x3FDB];
	s0 =	simm.s32 @p2 $0x1  }
0x17: {  	s4 =	simm.s32 $0x1BF5;
	[smem:$0x3FBB] =	sst s0  }
0x18: {  	s0 =	sld [smem:$0x3F9E];
	_ =	swait.ge [sflag:s4], $0x0  }
0x19: {  	s7 =	sld [smem:$0x3F9F]  }
0x1a: {  	s8 =	sadd.s32 $0xFFFFE003, lr  }
0x1b: {  	s9 =	sadd.s32 $0xFFFFFEF7, lr;
	s5 =	simm.s32 $0xFFFFFFFF;
	p2 =	slt.u32 s8, $0xFFFFF086  }
0x1c: {  	p1 =	slt.u32 s9, $0xF7A;
	s5 =	simm.s32 @!p2 $0x0  }
0x1d: {  	s5 =	simm.s32 @p1 $0x1;
	p0 =	seq.s32 s7, s2  }
0x1e: {  	s7 =	smul.u32 @!p0 $0xF7A, s2;
	p2 =	seq.s32 @!p0 s5, $0x0  }
0x1f: {  	s9 =	smul.u32 $0xF7A, s1;
	s8 =	simm.s32 @!p0 $0x1BF5;
	p2 =	por !p2, p0  }
0x20: {  	[sflag:s8] =	ssyncset.s32 @!p0 $0xFFFFF086;
	s6 =	sadd.s32 @!p0 s3, s7;
	s7 =	simm.s32 @!p0 $0x108  }
0x21: {  	s3 =	sadd.s32 s3, s9;
	s6 =	sadd.s32 @!p0 $0x88, s6;
	s7 =	simm.s32 @p2 $0x1082  }
0x22: {  	[simem:s7], [sflag:s8] =	dma.local @!p0 [hbm:s6], $0xF7A  }
0x23: {  	s9 =	sor.u32 $0xD0000000, s2;
	s6 =	simm.s32 $0x108;
	_ =	swait.ge @!p0 [sflag:s8], $0x0  }
0x24: {  	s3 =	sadd.s32 $0x88, s3;
	s6 =	simm.s32 @!p1 $0x1082;
	[sflag:s4] =	ssyncset.s32 $0xFFFFF086  }
0x25: {  	[simem:s6], [sflag:s4] =	dma.local [hbm:s3], $0xF7A  }
0x26: {  	[smem:$0x3F9F] =	sst s1;
	(tag) =	ssettag s2;
	_ =	strace s9  }
0x27: {  	s1 =	sld [smem:$0x3FAF]  }
0x28: {  	s2 =	sld [smem:$0x3FB0]  }
0x29: {  	s4 =	sld [smem:$0x3FB2]  }
0x2a: {  	p0 =	seq.s32 s5, $0x0;
	s5 =	sld [smem:$0x3FB3]  }
0x2b: {  	s6 =	sld [smem:$0x3FB4]  }
0x2c: {  	s7 =	sld [smem:$0x3FB5]  }
0x2d: {  	s3 =	simm.s32 $0x108;
	s8 =	sld [smem:$0x3FB6]  }
0x2e: {  	s3 =	simm.s32 @!p0 $0x1082;
	s9 =	sld [smem:$0x3FB7]  }
0x2f: {  	lr =	sadd.s32 s0, s3;
	s0 =	sld [smem:$0x3FAE]  }
0x30: {  	s3 =	sld [smem:$0x3FB1]  }
0x31: {  	[smem:$0x3FBA] =	sst s10  }
0x32: {  	s10 =	sld [smem:$0x3FB8];
	_ =	sdelay $0x3  }
0x33: {  	p0 =	seq.s32 s10, $0x1;
	s10 =	sld [smem:$0x3FBA];
	_ =	sdelay $0x3  }
0x34: {  	[smem:$0x3FBA] =	sst s10  }
0x35: {  	s10 =	sld [smem:$0x3FB9];
	_ =	sdelay $0x3  }
0x36: {  	p1 =	seq.s32 s10, $0x1;
	s10 =	sld [smem:$0x3FBA];
	_ =	sdelay $0x3  }
0x37: {  	[smem:$0x3FBA] =	sst s10  }
0x38: {  	s10 =	sld [smem:$0x3FBB]  }
0x39: {  	_ = 	snop;
	(pc) =	sbr.ind lr, $3  }
0x3a: {  	_ = 	snop  }
0x3b: {  	_ = 	snop  }
0x3c: {  	p2 =	seq.s32 s10, $0x1;
	s10 =	sld [smem:$0x3FBA]  }
0x3d: {  	_ =	shalt  }
0x3e: {  	_ =	shalt  }
0x3f: {  	_ =	shalt  }
0x40: {  	_ =	shalt  }
0x41: {  	_ =	shalt  }
0x42: {  	_ =	shalt  }
0x43: {  	_ =	shalt  }
0x44: {  	_ =	shalt  }
0x45: {  	_ =	shalt  }
0x46: {  	_ =	shalt  }
0x47: {  	_ =	shalt  }
0x48: {  	_ =	shalt  }
0x49: {  	_ =	shalt  }
0x4a: {  	_ =	shalt  }
0x4b: {  	_ =	shalt  }
0x4c: {  	_ =	shalt  }
0x4d: {  	_ =	shalt  }
0x4e: {  	_ =	shalt  }
0x4f: {  	_ =	shalt  }
0x50: {  	_ =	shalt  }
0x51: {  	_ =	shalt  }
0x52: {  	_ =	shalt  }
0x53: {  	_ =	shalt  }
0x54: {  	_ =	shalt  }
0x55: {  	_ =	shalt  }
0x56: {  	_ =	shalt  }
0x57: {  	_ =	shalt  }
0x58: {  	_ =	shalt  }
0x59: {  	_ =	shalt  }
0x5a: {  	_ =	shalt  }
0x5b: {  	_ =	shalt  }
0x5c: {  	_ =	shalt  }
0x5d: {  	_ =	shalt  }
0x5e: {  	_ =	shalt  }
0x5f: {  	_ =	shalt  }
0x60: {  	_ =	shalt  }
0x61: {  	_ =	shalt  }
0x62: {  	_ =	shalt  }
0x63: {  	_ =	shalt  }
0x64: {  	_ =	shalt  }
0x65: {  	_ =	shalt  }
0x66: {  	_ =	shalt  }
0x67: {  	_ =	shalt  }
0x68: {  	_ =	shalt  }
0x69: {  	_ =	shalt  }
0x6a: {  	_ =	shalt  }
0x6b: {  	_ =	shalt  }
0x6c: {  	_ =	shalt  }
0x6d: {  	_ =	shalt  }
0x6e: {  	_ =	shalt  }
0x6f: {  	_ =	shalt  }
0x70: {  	_ =	shalt  }
0x71: {  	_ =	shalt  }
0x72: {  	_ =	shalt  }
0x73: {  	_ =	shalt  }
0x74: {  	_ =	shalt  }
0x75: {  	_ =	shalt  }
0x76: {  	_ =	shalt  }
0x77: {  	_ =	shalt  }
0x78: {  	_ =	shalt  }
0x79: {  	_ =	shalt  }
0x7a: {  	_ =	shalt  }
0x7b: {  	_ =	shalt  }
0x7c: {  	_ =	shalt  }
0x7d: {  	_ =	shalt  }
0x7e: {  	_ =	shalt  }
0x7f: {  	_ =	shalt  }
0x80: {  	_ =	shalt  }
0x81: {  	_ =	shalt  }
0x82: {  	_ =	shalt  }
0x83: {  	_ =	shalt  }
0x84: {  	_ =	shalt  }
0x85: {  	_ =	shalt  }
0x86: {  	_ =	shalt  }
0x87: {  	_ =	shalt  }
.Lfunc_end0:
.L_simem_size_0:
called_computation_lowered:
.L_overlay_start_0:
0x88: {  	s2 =	sld [smem:$0x3FD9]  }
0x89: {  	s3 =	sld [smem:$0x3FFE];
	_ =	sdelay $0x1  }
0x8a: {  	s1 =	srdreg.scid  }
0x8b: {  	s0 =	sand.u32 $0x1, s1  }
0x8c: {  	s18 =	sshll.u32 s0, $0xA;
	s2 =	sadd.s32 s3, s2  }
0x8d: {  	s2 =	sadd.s32 s2, s18  }
0x8e: {  	[smem:$0x3FC6] =	sst s2  }
0x8f: {  	_ = 	snop  }
0x90: {  	s2 =	sld [smem:$0x3FC9]  }
0x91: {  	s19 =	sld [smem:$0x3FC8]  }
0x92: {  	s4 =	sld [smem:$0x3FD0];
	(tm) =	ssettm $0x1  }
0x93: {  	s5 =	sld [smem:$0x3FFB];
	_ =	sdelay $0x3  }
0x94: {  	_ =	strace s5  }
0x95: {  	s5 =	sld [smem:$0x3FFC];
	_ =	sdelay $0x3  }
0x96: {  	_ =	strace s5  }
0x97: {  	s5 =	sld [smem:$0x3FFD];
	_ =	sdelay $0x3  }
0x98: {  	_ =	strace s5  }
0x99: {  	_ =	strace $0x8FFFFFFF  }
0x9a: {  	s20 =	sld [smem:$0x3FDB];
	_ =	sdelay $0x1  }
0x9b: {  	s6 =	simm.s32 $_scs_section_size  }
0x9c: {  	s7 =	simm.s32 $_size__tile_overlayer_lowered;
	s8 =	simm.s32 $_tile_overlayer_lowered  }
0x9d: {  	s23 =	simm.s32 $0x1BFF;
	s22 =	sshll.u32 s8, $0x1;
	s5 =	sadd.s32 s6, s20  }
0x9e: {  	s9 =	simm.s32 $0x0;
	s21 =	sshll.u32 s7, $0x1;
	s7 =	sadd.s32 s22, s5  }
0x9f: {  	[timem:s9], [sflag:s23] =	dma.local [hbm:s7], s21  }
0xa0: {  	_ =	swait.ge [sflag:s23], s21  }
0xa1: {  	s6 =	ssub.s32 $0x0, s21;
	[sflag:s23] =	ssyncset.done $0x0  }
0xa2: {  	[sflag:s23] =	ssyncadd.s32 s6;
	_ =	sdelay $0x1  }
0xa3: {  	s24 =	simm.s32 $0x1B8B  }
0xa4: {  	_ =	swait.ge [sflag:s24], $0x1  }
0xa5: {  	[sflag:s24] =	ssyncset.done $0x0  }
0xa6: {  	s25 =	simm.s32 $0x1B8E;
	[sflag:s24] =	ssyncadd.s32 $0xFFFFFFFF  }
0xa7: {  	s26 =	simm.s32 $execute0_lowered;
	[smem:$0x3FD2] =	sst s25  }
0xa8: {  	s6 =	sshll.u32 s26, $0x1;
	_ =	strace $0x80000046;
	[dreg:$0x1] =	wrdreg $0xFFFFFFFF  }
0xa9: {  	s28 =	simm.s32 $_size_execute0_lowered;
	s5 =	sadd.s32 s5, s6;
	[dreg:$0x0] =	wrdreg $0x0  }
0xaa: {  	s6 =	sshll.u32 s28, $0x1;
	[dreg:$0x2] =	wrdreg s5  }
0xab: {  	[dreg:$0x3] =	wrdreg s6  }
0xac: {  	[dreg:$0x4] =	wrdreg $0xC0  }
0xad: {  	_ =	task [dreg:s9], $0x5FFFF  }
0xae: {  	[dreg:$0x1] =	wrdreg $0xFFFFFFFF  }
0xaf: {  	[dreg:$0x0] =	wrdreg $0x60  }
0xb0: {  	[dreg:$0x2] =	wrdreg s2  }
0xb1: {  	[dreg:$0x3] =	wrdreg s19  }
0xb2: {  	[dreg:$0x4] =	wrdreg s4  }
0xb3: {  	[dreg:$0x5] =	wrdreg $0x9  }
0xb4: {  	_ =	task.clear_ibuf [dreg:s9], $0x6FFFF;
	_ =	strace $0x90000046  }
0xb5: {  	s29 =	simm.s32 $0x9;
	_ =	strace $0x80000048  }
0xb6: {  	_ =	swait.ge [sflag:s29], $0x1  }
0xb7: {  	[sflag:s29] =	ssyncadd.s32 $0xFFFFFFFF  }
0xb8: {  	_ =	strace $0x90000048  }
0xb9: {  	_ =	sfence  }
0xba: {  	s30 =	sld [smem:$0x0];
	_ =	sdelay $0x2  }
0xbb: {  	s31 =	sshll.u32 s1, $0xD;
	s1 =	sshrl.u32 s1, $0x2  }
0xbc: {  	s3 =	sand.u32 $0x4000, s31;
	s1 =	sadd.s32 s1, s30  }
0xbd: {  	s0 =	sor.u32 s3, s0;
	s1 =	sshll.u32 s1, $0x11  }
0xbe: {  	s0 =	sor.u32 s1, s0  }
0xbf: {  	s0 =	sadd.s32 $0x8F2B, s0  }
0xc0: {  	[sflag:s0] =	ssyncadd.remote.s32 $0x1  }
0xc1: {  	_ =	sfence.sel $0xFFFF  }
0xc2: {  	[dreg:$0x0] =	wrdreg $0xFFFFFFFF;
	(pc) =	sbr.abs _section_cstart, $3  }
0xc3: {  	[dreg:$0x1] =	wrdreg $0xFFFFFFFF  }
0xc4: {  	_ =	task.clear_ibuf [dreg:s9], $0x2FFFF;
	_ =	strace $0x9FFFFFFF  }
0xc5: {  	(tm) =	ssettm $0x7FFFFFFF  }
tec
execute0_lowered:
.L_overlay_start_1:
0x0: {  	(tag) =	ssettag $0x1  }
0x1: {  	s4 =	rddreg [dreg:$0x0]  }
0x2: {  	s7 =	rddreg [dreg:$0x1];
	s5 =	simm.s32 $0x0  }
0x3: {  	[smem:$0x7FF] =	sst s5;
	s12 =	sadd.s32 $0x200, s4  }
0x4: {  	s13 =	sadd.s32 $0x400, s4;
	_ =	strace $0x80000047;
	[dreg:$0x4] =	wrdreg s12  }
0x5: {  	s14 =	sadd.s32 $0x600, s4;
	[dreg:$0x5] =	wrdreg s13  }
0x6: {  	s15 =	sadd.s32 $0x800, s4;
	[dreg:$0x6] =	wrdreg s14  }
0x7: {  	s0 =	srdreg.scid;
	s16 =	sadd.s32 $0xA00, s4;
	[dreg:$0x7] =	wrdreg s15  }
0x8: {  	s2 =	stileid.u32;
	s17 =	sadd.s32 $0xC00, s4;
	[dreg:$0x8] =	wrdreg s16  }
0x9: {  	s28 =	simm.s32 $0x10000;
	s18 =	sadd.s32 $0xE00, s4;
	[dreg:$0x9] =	wrdreg s17  }
0xa: {  	s30 =	simm.s32 $0x3000;
	s19 =	sadd.s32 $0x1000, s4;
	[dreg:$0xa] =	wrdreg s18  }
0xb: {  	s8 =	simm.s32 $0x6000;
	s20 =	sadd.s32 $0x1200, s4;
	[dreg:$0xb] =	wrdreg s19  }
0xc: {  	s9 =	simm.s32 $0x7000;
	s21 =	sadd.s32 $0x1400, s4;
	[dreg:$0xc] =	wrdreg s20  }
0xd: {  	s10 =	simm.s32 $0x8000;
	s22 =	sadd.s32 $0x1600, s4;
	[dreg:$0xd] =	wrdreg s21  }
0xe: {  	s11 =	simm.s32 $0x9000;
	s23 =	sadd.s32 $0x1800, s4;
	[dreg:$0xe] =	wrdreg s22  }
0xf: {  	s0 =	sand.u32 $0x1, s0;
	s24 =	sadd.s32 $0x1A00, s4;
	[dreg:$0xf] =	wrdreg s23  }
0x10: {  	s2 =	sshll.u32 s2, $0x1;
	s25 =	sadd.s32 $0x1C00, s4;
	[dreg:$0x10] =	wrdreg s24  }
0x11: {  	s26 =	sadd.s32 $0x1E00, s4;
	s6 =	smov.u32 s7;
	[dreg:$0x11] =	wrdreg s25  }
0x12: {  	s1 =	ssub.s32 $0x2, s0;
	s0 =	sor.u32 s0, s2;
	[dreg:$0x12] =	wrdreg s26  }
0x13: {  	s26 =	simm.s32 $0x1;
	s25 =	simm.s32 $0x11000;
	s12 =	simm.s32 $0xA000  }
0x14: {  	v0 =	vlaneseq.u32;
	s13 =	simm.s32 $0xB000;
	s14 =	simm.s32 $0xC000;
	s15 =	simm.s32 $0xD000  }
0x15: {  	v0 =	vmul.u32 $0x10, v0;
	s16 =	simm.s32 $0xE000;
	s17 =	simm.s32 $0xF000;
	s18 =	simm.s32 $0x80  }
0x16: {  	s19 =	simm.s32 $0x400;
	s20 =	simm.s32 $0x0;
	s3 =	sshrl.u32 s1, $0x1  }
0x17: {  	s2 =	sshll.u32 s0, $0xF;
	s0 =	sshll.u32 s0, $0xC;
	v1 =	vor.u32 $0x1, v0;
	v2 =	vor.u32 $0x2, v0;
	v9 =	vor.u32 $0x9, v0;
	s1 =	ssub.s32 s1, s3  }
0x18: {  	v3 =	vor.u32 $0x3, v0;
	v4 =	vor.u32 $0x4, v0;
	v10 =	vor.u32 $0xA, v0;
	s24 =	smov.u32 s0;
	s0 =	sadd.s32 s7, s0;
	s21 =	smov.u32 s2  }
0x19: {  	v5 =	vor.u32 $0x5, v0;
	v6 =	vor.u32 $0x6, v0;
	v11 =	vor.u32 $0xB, v0;
	s29 =	sor.u32 $0x800, s2;
	s2 =	simm.s32 $0x2000;
	[dreg:$0x13] =	wrdreg s0  }
0x1a: {  	v7 =	vor.u32 $0x7, v0;
	v8 =	vor.u32 $0x8, v0;
	v12 =	vor.u32 $0xC, v0;
	s7 =	simm.s32 $0x5000;
	[dreg:$0x14] =	wrdreg s29;
	s31 =	smax.u32 s1, $0x1  }
0x1b: {  	v13 =	vor.u32 $0xD, v0;
	v14 =	vor.u32 $0xE, v0;
	v15 =	vor.u32 $0xF, v0;
	s0 =	simm.s32 $0x1000;
	s1 =	simm.s32 $0x4000;
	[dreg:$0x15] =	wrdreg s31  }
.LBB2_1:
0x1c: {  	[dreg:$0x16] =	wrdreg s20  }
0x1d: {  	s3 =	rddreg [dreg:$0x0]  }
0x1e: {  	[tilespmem:s28], [sflag:$0x1] =	stream.linear.gather [hbm4b:s3+s5], $0x1000, $0x38;
	[tilespmem:$0x1A900] =	vst v63  }
0x1f: {  	_ =	swait.ge [sflag:s26], $0x1000  }
0x20: {  	[sflag:s26] =	ssyncset.done $0x0  }
0x21: {  	s31 =	rddreg [dreg:$0x4];
	[sflag:s26] =	ssyncadd.s32 $0xFFFFF000  }
0x22: {  	[tilespmem:s25], [sflag:$0x1] =	stream.linear.gather [hbm4b:s31+s5], $0x1000, $0x38;
	[tilespmem:$0x1A900] =	vst v63  }
0x23: {  	v17 =	vld.idx.msk [tilespmem:v11+s28+$0x0], $0xffff  }
0x24: {  	v18 =	vld.idx.msk [tilespmem:v10+s28+$0x0], $0xffff  }
0x25: {  	v19 =	vld.idx.msk [tilespmem:v9+s28+$0x0], $0xffff  }
0x26: {  	v20 =	vld.idx.msk [tilespmem:v8+s28+$0x0], $0xffff  }
0x27: {  	v21 =	vld.idx.msk [tilespmem:v7+s28+$0x0], $0xffff  }
0x28: {  	v22 =	vld.idx.msk [tilespmem:v6+s28+$0x0], $0xffff  }
0x29: {  	v23 =	vld.idx.msk [tilespmem:v5+s28+$0x0], $0xffff  }
0x2a: {  	v24 =	vld.idx.msk [tilespmem:v4+s28+$0x0], $0xffff  }
0x2b: {  	v25 =	vld.idx.msk [tilespmem:v3+s28+$0x0], $0xffff  }
0x2c: {  	v16 =	vld.idx.msk [tilespmem:v2+s28+$0x0], $0xffff  }
0x2d: {  	v31 =	vld.idx.msk [tilespmem:v0+s28+$0x0], $0xffff  }
0x2e: {  	v30 =	vld.idx.msk [tilespmem:v15+s28+$0x0], $0xffff  }
0x2f: {  	v29 =	vld.idx.msk [tilespmem:v14+s28+$0x0], $0xffff  }
0x30: {  	v27 =	vld.idx.msk [tilespmem:v13+s28+$0x0], $0xffff  }
0x31: {  	s20 =	simm.s32 $0x10;
	v28 =	vld.idx.msk [tilespmem:v12+s28+$0x0], $0xffff  }
0x32: {  	s4 =	simm.s32 $0x0;
	s22 =	simm.s32 $0x10000;
	s3 =	sand.u32 $0xF0, s5;
	v26 =	vld.idx.msk [tilespmem:v1+s28+$0x0], $0xffff;
	[tilespmem:s5+$0x0] =	vst v31  }
.LBB2_2:
0x33: {  	p0 =	sne.s32 s20, $0xF0;
	[tilespmem:s3+$0xF000] =	vst v30;
	s4 =	sadd.s32 $0x10, s4;
	s22 =	sadd.s32 $0x100, s22  }
0x34: {  	s23 =	smov.u32 s20;
	s20 =	sadd.s32 $0x10, s20;
	[tilespmem:s3+$0xE000] =	vst v29  }
0x35: {  	[tilespmem:s3+$0xD000] =	vst v27  }
0x36: {  	[tilespmem:s3+$0xC000] =	vst v28  }
0x37: {  	[tilespmem:s3+$0xB000] =	vst v17  }
0x38: {  	[tilespmem:s3+$0xA000] =	vst v18  }
0x39: {  	[tilespmem:s3+$0x9000] =	vst v19  }
0x3a: {  	[tilespmem:s3+$0x8000] =	vst v20  }
0x3b: {  	[tilespmem:s3+$0x7000] =	vst v21  }
0x3c: {  	[tilespmem:s3+$0x6000] =	vst v22  }
0x3d: {  	[tilespmem:s3+$0x5000] =	vst v23  }
0x3e: {  	[tilespmem:s3+$0x4000] =	vst v24  }
0x3f: {  	[tilespmem:s3+$0x3000] =	vst v25  }
0x40: {  	[tilespmem:s3+$0x1000] =	vst v26  }
0x41: {  	[tilespmem:s3+$0x2000] =	vst v16  }
0x42: {  	v17 =	vld.idx.msk [tilespmem:v11+s22+$0x0], $0xffff  }
0x43: {  	v18 =	vld.idx.msk [tilespmem:v10+s22+$0x0], $0xffff  }
0x44: {  	v19 =	vld.idx.msk [tilespmem:v9+s22+$0x0], $0xffff  }
0x45: {  	v20 =	vld.idx.msk [tilespmem:v8+s22+$0x0], $0xffff  }
0x46: {  	v21 =	vld.idx.msk [tilespmem:v7+s22+$0x0], $0xffff  }
0x47: {  	v22 =	vld.idx.msk [tilespmem:v6+s22+$0x0], $0xffff  }
0x48: {  	v23 =	vld.idx.msk [tilespmem:v5+s22+$0x0], $0xffff  }
0x49: {  	v24 =	vld.idx.msk [tilespmem:v4+s22+$0x0], $0xffff  }
0x4a: {  	v25 =	vld.idx.msk [tilespmem:v3+s22+$0x0], $0xffff  }
0x4b: {  	v16 =	vld.idx.msk [tilespmem:v2+s22+$0x0], $0xffff  }
0x4c: {  	v31 =	vld.idx.msk [tilespmem:v0+s22+$0x0], $0xffff  }
0x4d: {  	v30 =	vld.idx.msk [tilespmem:v15+s22+$0x0], $0xffff  }
.Ltmp0:
0x4e: {  	v29 =	vld.idx.msk [tilespmem:v14+s22+$0x0], $0xffff;
	(pc) =	sbr.rel @p0 .LBB2_2-.Ltmp0, $4  }
0x4f: {  	v27 =	vld.idx.msk [tilespmem:v13+s22+$0x0], $0xffff  }
0x50: {  	v28 =	vld.idx.msk [tilespmem:v12+s22+$0x0], $0xffff  }
0x51: {  	v26 =	vld.idx.msk [tilespmem:v1+s22+$0x0], $0xffff  }
0x52: {  	s3 =	sand.u32 $0xF0, s23;
	[tilespmem:s4+$0x0] =	vst v31  }
0x53: {  	[tilespmem:s3+$0xF000] =	vst v30  }
0x54: {  	[tilespmem:s3+$0xE000] =	vst v29  }
0x55: {  	[tilespmem:s3+$0xB000] =	vst v17  }
0x56: {  	[tilespmem:s3+$0xA000] =	vst v18  }
0x57: {  	[tilespmem:s3+$0x9000] =	vst v19  }
0x58: {  	[tilespmem:s3+$0x8000] =	vst v20  }
0x59: {  	[tilespmem:s3+$0x7000] =	vst v21  }
0x5a: {  	[tilespmem:s3+$0x6000] =	vst v22  }
0x5b: {  	[tilespmem:s3+$0x5000] =	vst v23  }
0x5c: {  	[tilespmem:s3+$0x4000] =	vst v24  }
0x5d: {  	[tilespmem:s3+$0x3000] =	vst v25  }
0x5e: {  	[tilespmem:s3+$0x2000] =	vst v16  }
0x5f: {  	[tilespmem:s3+$0xD000] =	vst v27  }
0x60: {  	[tilespmem:s3+$0xC000] =	vst v28  }
0x61: {  	[tilespmem:s3+$0x1000] =	vst v26  }
0x62: {  	_ =	swait.ge [sflag:s26], $0x1000  }
0x63: {  	s20 =	simm.s32 $0x0;
	[sflag:s26] =	ssyncset.done $0x0  }
0x64: {  	s22 =	simm.s32 $0x11000;
	s31 =	rddreg [dreg:$0x5];
	[sflag:s26] =	ssyncadd.s32 $0xFFFFF000  }
0x65: {  	[tilespmem:s28], [sflag:$0x1] =	stream.linear.gather [hbm4b:s31+s20], $0x1000, $0x38;
	[tilespmem:$0x1A900] =	vst v63  }
0x66: {  	v16 =	vld.idx.msk [tilespmem:v0+s22+$0x0], $0xffff  }
0x67: {  	v17 =	vld.idx.msk [tilespmem:v1+s22+$0x0], $0xffff  }
0x68: {  	v18 =	vld.idx.msk [tilespmem:v2+s22+$0x0], $0xffff  }
0x69: {  	v19 =	vld.idx.msk [tilespmem:v3+s22+$0x0], $0xffff  }
0x6a: {  	v20 =	vld.idx.msk [tilespmem:v4+s22+$0x0], $0xffff  }
0x6b: {  	v21 =	vld.idx.msk [tilespmem:v5+s22+$0x0], $0xffff  }
0x6c: {  	v22 =	vld.idx.msk [tilespmem:v6+s22+$0x0], $0xffff  }
0x6d: {  	v23 =	vld.idx.msk [tilespmem:v7+s22+$0x0], $0xffff  }
0x6e: {  	v24 =	vld.idx.msk [tilespmem:v8+s22+$0x0], $0xffff  }
0x6f: {  	s4 =	simm.s32 $0x10;
	v25 =	vld.idx.msk [tilespmem:v15+s22+$0x0], $0xffff  }
.LBB2_4:
0x70: {  	p0 =	sne.s32 s4, $0xF0;
	v26 =	vld.idx.msk [tilespmem:v9+s22+$0x0], $0xffff  }
0x71: {  	v27 =	vld.idx.msk [tilespmem:v10+s22+$0x0], $0xffff  }
0x72: {  	v28 =	vld.idx.msk [tilespmem:v11+s22+$0x0], $0xffff  }
0x73: {  	v29 =	vld.idx.msk [tilespmem:v12+s22+$0x0], $0xffff  }
0x74: {  	s3 =	sand.u32 $0xF0, s20;
	s20 =	smov.u32 s4;
	v30 =	vld.idx.msk [tilespmem:v13+s22+$0x0], $0xffff  }
0x75: {  	v31 =	vld.idx.msk [tilespmem:v14+s22+$0x0], $0xffff;
	[tilespmem:s3+$0xF100] =	vst v25  }
0x76: {  	[tilespmem:s3+$0x100] =	vst v16  }
0x77: {  	[tilespmem:s3+$0x1100] =	vst v17  }
0x78: {  	[tilespmem:s3+$0x2100] =	vst v18  }
0x79: {  	[tilespmem:s3+$0x3100] =	vst v19  }
0x7a: {  	[tilespmem:s3+$0x4100] =	vst v20  }
0x7b: {  	[tilespmem:s3+$0x5100] =	vst v21  }
0x7c: {  	[tilespmem:s3+$0x6100] =	vst v22  }
0x7d: {  	[tilespmem:s3+$0x7100] =	vst v23  }
0x7e: {  	[tilespmem:s3+$0x8100] =	vst v24  }
0x7f: {  	[tilespmem:s3+$0x9100] =	vst v26  }
0x80: {  	[tilespmem:s3+$0xA100] =	vst v27  }
0x81: {  	[tilespmem:s3+$0xB100] =	vst v28  }
0x82: {  	[tilespmem:s3+$0xC100] =	vst v29  }
0x83: {  	[tilespmem:s3+$0xD100] =	vst v30  }
0x84: {  	s22 =	sadd.s32 $0x100, s22;
	[tilespmem:s3+$0xE100] =	vst v31  }
0x85: {  	v16 =	vld.idx.msk [tilespmem:v0+s22+$0x0], $0xffff  }
0x86: {  	v17 =	vld.idx.msk [tilespmem:v1+s22+$0x0], $0xffff  }
0x87: {  	v18 =	vld.idx.msk [tilespmem:v2+s22+$0x0], $0xffff  }
0x88: {  	v19 =	vld.idx.msk [tilespmem:v3+s22+$0x0], $0xffff  }
0x89: {  	v20 =	vld.idx.msk [tilespmem:v4+s22+$0x0], $0xffff  }
.Ltmp1:
0x8a: {  	v21 =	vld.idx.msk [tilespmem:v5+s22+$0x0], $0xffff;
	(pc) =	sbr.rel @p0 .LBB2_4-.Ltmp1, $4  }
0x8b: {  	v22 =	vld.idx.msk [tilespmem:v6+s22+$0x0], $0xffff  }
0x8c: {  	v23 =	vld.idx.msk [tilespmem:v7+s22+$0x0], $0xffff  }
0x8d: {  	v24 =	vld.idx.msk [tilespmem:v8+s22+$0x0], $0xffff  }
0x8e: {  	s4 =	sadd.s32 $0x10, s4;
	v25 =	vld.idx.msk [tilespmem:v15+s22+$0x0], $0xffff  }
0x8f: {  	_ =	sdelay $0x3  }
0x90: {  	v26 =	vld.idx.msk [tilespmem:v9+s22+$0x0], $0xffff  }
0x91: {  	v27 =	vld.idx.msk [tilespmem:v10+s22+$0x0], $0xffff  }
0x92: {  	v28 =	vld.idx.msk [tilespmem:v11+s22+$0x0], $0xffff  }
0x93: {  	v29 =	vld.idx.msk [tilespmem:v12+s22+$0x0], $0xffff  }
0x94: {  	v30 =	vld.idx.msk [tilespmem:v13+s22+$0x0], $0xffff;
	s3 =	sand.u32 $0xF0, s20  }
0x95: {  	v31 =	vld.idx.msk [tilespmem:v14+s22+$0x0], $0xffff;
	[tilespmem:s3+$0x100] =	vst v16  }
0x96: {  	[tilespmem:s3+$0x1100] =	vst v17  }
0x97: {  	[tilespmem:s3+$0x2100] =	vst v18  }
0x98: {  	[tilespmem:s3+$0x3100] =	vst v19  }
0x99: {  	[tilespmem:s3+$0x4100] =	vst v20  }
0x9a: {  	[tilespmem:s3+$0x5100] =	vst v21  }
0x9b: {  	[tilespmem:s3+$0x6100] =	vst v22  }
0x9c: {  	[tilespmem:s3+$0x7100] =	vst v23  }
0x9d: {  	[tilespmem:s3+$0x8100] =	vst v24  }
0x9e: {  	[tilespmem:s3+$0xF100] =	vst v25  }
0x9f: {  	[tilespmem:s3+$0x9100] =	vst v26  }
0xa0: {  	[tilespmem:s3+$0xA100] =	vst v27  }
0xa1: {  	[tilespmem:s3+$0xB100] =	vst v28  }
0xa2: {  	[tilespmem:s3+$0xC100] =	vst v29  }
0xa3: {  	[tilespmem:s3+$0xD100] =	vst v30  }
0xa4: {  	[tilespmem:s3+$0xE100] =	vst v31  }
0xa5: {  	_ =	swait.ge [sflag:s26], $0x1000  }
0xa6: {  	s20 =	simm.s32 $0x0;
	[sflag:s26] =	ssyncset.done $0x0  }
0xa7: {  	s22 =	simm.s32 $0x10000;
	s31 =	rddreg [dreg:$0x6];
	[sflag:s26] =	ssyncadd.s32 $0xFFFFF000  }
0xa8: {  	[tilespmem:s25], [sflag:$0x1] =	stream.linear.gather [hbm4b:s31+s20], $0x1000, $0x38;
	[tilespmem:$0x1A900] =	vst v63  }
0xa9: {  	v16 =	vld.idx.msk [tilespmem:v0+s22+$0x0], $0xffff  }
0xaa: {  	v17 =	vld.idx.msk [tilespmem:v1+s22+$0x0], $0xffff  }
0xab: {  	v18 =	vld.idx.msk [tilespmem:v2+s22+$0x0], $0xffff  }
0xac: {  	v19 =	vld.idx.msk [tilespmem:v3+s22+$0x0], $0xffff  }
0xad: {  	v20 =	vld.idx.msk [tilespmem:v4+s22+$0x0], $0xffff  }
0xae: {  	v21 =	vld.idx.msk [tilespmem:v5+s22+$0x0], $0xffff  }
0xaf: {  	v22 =	vld.idx.msk [tilespmem:v6+s22+$0x0], $0xffff  }
0xb0: {  	v23 =	vld.idx.msk [tilespmem:v7+s22+$0x0], $0xffff  }
0xb1: {  	v24 =	vld.idx.msk [tilespmem:v8+s22+$0x0], $0xffff  }
0xb2: {  	s4 =	simm.s32 $0x10;
	v25 =	vld.idx.msk [tilespmem:v15+s22+$0x0], $0xffff  }
.LBB2_6:
0xb3: {  	p0 =	sne.s32 s4, $0xF0;
	v26 =	vld.idx.msk [tilespmem:v9+s22+$0x0], $0xffff  }
0xb4: {  	v27 =	vld.idx.msk [tilespmem:v10+s22+$0x0], $0xffff  }
0xb5: {  	v28 =	vld.idx.msk [tilespmem:v11+s22+$0x0], $0xffff  }
0xb6: {  	v29 =	vld.idx.msk [tilespmem:v12+s22+$0x0], $0xffff  }
0xb7: {  	s3 =	sand.u32 $0xF0, s20;
	s20 =	smov.u32 s4;
	v30 =	vld.idx.msk [tilespmem:v13+s22+$0x0], $0xffff  }
0xb8: {  	v31 =	vld.idx.msk [tilespmem:v14+s22+$0x0], $0xffff;
	[tilespmem:s3+$0xF200] =	vst v25  }
0xb9: {  	[tilespmem:s3+$0x200] =	vst v16  }
0xba: {  	[tilespmem:s3+$0x1200] =	vst v17  }
0xbb: {  	[tilespmem:s3+$0x2200] =	vst v18  }
0xbc: {  	[tilespmem:s3+$0x3200] =	vst v19  }
0xbd: {  	[tilespmem:s3+$0x4200] =	vst v20  }
0xbe: {  	[tilespmem:s3+$0x5200] =	vst v21  }
0xbf: {  	[tilespmem:s3+$0x6200] =	vst v22  }
0xc0: {  	[tilespmem:s3+$0x7200] =	vst v23  }
0xc1: {  	[tilespmem:s3+$0x8200] =	vst v24  }
0xc2: {  	[tilespmem:s3+$0x9200] =	vst v26  }
0xc3: {  	[tilespmem:s3+$0xA200] =	vst v27  }
0xc4: {  	[tilespmem:s3+$0xB200] =	vst v28  }
0xc5: {  	[tilespmem:s3+$0xC200] =	vst v29  }
0xc6: {  	[tilespmem:s3+$0xD200] =	vst v30  }
0xc7: {  	s22 =	sadd.s32 $0x100, s22;
	[tilespmem:s3+$0xE200] =	vst v31  }
0xc8: {  	v16 =	vld.idx.msk [tilespmem:v0+s22+$0x0], $0xffff  }
0xc9: {  	v17 =	vld.idx.msk [tilespmem:v1+s22+$0x0], $0xffff  }
0xca: {  	v18 =	vld.idx.msk [tilespmem:v2+s22+$0x0], $0xffff  }
0xcb: {  	v19 =	vld.idx.msk [tilespmem:v3+s22+$0x0], $0xffff  }
0xcc: {  	v20 =	vld.idx.msk [tilespmem:v4+s22+$0x0], $0xffff  }
.Ltmp2:
0xcd: {  	v21 =	vld.idx.msk [tilespmem:v5+s22+$0x0], $0xffff;
	(pc) =	sbr.rel @p0 .LBB2_6-.Ltmp2, $4  }
0xce: {  	v22 =	vld.idx.msk [tilespmem:v6+s22+$0x0], $0xffff  }
0xcf: {  	v23 =	vld.idx.msk [tilespmem:v7+s22+$0x0], $0xffff  }
0xd0: {  	v24 =	vld.idx.msk [tilespmem:v8+s22+$0x0], $0xffff  }
0xd1: {  	s4 =	sadd.s32 $0x10, s4;
	v25 =	vld.idx.msk [tilespmem:v15+s22+$0x0], $0xffff  }
0xd2: {  	_ =	sdelay $0x3  }
0xd3: {  	v26 =	vld.idx.msk [tilespmem:v9+s22+$0x0], $0xffff  }
0xd4: {  	v27 =	vld.idx.msk [tilespmem:v10+s22+$0x0], $0xffff  }
0xd5: {  	v28 =	vld.idx.msk [tilespmem:v11+s22+$0x0], $0xffff  }
0xd6: {  	v29 =	vld.idx.msk [tilespmem:v12+s22+$0x0], $0xffff  }
0xd7: {  	v30 =	vld.idx.msk [tilespmem:v13+s22+$0x0], $0xffff;
	s3 =	sand.u32 $0xF0, s20  }
0xd8: {  	v31 =	vld.idx.msk [tilespmem:v14+s22+$0x0], $0xffff;
	[tilespmem:s3+$0x200] =	vst v16  }
0xd9: {  	[tilespmem:s3+$0x1200] =	vst v17  }
0xda: {  	[tilespmem:s3+$0x2200] =	vst v18  }
0xdb: {  	[tilespmem:s3+$0x3200] =	vst v19  }
0xdc: {  	[tilespmem:s3+$0x4200] =	vst v20  }
0xdd: {  	[tilespmem:s3+$0x5200] =	vst v21  }
0xde: {  	[tilespmem:s3+$0x6200] =	vst v22  }
0xdf: {  	[tilespmem:s3+$0x7200] =	vst v23  }
0xe0: {  	[tilespmem:s3+$0x8200] =	vst v24  }
0xe1: {  	[tilespmem:s3+$0xF200] =	vst v25  }
0xe2: {  	[tilespmem:s3+$0x9200] =	vst v26  }
0xe3: {  	[tilespmem:s3+$0xA200] =	vst v27  }
0xe4: {  	[tilespmem:s3+$0xB200] =	vst v28  }
0xe5: {  	[tilespmem:s3+$0xC200] =	vst v29  }
0xe6: {  	[tilespmem:s3+$0xD200] =	vst v30  }
0xe7: {  	[tilespmem:s3+$0xE200] =	vst v31  }
0xe8: {  	_ =	swait.ge [sflag:s26], $0x1000  }
0xe9: {  	s20 =	simm.s32 $0x0;
	[sflag:s26] =	ssyncset.done $0x0  }
0xea: {  	s22 =	simm.s32 $0x11000;
	s31 =	rddreg [dreg:$0x7];
	[sflag:s26] =	ssyncadd.s32 $0xFFFFF000  }
0xeb: {  	[tilespmem:s28], [sflag:$0x1] =	stream.linear.gather [hbm4b:s31+s20], $0x1000, $0x38;
	[tilespmem:$0x1A900] =	vst v63  }
0xec: {  	v16 =	vld.idx.msk [tilespmem:v0+s22+$0x0], $0xffff  }
0xed: {  	v17 =	vld.idx.msk [tilespmem:v1+s22+$0x0], $0xffff  }
0xee: {  	v18 =	vld.idx.msk [tilespmem:v2+s22+$0x0], $0xffff  }
0xef: {  	v19 =	vld.idx.msk [tilespmem:v3+s22+$0x0], $0xffff  }
0xf0: {  	v20 =	vld.idx.msk [tilespmem:v4+s22+$0x0], $0xffff  }
0xf1: {  	v21 =	vld.idx.msk [tilespmem:v5+s22+$0x0], $0xffff  }
0xf2: {  	v22 =	vld.idx.msk [tilespmem:v6+s22+$0x0], $0xffff  }
0xf3: {  	v23 =	vld.idx.msk [tilespmem:v7+s22+$0x0], $0xffff  }
0xf4: {  	v24 =	vld.idx.msk [tilespmem:v8+s22+$0x0], $0xffff  }
0xf5: {  	s4 =	simm.s32 $0x10;
	v25 =	vld.idx.msk [tilespmem:v15+s22+$0x0], $0xffff  }
.LBB2_8:
0xf6: {  	p0 =	sne.s32 s4, $0xF0;
	v26 =	vld.idx.msk [tilespmem:v9+s22+$0x0], $0xffff  }
0xf7: {  	v27 =	vld.idx.msk [tilespmem:v10+s22+$0x0], $0xffff  }
0xf8: {  	v28 =	vld.idx.msk [tilespmem:v11+s22+$0x0], $0xffff  }
0xf9: {  	v29 =	vld.idx.msk [tilespmem:v12+s22+$0x0], $0xffff  }
0xfa: {  	s3 =	sand.u32 $0xF0, s20;
	s20 =	smov.u32 s4;
	v30 =	vld.idx.msk [tilespmem:v13+s22+$0x0], $0xffff  }
0xfb: {  	v31 =	vld.idx.msk [tilespmem:v14+s22+$0x0], $0xffff;
	[tilespmem:s3+$0xF300] =	vst v25  }
0xfc: {  	[tilespmem:s3+$0x300] =	vst v16  }
0xfd: {  	[tilespmem:s3+$0x1300] =	vst v17  }
0xfe: {  	[tilespmem:s3+$0x2300] =	vst v18  }
0xff: {  	[tilespmem:s3+$0x3300] =	vst v19  }
0x100: {  	[tilespmem:s3+$0x4300] =	vst v20  }
0x101: {  	[tilespmem:s3+$0x5300] =	vst v21  }
0x102: {  	[tilespmem:s3+$0x6300] =	vst v22  }
0x103: {  	[tilespmem:s3+$0x7300] =	vst v23  }
0x104: {  	[tilespmem:s3+$0x8300] =	vst v24  }
0x105: {  	[tilespmem:s3+$0x9300] =	vst v26  }
0x106: {  	[tilespmem:s3+$0xA300] =	vst v27  }
0x107: {  	[tilespmem:s3+$0xB300] =	vst v28  }
0x108: {  	[tilespmem:s3+$0xC300] =	vst v29  }
0x109: {  	[tilespmem:s3+$0xD300] =	vst v30  }
0x10a: {  	s22 =	sadd.s32 $0x100, s22;
	[tilespmem:s3+$0xE300] =	vst v31  }
0x10b: {  	v16 =	vld.idx.msk [tilespmem:v0+s22+$0x0], $0xffff  }
0x10c: {  	v17 =	vld.idx.msk [tilespmem:v1+s22+$0x0], $0xffff  }
0x10d: {  	v18 =	vld.idx.msk [tilespmem:v2+s22+$0x0], $0xffff  }
0x10e: {  	v19 =	vld.idx.msk [tilespmem:v3+s22+$0x0], $0xffff  }
0x10f: {  	v20 =	vld.idx.msk [tilespmem:v4+s22+$0x0], $0xffff  }
.Ltmp3:
0x110: {  	v21 =	vld.idx.msk [tilespmem:v5+s22+$0x0], $0xffff;
	(pc) =	sbr.rel @p0 .LBB2_8-.Ltmp3, $4  }
0x111: {  	v22 =	vld.idx.msk [tilespmem:v6+s22+$0x0], $0xffff  }
0x112: {  	v23 =	vld.idx.msk [tilespmem:v7+s22+$0x0], $0xffff  }
0x113: {  	v24 =	vld.idx.msk [tilespmem:v8+s22+$0x0], $0xffff  }
0x114: {  	s4 =	sadd.s32 $0x10, s4;
	v25 =	vld.idx.msk [tilespmem:v15+s22+$0x0], $0xffff  }
0x115: {  	_ =	sdelay $0x3  }
0x116: {  	v26 =	vld.idx.msk [tilespmem:v9+s22+$0x0], $0xffff  }
0x117: {  	v27 =	vld.idx.msk [tilespmem:v10+s22+$0x0], $0xffff  }
0x118: {  	v28 =	vld.idx.msk [tilespmem:v11+s22+$0x0], $0xffff  }
0x119: {  	v29 =	vld.idx.msk [tilespmem:v12+s22+$0x0], $0xffff  }
0x11a: {  	v30 =	vld.idx.msk [tilespmem:v13+s22+$0x0], $0xffff;
	s3 =	sand.u32 $0xF0, s20  }
0x11b: {  	v31 =	vld.idx.msk [tilespmem:v14+s22+$0x0], $0xffff;
	[tilespmem:s3+$0x300] =	vst v16  }
0x11c: {  	[tilespmem:s3+$0x1300] =	vst v17  }
0x11d: {  	[tilespmem:s3+$0x2300] =	vst v18  }
0x11e: {  	[tilespmem:s3+$0x3300] =	vst v19  }
0x11f: {  	[tilespmem:s3+$0x4300] =	vst v20  }
0x120: {  	[tilespmem:s3+$0x5300] =	vst v21  }
0x121: {  	[tilespmem:s3+$0x6300] =	vst v22  }
0x122: {  	[tilespmem:s3+$0x7300] =	vst v23  }
0x123: {  	[tilespmem:s3+$0x8300] =	vst v24  }
0x124: {  	[tilespmem:s3+$0xF300] =	vst v25  }
0x125: {  	[tilespmem:s3+$0x9300] =	vst v26  }
0x126: {  	[tilespmem:s3+$0xA300] =	vst v27  }
0x127: {  	[tilespmem:s3+$0xB300] =	vst v28  }
0x128: {  	[tilespmem:s3+$0xC300] =	vst v29  }
0x129: {  	[tilespmem:s3+$0xD300] =	vst v30  }
0x12a: {  	[tilespmem:s3+$0xE300] =	vst v31  }
0x12b: {  	_ =	swait.ge [sflag:s26], $0x1000  }
0x12c: {  	s20 =	simm.s32 $0x0;
	[sflag:s26] =	ssyncset.done $0x0  }
0x12d: {  	s22 =	simm.s32 $0x10000;
	s31 =	rddreg [dreg:$0x8];
	[sflag:s26] =	ssyncadd.s32 $0xFFFFF000  }
0x12e: {  	[tilespmem:s25], [sflag:$0x1] =	stream.linear.gather [hbm4b:s31+s20], $0x1000, $0x38;
	[tilespmem:$0x1A900] =	vst v63  }
0x12f: {  	v16 =	vld.idx.msk [tilespmem:v0+s22+$0x0], $0xffff  }
0x130: {  	v17 =	vld.idx.msk [tilespmem:v1+s22+$0x0], $0xffff  }
0x131: {  	v18 =	vld.idx.msk [tilespmem:v2+s22+$0x0], $0xffff  }
0x132: {  	v19 =	vld.idx.msk [tilespmem:v3+s22+$0x0], $0xffff  }
0x133: {  	v20 =	vld.idx.msk [tilespmem:v4+s22+$0x0], $0xffff  }
0x134: {  	v21 =	vld.idx.msk [tilespmem:v5+s22+$0x0], $0xffff  }
0x135: {  	v22 =	vld.idx.msk [tilespmem:v6+s22+$0x0], $0xffff  }
0x136: {  	v23 =	vld.idx.msk [tilespmem:v7+s22+$0x0], $0xffff  }
0x137: {  	v24 =	vld.idx.msk [tilespmem:v8+s22+$0x0], $0xffff  }
0x138: {  	s4 =	simm.s32 $0x10;
	v25 =	vld.idx.msk [tilespmem:v15+s22+$0x0], $0xffff  }
.LBB2_10:
0x139: {  	p0 =	sne.s32 s4, $0xF0;
	v26 =	vld.idx.msk [tilespmem:v9+s22+$0x0], $0xffff  }
0x13a: {  	v27 =	vld.idx.msk [tilespmem:v10+s22+$0x0], $0xffff  }
0x13b: {  	v28 =	vld.idx.msk [tilespmem:v11+s22+$0x0], $0xffff  }
0x13c: {  	v29 =	vld.idx.msk [tilespmem:v12+s22+$0x0], $0xffff  }
0x13d: {  	s3 =	sand.u32 $0xF0, s20;
	s20 =	smov.u32 s4;
	v30 =	vld.idx.msk [tilespmem:v13+s22+$0x0], $0xffff  }
0x13e: {  	v31 =	vld.idx.msk [tilespmem:v14+s22+$0x0], $0xffff;
	[tilespmem:s3+$0xF400] =	vst v25  }
0x13f: {  	[tilespmem:s3+$0x400] =	vst v16  }
0x140: {  	[tilespmem:s3+$0x1400] =	vst v17  }
0x141: {  	[tilespmem:s3+$0x2400] =	vst v18  }
0x142: {  	[tilespmem:s3+$0x3400] =	vst v19  }
0x143: {  	[tilespmem:s3+$0x4400] =	vst v20  }
0x144: {  	[tilespmem:s3+$0x5400] =	vst v21  }
0x145: {  	[tilespmem:s3+$0x6400] =	vst v22  }
0x146: {  	[tilespmem:s3+$0x7400] =	vst v23  }
0x147: {  	[tilespmem:s3+$0x8400] =	vst v24  }
0x148: {  	[tilespmem:s3+$0x9400] =	vst v26  }
0x149: {  	[tilespmem:s3+$0xA400] =	vst v27  }
0x14a: {  	[tilespmem:s3+$0xB400] =	vst v28  }
0x14b: {  	[tilespmem:s3+$0xC400] =	vst v29  }
0x14c: {  	[tilespmem:s3+$0xD400] =	vst v30  }
0x14d: {  	s22 =	sadd.s32 $0x100, s22;
	[tilespmem:s3+$0xE400] =	vst v31  }
0x14e: {  	v16 =	vld.idx.msk [tilespmem:v0+s22+$0x0], $0xffff  }
0x14f: {  	v17 =	vld.idx.msk [tilespmem:v1+s22+$0x0], $0xffff  }
0x150: {  	v18 =	vld.idx.msk [tilespmem:v2+s22+$0x0], $0xffff  }
0x151: {  	v19 =	vld.idx.msk [tilespmem:v3+s22+$0x0], $0xffff  }
0x152: {  	v20 =	vld.idx.msk [tilespmem:v4+s22+$0x0], $0xffff  }
.Ltmp4:
0x153: {  	v21 =	vld.idx.msk [tilespmem:v5+s22+$0x0], $0xffff;
	(pc) =	sbr.rel @p0 .LBB2_10-.Ltmp4, $4  }
0x154: {  	v22 =	vld.idx.msk [tilespmem:v6+s22+$0x0], $0xffff  }
0x155: {  	v23 =	vld.idx.msk [tilespmem:v7+s22+$0x0], $0xffff  }
0x156: {  	v24 =	vld.idx.msk [tilespmem:v8+s22+$0x0], $0xffff  }
0x157: {  	s4 =	sadd.s32 $0x10, s4;
	v25 =	vld.idx.msk [tilespmem:v15+s22+$0x0], $0xffff  }
0x158: {  	_ =	sdelay $0x3  }
0x159: {  	v26 =	vld.idx.msk [tilespmem:v9+s22+$0x0], $0xffff  }
0x15a: {  	v27 =	vld.idx.msk [tilespmem:v10+s22+$0x0], $0xffff  }
0x15b: {  	v28 =	vld.idx.msk [tilespmem:v11+s22+$0x0], $0xffff  }
0x15c: {  	v29 =	vld.idx.msk [tilespmem:v12+s22+$0x0], $0xffff  }
0x15d: {  	v30 =	vld.idx.msk [tilespmem:v13+s22+$0x0], $0xffff;
	s3 =	sand.u32 $0xF0, s20  }
0x15e: {  	v31 =	vld.idx.msk [tilespmem:v14+s22+$0x0], $0xffff;
	[tilespmem:s3+$0x400] =	vst v16  }
0x15f: {  	[tilespmem:s3+$0x1400] =	vst v17  }
0x160: {  	[tilespmem:s3+$0x2400] =	vst v18  }
0x161: {  	[tilespmem:s3+$0x3400] =	vst v19  }
0x162: {  	[tilespmem:s3+$0x4400] =	vst v20  }
0x163: {  	[tilespmem:s3+$0x5400] =	vst v21  }
0x164: {  	[tilespmem:s3+$0x6400] =	vst v22  }
0x165: {  	[tilespmem:s3+$0x7400] =	vst v23  }
0x166: {  	[tilespmem:s3+$0x8400] =	vst v24  }
0x167: {  	[tilespmem:s3+$0xF400] =	vst v25  }
0x168: {  	[tilespmem:s3+$0x9400] =	vst v26  }
0x169: {  	[tilespmem:s3+$0xA400] =	vst v27  }
0x16a: {  	[tilespmem:s3+$0xB400] =	vst v28  }
0x16b: {  	[tilespmem:s3+$0xC400] =	vst v29  }
0x16c: {  	[tilespmem:s3+$0xD400] =	vst v30  }
0x16d: {  	[tilespmem:s3+$0xE400] =	vst v31  }
0x16e: {  	_ =	swait.ge [sflag:s26], $0x1000  }
0x16f: {  	s20 =	simm.s32 $0x0;
	[sflag:s26] =	ssyncset.done $0x0  }
0x170: {  	s22 =	simm.s32 $0x11000;
	s31 =	rddreg [dreg:$0x9];
	[sflag:s26] =	ssyncadd.s32 $0xFFFFF000  }
0x171: {  	[tilespmem:s28], [sflag:$0x1] =	stream.linear.gather [hbm4b:s31+s20], $0x1000, $0x38;
	[tilespmem:$0x1A900] =	vst v63  }
0x172: {  	v16 =	vld.idx.msk [tilespmem:v0+s22+$0x0], $0xffff  }
0x173: {  	v17 =	vld.idx.msk [tilespmem:v1+s22+$0x0], $0xffff  }
0x174: {  	v18 =	vld.idx.msk [tilespmem:v2+s22+$0x0], $0xffff  }
0x175: {  	v19 =	vld.idx.msk [tilespmem:v3+s22+$0x0], $0xffff  }
0x176: {  	v20 =	vld.idx.msk [tilespmem:v4+s22+$0x0], $0xffff  }
0x177: {  	v21 =	vld.idx.msk [tilespmem:v5+s22+$0x0], $0xffff  }
0x178: {  	v22 =	vld.idx.msk [tilespmem:v6+s22+$0x0], $0xffff  }
0x179: {  	v23 =	vld.idx.msk [tilespmem:v7+s22+$0x0], $0xffff  }
0x17a: {  	v24 =	vld.idx.msk [tilespmem:v8+s22+$0x0], $0xffff  }
0x17b: {  	s4 =	simm.s32 $0x10;
	v25 =	vld.idx.msk [tilespmem:v15+s22+$0x0], $0xffff  }
.LBB2_12:
0x17c: {  	p0 =	sne.s32 s4, $0xF0;
	v26 =	vld.idx.msk [tilespmem:v9+s22+$0x0], $0xffff  }
0x17d: {  	v27 =	vld.idx.msk [tilespmem:v10+s22+$0x0], $0xffff  }
0x17e: {  	v28 =	vld.idx.msk [tilespmem:v11+s22+$0x0], $0xffff  }
0x17f: {  	v29 =	vld.idx.msk [tilespmem:v12+s22+$0x0], $0xffff  }
0x180: {  	s3 =	sand.u32 $0xF0, s20;
	s20 =	smov.u32 s4;
	v30 =	vld.idx.msk [tilespmem:v13+s22+$0x0], $0xffff  }
0x181: {  	v31 =	vld.idx.msk [tilespmem:v14+s22+$0x0], $0xffff;
	[tilespmem:s3+$0xF500] =	vst v25  }
0x182: {  	[tilespmem:s3+$0x500] =	vst v16  }
0x183: {  	[tilespmem:s3+$0x1500] =	vst v17  }
0x184: {  	[tilespmem:s3+$0x2500] =	vst v18  }
0x185: {  	[tilespmem:s3+$0x3500] =	vst v19  }
0x186: {  	[tilespmem:s3+$0x4500] =	vst v20  }
0x187: {  	[tilespmem:s3+$0x5500] =	vst v21  }
0x188: {  	[tilespmem:s3+$0x6500] =	vst v22  }
0x189: {  	[tilespmem:s3+$0x7500] =	vst v23  }
0x18a: {  	[tilespmem:s3+$0x8500] =	vst v24  }
0x18b: {  	[tilespmem:s3+$0x9500] =	vst v26  }
0x18c: {  	[tilespmem:s3+$0xA500] =	vst v27  }
0x18d: {  	[tilespmem:s3+$0xB500] =	vst v28  }
0x18e: {  	[tilespmem:s3+$0xC500] =	vst v29  }
0x18f: {  	[tilespmem:s3+$0xD500] =	vst v30  }
0x190: {  	s22 =	sadd.s32 $0x100, s22;
	[tilespmem:s3+$0xE500] =	vst v31  }
0x191: {  	v16 =	vld.idx.msk [tilespmem:v0+s22+$0x0], $0xffff  }
0x192: {  	v17 =	vld.idx.msk [tilespmem:v1+s22+$0x0], $0xffff  }
0x193: {  	v18 =	vld.idx.msk [tilespmem:v2+s22+$0x0], $0xffff  }
0x194: {  	v19 =	vld.idx.msk [tilespmem:v3+s22+$0x0], $0xffff  }
0x195: {  	v20 =	vld.idx.msk [tilespmem:v4+s22+$0x0], $0xffff  }
.Ltmp5:
0x196: {  	v21 =	vld.idx.msk [tilespmem:v5+s22+$0x0], $0xffff;
	(pc) =	sbr.rel @p0 .LBB2_12-.Ltmp5, $4  }
0x197: {  	v22 =	vld.idx.msk [tilespmem:v6+s22+$0x0], $0xffff  }
0x198: {  	v23 =	vld.idx.msk [tilespmem:v7+s22+$0x0], $0xffff  }
0x199: {  	v24 =	vld.idx.msk [tilespmem:v8+s22+$0x0], $0xffff  }
0x19a: {  	s4 =	sadd.s32 $0x10, s4;
	v25 =	vld.idx.msk [tilespmem:v15+s22+$0x0], $0xffff  }
0x19b: {  	_ =	sdelay $0x3  }
0x19c: {  	v26 =	vld.idx.msk [tilespmem:v9+s22+$0x0], $0xffff  }
0x19d: {  	v27 =	vld.idx.msk [tilespmem:v10+s22+$0x0], $0xffff  }
0x19e: {  	v28 =	vld.idx.msk [tilespmem:v11+s22+$0x0], $0xffff  }
0x19f: {  	v29 =	vld.idx.msk [tilespmem:v12+s22+$0x0], $0xffff  }
0x1a0: {  	v30 =	vld.idx.msk [tilespmem:v13+s22+$0x0], $0xffff;
	s3 =	sand.u32 $0xF0, s20  }
0x1a1: {  	v31 =	vld.idx.msk [tilespmem:v14+s22+$0x0], $0xffff;
	[tilespmem:s3+$0x500] =	vst v16  }
0x1a2: {  	[tilespmem:s3+$0x1500] =	vst v17  }
0x1a3: {  	[tilespmem:s3+$0x2500] =	vst v18  }
0x1a4: {  	[tilespmem:s3+$0x3500] =	vst v19  }
0x1a5: {  	[tilespmem:s3+$0x4500] =	vst v20  }
0x1a6: {  	[tilespmem:s3+$0x5500] =	vst v21  }
0x1a7: {  	[tilespmem:s3+$0x6500] =	vst v22  }
0x1a8: {  	[tilespmem:s3+$0x7500] =	vst v23  }
0x1a9: {  	[tilespmem:s3+$0x8500] =	vst v24  }
0x1aa: {  	[tilespmem:s3+$0xF500] =	vst v25  }
0x1ab: {  	[tilespmem:s3+$0x9500] =	vst v26  }
0x1ac: {  	[tilespmem:s3+$0xA500] =	vst v27  }
0x1ad: {  	[tilespmem:s3+$0xB500] =	vst v28  }
0x1ae: {  	[tilespmem:s3+$0xC500] =	vst v29  }
0x1af: {  	[tilespmem:s3+$0xD500] =	vst v30  }
0x1b0: {  	[tilespmem:s3+$0xE500] =	vst v31  }
0x1b1: {  	_ =	swait.ge [sflag:s26], $0x1000  }
0x1b2: {  	s20 =	simm.s32 $0x0;
	[sflag:s26] =	ssyncset.done $0x0  }
0x1b3: {  	s22 =	simm.s32 $0x10000;
	s31 =	rddreg [dreg:$0xa];
	[sflag:s26] =	ssyncadd.s32 $0xFFFFF000  }
0x1b4: {  	[tilespmem:s25], [sflag:$0x1] =	stream.linear.gather [hbm4b:s31+s20], $0x1000, $0x38;
	[tilespmem:$0x1A900] =	vst v63  }
0x1b5: {  	v16 =	vld.idx.msk [tilespmem:v0+s22+$0x0], $0xffff  }
0x1b6: {  	v17 =	vld.idx.msk [tilespmem:v1+s22+$0x0], $0xffff  }
0x1b7: {  	v18 =	vld.idx.msk [tilespmem:v2+s22+$0x0], $0xffff  }
0x1b8: {  	v19 =	vld.idx.msk [tilespmem:v3+s22+$0x0], $0xffff  }
0x1b9: {  	v20 =	vld.idx.msk [tilespmem:v4+s22+$0x0], $0xffff  }
0x1ba: {  	v21 =	vld.idx.msk [tilespmem:v5+s22+$0x0], $0xffff  }
0x1bb: {  	v22 =	vld.idx.msk [tilespmem:v6+s22+$0x0], $0xffff  }
0x1bc: {  	v23 =	vld.idx.msk [tilespmem:v7+s22+$0x0], $0xffff  }
0x1bd: {  	v24 =	vld.idx.msk [tilespmem:v8+s22+$0x0], $0xffff  }
0x1be: {  	s4 =	simm.s32 $0x10;
	v25 =	vld.idx.msk [tilespmem:v15+s22+$0x0], $0xffff  }
.LBB2_14:
0x1bf: {  	p0 =	sne.s32 s4, $0xF0;
	v26 =	vld.idx.msk [tilespmem:v9+s22+$0x0], $0xffff  }
0x1c0: {  	v27 =	vld.idx.msk [tilespmem:v10+s22+$0x0], $0xffff  }
0x1c1: {  	v28 =	vld.idx.msk [tilespmem:v11+s22+$0x0], $0xffff  }
0x1c2: {  	v29 =	vld.idx.msk [tilespmem:v12+s22+$0x0], $0xffff  }
0x1c3: {  	s3 =	sand.u32 $0xF0, s20;
	s20 =	smov.u32 s4;
	v30 =	vld.idx.msk [tilespmem:v13+s22+$0x0], $0xffff  }
0x1c4: {  	v31 =	vld.idx.msk [tilespmem:v14+s22+$0x0], $0xffff;
	[tilespmem:s3+$0xF600] =	vst v25  }
0x1c5: {  	[tilespmem:s3+$0x600] =	vst v16  }
0x1c6: {  	[tilespmem:s3+$0x1600] =	vst v17  }
0x1c7: {  	[tilespmem:s3+$0x2600] =	vst v18  }
0x1c8: {  	[tilespmem:s3+$0x3600] =	vst v19  }
0x1c9: {  	[tilespmem:s3+$0x4600] =	vst v20  }
0x1ca: {  	[tilespmem:s3+$0x5600] =	vst v21  }
0x1cb: {  	[tilespmem:s3+$0x6600] =	vst v22  }
0x1cc: {  	[tilespmem:s3+$0x7600] =	vst v23  }
0x1cd: {  	[tilespmem:s3+$0x8600] =	vst v24  }
0x1ce: {  	[tilespmem:s3+$0x9600] =	vst v26  }
0x1cf: {  	[tilespmem:s3+$0xA600] =	vst v27  }
0x1d0: {  	[tilespmem:s3+$0xB600] =	vst v28  }
0x1d1: {  	[tilespmem:s3+$0xC600] =	vst v29  }
0x1d2: {  	[tilespmem:s3+$0xD600] =	vst v30  }
0x1d3: {  	s22 =	sadd.s32 $0x100, s22;
	[tilespmem:s3+$0xE600] =	vst v31  }
0x1d4: {  	v16 =	vld.idx.msk [tilespmem:v0+s22+$0x0], $0xffff  }
0x1d5: {  	v17 =	vld.idx.msk [tilespmem:v1+s22+$0x0], $0xffff  }
0x1d6: {  	v18 =	vld.idx.msk [tilespmem:v2+s22+$0x0], $0xffff  }
0x1d7: {  	v19 =	vld.idx.msk [tilespmem:v3+s22+$0x0], $0xffff  }
0x1d8: {  	v20 =	vld.idx.msk [tilespmem:v4+s22+$0x0], $0xffff  }
.Ltmp6:
0x1d9: {  	v21 =	vld.idx.msk [tilespmem:v5+s22+$0x0], $0xffff;
	(pc) =	sbr.rel @p0 .LBB2_14-.Ltmp6, $4  }
0x1da: {  	v22 =	vld.idx.msk [tilespmem:v6+s22+$0x0], $0xffff  }
0x1db: {  	v23 =	vld.idx.msk [tilespmem:v7+s22+$0x0], $0xffff  }
0x1dc: {  	v24 =	vld.idx.msk [tilespmem:v8+s22+$0x0], $0xffff  }
0x1dd: {  	s4 =	sadd.s32 $0x10, s4;
	v25 =	vld.idx.msk [tilespmem:v15+s22+$0x0], $0xffff  }
0x1de: {  	_ =	sdelay $0x3  }
0x1df: {  	v26 =	vld.idx.msk [tilespmem:v9+s22+$0x0], $0xffff  }
0x1e0: {  	v27 =	vld.idx.msk [tilespmem:v10+s22+$0x0], $0xffff  }
0x1e1: {  	v28 =	vld.idx.msk [tilespmem:v11+s22+$0x0], $0xffff  }
0x1e2: {  	v29 =	vld.idx.msk [tilespmem:v12+s22+$0x0], $0xffff  }
0x1e3: {  	v30 =	vld.idx.msk [tilespmem:v13+s22+$0x0], $0xffff;
	s3 =	sand.u32 $0xF0, s20  }
0x1e4: {  	v31 =	vld.idx.msk [tilespmem:v14+s22+$0x0], $0xffff;
	[tilespmem:s3+$0x600] =	vst v16  }
0x1e5: {  	[tilespmem:s3+$0x1600] =	vst v17  }
0x1e6: {  	[tilespmem:s3+$0x2600] =	vst v18  }
0x1e7: {  	[tilespmem:s3+$0x3600] =	vst v19  }
0x1e8: {  	[tilespmem:s3+$0x4600] =	vst v20  }
0x1e9: {  	[tilespmem:s3+$0x5600] =	vst v21  }
0x1ea: {  	[tilespmem:s3+$0x6600] =	vst v22  }
0x1eb: {  	[tilespmem:s3+$0x7600] =	vst v23  }
0x1ec: {  	[tilespmem:s3+$0x8600] =	vst v24  }
0x1ed: {  	[tilespmem:s3+$0xF600] =	vst v25  }
0x1ee: {  	[tilespmem:s3+$0x9600] =	vst v26  }
0x1ef: {  	[tilespmem:s3+$0xA600] =	vst v27  }
0x1f0: {  	[tilespmem:s3+$0xB600] =	vst v28  }
0x1f1: {  	[tilespmem:s3+$0xC600] =	vst v29  }
0x1f2: {  	[tilespmem:s3+$0xD600] =	vst v30  }
0x1f3: {  	[tilespmem:s3+$0xE600] =	vst v31  }
0x1f4: {  	_ =	swait.ge [sflag:s26], $0x1000  }
0x1f5: {  	s20 =	simm.s32 $0x0;
	[sflag:s26] =	ssyncset.done $0x0  }
0x1f6: {  	s22 =	simm.s32 $0x11000;
	s31 =	rddreg [dreg:$0xb];
	[sflag:s26] =	ssyncadd.s32 $0xFFFFF000  }
0x1f7: {  	[tilespmem:s28], [sflag:$0x1] =	stream.linear.gather [hbm4b:s31+s20], $0x1000, $0x38;
	[tilespmem:$0x1A900] =	vst v63  }
0x1f8: {  	v16 =	vld.idx.msk [tilespmem:v0+s22+$0x0], $0xffff  }
0x1f9: {  	v17 =	vld.idx.msk [tilespmem:v1+s22+$0x0], $0xffff  }
0x1fa: {  	v18 =	vld.idx.msk [tilespmem:v2+s22+$0x0], $0xffff  }
0x1fb: {  	v19 =	vld.idx.msk [tilespmem:v3+s22+$0x0], $0xffff  }
0x1fc: {  	v20 =	vld.idx.msk [tilespmem:v4+s22+$0x0], $0xffff  }
0x1fd: {  	v21 =	vld.idx.msk [tilespmem:v5+s22+$0x0], $0xffff  }
0x1fe: {  	v22 =	vld.idx.msk [tilespmem:v6+s22+$0x0], $0xffff  }
0x1ff: {  	v23 =	vld.idx.msk [tilespmem:v7+s22+$0x0], $0xffff  }
0x200: {  	v24 =	vld.idx.msk [tilespmem:v8+s22+$0x0], $0xffff  }
0x201: {  	s4 =	simm.s32 $0x10;
	v25 =	vld.idx.msk [tilespmem:v15+s22+$0x0], $0xffff  }
.LBB2_16:
0x202: {  	p0 =	sne.s32 s4, $0xF0;
	v26 =	vld.idx.msk [tilespmem:v9+s22+$0x0], $0xffff  }
0x203: {  	v27 =	vld.idx.msk [tilespmem:v10+s22+$0x0], $0xffff  }
0x204: {  	v28 =	vld.idx.msk [tilespmem:v11+s22+$0x0], $0xffff  }
0x205: {  	v29 =	vld.idx.msk [tilespmem:v12+s22+$0x0], $0xffff  }
0x206: {  	s3 =	sand.u32 $0xF0, s20;
	s20 =	smov.u32 s4;
	v30 =	vld.idx.msk [tilespmem:v13+s22+$0x0], $0xffff  }
0x207: {  	v31 =	vld.idx.msk [tilespmem:v14+s22+$0x0], $0xffff;
	[tilespmem:s3+$0xF700] =	vst v25  }
0x208: {  	[tilespmem:s3+$0x700] =	vst v16  }
0x209: {  	[tilespmem:s3+$0x1700] =	vst v17  }
0x20a: {  	[tilespmem:s3+$0x2700] =	vst v18  }
0x20b: {  	[tilespmem:s3+$0x3700] =	vst v19  }
0x20c: {  	[tilespmem:s3+$0x4700] =	vst v20  }
0x20d: {  	[tilespmem:s3+$0x5700] =	vst v21  }
0x20e: {  	[tilespmem:s3+$0x6700] =	vst v22  }
0x20f: {  	[tilespmem:s3+$0x7700] =	vst v23  }
0x210: {  	[tilespmem:s3+$0x8700] =	vst v24  }
0x211: {  	[tilespmem:s3+$0x9700] =	vst v26  }
0x212: {  	[tilespmem:s3+$0xA700] =	vst v27  }
0x213: {  	[tilespmem:s3+$0xB700] =	vst v28  }
0x214: {  	[tilespmem:s3+$0xC700] =	vst v29  }
0x215: {  	[tilespmem:s3+$0xD700] =	vst v30  }
0x216: {  	s22 =	sadd.s32 $0x100, s22;
	[tilespmem:s3+$0xE700] =	vst v31  }
0x217: {  	v16 =	vld.idx.msk [tilespmem:v0+s22+$0x0], $0xffff  }
0x218: {  	v17 =	vld.idx.msk [tilespmem:v1+s22+$0x0], $0xffff  }
0x219: {  	v18 =	vld.idx.msk [tilespmem:v2+s22+$0x0], $0xffff  }
0x21a: {  	v19 =	vld.idx.msk [tilespmem:v3+s22+$0x0], $0xffff  }
0x21b: {  	v20 =	vld.idx.msk [tilespmem:v4+s22+$0x0], $0xffff  }
.Ltmp7:
0x21c: {  	v21 =	vld.idx.msk [tilespmem:v5+s22+$0x0], $0xffff;
	(pc) =	sbr.rel @p0 .LBB2_16-.Ltmp7, $4  }
0x21d: {  	v22 =	vld.idx.msk [tilespmem:v6+s22+$0x0], $0xffff  }
0x21e: {  	v23 =	vld.idx.msk [tilespmem:v7+s22+$0x0], $0xffff  }
0x21f: {  	v24 =	vld.idx.msk [tilespmem:v8+s22+$0x0], $0xffff  }
0x220: {  	s4 =	sadd.s32 $0x10, s4;
	v25 =	vld.idx.msk [tilespmem:v15+s22+$0x0], $0xffff  }
0x221: {  	_ =	sdelay $0x3  }
0x222: {  	v26 =	vld.idx.msk [tilespmem:v9+s22+$0x0], $0xffff  }
0x223: {  	v27 =	vld.idx.msk [tilespmem:v10+s22+$0x0], $0xffff  }
0x224: {  	v28 =	vld.idx.msk [tilespmem:v11+s22+$0x0], $0xffff  }
0x225: {  	v29 =	vld.idx.msk [tilespmem:v12+s22+$0x0], $0xffff  }
0x226: {  	v30 =	vld.idx.msk [tilespmem:v13+s22+$0x0], $0xffff;
	s3 =	sand.u32 $0xF0, s20  }
0x227: {  	v31 =	vld.idx.msk [tilespmem:v14+s22+$0x0], $0xffff;
	[tilespmem:s3+$0x700] =	vst v16  }
0x228: {  	[tilespmem:s3+$0x1700] =	vst v17  }
0x229: {  	[tilespmem:s3+$0x2700] =	vst v18  }
0x22a: {  	[tilespmem:s3+$0x3700] =	vst v19  }
0x22b: {  	[tilespmem:s3+$0x4700] =	vst v20  }
0x22c: {  	[tilespmem:s3+$0x5700] =	vst v21  }
0x22d: {  	[tilespmem:s3+$0x6700] =	vst v22  }
0x22e: {  	[tilespmem:s3+$0x7700] =	vst v23  }
0x22f: {  	[tilespmem:s3+$0x8700] =	vst v24  }
0x230: {  	[tilespmem:s3+$0xF700] =	vst v25  }
0x231: {  	[tilespmem:s3+$0x9700] =	vst v26  }
0x232: {  	[tilespmem:s3+$0xA700] =	vst v27  }
0x233: {  	[tilespmem:s3+$0xB700] =	vst v28  }
0x234: {  	[tilespmem:s3+$0xC700] =	vst v29  }
0x235: {  	[tilespmem:s3+$0xD700] =	vst v30  }
0x236: {  	[tilespmem:s3+$0xE700] =	vst v31  }
0x237: {  	_ =	swait.ge [sflag:s26], $0x1000  }
0x238: {  	s20 =	simm.s32 $0x0;
	[sflag:s26] =	ssyncset.done $0x0  }
0x239: {  	s22 =	simm.s32 $0x10000;
	s31 =	rddreg [dreg:$0xc];
	[sflag:s26] =	ssyncadd.s32 $0xFFFFF000  }
0x23a: {  	[tilespmem:s25], [sflag:$0x1] =	stream.linear.gather [hbm4b:s31+s20], $0x1000, $0x38;
	[tilespmem:$0x1A900] =	vst v63  }
0x23b: {  	v16 =	vld.idx.msk [tilespmem:v0+s22+$0x0], $0xffff  }
0x23c: {  	v17 =	vld.idx.msk [tilespmem:v1+s22+$0x0], $0xffff  }
0x23d: {  	v18 =	vld.idx.msk [tilespmem:v2+s22+$0x0], $0xffff  }
0x23e: {  	v19 =	vld.idx.msk [tilespmem:v3+s22+$0x0], $0xffff  }
0x23f: {  	v20 =	vld.idx.msk [tilespmem:v4+s22+$0x0], $0xffff  }
0x240: {  	v21 =	vld.idx.msk [tilespmem:v5+s22+$0x0], $0xffff  }
0x241: {  	v22 =	vld.idx.msk [tilespmem:v6+s22+$0x0], $0xffff  }
0x242: {  	v23 =	vld.idx.msk [tilespmem:v7+s22+$0x0], $0xffff  }
0x243: {  	v24 =	vld.idx.msk [tilespmem:v8+s22+$0x0], $0xffff  }
0x244: {  	s4 =	simm.s32 $0x10;
	v25 =	vld.idx.msk [tilespmem:v15+s22+$0x0], $0xffff  }
.LBB2_18:
0x245: {  	p0 =	sne.s32 s4, $0xF0;
	v26 =	vld.idx.msk [tilespmem:v9+s22+$0x0], $0xffff  }
0x246: {  	v27 =	vld.idx.msk [tilespmem:v10+s22+$0x0], $0xffff  }
0x247: {  	v28 =	vld.idx.msk [tilespmem:v11+s22+$0x0], $0xffff  }
0x248: {  	v29 =	vld.idx.msk [tilespmem:v12+s22+$0x0], $0xffff  }
0x249: {  	s3 =	sand.u32 $0xF0, s20;
	s20 =	smov.u32 s4;
	v30 =	vld.idx.msk [tilespmem:v13+s22+$0x0], $0xffff  }
0x24a: {  	v31 =	vld.idx.msk [tilespmem:v14+s22+$0x0], $0xffff;
	[tilespmem:s3+$0xF800] =	vst v25  }
0x24b: {  	[tilespmem:s3+$0x800] =	vst v16  }
0x24c: {  	[tilespmem:s3+$0x1800] =	vst v17  }
0x24d: {  	[tilespmem:s3+$0x2800] =	vst v18  }
0x24e: {  	[tilespmem:s3+$0x3800] =	vst v19  }
0x24f: {  	[tilespmem:s3+$0x4800] =	vst v20  }
0x250: {  	[tilespmem:s3+$0x5800] =	vst v21  }
0x251: {  	[tilespmem:s3+$0x6800] =	vst v22  }
0x252: {  	[tilespmem:s3+$0x7800] =	vst v23  }
0x253: {  	[tilespmem:s3+$0x8800] =	vst v24  }
0x254: {  	[tilespmem:s3+$0x9800] =	vst v26  }
0x255: {  	[tilespmem:s3+$0xA800] =	vst v27  }
0x256: {  	[tilespmem:s3+$0xB800] =	vst v28  }
0x257: {  	[tilespmem:s3+$0xC800] =	vst v29  }
0x258: {  	[tilespmem:s3+$0xD800] =	vst v30  }
0x259: {  	s22 =	sadd.s32 $0x100, s22;
	[tilespmem:s3+$0xE800] =	vst v31  }
0x25a: {  	v16 =	vld.idx.msk [tilespmem:v0+s22+$0x0], $0xffff  }
0x25b: {  	v17 =	vld.idx.msk [tilespmem:v1+s22+$0x0], $0xffff  }
0x25c: {  	v18 =	vld.idx.msk [tilespmem:v2+s22+$0x0], $0xffff  }
0x25d: {  	v19 =	vld.idx.msk [tilespmem:v3+s22+$0x0], $0xffff  }
0x25e: {  	v20 =	vld.idx.msk [tilespmem:v4+s22+$0x0], $0xffff  }
.Ltmp8:
0x25f: {  	v21 =	vld.idx.msk [tilespmem:v5+s22+$0x0], $0xffff;
	(pc) =	sbr.rel @p0 .LBB2_18-.Ltmp8, $4  }
0x260: {  	v22 =	vld.idx.msk [tilespmem:v6+s22+$0x0], $0xffff  }
0x261: {  	v23 =	vld.idx.msk [tilespmem:v7+s22+$0x0], $0xffff  }
0x262: {  	v24 =	vld.idx.msk [tilespmem:v8+s22+$0x0], $0xffff  }
0x263: {  	s4 =	sadd.s32 $0x10, s4;
	v25 =	vld.idx.msk [tilespmem:v15+s22+$0x0], $0xffff  }
0x264: {  	_ =	sdelay $0x3  }
0x265: {  	v26 =	vld.idx.msk [tilespmem:v9+s22+$0x0], $0xffff  }
0x266: {  	v27 =	vld.idx.msk [tilespmem:v10+s22+$0x0], $0xffff  }
0x267: {  	v28 =	vld.idx.msk [tilespmem:v11+s22+$0x0], $0xffff  }
0x268: {  	v29 =	vld.idx.msk [tilespmem:v12+s22+$0x0], $0xffff  }
0x269: {  	v30 =	vld.idx.msk [tilespmem:v13+s22+$0x0], $0xffff;
	s3 =	sand.u32 $0xF0, s20  }
0x26a: {  	v31 =	vld.idx.msk [tilespmem:v14+s22+$0x0], $0xffff;
	[tilespmem:s3+$0x800] =	vst v16  }
0x26b: {  	[tilespmem:s3+$0x1800] =	vst v17  }
0x26c: {  	[tilespmem:s3+$0x2800] =	vst v18  }
0x26d: {  	[tilespmem:s3+$0x3800] =	vst v19  }
0x26e: {  	[tilespmem:s3+$0x4800] =	vst v20  }
0x26f: {  	[tilespmem:s3+$0x5800] =	vst v21  }
0x270: {  	[tilespmem:s3+$0x6800] =	vst v22  }
0x271: {  	[tilespmem:s3+$0x7800] =	vst v23  }
0x272: {  	[tilespmem:s3+$0x8800] =	vst v24  }
0x273: {  	[tilespmem:s3+$0xF800] =	vst v25  }
0x274: {  	[tilespmem:s3+$0x9800] =	vst v26  }
0x275: {  	[tilespmem:s3+$0xA800] =	vst v27  }
0x276: {  	[tilespmem:s3+$0xB800] =	vst v28  }
0x277: {  	[tilespmem:s3+$0xC800] =	vst v29  }
0x278: {  	[tilespmem:s3+$0xD800] =	vst v30  }
0x279: {  	[tilespmem:s3+$0xE800] =	vst v31  }
0x27a: {  	_ =	swait.ge [sflag:s26], $0x1000  }
0x27b: {  	s20 =	simm.s32 $0x0;
	[sflag:s26] =	ssyncset.done $0x0  }
0x27c: {  	s22 =	simm.s32 $0x11000;
	s31 =	rddreg [dreg:$0xd];
	[sflag:s26] =	ssyncadd.s32 $0xFFFFF000  }
0x27d: {  	[tilespmem:s28], [sflag:$0x1] =	stream.linear.gather [hbm4b:s31+s20], $0x1000, $0x38;
	[tilespmem:$0x1A900] =	vst v63  }
0x27e: {  	v16 =	vld.idx.msk [tilespmem:v0+s22+$0x0], $0xffff  }
0x27f: {  	v17 =	vld.idx.msk [tilespmem:v1+s22+$0x0], $0xffff  }
0x280: {  	v18 =	vld.idx.msk [tilespmem:v2+s22+$0x0], $0xffff  }
0x281: {  	v19 =	vld.idx.msk [tilespmem:v3+s22+$0x0], $0xffff  }
0x282: {  	v20 =	vld.idx.msk [tilespmem:v4+s22+$0x0], $0xffff  }
0x283: {  	v21 =	vld.idx.msk [tilespmem:v5+s22+$0x0], $0xffff  }
0x284: {  	v22 =	vld.idx.msk [tilespmem:v6+s22+$0x0], $0xffff  }
0x285: {  	v23 =	vld.idx.msk [tilespmem:v7+s22+$0x0], $0xffff  }
0x286: {  	v24 =	vld.idx.msk [tilespmem:v8+s22+$0x0], $0xffff  }
0x287: {  	s4 =	simm.s32 $0x10;
	v25 =	vld.idx.msk [tilespmem:v15+s22+$0x0], $0xffff  }
.LBB2_20:
0x288: {  	p0 =	sne.s32 s4, $0xF0;
	v26 =	vld.idx.msk [tilespmem:v9+s22+$0x0], $0xffff  }
0x289: {  	v27 =	vld.idx.msk [tilespmem:v10+s22+$0x0], $0xffff  }
0x28a: {  	v28 =	vld.idx.msk [tilespmem:v11+s22+$0x0], $0xffff  }
0x28b: {  	v29 =	vld.idx.msk [tilespmem:v12+s22+$0x0], $0xffff  }
0x28c: {  	s3 =	sand.u32 $0xF0, s20;
	s20 =	smov.u32 s4;
	v30 =	vld.idx.msk [tilespmem:v13+s22+$0x0], $0xffff  }
0x28d: {  	v31 =	vld.idx.msk [tilespmem:v14+s22+$0x0], $0xffff;
	[tilespmem:s3+$0xF900] =	vst v25  }
0x28e: {  	[tilespmem:s3+$0x900] =	vst v16  }
0x28f: {  	[tilespmem:s3+$0x1900] =	vst v17  }
0x290: {  	[tilespmem:s3+$0x2900] =	vst v18  }
0x291: {  	[tilespmem:s3+$0x3900] =	vst v19  }
0x292: {  	[tilespmem:s3+$0x4900] =	vst v20  }
0x293: {  	[tilespmem:s3+$0x5900] =	vst v21  }
0x294: {  	[tilespmem:s3+$0x6900] =	vst v22  }
0x295: {  	[tilespmem:s3+$0x7900] =	vst v23  }
0x296: {  	[tilespmem:s3+$0x8900] =	vst v24  }
0x297: {  	[tilespmem:s3+$0x9900] =	vst v26  }
0x298: {  	[tilespmem:s3+$0xA900] =	vst v27  }
0x299: {  	[tilespmem:s3+$0xB900] =	vst v28  }
0x29a: {  	[tilespmem:s3+$0xC900] =	vst v29  }
0x29b: {  	[tilespmem:s3+$0xD900] =	vst v30  }
0x29c: {  	s22 =	sadd.s32 $0x100, s22;
	[tilespmem:s3+$0xE900] =	vst v31  }
0x29d: {  	v16 =	vld.idx.msk [tilespmem:v0+s22+$0x0], $0xffff  }
0x29e: {  	v17 =	vld.idx.msk [tilespmem:v1+s22+$0x0], $0xffff  }
0x29f: {  	v18 =	vld.idx.msk [tilespmem:v2+s22+$0x0], $0xffff  }
0x2a0: {  	v19 =	vld.idx.msk [tilespmem:v3+s22+$0x0], $0xffff  }
0x2a1: {  	v20 =	vld.idx.msk [tilespmem:v4+s22+$0x0], $0xffff  }
.Ltmp9:
0x2a2: {  	v21 =	vld.idx.msk [tilespmem:v5+s22+$0x0], $0xffff;
	(pc) =	sbr.rel @p0 .LBB2_20-.Ltmp9, $4  }
0x2a3: {  	v22 =	vld.idx.msk [tilespmem:v6+s22+$0x0], $0xffff  }
0x2a4: {  	v23 =	vld.idx.msk [tilespmem:v7+s22+$0x0], $0xffff  }
0x2a5: {  	v24 =	vld.idx.msk [tilespmem:v8+s22+$0x0], $0xffff  }
0x2a6: {  	s4 =	sadd.s32 $0x10, s4;
	v25 =	vld.idx.msk [tilespmem:v15+s22+$0x0], $0xffff  }
0x2a7: {  	_ =	sdelay $0x3  }
0x2a8: {  	v26 =	vld.idx.msk [tilespmem:v9+s22+$0x0], $0xffff  }
0x2a9: {  	v27 =	vld.idx.msk [tilespmem:v10+s22+$0x0], $0xffff  }
0x2aa: {  	v28 =	vld.idx.msk [tilespmem:v11+s22+$0x0], $0xffff  }
0x2ab: {  	v29 =	vld.idx.msk [tilespmem:v12+s22+$0x0], $0xffff  }
0x2ac: {  	v30 =	vld.idx.msk [tilespmem:v13+s22+$0x0], $0xffff;
	s3 =	sand.u32 $0xF0, s20  }
0x2ad: {  	v31 =	vld.idx.msk [tilespmem:v14+s22+$0x0], $0xffff;
	[tilespmem:s3+$0x900] =	vst v16  }
0x2ae: {  	[tilespmem:s3+$0x1900] =	vst v17  }
0x2af: {  	[tilespmem:s3+$0x2900] =	vst v18  }
0x2b0: {  	[tilespmem:s3+$0x3900] =	vst v19  }
0x2b1: {  	[tilespmem:s3+$0x4900] =	vst v20  }
0x2b2: {  	[tilespmem:s3+$0x5900] =	vst v21  }
0x2b3: {  	[tilespmem:s3+$0x6900] =	vst v22  }
0x2b4: {  	[tilespmem:s3+$0x7900] =	vst v23  }
0x2b5: {  	[tilespmem:s3+$0x8900] =	vst v24  }
0x2b6: {  	[tilespmem:s3+$0xF900] =	vst v25  }
0x2b7: {  	[tilespmem:s3+$0x9900] =	vst v26  }
0x2b8: {  	[tilespmem:s3+$0xA900] =	vst v27  }
0x2b9: {  	[tilespmem:s3+$0xB900] =	vst v28  }
0x2ba: {  	[tilespmem:s3+$0xC900] =	vst v29  }
0x2bb: {  	[tilespmem:s3+$0xD900] =	vst v30  }
0x2bc: {  	[tilespmem:s3+$0xE900] =	vst v31  }
0x2bd: {  	_ =	swait.ge [sflag:s26], $0x1000  }
0x2be: {  	s20 =	simm.s32 $0x0;
	[sflag:s26] =	ssyncset.done $0x0  }
0x2bf: {  	s22 =	simm.s32 $0x10000;
	s31 =	rddreg [dreg:$0xe];
	[sflag:s26] =	ssyncadd.s32 $0xFFFFF000  }
0x2c0: {  	[tilespmem:s25], [sflag:$0x1] =	stream.linear.gather [hbm4b:s31+s20], $0x1000, $0x38;
	[tilespmem:$0x1A900] =	vst v63  }
0x2c1: {  	v16 =	vld.idx.msk [tilespmem:v0+s22+$0x0], $0xffff  }
0x2c2: {  	v17 =	vld.idx.msk [tilespmem:v1+s22+$0x0], $0xffff  }
0x2c3: {  	v18 =	vld.idx.msk [tilespmem:v2+s22+$0x0], $0xffff  }
0x2c4: {  	v19 =	vld.idx.msk [tilespmem:v3+s22+$0x0], $0xffff  }
0x2c5: {  	v20 =	vld.idx.msk [tilespmem:v4+s22+$0x0], $0xffff  }
0x2c6: {  	v21 =	vld.idx.msk [tilespmem:v5+s22+$0x0], $0xffff  }
0x2c7: {  	v22 =	vld.idx.msk [tilespmem:v6+s22+$0x0], $0xffff  }
0x2c8: {  	v23 =	vld.idx.msk [tilespmem:v7+s22+$0x0], $0xffff  }
0x2c9: {  	v24 =	vld.idx.msk [tilespmem:v8+s22+$0x0], $0xffff  }
0x2ca: {  	s4 =	simm.s32 $0x10;
	v25 =	vld.idx.msk [tilespmem:v15+s22+$0x0], $0xffff  }
.LBB2_22:
0x2cb: {  	p0 =	sne.s32 s4, $0xF0;
	v26 =	vld.idx.msk [tilespmem:v9+s22+$0x0], $0xffff  }
0x2cc: {  	v27 =	vld.idx.msk [tilespmem:v10+s22+$0x0], $0xffff  }
0x2cd: {  	v28 =	vld.idx.msk [tilespmem:v11+s22+$0x0], $0xffff  }
0x2ce: {  	v29 =	vld.idx.msk [tilespmem:v12+s22+$0x0], $0xffff  }
0x2cf: {  	s3 =	sand.u32 $0xF0, s20;
	s20 =	smov.u32 s4;
	v30 =	vld.idx.msk [tilespmem:v13+s22+$0x0], $0xffff  }
0x2d0: {  	v31 =	vld.idx.msk [tilespmem:v14+s22+$0x0], $0xffff;
	[tilespmem:s3+$0xFA00] =	vst v25  }
0x2d1: {  	[tilespmem:s3+$0xA00] =	vst v16  }
0x2d2: {  	[tilespmem:s3+$0x1A00] =	vst v17  }
0x2d3: {  	[tilespmem:s3+$0x2A00] =	vst v18  }
0x2d4: {  	[tilespmem:s3+$0x3A00] =	vst v19  }
0x2d5: {  	[tilespmem:s3+$0x4A00] =	vst v20  }
0x2d6: {  	[tilespmem:s3+$0x5A00] =	vst v21  }
0x2d7: {  	[tilespmem:s3+$0x6A00] =	vst v22  }
0x2d8: {  	[tilespmem:s3+$0x7A00] =	vst v23  }
0x2d9: {  	[tilespmem:s3+$0x8A00] =	vst v24  }
0x2da: {  	[tilespmem:s3+$0x9A00] =	vst v26  }
0x2db: {  	[tilespmem:s3+$0xAA00] =	vst v27  }
0x2dc: {  	[tilespmem:s3+$0xBA00] =	vst v28  }
0x2dd: {  	[tilespmem:s3+$0xCA00] =	vst v29  }
0x2de: {  	[tilespmem:s3+$0xDA00] =	vst v30  }
0x2df: {  	s22 =	sadd.s32 $0x100, s22;
	[tilespmem:s3+$0xEA00] =	vst v31  }
0x2e0: {  	v16 =	vld.idx.msk [tilespmem:v0+s22+$0x0], $0xffff  }
0x2e1: {  	v17 =	vld.idx.msk [tilespmem:v1+s22+$0x0], $0xffff  }
0x2e2: {  	v18 =	vld.idx.msk [tilespmem:v2+s22+$0x0], $0xffff  }
0x2e3: {  	v19 =	vld.idx.msk [tilespmem:v3+s22+$0x0], $0xffff  }
0x2e4: {  	v20 =	vld.idx.msk [tilespmem:v4+s22+$0x0], $0xffff  }
.Ltmp10:
0x2e5: {  	v21 =	vld.idx.msk [tilespmem:v5+s22+$0x0], $0xffff;
	(pc) =	sbr.rel @p0 .LBB2_22-.Ltmp10, $4  }
0x2e6: {  	v22 =	vld.idx.msk [tilespmem:v6+s22+$0x0], $0xffff  }
0x2e7: {  	v23 =	vld.idx.msk [tilespmem:v7+s22+$0x0], $0xffff  }
0x2e8: {  	v24 =	vld.idx.msk [tilespmem:v8+s22+$0x0], $0xffff  }
0x2e9: {  	s4 =	sadd.s32 $0x10, s4;
	v25 =	vld.idx.msk [tilespmem:v15+s22+$0x0], $0xffff  }
0x2ea: {  	_ =	sdelay $0x3  }
0x2eb: {  	v26 =	vld.idx.msk [tilespmem:v9+s22+$0x0], $0xffff  }
0x2ec: {  	v27 =	vld.idx.msk [tilespmem:v10+s22+$0x0], $0xffff  }
0x2ed: {  	v28 =	vld.idx.msk [tilespmem:v11+s22+$0x0], $0xffff  }
0x2ee: {  	v29 =	vld.idx.msk [tilespmem:v12+s22+$0x0], $0xffff  }
0x2ef: {  	v30 =	vld.idx.msk [tilespmem:v13+s22+$0x0], $0xffff;
	s3 =	sand.u32 $0xF0, s20  }
0x2f0: {  	v31 =	vld.idx.msk [tilespmem:v14+s22+$0x0], $0xffff;
	[tilespmem:s3+$0xA00] =	vst v16  }
0x2f1: {  	[tilespmem:s3+$0x1A00] =	vst v17  }
0x2f2: {  	[tilespmem:s3+$0x2A00] =	vst v18  }
0x2f3: {  	[tilespmem:s3+$0x3A00] =	vst v19  }
0x2f4: {  	[tilespmem:s3+$0x4A00] =	vst v20  }
0x2f5: {  	[tilespmem:s3+$0x5A00] =	vst v21  }
0x2f6: {  	[tilespmem:s3+$0x6A00] =	vst v22  }
0x2f7: {  	[tilespmem:s3+$0x7A00] =	vst v23  }
0x2f8: {  	[tilespmem:s3+$0x8A00] =	vst v24  }
0x2f9: {  	[tilespmem:s3+$0xFA00] =	vst v25  }
0x2fa: {  	[tilespmem:s3+$0x9A00] =	vst v26  }
0x2fb: {  	[tilespmem:s3+$0xAA00] =	vst v27  }
0x2fc: {  	[tilespmem:s3+$0xBA00] =	vst v28  }
0x2fd: {  	[tilespmem:s3+$0xCA00] =	vst v29  }
0x2fe: {  	[tilespmem:s3+$0xDA00] =	vst v30  }
0x2ff: {  	[tilespmem:s3+$0xEA00] =	vst v31  }
0x300: {  	_ =	swait.ge [sflag:s26], $0x1000  }
0x301: {  	s20 =	simm.s32 $0x0;
	[sflag:s26] =	ssyncset.done $0x0  }
0x302: {  	s22 =	simm.s32 $0x11000;
	s31 =	rddreg [dreg:$0xf];
	[sflag:s26] =	ssyncadd.s32 $0xFFFFF000  }
0x303: {  	[tilespmem:s28], [sflag:$0x1] =	stream.linear.gather [hbm4b:s31+s20], $0x1000, $0x38;
	[tilespmem:$0x1A900] =	vst v63  }
0x304: {  	v16 =	vld.idx.msk [tilespmem:v0+s22+$0x0], $0xffff  }
0x305: {  	v17 =	vld.idx.msk [tilespmem:v1+s22+$0x0], $0xffff  }
0x306: {  	v18 =	vld.idx.msk [tilespmem:v2+s22+$0x0], $0xffff  }
0x307: {  	v19 =	vld.idx.msk [tilespmem:v3+s22+$0x0], $0xffff  }
0x308: {  	v20 =	vld.idx.msk [tilespmem:v4+s22+$0x0], $0xffff  }
0x309: {  	v21 =	vld.idx.msk [tilespmem:v5+s22+$0x0], $0xffff  }
0x30a: {  	v22 =	vld.idx.msk [tilespmem:v6+s22+$0x0], $0xffff  }
0x30b: {  	v23 =	vld.idx.msk [tilespmem:v7+s22+$0x0], $0xffff  }
0x30c: {  	v24 =	vld.idx.msk [tilespmem:v8+s22+$0x0], $0xffff  }
0x30d: {  	s4 =	simm.s32 $0x10;
	v25 =	vld.idx.msk [tilespmem:v15+s22+$0x0], $0xffff  }
.LBB2_24:
0x30e: {  	p0 =	sne.s32 s4, $0xF0;
	v26 =	vld.idx.msk [tilespmem:v9+s22+$0x0], $0xffff  }
0x30f: {  	v27 =	vld.idx.msk [tilespmem:v10+s22+$0x0], $0xffff  }
0x310: {  	v28 =	vld.idx.msk [tilespmem:v11+s22+$0x0], $0xffff  }
0x311: {  	v29 =	vld.idx.msk [tilespmem:v12+s22+$0x0], $0xffff  }
0x312: {  	s3 =	sand.u32 $0xF0, s20;
	s20 =	smov.u32 s4;
	v30 =	vld.idx.msk [tilespmem:v13+s22+$0x0], $0xffff  }
0x313: {  	v31 =	vld.idx.msk [tilespmem:v14+s22+$0x0], $0xffff;
	[tilespmem:s3+$0xFB00] =	vst v25  }
0x314: {  	[tilespmem:s3+$0xB00] =	vst v16  }
0x315: {  	[tilespmem:s3+$0x1B00] =	vst v17  }
0x316: {  	[tilespmem:s3+$0x2B00] =	vst v18  }
0x317: {  	[tilespmem:s3+$0x3B00] =	vst v19  }
0x318: {  	[tilespmem:s3+$0x4B00] =	vst v20  }
0x319: {  	[tilespmem:s3+$0x5B00] =	vst v21  }
0x31a: {  	[tilespmem:s3+$0x6B00] =	vst v22  }
0x31b: {  	[tilespmem:s3+$0x7B00] =	vst v23  }
0x31c: {  	[tilespmem:s3+$0x8B00] =	vst v24  }
0x31d: {  	[tilespmem:s3+$0x9B00] =	vst v26  }
0x31e: {  	[tilespmem:s3+$0xAB00] =	vst v27  }
0x31f: {  	[tilespmem:s3+$0xBB00] =	vst v28  }
0x320: {  	[tilespmem:s3+$0xCB00] =	vst v29  }
0x321: {  	[tilespmem:s3+$0xDB00] =	vst v30  }
0x322: {  	s22 =	sadd.s32 $0x100, s22;
	[tilespmem:s3+$0xEB00] =	vst v31  }
0x323: {  	v16 =	vld.idx.msk [tilespmem:v0+s22+$0x0], $0xffff  }
0x324: {  	v17 =	vld.idx.msk [tilespmem:v1+s22+$0x0], $0xffff  }
0x325: {  	v18 =	vld.idx.msk [tilespmem:v2+s22+$0x0], $0xffff  }
0x326: {  	v19 =	vld.idx.msk [tilespmem:v3+s22+$0x0], $0xffff  }
0x327: {  	v20 =	vld.idx.msk [tilespmem:v4+s22+$0x0], $0xffff  }
.Ltmp11:
0x328: {  	v21 =	vld.idx.msk [tilespmem:v5+s22+$0x0], $0xffff;
	(pc) =	sbr.rel @p0 .LBB2_24-.Ltmp11, $4  }
0x329: {  	v22 =	vld.idx.msk [tilespmem:v6+s22+$0x0], $0xffff  }
0x32a: {  	v23 =	vld.idx.msk [tilespmem:v7+s22+$0x0], $0xffff  }
0x32b: {  	v24 =	vld.idx.msk [tilespmem:v8+s22+$0x0], $0xffff  }
0x32c: {  	s4 =	sadd.s32 $0x10, s4;
	v25 =	vld.idx.msk [tilespmem:v15+s22+$0x0], $0xffff  }
0x32d: {  	_ =	sdelay $0x3  }
0x32e: {  	v26 =	vld.idx.msk [tilespmem:v9+s22+$0x0], $0xffff  }
0x32f: {  	v27 =	vld.idx.msk [tilespmem:v10+s22+$0x0], $0xffff  }
0x330: {  	v28 =	vld.idx.msk [tilespmem:v11+s22+$0x0], $0xffff  }
0x331: {  	v29 =	vld.idx.msk [tilespmem:v12+s22+$0x0], $0xffff  }
0x332: {  	v30 =	vld.idx.msk [tilespmem:v13+s22+$0x0], $0xffff;
	s3 =	sand.u32 $0xF0, s20  }
0x333: {  	v31 =	vld.idx.msk [tilespmem:v14+s22+$0x0], $0xffff;
	[tilespmem:s3+$0xB00] =	vst v16  }
0x334: {  	[tilespmem:s3+$0x1B00] =	vst v17  }
0x335: {  	[tilespmem:s3+$0x2B00] =	vst v18  }
0x336: {  	[tilespmem:s3+$0x3B00] =	vst v19  }
0x337: {  	[tilespmem:s3+$0x4B00] =	vst v20  }
0x338: {  	[tilespmem:s3+$0x5B00] =	vst v21  }
0x339: {  	[tilespmem:s3+$0x6B00] =	vst v22  }
0x33a: {  	[tilespmem:s3+$0x7B00] =	vst v23  }
0x33b: {  	[tilespmem:s3+$0x8B00] =	vst v24  }
0x33c: {  	[tilespmem:s3+$0xFB00] =	vst v25  }
0x33d: {  	[tilespmem:s3+$0x9B00] =	vst v26  }
0x33e: {  	[tilespmem:s3+$0xAB00] =	vst v27  }
0x33f: {  	[tilespmem:s3+$0xBB00] =	vst v28  }
0x340: {  	[tilespmem:s3+$0xCB00] =	vst v29  }
0x341: {  	[tilespmem:s3+$0xDB00] =	vst v30  }
0x342: {  	[tilespmem:s3+$0xEB00] =	vst v31  }
0x343: {  	_ =	swait.ge [sflag:s26], $0x1000  }
0x344: {  	s20 =	simm.s32 $0x0;
	[sflag:s26] =	ssyncset.done $0x0  }
0x345: {  	s22 =	simm.s32 $0x10000;
	s31 =	rddreg [dreg:$0x10];
	[sflag:s26] =	ssyncadd.s32 $0xFFFFF000  }
0x346: {  	[tilespmem:s25], [sflag:$0x1] =	stream.linear.gather [hbm4b:s31+s20], $0x1000, $0x38;
	[tilespmem:$0x1A900] =	vst v63  }
0x347: {  	v16 =	vld.idx.msk [tilespmem:v0+s22+$0x0], $0xffff  }
0x348: {  	v17 =	vld.idx.msk [tilespmem:v1+s22+$0x0], $0xffff  }
0x349: {  	v18 =	vld.idx.msk [tilespmem:v2+s22+$0x0], $0xffff  }
0x34a: {  	v19 =	vld.idx.msk [tilespmem:v3+s22+$0x0], $0xffff  }
0x34b: {  	v20 =	vld.idx.msk [tilespmem:v4+s22+$0x0], $0xffff  }
0x34c: {  	v21 =	vld.idx.msk [tilespmem:v5+s22+$0x0], $0xffff  }
0x34d: {  	v22 =	vld.idx.msk [tilespmem:v6+s22+$0x0], $0xffff  }
0x34e: {  	v23 =	vld.idx.msk [tilespmem:v7+s22+$0x0], $0xffff  }
0x34f: {  	v24 =	vld.idx.msk [tilespmem:v8+s22+$0x0], $0xffff  }
0x350: {  	s4 =	simm.s32 $0x10;
	v25 =	vld.idx.msk [tilespmem:v15+s22+$0x0], $0xffff  }
.LBB2_26:
0x351: {  	p0 =	sne.s32 s4, $0xF0;
	v26 =	vld.idx.msk [tilespmem:v9+s22+$0x0], $0xffff  }
0x352: {  	v27 =	vld.idx.msk [tilespmem:v10+s22+$0x0], $0xffff  }
0x353: {  	v28 =	vld.idx.msk [tilespmem:v11+s22+$0x0], $0xffff  }
0x354: {  	v29 =	vld.idx.msk [tilespmem:v12+s22+$0x0], $0xffff  }
0x355: {  	s3 =	sand.u32 $0xF0, s20;
	s20 =	smov.u32 s4;
	v30 =	vld.idx.msk [tilespmem:v13+s22+$0x0], $0xffff  }
0x356: {  	v31 =	vld.idx.msk [tilespmem:v14+s22+$0x0], $0xffff;
	[tilespmem:s3+$0xFC00] =	vst v25  }
0x357: {  	[tilespmem:s3+$0xC00] =	vst v16  }
0x358: {  	[tilespmem:s3+$0x1C00] =	vst v17  }
0x359: {  	[tilespmem:s3+$0x2C00] =	vst v18  }
0x35a: {  	[tilespmem:s3+$0x3C00] =	vst v19  }
0x35b: {  	[tilespmem:s3+$0x4C00] =	vst v20  }
0x35c: {  	[tilespmem:s3+$0x5C00] =	vst v21  }
0x35d: {  	[tilespmem:s3+$0x6C00] =	vst v22  }
0x35e: {  	[tilespmem:s3+$0x7C00] =	vst v23  }
0x35f: {  	[tilespmem:s3+$0x8C00] =	vst v24  }
0x360: {  	[tilespmem:s3+$0x9C00] =	vst v26  }
0x361: {  	[tilespmem:s3+$0xAC00] =	vst v27  }
0x362: {  	[tilespmem:s3+$0xBC00] =	vst v28  }
0x363: {  	[tilespmem:s3+$0xCC00] =	vst v29  }
0x364: {  	[tilespmem:s3+$0xDC00] =	vst v30  }
0x365: {  	s22 =	sadd.s32 $0x100, s22;
	[tilespmem:s3+$0xEC00] =	vst v31  }
0x366: {  	v16 =	vld.idx.msk [tilespmem:v0+s22+$0x0], $0xffff  }
0x367: {  	v17 =	vld.idx.msk [tilespmem:v1+s22+$0x0], $0xffff  }
0x368: {  	v18 =	vld.idx.msk [tilespmem:v2+s22+$0x0], $0xffff  }
0x369: {  	v19 =	vld.idx.msk [tilespmem:v3+s22+$0x0], $0xffff  }
0x36a: {  	v20 =	vld.idx.msk [tilespmem:v4+s22+$0x0], $0xffff  }
.Ltmp12:
0x36b: {  	v21 =	vld.idx.msk [tilespmem:v5+s22+$0x0], $0xffff;
	(pc) =	sbr.rel @p0 .LBB2_26-.Ltmp12, $4  }
0x36c: {  	v22 =	vld.idx.msk [tilespmem:v6+s22+$0x0], $0xffff  }
0x36d: {  	v23 =	vld.idx.msk [tilespmem:v7+s22+$0x0], $0xffff  }
0x36e: {  	v24 =	vld.idx.msk [tilespmem:v8+s22+$0x0], $0xffff  }
0x36f: {  	s4 =	sadd.s32 $0x10, s4;
	v25 =	vld.idx.msk [tilespmem:v15+s22+$0x0], $0xffff  }
0x370: {  	_ =	sdelay $0x3  }
0x371: {  	v26 =	vld.idx.msk [tilespmem:v9+s22+$0x0], $0xffff  }
0x372: {  	v27 =	vld.idx.msk [tilespmem:v10+s22+$0x0], $0xffff  }
0x373: {  	v28 =	vld.idx.msk [tilespmem:v11+s22+$0x0], $0xffff  }
0x374: {  	v29 =	vld.idx.msk [tilespmem:v12+s22+$0x0], $0xffff  }
0x375: {  	v30 =	vld.idx.msk [tilespmem:v13+s22+$0x0], $0xffff;
	s3 =	sand.u32 $0xF0, s20  }
0x376: {  	v31 =	vld.idx.msk [tilespmem:v14+s22+$0x0], $0xffff;
	[tilespmem:s3+$0xC00] =	vst v16  }
0x377: {  	[tilespmem:s3+$0x1C00] =	vst v17  }
0x378: {  	[tilespmem:s3+$0x2C00] =	vst v18  }
0x379: {  	[tilespmem:s3+$0x3C00] =	vst v19  }
0x37a: {  	[tilespmem:s3+$0x4C00] =	vst v20  }
0x37b: {  	[tilespmem:s3+$0x5C00] =	vst v21  }
0x37c: {  	[tilespmem:s3+$0x6C00] =	vst v22  }
0x37d: {  	[tilespmem:s3+$0x7C00] =	vst v23  }
0x37e: {  	[tilespmem:s3+$0x8C00] =	vst v24  }
0x37f: {  	[tilespmem:s3+$0xFC00] =	vst v25  }
0x380: {  	[tilespmem:s3+$0x9C00] =	vst v26  }
0x381: {  	[tilespmem:s3+$0xAC00] =	vst v27  }
0x382: {  	[tilespmem:s3+$0xBC00] =	vst v28  }
0x383: {  	[tilespmem:s3+$0xCC00] =	vst v29  }
0x384: {  	[tilespmem:s3+$0xDC00] =	vst v30  }
0x385: {  	[tilespmem:s3+$0xEC00] =	vst v31  }
0x386: {  	_ =	swait.ge [sflag:s26], $0x1000  }
0x387: {  	s20 =	simm.s32 $0x0;
	[sflag:s26] =	ssyncset.done $0x0  }
0x388: {  	s22 =	simm.s32 $0x11000;
	s31 =	rddreg [dreg:$0x11];
	[sflag:s26] =	ssyncadd.s32 $0xFFFFF000  }
0x389: {  	[tilespmem:s28], [sflag:$0x1] =	stream.linear.gather [hbm4b:s31+s20], $0x1000, $0x38;
	[tilespmem:$0x1A900] =	vst v63  }
0x38a: {  	v16 =	vld.idx.msk [tilespmem:v0+s22+$0x0], $0xffff  }
0x38b: {  	v17 =	vld.idx.msk [tilespmem:v1+s22+$0x0], $0xffff  }
0x38c: {  	v18 =	vld.idx.msk [tilespmem:v2+s22+$0x0], $0xffff  }
0x38d: {  	v19 =	vld.idx.msk [tilespmem:v3+s22+$0x0], $0xffff  }
0x38e: {  	v20 =	vld.idx.msk [tilespmem:v4+s22+$0x0], $0xffff  }
0x38f: {  	v21 =	vld.idx.msk [tilespmem:v5+s22+$0x0], $0xffff  }
0x390: {  	v22 =	vld.idx.msk [tilespmem:v6+s22+$0x0], $0xffff  }
0x391: {  	v23 =	vld.idx.msk [tilespmem:v7+s22+$0x0], $0xffff  }
0x392: {  	v24 =	vld.idx.msk [tilespmem:v8+s22+$0x0], $0xffff  }
0x393: {  	s4 =	simm.s32 $0x10;
	v25 =	vld.idx.msk [tilespmem:v15+s22+$0x0], $0xffff  }
.LBB2_28:
0x394: {  	p0 =	sne.s32 s4, $0xF0;
	v26 =	vld.idx.msk [tilespmem:v9+s22+$0x0], $0xffff  }
0x395: {  	v27 =	vld.idx.msk [tilespmem:v10+s22+$0x0], $0xffff  }
0x396: {  	v28 =	vld.idx.msk [tilespmem:v11+s22+$0x0], $0xffff  }
0x397: {  	v29 =	vld.idx.msk [tilespmem:v12+s22+$0x0], $0xffff  }
0x398: {  	s3 =	sand.u32 $0xF0, s20;
	s20 =	smov.u32 s4;
	v30 =	vld.idx.msk [tilespmem:v13+s22+$0x0], $0xffff  }
0x399: {  	v31 =	vld.idx.msk [tilespmem:v14+s22+$0x0], $0xffff;
	[tilespmem:s3+$0xFD00] =	vst v25  }
0x39a: {  	[tilespmem:s3+$0xD00] =	vst v16  }
0x39b: {  	[tilespmem:s3+$0x1D00] =	vst v17  }
0x39c: {  	[tilespmem:s3+$0x2D00] =	vst v18  }
0x39d: {  	[tilespmem:s3+$0x3D00] =	vst v19  }
0x39e: {  	[tilespmem:s3+$0x4D00] =	vst v20  }
0x39f: {  	[tilespmem:s3+$0x5D00] =	vst v21  }
0x3a0: {  	[tilespmem:s3+$0x6D00] =	vst v22  }
0x3a1: {  	[tilespmem:s3+$0x7D00] =	vst v23  }
0x3a2: {  	[tilespmem:s3+$0x8D00] =	vst v24  }
0x3a3: {  	[tilespmem:s3+$0x9D00] =	vst v26  }
0x3a4: {  	[tilespmem:s3+$0xAD00] =	vst v27  }
0x3a5: {  	[tilespmem:s3+$0xBD00] =	vst v28  }
0x3a6: {  	[tilespmem:s3+$0xCD00] =	vst v29  }
0x3a7: {  	[tilespmem:s3+$0xDD00] =	vst v30  }
0x3a8: {  	s22 =	sadd.s32 $0x100, s22;
	[tilespmem:s3+$0xED00] =	vst v31  }
0x3a9: {  	v16 =	vld.idx.msk [tilespmem:v0+s22+$0x0], $0xffff  }
0x3aa: {  	v17 =	vld.idx.msk [tilespmem:v1+s22+$0x0], $0xffff  }
0x3ab: {  	v18 =	vld.idx.msk [tilespmem:v2+s22+$0x0], $0xffff  }
0x3ac: {  	v19 =	vld.idx.msk [tilespmem:v3+s22+$0x0], $0xffff  }
0x3ad: {  	v20 =	vld.idx.msk [tilespmem:v4+s22+$0x0], $0xffff  }
.Ltmp13:
0x3ae: {  	v21 =	vld.idx.msk [tilespmem:v5+s22+$0x0], $0xffff;
	(pc) =	sbr.rel @p0 .LBB2_28-.Ltmp13, $4  }
0x3af: {  	v22 =	vld.idx.msk [tilespmem:v6+s22+$0x0], $0xffff  }
0x3b0: {  	v23 =	vld.idx.msk [tilespmem:v7+s22+$0x0], $0xffff  }
0x3b1: {  	v24 =	vld.idx.msk [tilespmem:v8+s22+$0x0], $0xffff  }
0x3b2: {  	s4 =	sadd.s32 $0x10, s4;
	v25 =	vld.idx.msk [tilespmem:v15+s22+$0x0], $0xffff  }
0x3b3: {  	_ =	sdelay $0x3  }
0x3b4: {  	v26 =	vld.idx.msk [tilespmem:v9+s22+$0x0], $0xffff  }
0x3b5: {  	v27 =	vld.idx.msk [tilespmem:v10+s22+$0x0], $0xffff  }
0x3b6: {  	v28 =	vld.idx.msk [tilespmem:v11+s22+$0x0], $0xffff  }
0x3b7: {  	v29 =	vld.idx.msk [tilespmem:v12+s22+$0x0], $0xffff  }
0x3b8: {  	v30 =	vld.idx.msk [tilespmem:v13+s22+$0x0], $0xffff;
	s3 =	sand.u32 $0xF0, s20  }
0x3b9: {  	v31 =	vld.idx.msk [tilespmem:v14+s22+$0x0], $0xffff;
	[tilespmem:s3+$0xD00] =	vst v16  }
0x3ba: {  	[tilespmem:s3+$0x1D00] =	vst v17  }
0x3bb: {  	[tilespmem:s3+$0x2D00] =	vst v18  }
0x3bc: {  	[tilespmem:s3+$0x3D00] =	vst v19  }
0x3bd: {  	[tilespmem:s3+$0x4D00] =	vst v20  }
0x3be: {  	[tilespmem:s3+$0x5D00] =	vst v21  }
0x3bf: {  	[tilespmem:s3+$0x6D00] =	vst v22  }
0x3c0: {  	[tilespmem:s3+$0x7D00] =	vst v23  }
0x3c1: {  	[tilespmem:s3+$0x8D00] =	vst v24  }
0x3c2: {  	[tilespmem:s3+$0xFD00] =	vst v25  }
0x3c3: {  	[tilespmem:s3+$0x9D00] =	vst v26  }
0x3c4: {  	[tilespmem:s3+$0xAD00] =	vst v27  }
0x3c5: {  	[tilespmem:s3+$0xBD00] =	vst v28  }
0x3c6: {  	[tilespmem:s3+$0xCD00] =	vst v29  }
0x3c7: {  	[tilespmem:s3+$0xDD00] =	vst v30  }
0x3c8: {  	[tilespmem:s3+$0xED00] =	vst v31  }
0x3c9: {  	_ =	swait.ge [sflag:s26], $0x1000  }
0x3ca: {  	s20 =	simm.s32 $0x0;
	[sflag:s26] =	ssyncset.done $0x0  }
0x3cb: {  	s22 =	simm.s32 $0x10000;
	s31 =	rddreg [dreg:$0x12];
	[sflag:s26] =	ssyncadd.s32 $0xFFFFF000  }
0x3cc: {  	[tilespmem:s25], [sflag:$0x1] =	stream.linear.gather [hbm4b:s31+s20], $0x1000, $0x38;
	[tilespmem:$0x1A900] =	vst v63  }
0x3cd: {  	v16 =	vld.idx.msk [tilespmem:v0+s22+$0x0], $0xffff  }
0x3ce: {  	v17 =	vld.idx.msk [tilespmem:v1+s22+$0x0], $0xffff  }
0x3cf: {  	v18 =	vld.idx.msk [tilespmem:v2+s22+$0x0], $0xffff  }
0x3d0: {  	v19 =	vld.idx.msk [tilespmem:v3+s22+$0x0], $0xffff  }
0x3d1: {  	v20 =	vld.idx.msk [tilespmem:v4+s22+$0x0], $0xffff  }
0x3d2: {  	v21 =	vld.idx.msk [tilespmem:v5+s22+$0x0], $0xffff  }
0x3d3: {  	v22 =	vld.idx.msk [tilespmem:v6+s22+$0x0], $0xffff  }
0x3d4: {  	v23 =	vld.idx.msk [tilespmem:v7+s22+$0x0], $0xffff  }
0x3d5: {  	v24 =	vld.idx.msk [tilespmem:v8+s22+$0x0], $0xffff  }
0x3d6: {  	s4 =	simm.s32 $0x10;
	v25 =	vld.idx.msk [tilespmem:v15+s22+$0x0], $0xffff  }
.LBB2_30:
0x3d7: {  	p0 =	sne.s32 s4, $0xF0;
	v26 =	vld.idx.msk [tilespmem:v9+s22+$0x0], $0xffff  }
0x3d8: {  	v27 =	vld.idx.msk [tilespmem:v10+s22+$0x0], $0xffff  }
0x3d9: {  	v28 =	vld.idx.msk [tilespmem:v11+s22+$0x0], $0xffff  }
0x3da: {  	v29 =	vld.idx.msk [tilespmem:v12+s22+$0x0], $0xffff  }
0x3db: {  	s3 =	sand.u32 $0xF0, s20;
	s20 =	smov.u32 s4;
	v30 =	vld.idx.msk [tilespmem:v13+s22+$0x0], $0xffff  }
0x3dc: {  	v31 =	vld.idx.msk [tilespmem:v14+s22+$0x0], $0xffff;
	[tilespmem:s3+$0xFE00] =	vst v25  }
0x3dd: {  	[tilespmem:s3+$0xE00] =	vst v16  }
0x3de: {  	[tilespmem:s3+$0x1E00] =	vst v17  }
0x3df: {  	[tilespmem:s3+$0x2E00] =	vst v18  }
0x3e0: {  	[tilespmem:s3+$0x3E00] =	vst v19  }
0x3e1: {  	[tilespmem:s3+$0x4E00] =	vst v20  }
0x3e2: {  	[tilespmem:s3+$0x5E00] =	vst v21  }
0x3e3: {  	[tilespmem:s3+$0x6E00] =	vst v22  }
0x3e4: {  	[tilespmem:s3+$0x7E00] =	vst v23  }
0x3e5: {  	[tilespmem:s3+$0x8E00] =	vst v24  }
0x3e6: {  	[tilespmem:s3+$0x9E00] =	vst v26  }
0x3e7: {  	[tilespmem:s3+$0xAE00] =	vst v27  }
0x3e8: {  	[tilespmem:s3+$0xBE00] =	vst v28  }
0x3e9: {  	[tilespmem:s3+$0xCE00] =	vst v29  }
0x3ea: {  	[tilespmem:s3+$0xDE00] =	vst v30  }
0x3eb: {  	s22 =	sadd.s32 $0x100, s22;
	[tilespmem:s3+$0xEE00] =	vst v31  }
0x3ec: {  	v16 =	vld.idx.msk [tilespmem:v0+s22+$0x0], $0xffff  }
0x3ed: {  	v17 =	vld.idx.msk [tilespmem:v1+s22+$0x0], $0xffff  }
0x3ee: {  	v18 =	vld.idx.msk [tilespmem:v2+s22+$0x0], $0xffff  }
0x3ef: {  	v19 =	vld.idx.msk [tilespmem:v3+s22+$0x0], $0xffff  }
0x3f0: {  	v20 =	vld.idx.msk [tilespmem:v4+s22+$0x0], $0xffff  }
.Ltmp14:
0x3f1: {  	v21 =	vld.idx.msk [tilespmem:v5+s22+$0x0], $0xffff;
	(pc) =	sbr.rel @p0 .LBB2_30-.Ltmp14, $4  }
0x3f2: {  	v22 =	vld.idx.msk [tilespmem:v6+s22+$0x0], $0xffff  }
0x3f3: {  	v23 =	vld.idx.msk [tilespmem:v7+s22+$0x0], $0xffff  }
0x3f4: {  	v24 =	vld.idx.msk [tilespmem:v8+s22+$0x0], $0xffff  }
0x3f5: {  	s4 =	sadd.s32 $0x10, s4;
	v25 =	vld.idx.msk [tilespmem:v15+s22+$0x0], $0xffff  }
0x3f6: {  	_ =	sdelay $0x3  }
0x3f7: {  	v26 =	vld.idx.msk [tilespmem:v9+s22+$0x0], $0xffff  }
0x3f8: {  	v27 =	vld.idx.msk [tilespmem:v10+s22+$0x0], $0xffff  }
0x3f9: {  	v28 =	vld.idx.msk [tilespmem:v11+s22+$0x0], $0xffff  }
0x3fa: {  	v29 =	vld.idx.msk [tilespmem:v12+s22+$0x0], $0xffff  }
0x3fb: {  	v30 =	vld.idx.msk [tilespmem:v13+s22+$0x0], $0xffff;
	s3 =	sand.u32 $0xF0, s20  }
0x3fc: {  	v31 =	vld.idx.msk [tilespmem:v14+s22+$0x0], $0xffff;
	[tilespmem:s3+$0xE00] =	vst v16  }
0x3fd: {  	[tilespmem:s3+$0x1E00] =	vst v17  }
0x3fe: {  	[tilespmem:s3+$0x2E00] =	vst v18  }
0x3ff: {  	[tilespmem:s3+$0x3E00] =	vst v19  }
0x400: {  	[tilespmem:s3+$0x4E00] =	vst v20  }
0x401: {  	[tilespmem:s3+$0x5E00] =	vst v21  }
0x402: {  	[tilespmem:s3+$0x6E00] =	vst v22  }
0x403: {  	[tilespmem:s3+$0x7E00] =	vst v23  }
0x404: {  	[tilespmem:s3+$0x8E00] =	vst v24  }
0x405: {  	[tilespmem:s3+$0xFE00] =	vst v25  }
0x406: {  	[tilespmem:s3+$0x9E00] =	vst v26  }
0x407: {  	[tilespmem:s3+$0xAE00] =	vst v27  }
0x408: {  	[tilespmem:s3+$0xBE00] =	vst v28  }
0x409: {  	[tilespmem:s3+$0xCE00] =	vst v29  }
0x40a: {  	[tilespmem:s3+$0xDE00] =	vst v30  }
0x40b: {  	[tilespmem:s3+$0xEE00] =	vst v31  }
0x40c: {  	_ =	swait.ge [sflag:s26], $0x1000  }
0x40d: {  	[sflag:s26] =	ssyncset.done $0x0  }
0x40e: {  	s20 =	simm.s32 $0x11000;
	[sflag:s26] =	ssyncadd.s32 $0xFFFFF000  }
0x40f: {  	v16 =	vld.idx.msk [tilespmem:v0+s20+$0x0], $0xffff  }
0x410: {  	v17 =	vld.idx.msk [tilespmem:v1+s20+$0x0], $0xffff  }
0x411: {  	v18 =	vld.idx.msk [tilespmem:v2+s20+$0x0], $0xffff  }
0x412: {  	v19 =	vld.idx.msk [tilespmem:v3+s20+$0x0], $0xffff  }
0x413: {  	v20 =	vld.idx.msk [tilespmem:v4+s20+$0x0], $0xffff  }
0x414: {  	v21 =	vld.idx.msk [tilespmem:v5+s20+$0x0], $0xffff  }
0x415: {  	v22 =	vld.idx.msk [tilespmem:v6+s20+$0x0], $0xffff  }
0x416: {  	v23 =	vld.idx.msk [tilespmem:v7+s20+$0x0], $0xffff  }
0x417: {  	v24 =	vld.idx.msk [tilespmem:v8+s20+$0x0], $0xffff  }
0x418: {  	s22 =	simm.s32 $0x0;
	s4 =	simm.s32 $0x10;
	v25 =	vld.idx.msk [tilespmem:v15+s20+$0x0], $0xffff  }
.LBB2_32:
0x419: {  	p0 =	sne.s32 s4, $0xF0;
	v26 =	vld.idx.msk [tilespmem:v9+s20+$0x0], $0xffff  }
0x41a: {  	v27 =	vld.idx.msk [tilespmem:v10+s20+$0x0], $0xffff  }
0x41b: {  	v28 =	vld.idx.msk [tilespmem:v11+s20+$0x0], $0xffff  }
0x41c: {  	v29 =	vld.idx.msk [tilespmem:v12+s20+$0x0], $0xffff  }
0x41d: {  	s3 =	sand.u32 $0xF0, s22;
	s22 =	smov.u32 s4;
	v30 =	vld.idx.msk [tilespmem:v13+s20+$0x0], $0xffff  }
0x41e: {  	v31 =	vld.idx.msk [tilespmem:v14+s20+$0x0], $0xffff;
	[tilespmem:s3+$0xFF00] =	vst v25  }
0x41f: {  	[tilespmem:s3+$0xF00] =	vst v16  }
0x420: {  	[tilespmem:s3+$0x1F00] =	vst v17  }
0x421: {  	[tilespmem:s3+$0x2F00] =	vst v18  }
0x422: {  	[tilespmem:s3+$0x3F00] =	vst v19  }
0x423: {  	[tilespmem:s3+$0x4F00] =	vst v20  }
0x424: {  	[tilespmem:s3+$0x5F00] =	vst v21  }
0x425: {  	[tilespmem:s3+$0x6F00] =	vst v22  }
0x426: {  	[tilespmem:s3+$0x7F00] =	vst v23  }
0x427: {  	[tilespmem:s3+$0x8F00] =	vst v24  }
0x428: {  	[tilespmem:s3+$0x9F00] =	vst v26  }
0x429: {  	[tilespmem:s3+$0xAF00] =	vst v27  }
0x42a: {  	[tilespmem:s3+$0xBF00] =	vst v28  }
0x42b: {  	[tilespmem:s3+$0xCF00] =	vst v29  }
0x42c: {  	[tilespmem:s3+$0xDF00] =	vst v30  }
0x42d: {  	s20 =	sadd.s32 $0x100, s20;
	[tilespmem:s3+$0xEF00] =	vst v31  }
0x42e: {  	v16 =	vld.idx.msk [tilespmem:v0+s20+$0x0], $0xffff  }
0x42f: {  	v17 =	vld.idx.msk [tilespmem:v1+s20+$0x0], $0xffff  }
0x430: {  	v18 =	vld.idx.msk [tilespmem:v2+s20+$0x0], $0xffff  }
0x431: {  	v19 =	vld.idx.msk [tilespmem:v3+s20+$0x0], $0xffff  }
0x432: {  	v20 =	vld.idx.msk [tilespmem:v4+s20+$0x0], $0xffff  }
.Ltmp15:
0x433: {  	v21 =	vld.idx.msk [tilespmem:v5+s20+$0x0], $0xffff;
	(pc) =	sbr.rel @p0 .LBB2_32-.Ltmp15, $4  }
0x434: {  	v22 =	vld.idx.msk [tilespmem:v6+s20+$0x0], $0xffff  }
0x435: {  	v23 =	vld.idx.msk [tilespmem:v7+s20+$0x0], $0xffff  }
0x436: {  	v24 =	vld.idx.msk [tilespmem:v8+s20+$0x0], $0xffff  }
0x437: {  	s4 =	sadd.s32 $0x10, s4;
	v25 =	vld.idx.msk [tilespmem:v15+s20+$0x0], $0xffff  }
0x438: {  	_ =	sdelay $0x3  }
0x439: {  	v26 =	vld.idx.msk [tilespmem:v9+s20+$0x0], $0xffff  }
0x43a: {  	v27 =	vld.idx.msk [tilespmem:v10+s20+$0x0], $0xffff  }
0x43b: {  	v28 =	vld.idx.msk [tilespmem:v11+s20+$0x0], $0xffff  }
0x43c: {  	v29 =	vld.idx.msk [tilespmem:v12+s20+$0x0], $0xffff  }
0x43d: {  	v30 =	vld.idx.msk [tilespmem:v13+s20+$0x0], $0xffff;
	s3 =	sand.u32 $0xF0, s22  }
0x43e: {  	v31 =	vld.idx.msk [tilespmem:v14+s20+$0x0], $0xffff;
	[tilespmem:s3+$0xF00] =	vst v16  }
0x43f: {  	[tilespmem:s3+$0x1F00] =	vst v17  }
0x440: {  	[tilespmem:s3+$0x2F00] =	vst v18  }
0x441: {  	[tilespmem:s3+$0x3F00] =	vst v19  }
0x442: {  	[tilespmem:s3+$0x4F00] =	vst v20  }
0x443: {  	[tilespmem:s3+$0x5F00] =	vst v21  }
0x444: {  	[tilespmem:s3+$0x6F00] =	vst v22  }
0x445: {  	[tilespmem:s3+$0x7F00] =	vst v23  }
0x446: {  	[tilespmem:s3+$0x8F00] =	vst v24  }
0x447: {  	[tilespmem:s3+$0xFF00] =	vst v25  }
0x448: {  	[tilespmem:s3+$0x9F00] =	vst v26  }
0x449: {  	[tilespmem:s3+$0xAF00] =	vst v27  }
0x44a: {  	[tilespmem:s3+$0xBF00] =	vst v28  }
0x44b: {  	[tilespmem:s3+$0xCF00] =	vst v29  }
0x44c: {  	s28 =	simm.s32 $0x0;
	[tilespmem:s3+$0xDF00] =	vst v30  }
0x44d: {  	s31 =	rddreg [dreg:$0x13];
	s4 =	simm.s32 $0x12000;
	s29 =	simm.s32 $0x0;
	[tilespmem:s3+$0xEF00] =	vst v31  }
0x44e: {  	[tilespmem:s4], [sflag:$0x1] =	stream.linear.gather [hbm4b:s31+s28], $0x400, $0x38;
	[tilespmem:$0x1A900] =	vst v63  }
.LBB2_34:
0x44f: {  	s31 =	sshll.u32 s29, $0xB  }
0x450: {  	s3 =	sor.u32 s31, s21  }
0x451: {  	_ =	swait.ge [sflag:s26], $0x400;
	s3 =	sshrl.u32 s3, $0x3  }
0x452: {  	s4 =	simm.s32 $0x12480;
	[sflag:s26] =	ssyncset.done $0x0;
	s3 =	sadd.s32 s3, s6  }
0x453: {  	p0 =	seq.s32 s29, $0x0;
	[sflag:s26] =	ssyncadd.s32 $0xFFFFFC00;
	s3 =	sadd.s32 $0x80, s3  }
0x454: {  	[tilespmem:s4], [sflag:$0x1] =	stream.linear.gather [hbm4b:s3+s5], $0x400, $0x38;
	[tilespmem:$0x1A900] =	vst v63  }
0x455: {  	s3 =	simm.s32 @!p0 $0x2  }
0x456: {  	_ =	swait.ge @!p0 [sflag:s3], $0x4000  }
0x457: {  	[sflag:s3] =	ssyncset.done @!p0 $0x0  }
0x458: {  	[sflag:s3] =	ssyncadd.s32 @!p0 $0xFFFFC000  }
0x459: {  	v30 =	vld [tilespmem:$0x12000];
	_ =	sdelay $0x5  }
0x45a: {  	s20 =	simm.s32 $0x12020;
	v47 =	vld [tilespmem:$0x12010]  }
0x45b: {  	v31 =	vld [tilespmem:s20+$0x0]  }
0x45c: {  	v48 =	vld.idx.msk [tilespmem:v30+s28+$0x0], $0xffff  }
0x45d: {  	v16 =	vld.idx.msk [tilespmem:v30+s0+$0x0], $0xffff  }
0x45e: {  	v17 =	vld.idx.msk [tilespmem:v30+s2+$0x0], $0xffff  }
0x45f: {  	v18 =	vld.idx.msk [tilespmem:v30+s30+$0x0], $0xffff  }
0x460: {  	v19 =	vld.idx.msk [tilespmem:v30+s1+$0x0], $0xffff  }
0x461: {  	v20 =	vld.idx.msk [tilespmem:v30+s7+$0x0], $0xffff  }
0x462: {  	v21 =	vld.idx.msk [tilespmem:v30+s8+$0x0], $0xffff  }
0x463: {  	v22 =	vld.idx.msk [tilespmem:v30+s9+$0x0], $0xffff  }
0x464: {  	v23 =	vld.idx.msk [tilespmem:v30+s10+$0x0], $0xffff  }
0x465: {  	v24 =	vld.idx.msk [tilespmem:v30+s11+$0x0], $0xffff  }
0x466: {  	v25 =	vld.idx.msk [tilespmem:v30+s12+$0x0], $0xffff  }
0x467: {  	v26 =	vld.idx.msk [tilespmem:v30+s13+$0x0], $0xffff  }
0x468: {  	v27 =	vld.idx.msk [tilespmem:v30+s14+$0x0], $0xffff  }
0x469: {  	v28 =	vld.idx.msk [tilespmem:v30+s15+$0x0], $0xffff  }
0x46a: {  	v29 =	vld.idx.msk [tilespmem:v30+s16+$0x0], $0xffff  }
0x46b: {  	v30 =	vld.idx.msk [tilespmem:v30+s17+$0x0], $0xffff  }
0x46c: {  	v45 =	vld.idx.msk [tilespmem:v47+s5+$0x0], $0xffff  }
0x46d: {  	v32 =	vld.idx.msk [tilespmem:v47+s17+$0x0], $0xffff  }
0x46e: {  	v33 =	vld.idx.msk [tilespmem:v47+s16+$0x0], $0xffff  }
0x46f: {  	v34 =	vld.idx.msk [tilespmem:v47+s15+$0x0], $0xffff  }
0x470: {  	v35 =	vld.idx.msk [tilespmem:v47+s14+$0x0], $0xffff  }
0x471: {  	v36 =	vld.idx.msk [tilespmem:v47+s13+$0x0], $0xffff  }
0x472: {  	v37 =	vld.idx.msk [tilespmem:v47+s12+$0x0], $0xffff  }
0x473: {  	v38 =	vld.idx.msk [tilespmem:v47+s11+$0x0], $0xffff  }
0x474: {  	v39 =	vld.idx.msk [tilespmem:v47+s10+$0x0], $0xffff  }
0x475: {  	v40 =	vld.idx.msk [tilespmem:v47+s9+$0x0], $0xffff  }
0x476: {  	v41 =	vld.idx.msk [tilespmem:v47+s8+$0x0], $0xffff  }
0x477: {  	v42 =	vld.idx.msk [tilespmem:v47+s7+$0x0], $0xffff  }
0x478: {  	v43 =	vld.idx.msk [tilespmem:v47+s1+$0x0], $0xffff  }
0x479: {  	v44 =	vld.idx.msk [tilespmem:v47+s30+$0x0], $0xffff  }
0x47a: {  	s23 =	simm.s32 $0x12900;
	v46 =	vld.idx.msk [tilespmem:v47+s2+$0x0], $0xffff  }
0x47b: {  	s22 =	sshll.u32 s29, $0x1;
	s25 =	simm.s32 $0x10;
	s3 =	sand.u32 $0xFFFFFFF0, s28;
	v47 =	vld.idx.msk [tilespmem:v47+s0+$0x0], $0xffff;
	[tilespmem:s23+$0x0] =	vst v48  }
.LBB2_35:
0x47c: {  	p1 =	sne.s32 s25, $0x3E0;
	[tilespmem:s3+$0x16500] =	vst v30;
	s23 =	sadd.s32 $0x10, s23;
	s20 =	sadd.s32 $0x10, s20;
	v48 =	vmov v45;
	v49 =	vmov v31;
	v30 =	vmov v32  }
0x47d: {  	s4 =	smov.u32 s25;
	s25 =	sadd.s32 $0x10, s25;
	[tilespmem:s3+$0x16100] =	vst v29;
	v29 =	vmov v33  }
0x47e: {  	[tilespmem:s3+$0x15D00] =	vst v28;
	v28 =	vmov v34  }
0x47f: {  	[tilespmem:s3+$0x15900] =	vst v27;
	v27 =	vmov v35  }
0x480: {  	[tilespmem:s3+$0x15500] =	vst v26;
	v26 =	vmov v36  }
0x481: {  	[tilespmem:s3+$0x15100] =	vst v25;
	v25 =	vmov v37  }
0x482: {  	[tilespmem:s3+$0x14D00] =	vst v24;
	v24 =	vmov v38  }
0x483: {  	[tilespmem:s3+$0x14900] =	vst v23;
	v23 =	vmov v39  }
0x484: {  	[tilespmem:s3+$0x14500] =	vst v22;
	v22 =	vmov v40  }
0x485: {  	[tilespmem:s3+$0x14100] =	vst v21;
	v21 =	vmov v41  }
0x486: {  	[tilespmem:s3+$0x13D00] =	vst v20;
	v20 =	vmov v42  }
0x487: {  	[tilespmem:s3+$0x13900] =	vst v19;
	v19 =	vmov v43  }
0x488: {  	[tilespmem:s3+$0x13500] =	vst v18;
	v18 =	vmov v44  }
0x489: {  	[tilespmem:s3+$0x13100] =	vst v17;
	v17 =	vmov v46  }
0x48a: {  	[tilespmem:s3+$0x12D00] =	vst v16;
	v16 =	vmov v47  }
0x48b: {  	v45 =	vld.idx.msk [tilespmem:v31+s5+$0x0], $0xffff  }
0x48c: {  	v31 =	vld [tilespmem:s20+$0x0]  }
0x48d: {  	v32 =	vld.idx.msk [tilespmem:v49+s17+$0x0], $0xffff  }
0x48e: {  	v33 =	vld.idx.msk [tilespmem:v49+s16+$0x0], $0xffff  }
0x48f: {  	v34 =	vld.idx.msk [tilespmem:v49+s15+$0x0], $0xffff  }
0x490: {  	v35 =	vld.idx.msk [tilespmem:v49+s14+$0x0], $0xffff  }
0x491: {  	v36 =	vld.idx.msk [tilespmem:v49+s13+$0x0], $0xffff  }
0x492: {  	v37 =	vld.idx.msk [tilespmem:v49+s12+$0x0], $0xffff  }
0x493: {  	v38 =	vld.idx.msk [tilespmem:v49+s11+$0x0], $0xffff  }
0x494: {  	v39 =	vld.idx.msk [tilespmem:v49+s10+$0x0], $0xffff  }
0x495: {  	v40 =	vld.idx.msk [tilespmem:v49+s9+$0x0], $0xffff  }
0x496: {  	v41 =	vld.idx.msk [tilespmem:v49+s8+$0x0], $0xffff  }
0x497: {  	v42 =	vld.idx.msk [tilespmem:v49+s7+$0x0], $0xffff  }
.Ltmp16:
0x498: {  	v43 =	vld.idx.msk [tilespmem:v49+s1+$0x0], $0xffff;
	(pc) =	sbr.rel @p1 .LBB2_35-.Ltmp16, $4  }
0x499: {  	v44 =	vld.idx.msk [tilespmem:v49+s30+$0x0], $0xffff  }
0x49a: {  	v46 =	vld.idx.msk [tilespmem:v49+s2+$0x0], $0xffff  }
0x49b: {  	v47 =	vld.idx.msk [tilespmem:v49+s0+$0x0], $0xffff  }
0x49c: {  	s3 =	sand.u32 $0xFFFFFFF0, s4;
	[tilespmem:s23+$0x0] =	vst v48  }
0x49d: {  	[tilespmem:s3+$0x16500] =	vst v30  }
0x49e: {  	[tilespmem:s3+$0x16100] =	vst v29  }
0x49f: {  	[tilespmem:s3+$0x15D00] =	vst v28  }
0x4a0: {  	[tilespmem:s3+$0x15900] =	vst v27  }
0x4a1: {  	[tilespmem:s3+$0x15500] =	vst v26  }
0x4a2: {  	[tilespmem:s3+$0x15100] =	vst v25  }
0x4a3: {  	[tilespmem:s3+$0x14D00] =	vst v24  }
0x4a4: {  	[tilespmem:s3+$0x14900] =	vst v23  }
0x4a5: {  	[tilespmem:s3+$0x14500] =	vst v22  }
0x4a6: {  	[tilespmem:s3+$0x14100] =	vst v21  }
0x4a7: {  	[tilespmem:s3+$0x13D00] =	vst v20  }
0x4a8: {  	[tilespmem:s3+$0x13900] =	vst v19  }
0x4a9: {  	[tilespmem:s3+$0x13500] =	vst v18  }
0x4aa: {  	[tilespmem:s3+$0x13100] =	vst v17  }
0x4ab: {  	[tilespmem:s3+$0x12D00] =	vst v16  }
0x4ac: {  	[tilespmem:$0x12CF0] =	vst v45  }
0x4ad: {  	[tilespmem:$0x138F0] =	vst v44  }
0x4ae: {  	[tilespmem:$0x13CF0] =	vst v43  }
0x4af: {  	[tilespmem:$0x140F0] =	vst v42  }
0x4b0: {  	[tilespmem:$0x144F0] =	vst v41  }
0x4b1: {  	[tilespmem:$0x148F0] =	vst v40  }
0x4b2: {  	[tilespmem:$0x14CF0] =	vst v39  }
0x4b3: {  	[tilespmem:$0x150F0] =	vst v38  }
0x4b4: {  	[tilespmem:$0x154F0] =	vst v37  }
0x4b5: {  	[tilespmem:$0x158F0] =	vst v36  }
0x4b6: {  	[tilespmem:$0x15CF0] =	vst v35  }
0x4b7: {  	[tilespmem:$0x160F0] =	vst v34  }
0x4b8: {  	s23 =	sshll.u32 s29, $0x8;
	s4 =	sshll.u32 s29, $0x5;
	[tilespmem:$0x164F0] =	vst v33  }
0x4b9: {  	s25 =	rddreg [dreg:$0x2];
	s3 =	sand.u32 $0xC00, s23;
	s4 =	sand.u32 $0x60, s4;
	[tilespmem:$0x168F0] =	vst v32  }
0x4ba: {  	[tilespmem:$0x134F0] =	vst v46;
	s20 =	sor.u32 s24, s3;
	s3 =	sadd.s32 s25, s4  }
0x4bb: {  	s23 =	simm.s32 $0x12900;
	[tilespmem:$0x130F0] =	vst v47;
	s3 =	sadd.s32 s20, s3  }
0x4bc: {  	[hbm4b:s3+s18] =	stream.strided.scatter [tilespmem:s23], [sflag:$0x2], $0x400, s19, s18, $0x38;
	[tilespmem:$0x1A900] =	vst v63  }
0x4bd: {  	s25 =	sadd.s32 $0x20000, s3;
	s23 =	simm.s32 $0x12D00  }
0x4be: {  	[hbm4b:s25+s18] =	stream.strided.scatter [tilespmem:s23], [sflag:$0x2], $0x400, s19, s18, $0x38;
	[tilespmem:$0x1A900] =	vst v63  }
0x4bf: {  	s23 =	sadd.s32 $0x40000, s3;
	s25 =	simm.s32 $0x13100  }
0x4c0: {  	[hbm4b:s23+s18] =	stream.strided.scatter [tilespmem:s25], [sflag:$0x2], $0x400, s19, s18, $0x38;
	[tilespmem:$0x1A900] =	vst v63  }
0x4c1: {  	s23 =	sadd.s32 $0x60000, s3;
	s25 =	simm.s32 $0x13500  }
0x4c2: {  	[hbm4b:s23+s18] =	stream.strided.scatter [tilespmem:s25], [sflag:$0x2], $0x400, s19, s18, $0x38;
	[tilespmem:$0x1A900] =	vst v63  }
0x4c3: {  	s23 =	sadd.s32 $0x80000, s3;
	s25 =	simm.s32 $0x13900  }
0x4c4: {  	[hbm4b:s23+s18] =	stream.strided.scatter [tilespmem:s25], [sflag:$0x2], $0x400, s19, s18, $0x38;
	[tilespmem:$0x1A900] =	vst v63  }
0x4c5: {  	s23 =	sadd.s32 $0xA0000, s3;
	s25 =	simm.s32 $0x13D00  }
0x4c6: {  	[hbm4b:s23+s18] =	stream.strided.scatter [tilespmem:s25], [sflag:$0x2], $0x400, s19, s18, $0x38;
	[tilespmem:$0x1A900] =	vst v63  }
0x4c7: {  	s23 =	sadd.s32 $0xC0000, s3;
	s25 =	simm.s32 $0x14100  }
0x4c8: {  	[hbm4b:s23+s18] =	stream.strided.scatter [tilespmem:s25], [sflag:$0x2], $0x400, s19, s18, $0x38;
	[tilespmem:$0x1A900] =	vst v63  }
0x4c9: {  	s23 =	sadd.s32 $0xE0000, s3;
	s25 =	simm.s32 $0x14500  }
0x4ca: {  	[hbm4b:s23+s18] =	stream.strided.scatter [tilespmem:s25], [sflag:$0x2], $0x400, s19, s18, $0x38;
	[tilespmem:$0x1A900] =	vst v63  }
0x4cb: {  	s23 =	sadd.s32 $0x100000, s3;
	s25 =	simm.s32 $0x14900  }
0x4cc: {  	[hbm4b:s23+s18] =	stream.strided.scatter [tilespmem:s25], [sflag:$0x2], $0x400, s19, s18, $0x38;
	[tilespmem:$0x1A900] =	vst v63  }
0x4cd: {  	s23 =	sadd.s32 $0x120000, s3;
	s25 =	simm.s32 $0x14D00  }
0x4ce: {  	[hbm4b:s23+s18] =	stream.strided.scatter [tilespmem:s25], [sflag:$0x2], $0x400, s19, s18, $0x38;
	[tilespmem:$0x1A900] =	vst v63  }
0x4cf: {  	s23 =	sadd.s32 $0x140000, s3;
	s25 =	simm.s32 $0x15100  }
0x4d0: {  	[hbm4b:s23+s18] =	stream.strided.scatter [tilespmem:s25], [sflag:$0x2], $0x400, s19, s18, $0x38;
	[tilespmem:$0x1A900] =	vst v63  }
0x4d1: {  	s23 =	sadd.s32 $0x160000, s3;
	s25 =	simm.s32 $0x15500  }
0x4d2: {  	[hbm4b:s23+s18] =	stream.strided.scatter [tilespmem:s25], [sflag:$0x2], $0x400, s19, s18, $0x38;
	[tilespmem:$0x1A900] =	vst v63  }
0x4d3: {  	s23 =	sadd.s32 $0x180000, s3;
	s25 =	simm.s32 $0x15900  }
0x4d4: {  	[hbm4b:s23+s18] =	stream.strided.scatter [tilespmem:s25], [sflag:$0x2], $0x400, s19, s18, $0x38;
	[tilespmem:$0x1A900] =	vst v63  }
0x4d5: {  	s23 =	sadd.s32 $0x1A0000, s3;
	s25 =	simm.s32 $0x15D00  }
0x4d6: {  	[hbm4b:s23+s18] =	stream.strided.scatter [tilespmem:s25], [sflag:$0x2], $0x400, s19, s18, $0x38;
	[tilespmem:$0x1A900] =	vst v63  }
0x4d7: {  	s23 =	sadd.s32 $0x1C0000, s3;
	s25 =	simm.s32 $0x16100  }
0x4d8: {  	[hbm4b:s23+s18] =	stream.strided.scatter [tilespmem:s25], [sflag:$0x2], $0x400, s19, s18, $0x38;
	[tilespmem:$0x1A900] =	vst v63  }
0x4d9: {  	s3 =	sadd.s32 $0x1E0000, s3;
	s25 =	simm.s32 $0x16500  }
0x4da: {  	[hbm4b:s3+s18] =	stream.strided.scatter [tilespmem:s25], [sflag:$0x2], $0x400, s19, s18, $0x38;
	[tilespmem:$0x1A900] =	vst v63  }
0x4db: {  	s22 =	sor.u32 $0x1, s22;
	_ =	swait.ge [sflag:s26], $0x400  }
0x4dc: {  	p1 =	sgt.u32 s22, $0x1E;
	s3 =	rddreg [dreg:$0x14]  }
0x4dd: {  	s3 =	sadd.s32 @!p1 s31, s3  }
0x4de: {  	s4 =	simm.s32 @!p1 $0x0;
	[sflag:s26] =	ssyncset.done $0x0;
	s3 =	sshrl.u32 @!p1 s3, $0x3  }
0x4df: {  	s23 =	simm.s32 @!p1 $0x12000;
	[sflag:s26] =	ssyncadd.s32 $0xFFFFFC00;
	s3 =	sadd.s32 @!p1 s6, s3  }
0x4e0: {  	[tilespmem:s23], [sflag:$0x1] =	stream.linear.gather @!p1 [hbm4b:s3+s4], $0x400, $0x38;
	[tilespmem:$0x1A900] =	vst v63  }
0x4e1: {  	s3 =	simm.s32 @!p0 $0x2  }
0x4e2: {  	_ =	swait.ge @!p0 [sflag:s3], $0x4000  }
0x4e3: {  	[sflag:s3] =	ssyncset.done @!p0 $0x0  }
0x4e4: {  	[sflag:s3] =	ssyncadd.s32 @!p0 $0xFFFFC000  }
0x4e5: {  	v30 =	vld [tilespmem:$0x12480];
	_ =	sdelay $0x5  }
0x4e6: {  	s31 =	simm.s32 $0x124A0;
	v63 =	vld [tilespmem:$0x12490]  }
0x4e7: {  	s4 =	simm.s32 $0x0;
	v31 =	vld [tilespmem:s31+$0x0]  }
0x4e8: {  	v48 =	vld.idx.msk [tilespmem:v30+s4+$0x0], $0xffff  }
0x4e9: {  	v16 =	vld.idx.msk [tilespmem:v30+s0+$0x0], $0xffff  }
0x4ea: {  	v17 =	vld.idx.msk [tilespmem:v30+s2+$0x0], $0xffff  }
0x4eb: {  	v18 =	vld.idx.msk [tilespmem:v30+s30+$0x0], $0xffff  }
0x4ec: {  	v19 =	vld.idx.msk [tilespmem:v30+s1+$0x0], $0xffff  }
0x4ed: {  	v20 =	vld.idx.msk [tilespmem:v30+s7+$0x0], $0xffff  }
0x4ee: {  	v21 =	vld.idx.msk [tilespmem:v30+s8+$0x0], $0xffff  }
0x4ef: {  	v22 =	vld.idx.msk [tilespmem:v30+s9+$0x0], $0xffff  }
0x4f0: {  	v23 =	vld.idx.msk [tilespmem:v30+s10+$0x0], $0xffff  }
0x4f1: {  	v24 =	vld.idx.msk [tilespmem:v30+s11+$0x0], $0xffff  }
0x4f2: {  	v25 =	vld.idx.msk [tilespmem:v30+s12+$0x0], $0xffff  }
0x4f3: {  	v26 =	vld.idx.msk [tilespmem:v30+s13+$0x0], $0xffff  }
0x4f4: {  	v27 =	vld.idx.msk [tilespmem:v30+s14+$0x0], $0xffff  }
0x4f5: {  	v28 =	vld.idx.msk [tilespmem:v30+s15+$0x0], $0xffff  }
0x4f6: {  	v29 =	vld.idx.msk [tilespmem:v30+s16+$0x0], $0xffff  }
0x4f7: {  	v30 =	vld.idx.msk [tilespmem:v30+s17+$0x0], $0xffff  }
0x4f8: {  	v45 =	vld.idx.msk [tilespmem:v63+s5+$0x0], $0xffff  }
0x4f9: {  	v32 =	vld.idx.msk [tilespmem:v63+s17+$0x0], $0xffff  }
0x4fa: {  	v33 =	vld.idx.msk [tilespmem:v63+s16+$0x0], $0xffff  }
0x4fb: {  	v34 =	vld.idx.msk [tilespmem:v63+s15+$0x0], $0xffff  }
0x4fc: {  	v35 =	vld.idx.msk [tilespmem:v63+s14+$0x0], $0xffff  }
0x4fd: {  	v36 =	vld.idx.msk [tilespmem:v63+s13+$0x0], $0xffff  }
0x4fe: {  	v37 =	vld.idx.msk [tilespmem:v63+s12+$0x0], $0xffff  }
0x4ff: {  	v38 =	vld.idx.msk [tilespmem:v63+s11+$0x0], $0xffff  }
0x500: {  	v39 =	vld.idx.msk [tilespmem:v63+s10+$0x0], $0xffff  }
0x501: {  	v40 =	vld.idx.msk [tilespmem:v63+s9+$0x0], $0xffff  }
0x502: {  	v41 =	vld.idx.msk [tilespmem:v63+s8+$0x0], $0xffff  }
0x503: {  	v42 =	vld.idx.msk [tilespmem:v63+s7+$0x0], $0xffff  }
0x504: {  	v43 =	vld.idx.msk [tilespmem:v63+s1+$0x0], $0xffff  }
0x505: {  	v44 =	vld.idx.msk [tilespmem:v63+s30+$0x0], $0xffff  }
0x506: {  	s23 =	simm.s32 $0x16900;
	v46 =	vld.idx.msk [tilespmem:v63+s2+$0x0], $0xffff  }
0x507: {  	s25 =	simm.s32 $0x10;
	s3 =	sand.u32 $0xFFFFFFF0, s4;
	v47 =	vld.idx.msk [tilespmem:v63+s0+$0x0], $0xffff;
	[tilespmem:s23+$0x0] =	vst v48  }
.LBB2_37:
0x508: {  	p0 =	sne.s32 s25, $0x3E0;
	[tilespmem:s3+$0x1A500] =	vst v30;
	s23 =	sadd.s32 $0x10, s23;
	s31 =	sadd.s32 $0x10, s31;
	v48 =	vmov v45;
	v49 =	vmov v31;
	v30 =	vmov v32  }
0x509: {  	s4 =	smov.u32 s25;
	s25 =	sadd.s32 $0x10, s25;
	[tilespmem:s3+$0x1A100] =	vst v29;
	v29 =	vmov v33  }
0x50a: {  	[tilespmem:s3+$0x19D00] =	vst v28;
	v28 =	vmov v34  }
0x50b: {  	[tilespmem:s3+$0x19900] =	vst v27;
	v27 =	vmov v35  }
0x50c: {  	[tilespmem:s3+$0x19500] =	vst v26;
	v26 =	vmov v36  }
0x50d: {  	[tilespmem:s3+$0x19100] =	vst v25;
	v25 =	vmov v37  }
0x50e: {  	[tilespmem:s3+$0x18D00] =	vst v24;
	v24 =	vmov v38  }
0x50f: {  	[tilespmem:s3+$0x18900] =	vst v23;
	v23 =	vmov v39  }
0x510: {  	[tilespmem:s3+$0x18500] =	vst v22;
	v22 =	vmov v40  }
0x511: {  	[tilespmem:s3+$0x18100] =	vst v21;
	v21 =	vmov v41  }
0x512: {  	[tilespmem:s3+$0x17D00] =	vst v20;
	v20 =	vmov v42  }
0x513: {  	[tilespmem:s3+$0x17900] =	vst v19;
	v19 =	vmov v43  }
0x514: {  	[tilespmem:s3+$0x17500] =	vst v18;
	v18 =	vmov v44  }
0x515: {  	[tilespmem:s3+$0x17100] =	vst v17;
	v17 =	vmov v46  }
0x516: {  	[tilespmem:s3+$0x16D00] =	vst v16;
	v16 =	vmov v47  }
0x517: {  	v45 =	vld.idx.msk [tilespmem:v31+s5+$0x0], $0xffff  }
0x518: {  	v31 =	vld [tilespmem:s31+$0x0]  }
0x519: {  	v32 =	vld.idx.msk [tilespmem:v49+s17+$0x0], $0xffff  }
0x51a: {  	v33 =	vld.idx.msk [tilespmem:v49+s16+$0x0], $0xffff  }
0x51b: {  	v34 =	vld.idx.msk [tilespmem:v49+s15+$0x0], $0xffff  }
0x51c: {  	v35 =	vld.idx.msk [tilespmem:v49+s14+$0x0], $0xffff  }
0x51d: {  	v36 =	vld.idx.msk [tilespmem:v49+s13+$0x0], $0xffff  }
0x51e: {  	v37 =	vld.idx.msk [tilespmem:v49+s12+$0x0], $0xffff  }
0x51f: {  	v38 =	vld.idx.msk [tilespmem:v49+s11+$0x0], $0xffff  }
0x520: {  	v39 =	vld.idx.msk [tilespmem:v49+s10+$0x0], $0xffff  }
0x521: {  	v40 =	vld.idx.msk [tilespmem:v49+s9+$0x0], $0xffff  }
0x522: {  	v41 =	vld.idx.msk [tilespmem:v49+s8+$0x0], $0xffff  }
0x523: {  	v42 =	vld.idx.msk [tilespmem:v49+s7+$0x0], $0xffff  }
.Ltmp17:
0x524: {  	v43 =	vld.idx.msk [tilespmem:v49+s1+$0x0], $0xffff;
	(pc) =	sbr.rel @p0 .LBB2_37-.Ltmp17, $4  }
0x525: {  	v44 =	vld.idx.msk [tilespmem:v49+s30+$0x0], $0xffff  }
0x526: {  	v46 =	vld.idx.msk [tilespmem:v49+s2+$0x0], $0xffff  }
0x527: {  	v47 =	vld.idx.msk [tilespmem:v49+s0+$0x0], $0xffff  }
0x528: {  	s3 =	sand.u32 $0xFFFFFFF0, s4;
	[tilespmem:s23+$0x0] =	vst v48  }
0x529: {  	[tilespmem:s3+$0x1A500] =	vst v30  }
0x52a: {  	[tilespmem:s3+$0x1A100] =	vst v29  }
0x52b: {  	[tilespmem:s3+$0x19D00] =	vst v28  }
0x52c: {  	[tilespmem:s3+$0x19900] =	vst v27  }
0x52d: {  	[tilespmem:s3+$0x19500] =	vst v26  }
0x52e: {  	[tilespmem:s3+$0x19100] =	vst v25  }
0x52f: {  	[tilespmem:s3+$0x18D00] =	vst v24  }
0x530: {  	[tilespmem:s3+$0x18900] =	vst v23  }
0x531: {  	[tilespmem:s3+$0x18500] =	vst v22  }
0x532: {  	[tilespmem:s3+$0x18100] =	vst v21  }
0x533: {  	[tilespmem:s3+$0x17D00] =	vst v20  }
0x534: {  	[tilespmem:s3+$0x17900] =	vst v19  }
0x535: {  	[tilespmem:s3+$0x17500] =	vst v18  }
0x536: {  	[tilespmem:s3+$0x17100] =	vst v17  }
0x537: {  	[tilespmem:s3+$0x16D00] =	vst v16  }
0x538: {  	[tilespmem:$0x16CF0] =	vst v45  }
0x539: {  	[tilespmem:$0x178F0] =	vst v44  }
0x53a: {  	[tilespmem:$0x17CF0] =	vst v43  }
0x53b: {  	[tilespmem:$0x180F0] =	vst v42  }
0x53c: {  	[tilespmem:$0x184F0] =	vst v41  }
0x53d: {  	[tilespmem:$0x188F0] =	vst v40  }
0x53e: {  	[tilespmem:$0x18CF0] =	vst v39  }
0x53f: {  	[tilespmem:$0x190F0] =	vst v38  }
0x540: {  	[tilespmem:$0x194F0] =	vst v37  }
0x541: {  	[tilespmem:$0x198F0] =	vst v36  }
0x542: {  	[tilespmem:$0x19CF0] =	vst v35  }
0x543: {  	[tilespmem:$0x1A0F0] =	vst v34  }
0x544: {  	s4 =	sshll.u32 s22, $0x4;
	[tilespmem:$0x1A4F0] =	vst v33  }
0x545: {  	s3 =	sand.u32 $0x70, s4;
	s4 =	rddreg [dreg:$0x2];
	[tilespmem:$0x1A8F0] =	vst v32  }
0x546: {  	[tilespmem:$0x174F0] =	vst v46;
	s4 =	sadd.s32 s4, s20  }
0x547: {  	s20 =	simm.s32 $0x16900;
	[tilespmem:$0x170F0] =	vst v47;
	s3 =	sadd.s32 s3, s4  }
0x548: {  	[hbm4b:s3+s18] =	stream.strided.scatter [tilespmem:s20], [sflag:$0x2], $0x400, s19, s18, $0x38;
	[tilespmem:$0x1A900] =	vst v63  }
0x549: {  	s23 =	simm.s32 $0x16D00;
	s22 =	sadd.s32 $0x20000, s3  }
0x54a: {  	[hbm4b:s22+s18] =	stream.strided.scatter [tilespmem:s23], [sflag:$0x2], $0x400, s19, s18, $0x38;
	[tilespmem:$0x1A900] =	vst v63  }
0x54b: {  	s31 =	simm.s32 $0x17100;
	s25 =	sadd.s32 $0x40000, s3  }
0x54c: {  	[hbm4b:s25+s18] =	stream.strided.scatter [tilespmem:s31], [sflag:$0x2], $0x400, s19, s18, $0x38;
	[tilespmem:$0x1A900] =	vst v63  }
0x54d: {  	s22 =	sadd.s32 $0x60000, s3;
	s23 =	simm.s32 $0x17500  }
0x54e: {  	[hbm4b:s22+s18] =	stream.strided.scatter [tilespmem:s23], [sflag:$0x2], $0x400, s19, s18, $0x38;
	[tilespmem:$0x1A900] =	vst v63  }
0x54f: {  	s25 =	sadd.s32 $0x80000, s3;
	s31 =	simm.s32 $0x17900  }
0x550: {  	[hbm4b:s25+s18] =	stream.strided.scatter [tilespmem:s31], [sflag:$0x2], $0x400, s19, s18, $0x38;
	[tilespmem:$0x1A900] =	vst v63  }
0x551: {  	s22 =	sadd.s32 $0xA0000, s3;
	s23 =	simm.s32 $0x17D00  }
0x552: {  	[hbm4b:s22+s18] =	stream.strided.scatter [tilespmem:s23], [sflag:$0x2], $0x400, s19, s18, $0x38;
	[tilespmem:$0x1A900] =	vst v63  }
0x553: {  	s25 =	sadd.s32 $0xC0000, s3;
	s31 =	simm.s32 $0x18100  }
0x554: {  	[hbm4b:s25+s18] =	stream.strided.scatter [tilespmem:s31], [sflag:$0x2], $0x400, s19, s18, $0x38;
	[tilespmem:$0x1A900] =	vst v63  }
0x555: {  	s22 =	sadd.s32 $0xE0000, s3;
	s23 =	simm.s32 $0x18500  }
0x556: {  	[hbm4b:s22+s18] =	stream.strided.scatter [tilespmem:s23], [sflag:$0x2], $0x400, s19, s18, $0x38;
	[tilespmem:$0x1A900] =	vst v63  }
0x557: {  	s25 =	sadd.s32 $0x100000, s3;
	s31 =	simm.s32 $0x18900  }
0x558: {  	[hbm4b:s25+s18] =	stream.strided.scatter [tilespmem:s31], [sflag:$0x2], $0x400, s19, s18, $0x38;
	[tilespmem:$0x1A900] =	vst v63  }
0x559: {  	s22 =	sadd.s32 $0x120000, s3;
	s23 =	simm.s32 $0x18D00  }
0x55a: {  	[hbm4b:s22+s18] =	stream.strided.scatter [tilespmem:s23], [sflag:$0x2], $0x400, s19, s18, $0x38;
	[tilespmem:$0x1A900] =	vst v63  }
0x55b: {  	s25 =	sadd.s32 $0x140000, s3;
	s31 =	simm.s32 $0x19100  }
0x55c: {  	[hbm4b:s25+s18] =	stream.strided.scatter [tilespmem:s31], [sflag:$0x2], $0x400, s19, s18, $0x38;
	[tilespmem:$0x1A900] =	vst v63  }
0x55d: {  	s22 =	sadd.s32 $0x160000, s3;
	s23 =	simm.s32 $0x19500  }
0x55e: {  	[hbm4b:s22+s18] =	stream.strided.scatter [tilespmem:s23], [sflag:$0x2], $0x400, s19, s18, $0x38;
	[tilespmem:$0x1A900] =	vst v63  }
0x55f: {  	s29 =	sadd.s32 $0x1, s29;
	s25 =	sadd.s32 $0x180000, s3;
	s31 =	simm.s32 $0x19900  }
0x560: {  	[hbm4b:s25+s18] =	stream.strided.scatter [tilespmem:s31], [sflag:$0x2], $0x400, s19, s18, $0x38;
	[tilespmem:$0x1A900] =	vst v63  }
0x561: {  	p0 =	sne.s32 s29, $0x10;
	s20 =	sadd.s32 $0x1A0000, s3;
	s22 =	simm.s32 $0x19D00  }
0x562: {  	[hbm4b:s20+s18] =	stream.strided.scatter [tilespmem:s22], [sflag:$0x2], $0x400, s19, s18, $0x38;
	[tilespmem:$0x1A900] =	vst v63  }
.Ltmp18:
0x563: {  	_ = 	snop;
	(pc) =	sbr.rel @p0 .LBB2_34-.Ltmp18, $4  }
0x564: {  	s23 =	sadd.s32 $0x1C0000, s3;
	s25 =	simm.s32 $0x1A100  }
0x565: {  	[hbm4b:s23+s18] =	stream.strided.scatter [tilespmem:s25], [sflag:$0x2], $0x400, s19, s18, $0x38;
	[tilespmem:$0x1A900] =	vst v63  }
0x566: {  	s3 =	sadd.s32 $0x1E0000, s3;
	s31 =	simm.s32 $0x1A500  }
0x567: {  	[hbm4b:s3+s18] =	stream.strided.scatter [tilespmem:s31], [sflag:$0x2], $0x400, s19, s18, $0x38;
	[tilespmem:$0x1A900] =	vst v63  }
0x568: {  	s4 =	simm.s32 $0x2  }
0x569: {  	_ =	swait.ge [sflag:s4], $0x4000  }
0x56a: {  	[sflag:s4] =	ssyncset.done $0x0  }
0x56b: {  	[sflag:s4] =	ssyncadd.s32 $0xFFFFC000  }
0x56c: {  	_ =	swait.ge [sflag:s4], $0x4000  }
0x56d: {  	s20 =	rddreg [dreg:$0x16]  }
0x56e: {  	s3 =	rddreg [dreg:$0x15];
	s20 =	sadd.s32 $0x1, s20  }
0x56f: {  	p0 =	sne.s32 s20, s3  }
.Ltmp19:
0x570: {  	_ = 	snop;
	(pc) =	sbr.rel @p0 .LBB2_1-.Ltmp19, $3  }
0x571: {  	_ =	sdelay $0x1  }
0x572: {  	[sflag:s4] =	ssyncset.done $0x0  }
0x573: {  	s25 =	simm.s32 $0x11000;
	s28 =	simm.s32 $0x10000;
	[sflag:s4] =	ssyncadd.s32 $0xFFFFC000  }
0x574: {  	_ =	sfence.sel $0x180000  }
0x575: {  	[bflag:$0x0] =	sbarrier.arrive $0xFFFF  }
0x576: {  	_ =	strace $0x90000047  }
0x577: {  	s0 =	stileid.u32;
	[bflag:$0x2] =	sbarrier.arrive $0xFFFF  }
0x578: {  	p0 =	sne.s32 s0, $0x0;
	s0 =	rddreg [dreg:$0x3]  }
0x579: {  	s0 =	sadd.s32 @!p0 $0x100000, s0  }
0x57a: {  	[sflag:s0] =	ssyncadd.tile.s32 @!p0 $0x1;
	_ =	shalt  }
.Lfunc_end2:
_tile_overlayer_lowered:
.L_overlay_start_2:
0x57b: {  	(tag) =	ssettag $0x2  }
0x57c: {  	s0 =	rddreg [dreg:$0x0];
	s2 =	stileid.u32  }
0x57d: {  	s1 =	rddreg [dreg:$0x1];
	p0 =	sne.s32 s2, $0x0  }
0x57e: {  	s3 =	rddreg [dreg:$0x2];
	[bflag:$0x3] =	sbarrier.arrive $0xFFFF;
	s2 =	simm.s32 @!p0 $0x1C03  }
0x57f: {  	[timem:s3], [sflag:s2] =	dma.local @!p0 [hbm:s0], s1  }
0x580: {  	s0 =	simm.s32 @!p0 $0x3  }
0x581: {  	_ =	swait.ge @!p0 [sflag:s0], s1  }
0x582: {  	s1 =	ssub.s32 @!p0 $0x0, s1;
	[sflag:s0] =	ssyncset.done @!p0 $0x0  }
0x583: {  	[sflag:s0] =	ssyncadd.s32 @!p0 s1  }
0x584: {  	[bflag:$0x3] =	sbarrier.arrive $0xFFFF  }
0x585: {  	_ =	shalt  }

</sc_bundles>
